<compile_context>
chip_gen: v7x
topology: tpu7x:2x2x1
jax: 0.10.2.dev20260603
libtpu: 0.0.44.dev20260713+nightly
codegen_flags: <defaults>
</compile_context>

<pallas_src>
import functools

import jax
import jax.numpy as jnp
from jax import lax
from jax.experimental import pallas as pl
from jax.experimental.pallas import tpu as pltpu
from jax.experimental.pallas import tpu_sc as plsc

N_USERS = 1000000
N_ITEMS = 1000000
D = 64
B = 16384

NC = 2
NS = 16
NW = NC * NS
B_PER_W = B // NW
CHUNK = 128
N_CHUNKS = B_PER_W // CHUNK
L = 16
GROUPS = CHUNK // L


def _sc_body(cur_hbm, prev_hbm, pos_hbm, neg_hbm, au_hbm, uemb_hbm, iemb_hbm,
             bias_hbm, out_hbm,
             cur_v, prev_v, pos_v, neg_v,
             urows, prows, posrows, negrows,
             biasp_v, biasn_v, au_v, out_v, sem):
  wid = lax.axis_index("s") * NC + lax.axis_index("c")
  base0 = wid * B_PER_W

  pltpu.sync_copy(au_hbm, au_v)

  for chunk in range(N_CHUNKS):
    base = base0 + chunk * CHUNK
    pltpu.sync_copy(cur_hbm.at[pl.ds(base, CHUNK)], cur_v)
    pltpu.sync_copy(prev_hbm.at[pl.ds(base, CHUNK)], prev_v)
    pltpu.sync_copy(pos_hbm.at[pl.ds(base, CHUNK)], pos_v)
    pltpu.sync_copy(neg_hbm.at[pl.ds(base, CHUNK)], neg_v)
    d1 = pltpu.async_copy(uemb_hbm.at[cur_v], urows, sem)
    d2 = pltpu.async_copy(iemb_hbm.at[prev_v], prows, sem)
    d3 = pltpu.async_copy(iemb_hbm.at[pos_v], posrows, sem)
    d4 = pltpu.async_copy(iemb_hbm.at[neg_v], negrows, sem)
    d5 = pltpu.async_copy(bias_hbm.at[pos_v], biasp_v, sem)
    d6 = pltpu.async_copy(bias_hbm.at[neg_v], biasn_v, sem)
    d1.wait(); d2.wait(); d3.wait(); d4.wait(); d5.wait(); d6.wait()

    lane = lax.iota(jnp.int32, L)
    zero16 = jnp.zeros((L,), jnp.float32)
    for g in range(GROUPS):
      elem = lane + (g * L)

      def dbody(d, carry):
        accp, accn = carry
        dcol = jnp.full((L,), d, jnp.int32)
        ug = plsc.load_gather(urows, [elem, dcol])
        pg = plsc.load_gather(prows, [elem, dcol])
        aug = plsc.load_gather(au_v, [dcol])
        pred = ug + pg + aug
        tp = plsc.load_gather(posrows, [elem, dcol])
        tn = plsc.load_gather(negrows, [elem, dcol])
        dp = pred - tp
        dn = pred - tn
        return accp + dp * dp, accn + dn * dn

      accp, accn = lax.fori_loop(0, D, dbody, (zero16, zero16))
      resp = biasp_v[pl.ds(g * L, L)] - accp
      resn = biasn_v[pl.ds(g * L, L)] - accn
      plsc.store_scatter(out_v, [elem, jnp.zeros((L,), jnp.int32)], resp)
      plsc.store_scatter(out_v, [elem, jnp.ones((L,), jnp.int32)], resn)

    pltpu.sync_copy(out_v, out_hbm.at[pl.ds(base, CHUNK)])


@jax.jit
def _run(cur_user, prev_item, pos_item, neg_item, all_user_emb, user_emb,
         item_emb, item_bias):
  mesh = plsc.VectorSubcoreMesh(core_axis_name="c", subcore_axis_name="s",
                                num_cores=NC, num_subcores=NS)
  f = pl.kernel(
      _sc_body,
      out_type=jax.ShapeDtypeStruct((B, 2), jnp.float32),
      mesh=mesh,
      compiler_params=pltpu.CompilerParams(needs_layout_passes=False,
                                           use_tc_tiling_on_sc=False),
      scratch_types=[
          pltpu.VMEM((CHUNK,), jnp.int32),
          pltpu.VMEM((CHUNK,), jnp.int32),
          pltpu.VMEM((CHUNK,), jnp.int32),
          pltpu.VMEM((CHUNK,), jnp.int32),
          pltpu.VMEM((CHUNK, D), jnp.float32),
          pltpu.VMEM((CHUNK, D), jnp.float32),
          pltpu.VMEM((CHUNK, D), jnp.float32),
          pltpu.VMEM((CHUNK, D), jnp.float32),
          pltpu.VMEM((CHUNK,), jnp.float32),
          pltpu.VMEM((CHUNK,), jnp.float32),
          pltpu.VMEM((D,), jnp.float32),
          pltpu.VMEM((CHUNK, 2), jnp.float32),
          pltpu.SemaphoreType.DMA,
      ],
  )
  return f(cur_user, prev_item, pos_item, neg_item, all_user_emb, user_emb,
           item_emb, item_bias)


def kernel(cur_user, prev_item, pos_item, neg_item, all_user_emb, user_emb,
           item_emb, item_bias):
  return _run(cur_user.astype(jnp.int32), prev_item.astype(jnp.int32),
              pos_item.astype(jnp.int32), neg_item.astype(jnp.int32),
              all_user_emb, user_emb, item_emb, item_bias)

# --- scband reference (transcript-rebuilt; emitter-appended) ---
"""Pipeline reference for scband-trans-rec-37718402793982 (READ-ONLY COPY).

The authoritative reference and input builder live on the scoring server;
editing this copy changes nothing except your own understanding.
"""

import jax, jax.numpy as jnp
import numpy as np

N_USERS = 1000000
N_ITEMS = 1000000
EMB_DIM = 64
BATCH = 16384


def setup_inputs(seed: int = 0) -> dict:
    key = jax.random.key(seed)
    k1, k2, k3, k4, k5, k6, k7, k8 = jax.random.split(key, 8)
    init_width = 6.0 / np.sqrt(EMB_DIM)
    cur_user = jax.random.randint(k1, (BATCH,), 0, N_USERS, dtype=jnp.int64 if jax.config.jax_enable_x64 else jnp.int32)
    prev_item = jax.random.randint(k2, (BATCH,), 0, N_ITEMS, dtype=cur_user.dtype)
    pos_item = jax.random.randint(k3, (BATCH,), 0, N_ITEMS, dtype=cur_user.dtype)
    neg_item = jax.random.randint(k4, (BATCH,), 0, N_ITEMS, dtype=cur_user.dtype)
    all_user_emb = jax.random.uniform(k5, (EMB_DIM,), minval=-init_width, maxval=init_width, dtype=jnp.float32)
    user_emb = jnp.zeros((N_USERS, EMB_DIM), dtype=jnp.float32)
    item_emb = jax.random.uniform(k6, (N_ITEMS, EMB_DIM), minval=-init_width, maxval=init_width, dtype=jnp.float32)
    item_bias = jnp.zeros((N_ITEMS,), dtype=jnp.float32)
    return {
        "cur_user": cur_user,
        "prev_item": prev_item,
        "pos_item": pos_item,
        "neg_item": neg_item,
        "all_user_emb": all_user_emb,
        "user_emb": user_emb,
        "item_emb": item_emb,
        "item_bias": item_bias,
    }


def _dist(emb1, emb2):
    return jnp.sum(jnp.square(emb1 - emb2), axis=-1)


def reference(cur_user, prev_item, pos_item, neg_item, all_user_emb, user_emb, item_emb, item_bias):
    # eval_item = concat([pos, neg], axis=1): [B, 2]
    eval_item = jnp.concatenate([pos_item.reshape(-1, 1), neg_item.reshape(-1, 1)], axis=1)
    # predict()
    target_item_bias = jnp.take(item_bias, eval_item, axis=0)            # [B, 2]
    target_item_emb = jnp.take(item_emb, eval_item, axis=0)              # [B, 2, D]
    prev_item_emb = jnp.take(item_emb, prev_item, axis=0)                # [B, D]
    cur_user_emb = jnp.take(user_emb, cur_user, axis=0)                  # [B, D]
    pred_item_emb = all_user_emb[None, :] + cur_user_emb + prev_item_emb # [B, D]
    pred_item_emb = pred_item_emb[:, None, :]                            # [B, 1, D] broadcast over 2 items
    return target_item_bias - _dist(pred_item_emb, target_item_emb)     # [B, 2]

if __name__ == "__main__":
    import jax
    _d = setup_inputs()
    print(jax.jit(kernel)(*tuple(_d.values())))

</pallas_src>

<mosaic_0001>
#map = affine_map<(d0, d1) -> (0)>
#map1 = affine_map<(d0, d1) -> (0, 0)>
module attributes {stable_mosaic.version = 14 : i64} {
  func.func @_sc_body(%arg0: i32, %arg1: i32, %arg2: memref<16384xi32, #tpu.memory_space<hbm>>, %arg3: memref<16384xi32, #tpu.memory_space<hbm>>, %arg4: memref<16384xi32, #tpu.memory_space<hbm>>, %arg5: memref<16384xi32, #tpu.memory_space<hbm>>, %arg6: memref<64xf32, #tpu.memory_space<hbm>>, %arg7: memref<1000000x64xf32, #tpu.memory_space<hbm>>, %arg8: memref<1000000x64xf32, #tpu.memory_space<hbm>>, %arg9: memref<1000000xf32, #tpu.memory_space<hbm>>, %arg10: memref<16384x2xf32, #tpu.memory_space<hbm>>, %arg11: memref<128xi32, #tpu.memory_space<vmem>>, %arg12: memref<128xi32, #tpu.memory_space<vmem>>, %arg13: memref<128xi32, #tpu.memory_space<vmem>>, %arg14: memref<128xi32, #tpu.memory_space<vmem>>, %arg15: memref<128x64xf32, #tpu.memory_space<vmem>>, %arg16: memref<128x64xf32, #tpu.memory_space<vmem>>, %arg17: memref<128x64xf32, #tpu.memory_space<vmem>>, %arg18: memref<128x64xf32, #tpu.memory_space<vmem>>, %arg19: memref<128xf32, #tpu.memory_space<vmem>>, %arg20: memref<128xf32, #tpu.memory_space<vmem>>, %arg21: memref<64xf32, #tpu.memory_space<vmem>>, %arg22: memref<128x2xf32, #tpu.memory_space<vmem>>, %arg23: memref<!tpu.dma_semaphore, #tpu.memory_space<semaphore_mem>>) attributes {dimension_semantics = [#tpu.dimension_semantics<core_parallel>, #tpu.dimension_semantics<subcore_parallel>], iteration_bounds = array<i64: 2, 16>, scalar_prefetch = 0 : i64, scratch_operands = 13 : i64, tpu.core_type = #tpu.core_type<sc_vector_subcore>, window_params = [{transform_indices = #map}, {transform_indices = #map}, {transform_indices = #map}, {transform_indices = #map}, {transform_indices = #map}, {transform_indices = #map1}, {transform_indices = #map1}, {transform_indices = #map}, {transform_indices = #map1}]} {
    %mul3A = arith.constant 2 : i32
    %mul3A_0 = arith.muli %arg1, %mul3A : i32
    %add3A = arith.addi %mul3A_0, %arg0 : i32
    %mul3A_1 = arith.constant 512 : i32
    %mul3A_2 = arith.muli %add3A, %mul3A_1 : i32
    "tpu.region"() ({
      %run_scoped3A = tpu.sem_alloc : memref<!tpu.dma_semaphore, #tpu.memory_space<semaphore_mem>>
      tpu.enqueue_dma source(%arg6 : memref<64xf32, #tpu.memory_space<hbm>>) target(%arg21 : memref<64xf32, #tpu.memory_space<vmem>>) target_semaphore(%run_scoped3A : memref<!tpu.dma_semaphore, #tpu.memory_space<semaphore_mem>>)
      tpu.wait_dma2 semaphore(%run_scoped3A : memref<!tpu.dma_semaphore, #tpu.memory_space<semaphore_mem>>) src(%arg6 : memref<64xf32, #tpu.memory_space<hbm>>) dst(%arg21 : memref<64xf32, #tpu.memory_space<vmem>>)
      tpu.yield
    }) : () -> ()
    %add3A_3 = arith.constant 0 : i32
    %add3A_4 = arith.addi %mul3A_2, %add3A_3 : i32
    "tpu.region"() ({
      %run_scoped3A = tpu.sem_alloc : memref<!tpu.dma_semaphore, #tpu.memory_space<semaphore_mem>>
      %dma_start3A_752 = tpu.memref_slice %arg2[%add3A_4] : memref<16384xi32, #tpu.memory_space<hbm>> -> memref<128xi32, #tpu.memory_space<hbm>>
      %dma_start3A_753 = tpu.memref_slice %arg2[%add3A_4] : memref<16384xi32, #tpu.memory_space<hbm>> -> memref<128xi32, #tpu.memory_space<hbm>>
      tpu.enqueue_dma source(%dma_start3A_753 : memref<128xi32, #tpu.memory_space<hbm>>) target(%arg11 : memref<128xi32, #tpu.memory_space<vmem>>) target_semaphore(%run_scoped3A : memref<!tpu.dma_semaphore, #tpu.memory_space<semaphore_mem>>)
      %dma_wait3A_754 = tpu.memref_slice %arg2[%add3A_4] : memref<16384xi32, #tpu.memory_space<hbm>> -> memref<128xi32, #tpu.memory_space<hbm>>
      %dma_wait3A_755 = tpu.memref_slice %arg2[%add3A_4] : memref<16384xi32, #tpu.memory_space<hbm>> -> memref<128xi32, #tpu.memory_space<hbm>>
      tpu.wait_dma2 semaphore(%run_scoped3A : memref<!tpu.dma_semaphore, #tpu.memory_space<semaphore_mem>>) src(%dma_wait3A_755 : memref<128xi32, #tpu.memory_space<hbm>>) dst(%arg11 : memref<128xi32, #tpu.memory_space<vmem>>)
      tpu.yield
    }) : () -> ()
    "tpu.region"() ({
      %run_scoped3A = tpu.sem_alloc : memref<!tpu.dma_semaphore, #tpu.memory_space<semaphore_mem>>
      %dma_start3A_752 = tpu.memref_slice %arg3[%add3A_4] : memref<16384xi32, #tpu.memory_space<hbm>> -> memref<128xi32, #tpu.memory_space<hbm>>
      %dma_start3A_753 = tpu.memref_slice %arg3[%add3A_4] : memref<16384xi32, #tpu.memory_space<hbm>> -> memref<128xi32, #tpu.memory_space<hbm>>
      tpu.enqueue_dma source(%dma_start3A_753 : memref<128xi32, #tpu.memory_space<hbm>>) target(%arg12 : memref<128xi32, #tpu.memory_space<vmem>>) target_semaphore(%run_scoped3A : memref<!tpu.dma_semaphore, #tpu.memory_space<semaphore_mem>>)
      %dma_wait3A_754 = tpu.memref_slice %arg3[%add3A_4] : memref<16384xi32, #tpu.memory_space<hbm>> -> memref<128xi32, #tpu.memory_space<hbm>>
      %dma_wait3A_755 = tpu.memref_slice %arg3[%add3A_4] : memref<16384xi32, #tpu.memory_space<hbm>> -> memref<128xi32, #tpu.memory_space<hbm>>
      tpu.wait_dma2 semaphore(%run_scoped3A : memref<!tpu.dma_semaphore, #tpu.memory_space<semaphore_mem>>) src(%dma_wait3A_755 : memref<128xi32, #tpu.memory_space<hbm>>) dst(%arg12 : memref<128xi32, #tpu.memory_space<vmem>>)
      tpu.yield
    }) : () -> ()
    "tpu.region"() ({
      %run_scoped3A = tpu.sem_alloc : memref<!tpu.dma_semaphore, #tpu.memory_space<semaphore_mem>>
      %dma_start3A_752 = tpu.memref_slice %arg4[%add3A_4] : memref<16384xi32, #tpu.memory_space<hbm>> -> memref<128xi32, #tpu.memory_space<hbm>>
      %dma_start3A_753 = tpu.memref_slice %arg4[%add3A_4] : memref<16384xi32, #tpu.memory_space<hbm>> -> memref<128xi32, #tpu.memory_space<hbm>>
      tpu.enqueue_dma source(%dma_start3A_753 : memref<128xi32, #tpu.memory_space<hbm>>) target(%arg13 : memref<128xi32, #tpu.memory_space<vmem>>) target_semaphore(%run_scoped3A : memref<!tpu.dma_semaphore, #tpu.memory_space<semaphore_mem>>)
      %dma_wait3A_754 = tpu.memref_slice %arg4[%add3A_4] : memref<16384xi32, #tpu.memory_space<hbm>> -> memref<128xi32, #tpu.memory_space<hbm>>
      %dma_wait3A_755 = tpu.memref_slice %arg4[%add3A_4] : memref<16384xi32, #tpu.memory_space<hbm>> -> memref<128xi32, #tpu.memory_space<hbm>>
      tpu.wait_dma2 semaphore(%run_scoped3A : memref<!tpu.dma_semaphore, #tpu.memory_space<semaphore_mem>>) src(%dma_wait3A_755 : memref<128xi32, #tpu.memory_space<hbm>>) dst(%arg13 : memref<128xi32, #tpu.memory_space<vmem>>)
      tpu.yield
    }) : () -> ()
    "tpu.region"() ({
      %run_scoped3A = tpu.sem_alloc : memref<!tpu.dma_semaphore, #tpu.memory_space<semaphore_mem>>
      %dma_start3A_752 = tpu.memref_slice %arg5[%add3A_4] : memref<16384xi32, #tpu.memory_space<hbm>> -> memref<128xi32, #tpu.memory_space<hbm>>
      %dma_start3A_753 = tpu.memref_slice %arg5[%add3A_4] : memref<16384xi32, #tpu.memory_space<hbm>> -> memref<128xi32, #tpu.memory_space<hbm>>
      tpu.enqueue_dma source(%dma_start3A_753 : memref<128xi32, #tpu.memory_space<hbm>>) target(%arg14 : memref<128xi32, #tpu.memory_space<vmem>>) target_semaphore(%run_scoped3A : memref<!tpu.dma_semaphore, #tpu.memory_space<semaphore_mem>>)
      %dma_wait3A_754 = tpu.memref_slice %arg5[%add3A_4] : memref<16384xi32, #tpu.memory_space<hbm>> -> memref<128xi32, #tpu.memory_space<hbm>>
      %dma_wait3A_755 = tpu.memref_slice %arg5[%add3A_4] : memref<16384xi32, #tpu.memory_space<hbm>> -> memref<128xi32, #tpu.memory_space<hbm>>
      tpu.wait_dma2 semaphore(%run_scoped3A : memref<!tpu.dma_semaphore, #tpu.memory_space<semaphore_mem>>) src(%dma_wait3A_755 : memref<128xi32, #tpu.memory_space<hbm>>) dst(%arg14 : memref<128xi32, #tpu.memory_space<vmem>>)
      tpu.yield
    }) : () -> ()
    %dma_start3A = arith.constant 0 : i32
    %dma_start3A_5 = arith.constant 0 : i32
    %dma_start3A_6 = tpu.memref_slice %arg7[%dma_start3A, %dma_start3A_5] : memref<1000000x64xf32, #tpu.memory_space<hbm>> -> memref<1000000x64xf32, #tpu.memory_space<hbm>>
    tpu.enqueue_indirect_dma source(%dma_start3A_6 : memref<1000000x64xf32, #tpu.memory_space<hbm>>) target(%arg15 : memref<128x64xf32, #tpu.memory_space<vmem>>) offsets(%arg11 : memref<128xi32, #tpu.memory_space<vmem>>) semaphore(%arg23 : memref<!tpu.dma_semaphore, #tpu.memory_space<semaphore_mem>>)
    %dma_start3A_7 = arith.constant 0 : i32
    %dma_start3A_8 = arith.constant 0 : i32
    %dma_start3A_9 = tpu.memref_slice %arg8[%dma_start3A_7, %dma_start3A_8] : memref<1000000x64xf32, #tpu.memory_space<hbm>> -> memref<1000000x64xf32, #tpu.memory_space<hbm>>
    tpu.enqueue_indirect_dma source(%dma_start3A_9 : memref<1000000x64xf32, #tpu.memory_space<hbm>>) target(%arg16 : memref<128x64xf32, #tpu.memory_space<vmem>>) offsets(%arg12 : memref<128xi32, #tpu.memory_space<vmem>>) semaphore(%arg23 : memref<!tpu.dma_semaphore, #tpu.memory_space<semaphore_mem>>)
    %dma_start3A_10 = arith.constant 0 : i32
    %dma_start3A_11 = arith.constant 0 : i32
    %dma_start3A_12 = tpu.memref_slice %arg8[%dma_start3A_10, %dma_start3A_11] : memref<1000000x64xf32, #tpu.memory_space<hbm>> -> memref<1000000x64xf32, #tpu.memory_space<hbm>>
    tpu.enqueue_indirect_dma source(%dma_start3A_12 : memref<1000000x64xf32, #tpu.memory_space<hbm>>) target(%arg17 : memref<128x64xf32, #tpu.memory_space<vmem>>) offsets(%arg13 : memref<128xi32, #tpu.memory_space<vmem>>) semaphore(%arg23 : memref<!tpu.dma_semaphore, #tpu.memory_space<semaphore_mem>>)
    %dma_start3A_13 = arith.constant 0 : i32
    %dma_start3A_14 = arith.constant 0 : i32
    %dma_start3A_15 = tpu.memref_slice %arg8[%dma_start3A_13, %dma_start3A_14] : memref<1000000x64xf32, #tpu.memory_space<hbm>> -> memref<1000000x64xf32, #tpu.memory_space<hbm>>
    tpu.enqueue_indirect_dma source(%dma_start3A_15 : memref<1000000x64xf32, #tpu.memory_space<hbm>>) target(%arg18 : memref<128x64xf32, #tpu.memory_space<vmem>>) offsets(%arg14 : memref<128xi32, #tpu.memory_space<vmem>>) semaphore(%arg23 : memref<!tpu.dma_semaphore, #tpu.memory_space<semaphore_mem>>)
    %dma_start3A_16 = arith.constant 0 : i32
    %dma_start3A_17 = tpu.memref_slice %arg9[%dma_start3A_16] : memref<1000000xf32, #tpu.memory_space<hbm>> -> memref<1000000xf32, #tpu.memory_space<hbm>>
    tpu.enqueue_indirect_dma source(%dma_start3A_17 : memref<1000000xf32, #tpu.memory_space<hbm>>) target(%arg19 : memref<128xf32, #tpu.memory_space<vmem>>) offsets(%arg13 : memref<128xi32, #tpu.memory_space<vmem>>) semaphore(%arg23 : memref<!tpu.dma_semaphore, #tpu.memory_space<semaphore_mem>>)
    %dma_start3A_18 = arith.constant 0 : i32
    %dma_start3A_19 = tpu.memref_slice %arg9[%dma_start3A_18] : memref<1000000xf32, #tpu.memory_space<hbm>> -> memref<1000000xf32, #tpu.memory_space<hbm>>
    tpu.enqueue_indirect_dma source(%dma_start3A_19 : memref<1000000xf32, #tpu.memory_space<hbm>>) target(%arg20 : memref<128xf32, #tpu.memory_space<vmem>>) offsets(%arg14 : memref<128xi32, #tpu.memory_space<vmem>>) semaphore(%arg23 : memref<!tpu.dma_semaphore, #tpu.memory_space<semaphore_mem>>)
    %dma_wait3A = arith.constant 0 : i32
    %dma_wait3A_20 = arith.constant 0 : i32
    %dma_wait3A_21 = tpu.memref_slice %arg7[%dma_wait3A, %dma_wait3A_20] : memref<1000000x64xf32, #tpu.memory_space<hbm>> -> memref<1000000x64xf32, #tpu.memory_space<hbm>>
    tpu.wait_indirect_dma semaphore(%arg23 : memref<!tpu.dma_semaphore, #tpu.memory_space<semaphore_mem>>) src(%dma_wait3A_21 : memref<1000000x64xf32, #tpu.memory_space<hbm>>) dst(%arg15 : memref<128x64xf32, #tpu.memory_space<vmem>>)
    %dma_wait3A_22 = arith.constant 0 : i32
    %dma_wait3A_23 = arith.constant 0 : i32
    %dma_wait3A_24 = tpu.memref_slice %arg8[%dma_wait3A_22, %dma_wait3A_23] : memref<1000000x64xf32, #tpu.memory_space<hbm>> -> memref<1000000x64xf32, #tpu.memory_space<hbm>>
    tpu.wait_indirect_dma semaphore(%arg23 : memref<!tpu.dma_semaphore, #tpu.memory_space<semaphore_mem>>) src(%dma_wait3A_24 : memref<1000000x64xf32, #tpu.memory_space<hbm>>) dst(%arg16 : memref<128x64xf32, #tpu.memory_space<vmem>>)
    %dma_wait3A_25 = arith.constant 0 : i32
    %dma_wait3A_26 = arith.constant 0 : i32
    %dma_wait3A_27 = tpu.memref_slice %arg8[%dma_wait3A_25, %dma_wait3A_26] : memref<1000000x64xf32, #tpu.memory_space<hbm>> -> memref<1000000x64xf32, #tpu.memory_space<hbm>>
    tpu.wait_indirect_dma semaphore(%arg23 : memref<!tpu.dma_semaphore, #tpu.memory_space<semaphore_mem>>) src(%dma_wait3A_27 : memref<1000000x64xf32, #tpu.memory_space<hbm>>) dst(%arg17 : memref<128x64xf32, #tpu.memory_space<vmem>>)
    %dma_wait3A_28 = arith.constant 0 : i32
    %dma_wait3A_29 = arith.constant 0 : i32
    %dma_wait3A_30 = tpu.memref_slice %arg8[%dma_wait3A_28, %dma_wait3A_29] : memref<1000000x64xf32, #tpu.memory_space<hbm>> -> memref<1000000x64xf32, #tpu.memory_space<hbm>>
    tpu.wait_indirect_dma semaphore(%arg23 : memref<!tpu.dma_semaphore, #tpu.memory_space<semaphore_mem>>) src(%dma_wait3A_30 : memref<1000000x64xf32, #tpu.memory_space<hbm>>) dst(%arg18 : memref<128x64xf32, #tpu.memory_space<vmem>>)
    %dma_wait3A_31 = arith.constant 0 : i32
    %dma_wait3A_32 = tpu.memref_slice %arg9[%dma_wait3A_31] : memref<1000000xf32, #tpu.memory_space<hbm>> -> memref<1000000xf32, #tpu.memory_space<hbm>>
    tpu.wait_indirect_dma semaphore(%arg23 : memref<!tpu.dma_semaphore, #tpu.memory_space<semaphore_mem>>) src(%dma_wait3A_32 : memref<1000000xf32, #tpu.memory_space<hbm>>) dst(%arg19 : memref<128xf32, #tpu.memory_space<vmem>>)
    %dma_wait3A_33 = arith.constant 0 : i32
    %dma_wait3A_34 = tpu.memref_slice %arg9[%dma_wait3A_33] : memref<1000000xf32, #tpu.memory_space<hbm>> -> memref<1000000xf32, #tpu.memory_space<hbm>>
    tpu.wait_indirect_dma semaphore(%arg23 : memref<!tpu.dma_semaphore, #tpu.memory_space<semaphore_mem>>) src(%dma_wait3A_34 : memref<1000000xf32, #tpu.memory_space<hbm>>) dst(%arg20 : memref<128xf32, #tpu.memory_space<vmem>>)
    %iota3A = tpu.iota {dimensions = array<i32: 0>} : vector<16xi32>
    %broadcast_in_dim3A = arith.constant 0.000000e+00 : f32
    %broadcast_in_dim3A_35 = vector.broadcast %broadcast_in_dim3A : f32 to vector<16xf32>
    %add3A_36 = arith.constant 0 : i32
    %add3A_37 = vector.broadcast %add3A_36 : i32 to vector<16xi32>
    %add3A_38 = arith.addi %iota3A, %add3A_37 : vector<16xi32>
    %scan3A = arith.constant 0 : i32
    %scan3A_39 = arith.constant 64 : i32
    %scan3A_40 = arith.addi %scan3A, %scan3A_39 : i32
    %scan3A_41 = arith.constant 1 : i32
    %scan3A_42:2 = scf.for %scan3A_752 = %scan3A to %scan3A_40 step %scan3A_41 iter_args(%scan3A_753 = %broadcast_in_dim3A_35, %scan3A_754 = %broadcast_in_dim3A_35) -> (vector<16xf32>, vector<16xf32>)  : i32 {
      %broadcast_in_dim3A_755 = vector.broadcast %scan3A_752 : i32 to vector<16xi32>
      %gather3A = tpu.vector_load_idx %arg15[%add3A_38, %broadcast_in_dim3A_755] : memref<128x64xf32, #tpu.memory_space<vmem>>[vector<16xi32>, vector<16xi32>], vector<16xf32>,
      %gather3A_756 = tpu.vector_load_idx %arg16[%add3A_38, %broadcast_in_dim3A_755] : memref<128x64xf32, #tpu.memory_space<vmem>>[vector<16xi32>, vector<16xi32>], vector<16xf32>,
      %gather3A_757 = tpu.vector_load_idx %arg21[%broadcast_in_dim3A_755] : memref<64xf32, #tpu.memory_space<vmem>>[vector<16xi32>], vector<16xf32>,
      %add3A_758 = arith.addf %gather3A, %gather3A_756 : vector<16xf32>
      %add3A_759 = arith.addf %add3A_758, %gather3A_757 : vector<16xf32>
      %gather3A_760 = tpu.vector_load_idx %arg17[%add3A_38, %broadcast_in_dim3A_755] : memref<128x64xf32, #tpu.memory_space<vmem>>[vector<16xi32>, vector<16xi32>], vector<16xf32>,
      %gather3A_761 = tpu.vector_load_idx %arg18[%add3A_38, %broadcast_in_dim3A_755] : memref<128x64xf32, #tpu.memory_space<vmem>>[vector<16xi32>, vector<16xi32>], vector<16xf32>,
      %sub3A_762 = arith.subf %add3A_759, %gather3A_760 : vector<16xf32>
      %sub3A_763 = arith.subf %add3A_759, %gather3A_761 : vector<16xf32>
      %mul3A_764 = arith.mulf %sub3A_762, %sub3A_762 : vector<16xf32>
      %add3A_765 = arith.addf %scan3A_753, %mul3A_764 : vector<16xf32>
      %mul3A_766 = arith.mulf %sub3A_763, %sub3A_763 : vector<16xf32>
      %add3A_767 = arith.addf %scan3A_754, %mul3A_766 : vector<16xf32>
      scf.yield %add3A_765, %add3A_767 : vector<16xf32>, vector<16xf32>
    }
    %scan3A_43 = arith.constant 64 : i32
    %get3A = arith.constant 0 : index
    %get3A_44 = tpu.vector_load %arg19[%get3A] {strides = array<i32>} : memref<128xf32, #tpu.memory_space<vmem>>, vector<16xf32>,
    %sub3A = arith.subf %get3A_44, %scan3A_42#0 : vector<16xf32>
    %get3A_45 = arith.constant 0 : index
    %get3A_46 = tpu.vector_load %arg20[%get3A_45] {strides = array<i32>} : memref<128xf32, #tpu.memory_space<vmem>>, vector<16xf32>,
    %sub3A_47 = arith.subf %get3A_46, %scan3A_42#1 : vector<16xf32>
    %broadcast_in_dim3A_48 = arith.constant 0 : i32
    %broadcast_in_dim3A_49 = vector.broadcast %broadcast_in_dim3A_48 : i32 to vector<16xi32>
    tpu.vector_store_idx %arg22[%add3A_38, %broadcast_in_dim3A_49], %sub3A : memref<128x2xf32, #tpu.memory_space<vmem>>[vector<16xi32>, vector<16xi32>], vector<16xf32>,
    %broadcast_in_dim3A_50 = arith.constant 1 : i32
    %broadcast_in_dim3A_51 = vector.broadcast %broadcast_in_dim3A_50 : i32 to vector<16xi32>
    tpu.vector_store_idx %arg22[%add3A_38, %broadcast_in_dim3A_51], %sub3A_47 : memref<128x2xf32, #tpu.memory_space<vmem>>[vector<16xi32>, vector<16xi32>], vector<16xf32>,
    %add3A_52 = arith.constant 16 : i32
    %add3A_53 = vector.broadcast %add3A_52 : i32 to vector<16xi32>
    %add3A_54 = arith.addi %iota3A, %add3A_53 : vector<16xi32>
    %scan3A_55 = arith.constant 0 : i32
    %scan3A_56 = arith.constant 64 : i32
    %scan3A_57 = arith.addi %scan3A_55, %scan3A_56 : i32
    %scan3A_58 = arith.constant 1 : i32
    %scan3A_59:2 = scf.for %scan3A_752 = %scan3A_55 to %scan3A_57 step %scan3A_58 iter_args(%scan3A_753 = %broadcast_in_dim3A_35, %scan3A_754 = %broadcast_in_dim3A_35) -> (vector<16xf32>, vector<16xf32>)  : i32 {
      %broadcast_in_dim3A_755 = vector.broadcast %scan3A_752 : i32 to vector<16xi32>
      %gather3A = tpu.vector_load_idx %arg15[%add3A_54, %broadcast_in_dim3A_755] : memref<128x64xf32, #tpu.memory_space<vmem>>[vector<16xi32>, vector<16xi32>], vector<16xf32>,
      %gather3A_756 = tpu.vector_load_idx %arg16[%add3A_54, %broadcast_in_dim3A_755] : memref<128x64xf32, #tpu.memory_space<vmem>>[vector<16xi32>, vector<16xi32>], vector<16xf32>,
      %gather3A_757 = tpu.vector_load_idx %arg21[%broadcast_in_dim3A_755] : memref<64xf32, #tpu.memory_space<vmem>>[vector<16xi32>], vector<16xf32>,
      %add3A_758 = arith.addf %gather3A, %gather3A_756 : vector<16xf32>
      %add3A_759 = arith.addf %add3A_758, %gather3A_757 : vector<16xf32>
      %gather3A_760 = tpu.vector_load_idx %arg17[%add3A_54, %broadcast_in_dim3A_755] : memref<128x64xf32, #tpu.memory_space<vmem>>[vector<16xi32>, vector<16xi32>], vector<16xf32>,
      %gather3A_761 = tpu.vector_load_idx %arg18[%add3A_54, %broadcast_in_dim3A_755] : memref<128x64xf32, #tpu.memory_space<vmem>>[vector<16xi32>, vector<16xi32>], vector<16xf32>,
      %sub3A_762 = arith.subf %add3A_759, %gather3A_760 : vector<16xf32>
      %sub3A_763 = arith.subf %add3A_759, %gather3A_761 : vector<16xf32>
      %mul3A_764 = arith.mulf %sub3A_762, %sub3A_762 : vector<16xf32>
      %add3A_765 = arith.addf %scan3A_753, %mul3A_764 : vector<16xf32>
      %mul3A_766 = arith.mulf %sub3A_763, %sub3A_763 : vector<16xf32>
      %add3A_767 = arith.addf %scan3A_754, %mul3A_766 : vector<16xf32>
      scf.yield %add3A_765, %add3A_767 : vector<16xf32>, vector<16xf32>
    }
    %scan3A_60 = arith.constant 64 : i32
    %get3A_61 = arith.constant 16 : index
    %get3A_62 = tpu.vector_load %arg19[%get3A_61] {strides = array<i32>} : memref<128xf32, #tpu.memory_space<vmem>>, vector<16xf32>,
    %sub3A_63 = arith.subf %get3A_62, %scan3A_59#0 : vector<16xf32>
    %get3A_64 = arith.constant 16 : index
    %get3A_65 = tpu.vector_load %arg20[%get3A_64] {strides = array<i32>} : memref<128xf32, #tpu.memory_space<vmem>>, vector<16xf32>,
    %sub3A_66 = arith.subf %get3A_65, %scan3A_59#1 : vector<16xf32>
    %broadcast_in_dim3A_67 = arith.constant 0 : i32
    %broadcast_in_dim3A_68 = vector.broadcast %broadcast_in_dim3A_67 : i32 to vector<16xi32>
    tpu.vector_store_idx %arg22[%add3A_54, %broadcast_in_dim3A_68], %sub3A_63 : memref<128x2xf32, #tpu.memory_space<vmem>>[vector<16xi32>, vector<16xi32>], vector<16xf32>,
    %broadcast_in_dim3A_69 = arith.constant 1 : i32
    %broadcast_in_dim3A_70 = vector.broadcast %broadcast_in_dim3A_69 : i32 to vector<16xi32>
    tpu.vector_store_idx %arg22[%add3A_54, %broadcast_in_dim3A_70], %sub3A_66 : memref<128x2xf32, #tpu.memory_space<vmem>>[vector<16xi32>, vector<16xi32>], vector<16xf32>,
    %add3A_71 = arith.constant 32 : i32
    %add3A_72 = vector.broadcast %add3A_71 : i32 to vector<16xi32>
    %add3A_73 = arith.addi %iota3A, %add3A_72 : vector<16xi32>
    %scan3A_74 = arith.constant 0 : i32
    %scan3A_75 = arith.constant 64 : i32
    %scan3A_76 = arith.addi %scan3A_74, %scan3A_75 : i32
    %scan3A_77 = arith.constant 1 : i32
    %scan3A_78:2 = scf.for %scan3A_752 = %scan3A_74 to %scan3A_76 step %scan3A_77 iter_args(%scan3A_753 = %broadcast_in_dim3A_35, %scan3A_754 = %broadcast_in_dim3A_35) -> (vector<16xf32>, vector<16xf32>)  : i32 {
      %broadcast_in_dim3A_755 = vector.broadcast %scan3A_752 : i32 to vector<16xi32>
      %gather3A = tpu.vector_load_idx %arg15[%add3A_73, %broadcast_in_dim3A_755] : memref<128x64xf32, #tpu.memory_space<vmem>>[vector<16xi32>, vector<16xi32>], vector<16xf32>,
      %gather3A_756 = tpu.vector_load_idx %arg16[%add3A_73, %broadcast_in_dim3A_755] : memref<128x64xf32, #tpu.memory_space<vmem>>[vector<16xi32>, vector<16xi32>], vector<16xf32>,
      %gather3A_757 = tpu.vector_load_idx %arg21[%broadcast_in_dim3A_755] : memref<64xf32, #tpu.memory_space<vmem>>[vector<16xi32>], vector<16xf32>,
      %add3A_758 = arith.addf %gather3A, %gather3A_756 : vector<16xf32>
      %add3A_759 = arith.addf %add3A_758, %gather3A_757 : vector<16xf32>
      %gather3A_760 = tpu.vector_load_idx %arg17[%add3A_73, %broadcast_in_dim3A_755] : memref<128x64xf32, #tpu.memory_space<vmem>>[vector<16xi32>, vector<16xi32>], vector<16xf32>,
      %gather3A_761 = tpu.vector_load_idx %arg18[%add3A_73, %broadcast_in_dim3A_755] : memref<128x64xf32, #tpu.memory_space<vmem>>[vector<16xi32>, vector<16xi32>], vector<16xf32>,
      %sub3A_762 = arith.subf %add3A_759, %gather3A_760 : vector<16xf32>
      %sub3A_763 = arith.subf %add3A_759, %gather3A_761 : vector<16xf32>
      %mul3A_764 = arith.mulf %sub3A_762, %sub3A_762 : vector<16xf32>
      %add3A_765 = arith.addf %scan3A_753, %mul3A_764 : vector<16xf32>
      %mul3A_766 = arith.mulf %sub3A_763, %sub3A_763 : vector<16xf32>
      %add3A_767 = arith.addf %scan3A_754, %mul3A_766 : vector<16xf32>
      scf.yield %add3A_765, %add3A_767 : vector<16xf32>, vector<16xf32>
    }
    %scan3A_79 = arith.constant 64 : i32
    %get3A_80 = arith.constant 32 : index
    %get3A_81 = tpu.vector_load %arg19[%get3A_80] {strides = array<i32>} : memref<128xf32, #tpu.memory_space<vmem>>, vector<16xf32>,
    %sub3A_82 = arith.subf %get3A_81, %scan3A_78#0 : vector<16xf32>
    %get3A_83 = arith.constant 32 : index
    %get3A_84 = tpu.vector_load %arg20[%get3A_83] {strides = array<i32>} : memref<128xf32, #tpu.memory_space<vmem>>, vector<16xf32>,
    %sub3A_85 = arith.subf %get3A_84, %scan3A_78#1 : vector<16xf32>
    %broadcast_in_dim3A_86 = arith.constant 0 : i32
    %broadcast_in_dim3A_87 = vector.broadcast %broadcast_in_dim3A_86 : i32 to vector<16xi32>
    tpu.vector_store_idx %arg22[%add3A_73, %broadcast_in_dim3A_87], %sub3A_82 : memref<128x2xf32, #tpu.memory_space<vmem>>[vector<16xi32>, vector<16xi32>], vector<16xf32>,
    %broadcast_in_dim3A_88 = arith.constant 1 : i32
    %broadcast_in_dim3A_89 = vector.broadcast %broadcast_in_dim3A_88 : i32 to vector<16xi32>
    tpu.vector_store_idx %arg22[%add3A_73, %broadcast_in_dim3A_89], %sub3A_85 : memref<128x2xf32, #tpu.memory_space<vmem>>[vector<16xi32>, vector<16xi32>], vector<16xf32>,
    %add3A_90 = arith.constant 48 : i32
    %add3A_91 = vector.broadcast %add3A_90 : i32 to vector<16xi32>
    %add3A_92 = arith.addi %iota3A, %add3A_91 : vector<16xi32>
    %scan3A_93 = arith.constant 0 : i32
    %scan3A_94 = arith.constant 64 : i32
    %scan3A_95 = arith.addi %scan3A_93, %scan3A_94 : i32
    %scan3A_96 = arith.constant 1 : i32
    %scan3A_97:2 = scf.for %scan3A_752 = %scan3A_93 to %scan3A_95 step %scan3A_96 iter_args(%scan3A_753 = %broadcast_in_dim3A_35, %scan3A_754 = %broadcast_in_dim3A_35) -> (vector<16xf32>, vector<16xf32>)  : i32 {
      %broadcast_in_dim3A_755 = vector.broadcast %scan3A_752 : i32 to vector<16xi32>
      %gather3A = tpu.vector_load_idx %arg15[%add3A_92, %broadcast_in_dim3A_755] : memref<128x64xf32, #tpu.memory_space<vmem>>[vector<16xi32>, vector<16xi32>], vector<16xf32>,
      %gather3A_756 = tpu.vector_load_idx %arg16[%add3A_92, %broadcast_in_dim3A_755] : memref<128x64xf32, #tpu.memory_space<vmem>>[vector<16xi32>, vector<16xi32>], vector<16xf32>,
      %gather3A_757 = tpu.vector_load_idx %arg21[%broadcast_in_dim3A_755] : memref<64xf32, #tpu.memory_space<vmem>>[vector<16xi32>], vector<16xf32>,
      %add3A_758 = arith.addf %gather3A, %gather3A_756 : vector<16xf32>
      %add3A_759 = arith.addf %add3A_758, %gather3A_757 : vector<16xf32>
      %gather3A_760 = tpu.vector_load_idx %arg17[%add3A_92, %broadcast_in_dim3A_755] : memref<128x64xf32, #tpu.memory_space<vmem>>[vector<16xi32>, vector<16xi32>], vector<16xf32>,
      %gather3A_761 = tpu.vector_load_idx %arg18[%add3A_92, %broadcast_in_dim3A_755] : memref<128x64xf32, #tpu.memory_space<vmem>>[vector<16xi32>, vector<16xi32>], vector<16xf32>,
      %sub3A_762 = arith.subf %add3A_759, %gather3A_760 : vector<16xf32>
      %sub3A_763 = arith.subf %add3A_759, %gather3A_761 : vector<16xf32>
      %mul3A_764 = arith.mulf %sub3A_762, %sub3A_762 : vector<16xf32>
      %add3A_765 = arith.addf %scan3A_753, %mul3A_764 : vector<16xf32>
      %mul3A_766 = arith.mulf %sub3A_763, %sub3A_763 : vector<16xf32>
      %add3A_767 = arith.addf %scan3A_754, %mul3A_766 : vector<16xf32>
      scf.yield %add3A_765, %add3A_767 : vector<16xf32>, vector<16xf32>
    }
    %scan3A_98 = arith.constant 64 : i32
    %get3A_99 = arith.constant 48 : index
    %get3A_100 = tpu.vector_load %arg19[%get3A_99] {strides = array<i32>} : memref<128xf32, #tpu.memory_space<vmem>>, vector<16xf32>,
    %sub3A_101 = arith.subf %get3A_100, %scan3A_97#0 : vector<16xf32>
    %get3A_102 = arith.constant 48 : index
    %get3A_103 = tpu.vector_load %arg20[%get3A_102] {strides = array<i32>} : memref<128xf32, #tpu.memory_space<vmem>>, vector<16xf32>,
    %sub3A_104 = arith.subf %get3A_103, %scan3A_97#1 : vector<16xf32>
    %broadcast_in_dim3A_105 = arith.constant 0 : i32
    %broadcast_in_dim3A_106 = vector.broadcast %broadcast_in_dim3A_105 : i32 to vector<16xi32>
    tpu.vector_store_idx %arg22[%add3A_92, %broadcast_in_dim3A_106], %sub3A_101 : memref<128x2xf32, #tpu.memory_space<vmem>>[vector<16xi32>, vector<16xi32>], vector<16xf32>,
    %broadcast_in_dim3A_107 = arith.constant 1 : i32
    %broadcast_in_dim3A_108 = vector.broadcast %broadcast_in_dim3A_107 : i32 to vector<16xi32>
    tpu.vector_store_idx %arg22[%add3A_92, %broadcast_in_dim3A_108], %sub3A_104 : memref<128x2xf32, #tpu.memory_space<vmem>>[vector<16xi32>, vector<16xi32>], vector<16xf32>,
    %add3A_109 = arith.constant 64 : i32
    %add3A_110 = vector.broadcast %add3A_109 : i32 to vector<16xi32>
    %add3A_111 = arith.addi %iota3A, %add3A_110 : vector<16xi32>
    %scan3A_112 = arith.constant 0 : i32
    %scan3A_113 = arith.constant 64 : i32
    %scan3A_114 = arith.addi %scan3A_112, %scan3A_113 : i32
    %scan3A_115 = arith.constant 1 : i32
    %scan3A_116:2 = scf.for %scan3A_752 = %scan3A_112 to %scan3A_114 step %scan3A_115 iter_args(%scan3A_753 = %broadcast_in_dim3A_35, %scan3A_754 = %broadcast_in_dim3A_35) -> (vector<16xf32>, vector<16xf32>)  : i32 {
      %broadcast_in_dim3A_755 = vector.broadcast %scan3A_752 : i32 to vector<16xi32>
      %gather3A = tpu.vector_load_idx %arg15[%add3A_111, %broadcast_in_dim3A_755] : memref<128x64xf32, #tpu.memory_space<vmem>>[vector<16xi32>, vector<16xi32>], vector<16xf32>,
      %gather3A_756 = tpu.vector_load_idx %arg16[%add3A_111, %broadcast_in_dim3A_755] : memref<128x64xf32, #tpu.memory_space<vmem>>[vector<16xi32>, vector<16xi32>], vector<16xf32>,
      %gather3A_757 = tpu.vector_load_idx %arg21[%broadcast_in_dim3A_755] : memref<64xf32, #tpu.memory_space<vmem>>[vector<16xi32>], vector<16xf32>,
      %add3A_758 = arith.addf %gather3A, %gather3A_756 : vector<16xf32>
      %add3A_759 = arith.addf %add3A_758, %gather3A_757 : vector<16xf32>
      %gather3A_760 = tpu.vector_load_idx %arg17[%add3A_111, %broadcast_in_dim3A_755] : memref<128x64xf32, #tpu.memory_space<vmem>>[vector<16xi32>, vector<16xi32>], vector<16xf32>,
      %gather3A_761 = tpu.vector_load_idx %arg18[%add3A_111, %broadcast_in_dim3A_755] : memref<128x64xf32, #tpu.memory_space<vmem>>[vector<16xi32>, vector<16xi32>], vector<16xf32>,
      %sub3A_762 = arith.subf %add3A_759, %gather3A_760 : vector<16xf32>
      %sub3A_763 = arith.subf %add3A_759, %gather3A_761 : vector<16xf32>
      %mul3A_764 = arith.mulf %sub3A_762, %sub3A_762 : vector<16xf32>
      %add3A_765 = arith.addf %scan3A_753, %mul3A_764 : vector<16xf32>
      %mul3A_766 = arith.mulf %sub3A_763, %sub3A_763 : vector<16xf32>
      %add3A_767 = arith.addf %scan3A_754, %mul3A_766 : vector<16xf32>
      scf.yield %add3A_765, %add3A_767 : vector<16xf32>, vector<16xf32>
    }
    %scan3A_117 = arith.constant 64 : i32
    %get3A_118 = arith.constant 64 : index
    %get3A_119 = tpu.vector_load %arg19[%get3A_118] {strides = array<i32>} : memref<128xf32, #tpu.memory_space<vmem>>, vector<16xf32>,
    %sub3A_120 = arith.subf %get3A_119, %scan3A_116#0 : vector<16xf32>
    %get3A_121 = arith.constant 64 : index
    %get3A_122 = tpu.vector_load %arg20[%get3A_121] {strides = array<i32>} : memref<128xf32, #tpu.memory_space<vmem>>, vector<16xf32>,
    %sub3A_123 = arith.subf %get3A_122, %scan3A_116#1 : vector<16xf32>
    %broadcast_in_dim3A_124 = arith.constant 0 : i32
    %broadcast_in_dim3A_125 = vector.broadcast %broadcast_in_dim3A_124 : i32 to vector<16xi32>
    tpu.vector_store_idx %arg22[%add3A_111, %broadcast_in_dim3A_125], %sub3A_120 : memref<128x2xf32, #tpu.memory_space<vmem>>[vector<16xi32>, vector<16xi32>], vector<16xf32>,
    %broadcast_in_dim3A_126 = arith.constant 1 : i32
    %broadcast_in_dim3A_127 = vector.broadcast %broadcast_in_dim3A_126 : i32 to vector<16xi32>
    tpu.vector_store_idx %arg22[%add3A_111, %broadcast_in_dim3A_127], %sub3A_123 : memref<128x2xf32, #tpu.memory_space<vmem>>[vector<16xi32>, vector<16xi32>], vector<16xf32>,
    %add3A_128 = arith.constant 80 : i32
    %add3A_129 = vector.broadcast %add3A_128 : i32 to vector<16xi32>
    %add3A_130 = arith.addi %iota3A, %add3A_129 : vector<16xi32>
    %scan3A_131 = arith.constant 0 : i32
    %scan3A_132 = arith.constant 64 : i32
    %scan3A_133 = arith.addi %scan3A_131, %scan3A_132 : i32
    %scan3A_134 = arith.constant 1 : i32
    %scan3A_135:2 = scf.for %scan3A_752 = %scan3A_131 to %scan3A_133 step %scan3A_134 iter_args(%scan3A_753 = %broadcast_in_dim3A_35, %scan3A_754 = %broadcast_in_dim3A_35) -> (vector<16xf32>, vector<16xf32>)  : i32 {
      %broadcast_in_dim3A_755 = vector.broadcast %scan3A_752 : i32 to vector<16xi32>
      %gather3A = tpu.vector_load_idx %arg15[%add3A_130, %broadcast_in_dim3A_755] : memref<128x64xf32, #tpu.memory_space<vmem>>[vector<16xi32>, vector<16xi32>], vector<16xf32>,
      %gather3A_756 = tpu.vector_load_idx %arg16[%add3A_130, %broadcast_in_dim3A_755] : memref<128x64xf32, #tpu.memory_space<vmem>>[vector<16xi32>, vector<16xi32>], vector<16xf32>,
      %gather3A_757 = tpu.vector_load_idx %arg21[%broadcast_in_dim3A_755] : memref<64xf32, #tpu.memory_space<vmem>>[vector<16xi32>], vector<16xf32>,
      %add3A_758 = arith.addf %gather3A, %gather3A_756 : vector<16xf32>
      %add3A_759 = arith.addf %add3A_758, %gather3A_757 : vector<16xf32>
      %gather3A_760 = tpu.vector_load_idx %arg17[%add3A_130, %broadcast_in_dim3A_755] : memref<128x64xf32, #tpu.memory_space<vmem>>[vector<16xi32>, vector<16xi32>], vector<16xf32>,
      %gather3A_761 = tpu.vector_load_idx %arg18[%add3A_130, %broadcast_in_dim3A_755] : memref<128x64xf32, #tpu.memory_space<vmem>>[vector<16xi32>, vector<16xi32>], vector<16xf32>,
      %sub3A_762 = arith.subf %add3A_759, %gather3A_760 : vector<16xf32>
      %sub3A_763 = arith.subf %add3A_759, %gather3A_761 : vector<16xf32>
      %mul3A_764 = arith.mulf %sub3A_762, %sub3A_762 : vector<16xf32>
      %add3A_765 = arith.addf %scan3A_753, %mul3A_764 : vector<16xf32>
      %mul3A_766 = arith.mulf %sub3A_763, %sub3A_763 : vector<16xf32>
      %add3A_767 = arith.addf %scan3A_754, %mul3A_766 : vector<16xf32>
      scf.yield %add3A_765, %add3A_767 : vector<16xf32>, vector<16xf32>
    }
    %scan3A_136 = arith.constant 64 : i32
    %get3A_137 = arith.constant 80 : index
    %get3A_138 = tpu.vector_load %arg19[%get3A_137] {strides = array<i32>} : memref<128xf32, #tpu.memory_space<vmem>>, vector<16xf32>,
    %sub3A_139 = arith.subf %get3A_138, %scan3A_135#0 : vector<16xf32>
    %get3A_140 = arith.constant 80 : index
    %get3A_141 = tpu.vector_load %arg20[%get3A_140] {strides = array<i32>} : memref<128xf32, #tpu.memory_space<vmem>>, vector<16xf32>,
    %sub3A_142 = arith.subf %get3A_141, %scan3A_135#1 : vector<16xf32>
    %broadcast_in_dim3A_143 = arith.constant 0 : i32
    %broadcast_in_dim3A_144 = vector.broadcast %broadcast_in_dim3A_143 : i32 to vector<16xi32>
    tpu.vector_store_idx %arg22[%add3A_130, %broadcast_in_dim3A_144], %sub3A_139 : memref<128x2xf32, #tpu.memory_space<vmem>>[vector<16xi32>, vector<16xi32>], vector<16xf32>,
    %broadcast_in_dim3A_145 = arith.constant 1 : i32
    %broadcast_in_dim3A_146 = vector.broadcast %broadcast_in_dim3A_145 : i32 to vector<16xi32>
    tpu.vector_store_idx %arg22[%add3A_130, %broadcast_in_dim3A_146], %sub3A_142 : memref<128x2xf32, #tpu.memory_space<vmem>>[vector<16xi32>, vector<16xi32>], vector<16xf32>,
    %add3A_147 = arith.constant 96 : i32
    %add3A_148 = vector.broadcast %add3A_147 : i32 to vector<16xi32>
    %add3A_149 = arith.addi %iota3A, %add3A_148 : vector<16xi32>
    %scan3A_150 = arith.constant 0 : i32
    %scan3A_151 = arith.constant 64 : i32
    %scan3A_152 = arith.addi %scan3A_150, %scan3A_151 : i32
    %scan3A_153 = arith.constant 1 : i32
    %scan3A_154:2 = scf.for %scan3A_752 = %scan3A_150 to %scan3A_152 step %scan3A_153 iter_args(%scan3A_753 = %broadcast_in_dim3A_35, %scan3A_754 = %broadcast_in_dim3A_35) -> (vector<16xf32>, vector<16xf32>)  : i32 {
      %broadcast_in_dim3A_755 = vector.broadcast %scan3A_752 : i32 to vector<16xi32>
      %gather3A = tpu.vector_load_idx %arg15[%add3A_149, %broadcast_in_dim3A_755] : memref<128x64xf32, #tpu.memory_space<vmem>>[vector<16xi32>, vector<16xi32>], vector<16xf32>,
      %gather3A_756 = tpu.vector_load_idx %arg16[%add3A_149, %broadcast_in_dim3A_755] : memref<128x64xf32, #tpu.memory_space<vmem>>[vector<16xi32>, vector<16xi32>], vector<16xf32>,
      %gather3A_757 = tpu.vector_load_idx %arg21[%broadcast_in_dim3A_755] : memref<64xf32, #tpu.memory_space<vmem>>[vector<16xi32>], vector<16xf32>,
      %add3A_758 = arith.addf %gather3A, %gather3A_756 : vector<16xf32>
      %add3A_759 = arith.addf %add3A_758, %gather3A_757 : vector<16xf32>
      %gather3A_760 = tpu.vector_load_idx %arg17[%add3A_149, %broadcast_in_dim3A_755] : memref<128x64xf32, #tpu.memory_space<vmem>>[vector<16xi32>, vector<16xi32>], vector<16xf32>,
      %gather3A_761 = tpu.vector_load_idx %arg18[%add3A_149, %broadcast_in_dim3A_755] : memref<128x64xf32, #tpu.memory_space<vmem>>[vector<16xi32>, vector<16xi32>], vector<16xf32>,
      %sub3A_762 = arith.subf %add3A_759, %gather3A_760 : vector<16xf32>
      %sub3A_763 = arith.subf %add3A_759, %gather3A_761 : vector<16xf32>
      %mul3A_764 = arith.mulf %sub3A_762, %sub3A_762 : vector<16xf32>
      %add3A_765 = arith.addf %scan3A_753, %mul3A_764 : vector<16xf32>
      %mul3A_766 = arith.mulf %sub3A_763, %sub3A_763 : vector<16xf32>
      %add3A_767 = arith.addf %scan3A_754, %mul3A_766 : vector<16xf32>
      scf.yield %add3A_765, %add3A_767 : vector<16xf32>, vector<16xf32>
    }
    %scan3A_155 = arith.constant 64 : i32
    %get3A_156 = arith.constant 96 : index
    %get3A_157 = tpu.vector_load %arg19[%get3A_156] {strides = array<i32>} : memref<128xf32, #tpu.memory_space<vmem>>, vector<16xf32>,
    %sub3A_158 = arith.subf %get3A_157, %scan3A_154#0 : vector<16xf32>
    %get3A_159 = arith.constant 96 : index
    %get3A_160 = tpu.vector_load %arg20[%get3A_159] {strides = array<i32>} : memref<128xf32, #tpu.memory_space<vmem>>, vector<16xf32>,
    %sub3A_161 = arith.subf %get3A_160, %scan3A_154#1 : vector<16xf32>
    %broadcast_in_dim3A_162 = arith.constant 0 : i32
    %broadcast_in_dim3A_163 = vector.broadcast %broadcast_in_dim3A_162 : i32 to vector<16xi32>
    tpu.vector_store_idx %arg22[%add3A_149, %broadcast_in_dim3A_163], %sub3A_158 : memref<128x2xf32, #tpu.memory_space<vmem>>[vector<16xi32>, vector<16xi32>], vector<16xf32>,
    %broadcast_in_dim3A_164 = arith.constant 1 : i32
    %broadcast_in_dim3A_165 = vector.broadcast %broadcast_in_dim3A_164 : i32 to vector<16xi32>
    tpu.vector_store_idx %arg22[%add3A_149, %broadcast_in_dim3A_165], %sub3A_161 : memref<128x2xf32, #tpu.memory_space<vmem>>[vector<16xi32>, vector<16xi32>], vector<16xf32>,
    %add3A_166 = arith.constant 112 : i32
    %add3A_167 = vector.broadcast %add3A_166 : i32 to vector<16xi32>
    %add3A_168 = arith.addi %iota3A, %add3A_167 : vector<16xi32>
    %scan3A_169 = arith.constant 0 : i32
    %scan3A_170 = arith.constant 64 : i32
    %scan3A_171 = arith.addi %scan3A_169, %scan3A_170 : i32
    %scan3A_172 = arith.constant 1 : i32
    %scan3A_173:2 = scf.for %scan3A_752 = %scan3A_169 to %scan3A_171 step %scan3A_172 iter_args(%scan3A_753 = %broadcast_in_dim3A_35, %scan3A_754 = %broadcast_in_dim3A_35) -> (vector<16xf32>, vector<16xf32>)  : i32 {
      %broadcast_in_dim3A_755 = vector.broadcast %scan3A_752 : i32 to vector<16xi32>
      %gather3A = tpu.vector_load_idx %arg15[%add3A_168, %broadcast_in_dim3A_755] : memref<128x64xf32, #tpu.memory_space<vmem>>[vector<16xi32>, vector<16xi32>], vector<16xf32>,
      %gather3A_756 = tpu.vector_load_idx %arg16[%add3A_168, %broadcast_in_dim3A_755] : memref<128x64xf32, #tpu.memory_space<vmem>>[vector<16xi32>, vector<16xi32>], vector<16xf32>,
      %gather3A_757 = tpu.vector_load_idx %arg21[%broadcast_in_dim3A_755] : memref<64xf32, #tpu.memory_space<vmem>>[vector<16xi32>], vector<16xf32>,
      %add3A_758 = arith.addf %gather3A, %gather3A_756 : vector<16xf32>
      %add3A_759 = arith.addf %add3A_758, %gather3A_757 : vector<16xf32>
      %gather3A_760 = tpu.vector_load_idx %arg17[%add3A_168, %broadcast_in_dim3A_755] : memref<128x64xf32, #tpu.memory_space<vmem>>[vector<16xi32>, vector<16xi32>], vector<16xf32>,
      %gather3A_761 = tpu.vector_load_idx %arg18[%add3A_168, %broadcast_in_dim3A_755] : memref<128x64xf32, #tpu.memory_space<vmem>>[vector<16xi32>, vector<16xi32>], vector<16xf32>,
      %sub3A_762 = arith.subf %add3A_759, %gather3A_760 : vector<16xf32>
      %sub3A_763 = arith.subf %add3A_759, %gather3A_761 : vector<16xf32>
      %mul3A_764 = arith.mulf %sub3A_762, %sub3A_762 : vector<16xf32>
      %add3A_765 = arith.addf %scan3A_753, %mul3A_764 : vector<16xf32>
      %mul3A_766 = arith.mulf %sub3A_763, %sub3A_763 : vector<16xf32>
      %add3A_767 = arith.addf %scan3A_754, %mul3A_766 : vector<16xf32>
      scf.yield %add3A_765, %add3A_767 : vector<16xf32>, vector<16xf32>
    }
    %scan3A_174 = arith.constant 64 : i32
    %get3A_175 = arith.constant 112 : index
    %get3A_176 = tpu.vector_load %arg19[%get3A_175] {strides = array<i32>} : memref<128xf32, #tpu.memory_space<vmem>>, vector<16xf32>,
    %sub3A_177 = arith.subf %get3A_176, %scan3A_173#0 : vector<16xf32>
    %get3A_178 = arith.constant 112 : index
    %get3A_179 = tpu.vector_load %arg20[%get3A_178] {strides = array<i32>} : memref<128xf32, #tpu.memory_space<vmem>>, vector<16xf32>,
    %sub3A_180 = arith.subf %get3A_179, %scan3A_173#1 : vector<16xf32>
    %broadcast_in_dim3A_181 = arith.constant 0 : i32
    %broadcast_in_dim3A_182 = vector.broadcast %broadcast_in_dim3A_181 : i32 to vector<16xi32>
    tpu.vector_store_idx %arg22[%add3A_168, %broadcast_in_dim3A_182], %sub3A_177 : memref<128x2xf32, #tpu.memory_space<vmem>>[vector<16xi32>, vector<16xi32>], vector<16xf32>,
    %broadcast_in_dim3A_183 = arith.constant 1 : i32
    %broadcast_in_dim3A_184 = vector.broadcast %broadcast_in_dim3A_183 : i32 to vector<16xi32>
    tpu.vector_store_idx %arg22[%add3A_168, %broadcast_in_dim3A_184], %sub3A_180 : memref<128x2xf32, #tpu.memory_space<vmem>>[vector<16xi32>, vector<16xi32>], vector<16xf32>,
    "tpu.region"() ({
      %run_scoped3A = tpu.sem_alloc : memref<!tpu.dma_semaphore, #tpu.memory_space<semaphore_mem>>
      %dma_start3A_752 = arith.constant 0 : i32
      %dma_start3A_753 = tpu.memref_slice %arg10[%add3A_4, %dma_start3A_752] : memref<16384x2xf32, #tpu.memory_space<hbm>> -> memref<128x2xf32, #tpu.memory_space<hbm>>
      %dma_start3A_754 = arith.constant 0 : i32
      %dma_start3A_755 = tpu.memref_slice %arg10[%add3A_4, %dma_start3A_754] : memref<16384x2xf32, #tpu.memory_space<hbm>> -> memref<128x2xf32, #tpu.memory_space<hbm>>
      tpu.enqueue_dma source(%arg22 : memref<128x2xf32, #tpu.memory_space<vmem>>) target(%dma_start3A_755 : memref<128x2xf32, #tpu.memory_space<hbm>>) target_semaphore(%run_scoped3A : memref<!tpu.dma_semaphore, #tpu.memory_space<semaphore_mem>>)
      %dma_wait3A_756 = arith.constant 0 : i32
      %dma_wait3A_757 = tpu.memref_slice %arg10[%add3A_4, %dma_wait3A_756] : memref<16384x2xf32, #tpu.memory_space<hbm>> -> memref<128x2xf32, #tpu.memory_space<hbm>>
      %dma_wait3A_758 = arith.constant 0 : i32
      %dma_wait3A_759 = tpu.memref_slice %arg10[%add3A_4, %dma_wait3A_758] : memref<16384x2xf32, #tpu.memory_space<hbm>> -> memref<128x2xf32, #tpu.memory_space<hbm>>
      tpu.wait_dma2 semaphore(%run_scoped3A : memref<!tpu.dma_semaphore, #tpu.memory_space<semaphore_mem>>) src(%arg22 : memref<128x2xf32, #tpu.memory_space<vmem>>) dst(%dma_wait3A_759 : memref<128x2xf32, #tpu.memory_space<hbm>>)
      tpu.yield
    }) : () -> ()
    %add3A_185 = arith.constant 128 : i32
    %add3A_186 = arith.addi %mul3A_2, %add3A_185 : i32
    "tpu.region"() ({
      %run_scoped3A = tpu.sem_alloc : memref<!tpu.dma_semaphore, #tpu.memory_space<semaphore_mem>>
      %dma_start3A_752 = tpu.memref_slice %arg2[%add3A_186] : memref<16384xi32, #tpu.memory_space<hbm>> -> memref<128xi32, #tpu.memory_space<hbm>>
      %dma_start3A_753 = tpu.memref_slice %arg2[%add3A_186] : memref<16384xi32, #tpu.memory_space<hbm>> -> memref<128xi32, #tpu.memory_space<hbm>>
      tpu.enqueue_dma source(%dma_start3A_753 : memref<128xi32, #tpu.memory_space<hbm>>) target(%arg11 : memref<128xi32, #tpu.memory_space<vmem>>) target_semaphore(%run_scoped3A : memref<!tpu.dma_semaphore, #tpu.memory_space<semaphore_mem>>)
      %dma_wait3A_754 = tpu.memref_slice %arg2[%add3A_186] : memref<16384xi32, #tpu.memory_space<hbm>> -> memref<128xi32, #tpu.memory_space<hbm>>
      %dma_wait3A_755 = tpu.memref_slice %arg2[%add3A_186] : memref<16384xi32, #tpu.memory_space<hbm>> -> memref<128xi32, #tpu.memory_space<hbm>>
      tpu.wait_dma2 semaphore(%run_scoped3A : memref<!tpu.dma_semaphore, #tpu.memory_space<semaphore_mem>>) src(%dma_wait3A_755 : memref<128xi32, #tpu.memory_space<hbm>>) dst(%arg11 : memref<128xi32, #tpu.memory_space<vmem>>)
      tpu.yield
    }) : () -> ()
    "tpu.region"() ({
      %run_scoped3A = tpu.sem_alloc : memref<!tpu.dma_semaphore, #tpu.memory_space<semaphore_mem>>
      %dma_start3A_752 = tpu.memref_slice %arg3[%add3A_186] : memref<16384xi32, #tpu.memory_space<hbm>> -> memref<128xi32, #tpu.memory_space<hbm>>
      %dma_start3A_753 = tpu.memref_slice %arg3[%add3A_186] : memref<16384xi32, #tpu.memory_space<hbm>> -> memref<128xi32, #tpu.memory_space<hbm>>
      tpu.enqueue_dma source(%dma_start3A_753 : memref<128xi32, #tpu.memory_space<hbm>>) target(%arg12 : memref<128xi32, #tpu.memory_space<vmem>>) target_semaphore(%run_scoped3A : memref<!tpu.dma_semaphore, #tpu.memory_space<semaphore_mem>>)
      %dma_wait3A_754 = tpu.memref_slice %arg3[%add3A_186] : memref<16384xi32, #tpu.memory_space<hbm>> -> memref<128xi32, #tpu.memory_space<hbm>>
      %dma_wait3A_755 = tpu.memref_slice %arg3[%add3A_186] : memref<16384xi32, #tpu.memory_space<hbm>> -> memref<128xi32, #tpu.memory_space<hbm>>
      tpu.wait_dma2 semaphore(%run_scoped3A : memref<!tpu.dma_semaphore, #tpu.memory_space<semaphore_mem>>) src(%dma_wait3A_755 : memref<128xi32, #tpu.memory_space<hbm>>) dst(%arg12 : memref<128xi32, #tpu.memory_space<vmem>>)
      tpu.yield
    }) : () -> ()
    "tpu.region"() ({
      %run_scoped3A = tpu.sem_alloc : memref<!tpu.dma_semaphore, #tpu.memory_space<semaphore_mem>>
      %dma_start3A_752 = tpu.memref_slice %arg4[%add3A_186] : memref<16384xi32, #tpu.memory_space<hbm>> -> memref<128xi32, #tpu.memory_space<hbm>>
      %dma_start3A_753 = tpu.memref_slice %arg4[%add3A_186] : memref<16384xi32, #tpu.memory_space<hbm>> -> memref<128xi32, #tpu.memory_space<hbm>>
      tpu.enqueue_dma source(%dma_start3A_753 : memref<128xi32, #tpu.memory_space<hbm>>) target(%arg13 : memref<128xi32, #tpu.memory_space<vmem>>) target_semaphore(%run_scoped3A : memref<!tpu.dma_semaphore, #tpu.memory_space<semaphore_mem>>)
      %dma_wait3A_754 = tpu.memref_slice %arg4[%add3A_186] : memref<16384xi32, #tpu.memory_space<hbm>> -> memref<128xi32, #tpu.memory_space<hbm>>
      %dma_wait3A_755 = tpu.memref_slice %arg4[%add3A_186] : memref<16384xi32, #tpu.memory_space<hbm>> -> memref<128xi32, #tpu.memory_space<hbm>>
      tpu.wait_dma2 semaphore(%run_scoped3A : memref<!tpu.dma_semaphore, #tpu.memory_space<semaphore_mem>>) src(%dma_wait3A_755 : memref<128xi32, #tpu.memory_space<hbm>>) dst(%arg13 : memref<128xi32, #tpu.memory_space<vmem>>)
      tpu.yield
    }) : () -> ()
    "tpu.region"() ({
      %run_scoped3A = tpu.sem_alloc : memref<!tpu.dma_semaphore, #tpu.memory_space<semaphore_mem>>
      %dma_start3A_752 = tpu.memref_slice %arg5[%add3A_186] : memref<16384xi32, #tpu.memory_space<hbm>> -> memref<128xi32, #tpu.memory_space<hbm>>
      %dma_start3A_753 = tpu.memref_slice %arg5[%add3A_186] : memref<16384xi32, #tpu.memory_space<hbm>> -> memref<128xi32, #tpu.memory_space<hbm>>
      tpu.enqueue_dma source(%dma_start3A_753 : memref<128xi32, #tpu.memory_space<hbm>>) target(%arg14 : memref<128xi32, #tpu.memory_space<vmem>>) target_semaphore(%run_scoped3A : memref<!tpu.dma_semaphore, #tpu.memory_space<semaphore_mem>>)
      %dma_wait3A_754 = tpu.memref_slice %arg5[%add3A_186] : memref<16384xi32, #tpu.memory_space<hbm>> -> memref<128xi32, #tpu.memory_space<hbm>>
      %dma_wait3A_755 = tpu.memref_slice %arg5[%add3A_186] : memref<16384xi32, #tpu.memory_space<hbm>> -> memref<128xi32, #tpu.memory_space<hbm>>
      tpu.wait_dma2 semaphore(%run_scoped3A : memref<!tpu.dma_semaphore, #tpu.memory_space<semaphore_mem>>) src(%dma_wait3A_755 : memref<128xi32, #tpu.memory_space<hbm>>) dst(%arg14 : memref<128xi32, #tpu.memory_space<vmem>>)
      tpu.yield
    }) : () -> ()
    %dma_start3A_187 = arith.constant 0 : i32
    %dma_start3A_188 = arith.constant 0 : i32
    %dma_start3A_189 = tpu.memref_slice %arg7[%dma_start3A_187, %dma_start3A_188] : memref<1000000x64xf32, #tpu.memory_space<hbm>> -> memref<1000000x64xf32, #tpu.memory_space<hbm>>
    tpu.enqueue_indirect_dma source(%dma_start3A_189 : memref<1000000x64xf32, #tpu.memory_space<hbm>>) target(%arg15 : memref<128x64xf32, #tpu.memory_space<vmem>>) offsets(%arg11 : memref<128xi32, #tpu.memory_space<vmem>>) semaphore(%arg23 : memref<!tpu.dma_semaphore, #tpu.memory_space<semaphore_mem>>)
    %dma_start3A_190 = arith.constant 0 : i32
    %dma_start3A_191 = arith.constant 0 : i32
    %dma_start3A_192 = tpu.memref_slice %arg8[%dma_start3A_190, %dma_start3A_191] : memref<1000000x64xf32, #tpu.memory_space<hbm>> -> memref<1000000x64xf32, #tpu.memory_space<hbm>>
    tpu.enqueue_indirect_dma source(%dma_start3A_192 : memref<1000000x64xf32, #tpu.memory_space<hbm>>) target(%arg16 : memref<128x64xf32, #tpu.memory_space<vmem>>) offsets(%arg12 : memref<128xi32, #tpu.memory_space<vmem>>) semaphore(%arg23 : memref<!tpu.dma_semaphore, #tpu.memory_space<semaphore_mem>>)
    %dma_start3A_193 = arith.constant 0 : i32
    %dma_start3A_194 = arith.constant 0 : i32
    %dma_start3A_195 = tpu.memref_slice %arg8[%dma_start3A_193, %dma_start3A_194] : memref<1000000x64xf32, #tpu.memory_space<hbm>> -> memref<1000000x64xf32, #tpu.memory_space<hbm>>
    tpu.enqueue_indirect_dma source(%dma_start3A_195 : memref<1000000x64xf32, #tpu.memory_space<hbm>>) target(%arg17 : memref<128x64xf32, #tpu.memory_space<vmem>>) offsets(%arg13 : memref<128xi32, #tpu.memory_space<vmem>>) semaphore(%arg23 : memref<!tpu.dma_semaphore, #tpu.memory_space<semaphore_mem>>)
    %dma_start3A_196 = arith.constant 0 : i32
    %dma_start3A_197 = arith.constant 0 : i32
    %dma_start3A_198 = tpu.memref_slice %arg8[%dma_start3A_196, %dma_start3A_197] : memref<1000000x64xf32, #tpu.memory_space<hbm>> -> memref<1000000x64xf32, #tpu.memory_space<hbm>>
    tpu.enqueue_indirect_dma source(%dma_start3A_198 : memref<1000000x64xf32, #tpu.memory_space<hbm>>) target(%arg18 : memref<128x64xf32, #tpu.memory_space<vmem>>) offsets(%arg14 : memref<128xi32, #tpu.memory_space<vmem>>) semaphore(%arg23 : memref<!tpu.dma_semaphore, #tpu.memory_space<semaphore_mem>>)
    %dma_start3A_199 = arith.constant 0 : i32
    %dma_start3A_200 = tpu.memref_slice %arg9[%dma_start3A_199] : memref<1000000xf32, #tpu.memory_space<hbm>> -> memref<1000000xf32, #tpu.memory_space<hbm>>
    tpu.enqueue_indirect_dma source(%dma_start3A_200 : memref<1000000xf32, #tpu.memory_space<hbm>>) target(%arg19 : memref<128xf32, #tpu.memory_space<vmem>>) offsets(%arg13 : memref<128xi32, #tpu.memory_space<vmem>>) semaphore(%arg23 : memref<!tpu.dma_semaphore, #tpu.memory_space<semaphore_mem>>)
    %dma_start3A_201 = arith.constant 0 : i32
    %dma_start3A_202 = tpu.memref_slice %arg9[%dma_start3A_201] : memref<1000000xf32, #tpu.memory_space<hbm>> -> memref<1000000xf32, #tpu.memory_space<hbm>>
    tpu.enqueue_indirect_dma source(%dma_start3A_202 : memref<1000000xf32, #tpu.memory_space<hbm>>) target(%arg20 : memref<128xf32, #tpu.memory_space<vmem>>) offsets(%arg14 : memref<128xi32, #tpu.memory_space<vmem>>) semaphore(%arg23 : memref<!tpu.dma_semaphore, #tpu.memory_space<semaphore_mem>>)
    %dma_wait3A_203 = arith.constant 0 : i32
    %dma_wait3A_204 = arith.constant 0 : i32
    %dma_wait3A_205 = tpu.memref_slice %arg7[%dma_wait3A_203, %dma_wait3A_204] : memref<1000000x64xf32, #tpu.memory_space<hbm>> -> memref<1000000x64xf32, #tpu.memory_space<hbm>>
    tpu.wait_indirect_dma semaphore(%arg23 : memref<!tpu.dma_semaphore, #tpu.memory_space<semaphore_mem>>) src(%dma_wait3A_205 : memref<1000000x64xf32, #tpu.memory_space<hbm>>) dst(%arg15 : memref<128x64xf32, #tpu.memory_space<vmem>>)
    %dma_wait3A_206 = arith.constant 0 : i32
    %dma_wait3A_207 = arith.constant 0 : i32
    %dma_wait3A_208 = tpu.memref_slice %arg8[%dma_wait3A_206, %dma_wait3A_207] : memref<1000000x64xf32, #tpu.memory_space<hbm>> -> memref<1000000x64xf32, #tpu.memory_space<hbm>>
    tpu.wait_indirect_dma semaphore(%arg23 : memref<!tpu.dma_semaphore, #tpu.memory_space<semaphore_mem>>) src(%dma_wait3A_208 : memref<1000000x64xf32, #tpu.memory_space<hbm>>) dst(%arg16 : memref<128x64xf32, #tpu.memory_space<vmem>>)
    %dma_wait3A_209 = arith.constant 0 : i32
    %dma_wait3A_210 = arith.constant 0 : i32
    %dma_wait3A_211 = tpu.memref_slice %arg8[%dma_wait3A_209, %dma_wait3A_210] : memref<1000000x64xf32, #tpu.memory_space<hbm>> -> memref<1000000x64xf32, #tpu.memory_space<hbm>>
    tpu.wait_indirect_dma semaphore(%arg23 : memref<!tpu.dma_semaphore, #tpu.memory_space<semaphore_mem>>) src(%dma_wait3A_211 : memref<1000000x64xf32, #tpu.memory_space<hbm>>) dst(%arg17 : memref<128x64xf32, #tpu.memory_space<vmem>>)
    %dma_wait3A_212 = arith.constant 0 : i32
    %dma_wait3A_213 = arith.constant 0 : i32
    %dma_wait3A_214 = tpu.memref_slice %arg8[%dma_wait3A_212, %dma_wait3A_213] : memref<1000000x64xf32, #tpu.memory_space<hbm>> -> memref<1000000x64xf32, #tpu.memory_space<hbm>>
    tpu.wait_indirect_dma semaphore(%arg23 : memref<!tpu.dma_semaphore, #tpu.memory_space<semaphore_mem>>) src(%dma_wait3A_214 : memref<1000000x64xf32, #tpu.memory_space<hbm>>) dst(%arg18 : memref<128x64xf32, #tpu.memory_space<vmem>>)
    %dma_wait3A_215 = arith.constant 0 : i32
    %dma_wait3A_216 = tpu.memref_slice %arg9[%dma_wait3A_215] : memref<1000000xf32, #tpu.memory_space<hbm>> -> memref<1000000xf32, #tpu.memory_space<hbm>>
    tpu.wait_indirect_dma semaphore(%arg23 : memref<!tpu.dma_semaphore, #tpu.memory_space<semaphore_mem>>) src(%dma_wait3A_216 : memref<1000000xf32, #tpu.memory_space<hbm>>) dst(%arg19 : memref<128xf32, #tpu.memory_space<vmem>>)
    %dma_wait3A_217 = arith.constant 0 : i32
    %dma_wait3A_218 = tpu.memref_slice %arg9[%dma_wait3A_217] : memref<1000000xf32, #tpu.memory_space<hbm>> -> memref<1000000xf32, #tpu.memory_space<hbm>>
    tpu.wait_indirect_dma semaphore(%arg23 : memref<!tpu.dma_semaphore, #tpu.memory_space<semaphore_mem>>) src(%dma_wait3A_218 : memref<1000000xf32, #tpu.memory_space<hbm>>) dst(%arg20 : memref<128xf32, #tpu.memory_space<vmem>>)
    %iota3A_219 = tpu.iota {dimensions = array<i32: 0>} : vector<16xi32>
    %broadcast_in_dim3A_220 = arith.constant 0.000000e+00 : f32
    %broadcast_in_dim3A_221 = vector.broadcast %broadcast_in_dim3A_220 : f32 to vector<16xf32>
    %add3A_222 = arith.constant 0 : i32
    %add3A_223 = vector.broadcast %add3A_222 : i32 to vector<16xi32>
    %add3A_224 = arith.addi %iota3A_219, %add3A_223 : vector<16xi32>
    %scan3A_225 = arith.constant 0 : i32
    %scan3A_226 = arith.constant 64 : i32
    %scan3A_227 = arith.addi %scan3A_225, %scan3A_226 : i32
    %scan3A_228 = arith.constant 1 : i32
    %scan3A_229:2 = scf.for %scan3A_752 = %scan3A_225 to %scan3A_227 step %scan3A_228 iter_args(%scan3A_753 = %broadcast_in_dim3A_221, %scan3A_754 = %broadcast_in_dim3A_221) -> (vector<16xf32>, vector<16xf32>)  : i32 {
      %broadcast_in_dim3A_755 = vector.broadcast %scan3A_752 : i32 to vector<16xi32>
      %gather3A = tpu.vector_load_idx %arg15[%add3A_224, %broadcast_in_dim3A_755] : memref<128x64xf32, #tpu.memory_space<vmem>>[vector<16xi32>, vector<16xi32>], vector<16xf32>,
      %gather3A_756 = tpu.vector_load_idx %arg16[%add3A_224, %broadcast_in_dim3A_755] : memref<128x64xf32, #tpu.memory_space<vmem>>[vector<16xi32>, vector<16xi32>], vector<16xf32>,
      %gather3A_757 = tpu.vector_load_idx %arg21[%broadcast_in_dim3A_755] : memref<64xf32, #tpu.memory_space<vmem>>[vector<16xi32>], vector<16xf32>,
      %add3A_758 = arith.addf %gather3A, %gather3A_756 : vector<16xf32>
      %add3A_759 = arith.addf %add3A_758, %gather3A_757 : vector<16xf32>
      %gather3A_760 = tpu.vector_load_idx %arg17[%add3A_224, %broadcast_in_dim3A_755] : memref<128x64xf32, #tpu.memory_space<vmem>>[vector<16xi32>, vector<16xi32>], vector<16xf32>,
      %gather3A_761 = tpu.vector_load_idx %arg18[%add3A_224, %broadcast_in_dim3A_755] : memref<128x64xf32, #tpu.memory_space<vmem>>[vector<16xi32>, vector<16xi32>], vector<16xf32>,
      %sub3A_762 = arith.subf %add3A_759, %gather3A_760 : vector<16xf32>
      %sub3A_763 = arith.subf %add3A_759, %gather3A_761 : vector<16xf32>
      %mul3A_764 = arith.mulf %sub3A_762, %sub3A_762 : vector<16xf32>
      %add3A_765 = arith.addf %scan3A_753, %mul3A_764 : vector<16xf32>
      %mul3A_766 = arith.mulf %sub3A_763, %sub3A_763 : vector<16xf32>
      %add3A_767 = arith.addf %scan3A_754, %mul3A_766 : vector<16xf32>
      scf.yield %add3A_765, %add3A_767 : vector<16xf32>, vector<16xf32>
    }
    %scan3A_230 = arith.constant 64 : i32
    %get3A_231 = arith.constant 0 : index
    %get3A_232 = tpu.vector_load %arg19[%get3A_231] {strides = array<i32>} : memref<128xf32, #tpu.memory_space<vmem>>, vector<16xf32>,
    %sub3A_233 = arith.subf %get3A_232, %scan3A_229#0 : vector<16xf32>
    %get3A_234 = arith.constant 0 : index
    %get3A_235 = tpu.vector_load %arg20[%get3A_234] {strides = array<i32>} : memref<128xf32, #tpu.memory_space<vmem>>, vector<16xf32>,
    %sub3A_236 = arith.subf %get3A_235, %scan3A_229#1 : vector<16xf32>
    %broadcast_in_dim3A_237 = arith.constant 0 : i32
    %broadcast_in_dim3A_238 = vector.broadcast %broadcast_in_dim3A_237 : i32 to vector<16xi32>
    tpu.vector_store_idx %arg22[%add3A_224, %broadcast_in_dim3A_238], %sub3A_233 : memref<128x2xf32, #tpu.memory_space<vmem>>[vector<16xi32>, vector<16xi32>], vector<16xf32>,
    %broadcast_in_dim3A_239 = arith.constant 1 : i32
    %broadcast_in_dim3A_240 = vector.broadcast %broadcast_in_dim3A_239 : i32 to vector<16xi32>
    tpu.vector_store_idx %arg22[%add3A_224, %broadcast_in_dim3A_240], %sub3A_236 : memref<128x2xf32, #tpu.memory_space<vmem>>[vector<16xi32>, vector<16xi32>], vector<16xf32>,
    %add3A_241 = arith.constant 16 : i32
    %add3A_242 = vector.broadcast %add3A_241 : i32 to vector<16xi32>
    %add3A_243 = arith.addi %iota3A_219, %add3A_242 : vector<16xi32>
    %scan3A_244 = arith.constant 0 : i32
    %scan3A_245 = arith.constant 64 : i32
    %scan3A_246 = arith.addi %scan3A_244, %scan3A_245 : i32
    %scan3A_247 = arith.constant 1 : i32
    %scan3A_248:2 = scf.for %scan3A_752 = %scan3A_244 to %scan3A_246 step %scan3A_247 iter_args(%scan3A_753 = %broadcast_in_dim3A_221, %scan3A_754 = %broadcast_in_dim3A_221) -> (vector<16xf32>, vector<16xf32>)  : i32 {
      %broadcast_in_dim3A_755 = vector.broadcast %scan3A_752 : i32 to vector<16xi32>
      %gather3A = tpu.vector_load_idx %arg15[%add3A_243, %broadcast_in_dim3A_755] : memref<128x64xf32, #tpu.memory_space<vmem>>[vector<16xi32>, vector<16xi32>], vector<16xf32>,
      %gather3A_756 = tpu.vector_load_idx %arg16[%add3A_243, %broadcast_in_dim3A_755] : memref<128x64xf32, #tpu.memory_space<vmem>>[vector<16xi32>, vector<16xi32>], vector<16xf32>,
      %gather3A_757 = tpu.vector_load_idx %arg21[%broadcast_in_dim3A_755] : memref<64xf32, #tpu.memory_space<vmem>>[vector<16xi32>], vector<16xf32>,
      %add3A_758 = arith.addf %gather3A, %gather3A_756 : vector<16xf32>
      %add3A_759 = arith.addf %add3A_758, %gather3A_757 : vector<16xf32>
      %gather3A_760 = tpu.vector_load_idx %arg17[%add3A_243, %broadcast_in_dim3A_755] : memref<128x64xf32, #tpu.memory_space<vmem>>[vector<16xi32>, vector<16xi32>], vector<16xf32>,
      %gather3A_761 = tpu.vector_load_idx %arg18[%add3A_243, %broadcast_in_dim3A_755] : memref<128x64xf32, #tpu.memory_space<vmem>>[vector<16xi32>, vector<16xi32>], vector<16xf32>,
      %sub3A_762 = arith.subf %add3A_759, %gather3A_760 : vector<16xf32>
      %sub3A_763 = arith.subf %add3A_759, %gather3A_761 : vector<16xf32>
      %mul3A_764 = arith.mulf %sub3A_762, %sub3A_762 : vector<16xf32>
      %add3A_765 = arith.addf %scan3A_753, %mul3A_764 : vector<16xf32>
      %mul3A_766 = arith.mulf %sub3A_763, %sub3A_763 : vector<16xf32>
      %add3A_767 = arith.addf %scan3A_754, %mul3A_766 : vector<16xf32>
      scf.yield %add3A_765, %add3A_767 : vector<16xf32>, vector<16xf32>
    }
    %scan3A_249 = arith.constant 64 : i32
    %get3A_250 = arith.constant 16 : index
    %get3A_251 = tpu.vector_load %arg19[%get3A_250] {strides = array<i32>} : memref<128xf32, #tpu.memory_space<vmem>>, vector<16xf32>,
    %sub3A_252 = arith.subf %get3A_251, %scan3A_248#0 : vector<16xf32>
    %get3A_253 = arith.constant 16 : index
    %get3A_254 = tpu.vector_load %arg20[%get3A_253] {strides = array<i32>} : memref<128xf32, #tpu.memory_space<vmem>>, vector<16xf32>,
    %sub3A_255 = arith.subf %get3A_254, %scan3A_248#1 : vector<16xf32>
    %broadcast_in_dim3A_256 = arith.constant 0 : i32
    %broadcast_in_dim3A_257 = vector.broadcast %broadcast_in_dim3A_256 : i32 to vector<16xi32>
    tpu.vector_store_idx %arg22[%add3A_243, %broadcast_in_dim3A_257], %sub3A_252 : memref<128x2xf32, #tpu.memory_space<vmem>>[vector<16xi32>, vector<16xi32>], vector<16xf32>,
    %broadcast_in_dim3A_258 = arith.constant 1 : i32
    %broadcast_in_dim3A_259 = vector.broadcast %broadcast_in_dim3A_258 : i32 to vector<16xi32>
    tpu.vector_store_idx %arg22[%add3A_243, %broadcast_in_dim3A_259], %sub3A_255 : memref<128x2xf32, #tpu.memory_space<vmem>>[vector<16xi32>, vector<16xi32>], vector<16xf32>,
    %add3A_260 = arith.constant 32 : i32
    %add3A_261 = vector.broadcast %add3A_260 : i32 to vector<16xi32>
    %add3A_262 = arith.addi %iota3A_219, %add3A_261 : vector<16xi32>
    %scan3A_263 = arith.constant 0 : i32
    %scan3A_264 = arith.constant 64 : i32
    %scan3A_265 = arith.addi %scan3A_263, %scan3A_264 : i32
    %scan3A_266 = arith.constant 1 : i32
    %scan3A_267:2 = scf.for %scan3A_752 = %scan3A_263 to %scan3A_265 step %scan3A_266 iter_args(%scan3A_753 = %broadcast_in_dim3A_221, %scan3A_754 = %broadcast_in_dim3A_221) -> (vector<16xf32>, vector<16xf32>)  : i32 {
      %broadcast_in_dim3A_755 = vector.broadcast %scan3A_752 : i32 to vector<16xi32>
      %gather3A = tpu.vector_load_idx %arg15[%add3A_262, %broadcast_in_dim3A_755] : memref<128x64xf32, #tpu.memory_space<vmem>>[vector<16xi32>, vector<16xi32>], vector<16xf32>,
      %gather3A_756 = tpu.vector_load_idx %arg16[%add3A_262, %broadcast_in_dim3A_755] : memref<128x64xf32, #tpu.memory_space<vmem>>[vector<16xi32>, vector<16xi32>], vector<16xf32>,
      %gather3A_757 = tpu.vector_load_idx %arg21[%broadcast_in_dim3A_755] : memref<64xf32, #tpu.memory_space<vmem>>[vector<16xi32>], vector<16xf32>,
      %add3A_758 = arith.addf %gather3A, %gather3A_756 : vector<16xf32>
      %add3A_759 = arith.addf %add3A_758, %gather3A_757 : vector<16xf32>
      %gather3A_760 = tpu.vector_load_idx %arg17[%add3A_262, %broadcast_in_dim3A_755] : memref<128x64xf32, #tpu.memory_space<vmem>>[vector<16xi32>, vector<16xi32>], vector<16xf32>,
      %gather3A_761 = tpu.vector_load_idx %arg18[%add3A_262, %broadcast_in_dim3A_755] : memref<128x64xf32, #tpu.memory_space<vmem>>[vector<16xi32>, vector<16xi32>], vector<16xf32>,
      %sub3A_762 = arith.subf %add3A_759, %gather3A_760 : vector<16xf32>
      %sub3A_763 = arith.subf %add3A_759, %gather3A_761 : vector<16xf32>
      %mul3A_764 = arith.mulf %sub3A_762, %sub3A_762 : vector<16xf32>
      %add3A_765 = arith.addf %scan3A_753, %mul3A_764 : vector<16xf32>
      %mul3A_766 = arith.mulf %sub3A_763, %sub3A_763 : vector<16xf32>
      %add3A_767 = arith.addf %scan3A_754, %mul3A_766 : vector<16xf32>
      scf.yield %add3A_765, %add3A_767 : vector<16xf32>, vector<16xf32>
    }
    %scan3A_268 = arith.constant 64 : i32
    %get3A_269 = arith.constant 32 : index
    %get3A_270 = tpu.vector_load %arg19[%get3A_269] {strides = array<i32>} : memref<128xf32, #tpu.memory_space<vmem>>, vector<16xf32>,
    %sub3A_271 = arith.subf %get3A_270, %scan3A_267#0 : vector<16xf32>
    %get3A_272 = arith.constant 32 : index
    %get3A_273 = tpu.vector_load %arg20[%get3A_272] {strides = array<i32>} : memref<128xf32, #tpu.memory_space<vmem>>, vector<16xf32>,
    %sub3A_274 = arith.subf %get3A_273, %scan3A_267#1 : vector<16xf32>
    %broadcast_in_dim3A_275 = arith.constant 0 : i32
    %broadcast_in_dim3A_276 = vector.broadcast %broadcast_in_dim3A_275 : i32 to vector<16xi32>
    tpu.vector_store_idx %arg22[%add3A_262, %broadcast_in_dim3A_276], %sub3A_271 : memref<128x2xf32, #tpu.memory_space<vmem>>[vector<16xi32>, vector<16xi32>], vector<16xf32>,
    %broadcast_in_dim3A_277 = arith.constant 1 : i32
    %broadcast_in_dim3A_278 = vector.broadcast %broadcast_in_dim3A_277 : i32 to vector<16xi32>
    tpu.vector_store_idx %arg22[%add3A_262, %broadcast_in_dim3A_278], %sub3A_274 : memref<128x2xf32, #tpu.memory_space<vmem>>[vector<16xi32>, vector<16xi32>], vector<16xf32>,
    %add3A_279 = arith.constant 48 : i32
    %add3A_280 = vector.broadcast %add3A_279 : i32 to vector<16xi32>
    %add3A_281 = arith.addi %iota3A_219, %add3A_280 : vector<16xi32>
    %scan3A_282 = arith.constant 0 : i32
    %scan3A_283 = arith.constant 64 : i32
    %scan3A_284 = arith.addi %scan3A_282, %scan3A_283 : i32
    %scan3A_285 = arith.constant 1 : i32
    %scan3A_286:2 = scf.for %scan3A_752 = %scan3A_282 to %scan3A_284 step %scan3A_285 iter_args(%scan3A_753 = %broadcast_in_dim3A_221, %scan3A_754 = %broadcast_in_dim3A_221) -> (vector<16xf32>, vector<16xf32>)  : i32 {
      %broadcast_in_dim3A_755 = vector.broadcast %scan3A_752 : i32 to vector<16xi32>
      %gather3A = tpu.vector_load_idx %arg15[%add3A_281, %broadcast_in_dim3A_755] : memref<128x64xf32, #tpu.memory_space<vmem>>[vector<16xi32>, vector<16xi32>], vector<16xf32>,
      %gather3A_756 = tpu.vector_load_idx %arg16[%add3A_281, %broadcast_in_dim3A_755] : memref<128x64xf32, #tpu.memory_space<vmem>>[vector<16xi32>, vector<16xi32>], vector<16xf32>,
      %gather3A_757 = tpu.vector_load_idx %arg21[%broadcast_in_dim3A_755] : memref<64xf32, #tpu.memory_space<vmem>>[vector<16xi32>], vector<16xf32>,
      %add3A_758 = arith.addf %gather3A, %gather3A_756 : vector<16xf32>
      %add3A_759 = arith.addf %add3A_758, %gather3A_757 : vector<16xf32>
      %gather3A_760 = tpu.vector_load_idx %arg17[%add3A_281, %broadcast_in_dim3A_755] : memref<128x64xf32, #tpu.memory_space<vmem>>[vector<16xi32>, vector<16xi32>], vector<16xf32>,
      %gather3A_761 = tpu.vector_load_idx %arg18[%add3A_281, %broadcast_in_dim3A_755] : memref<128x64xf32, #tpu.memory_space<vmem>>[vector<16xi32>, vector<16xi32>], vector<16xf32>,
      %sub3A_762 = arith.subf %add3A_759, %gather3A_760 : vector<16xf32>
      %sub3A_763 = arith.subf %add3A_759, %gather3A_761 : vector<16xf32>
      %mul3A_764 = arith.mulf %sub3A_762, %sub3A_762 : vector<16xf32>
      %add3A_765 = arith.addf %scan3A_753, %mul3A_764 : vector<16xf32>
      %mul3A_766 = arith.mulf %sub3A_763, %sub3A_763 : vector<16xf32>
      %add3A_767 = arith.addf %scan3A_754, %mul3A_766 : vector<16xf32>
      scf.yield %add3A_765, %add3A_767 : vector<16xf32>, vector<16xf32>
    }
    %scan3A_287 = arith.constant 64 : i32
    %get3A_288 = arith.constant 48 : index
    %get3A_289 = tpu.vector_load %arg19[%get3A_288] {strides = array<i32>} : memref<128xf32, #tpu.memory_space<vmem>>, vector<16xf32>,
    %sub3A_290 = arith.subf %get3A_289, %scan3A_286#0 : vector<16xf32>
    %get3A_291 = arith.constant 48 : index
    %get3A_292 = tpu.vector_load %arg20[%get3A_291] {strides = array<i32>} : memref<128xf32, #tpu.memory_space<vmem>>, vector<16xf32>,
    %sub3A_293 = arith.subf %get3A_292, %scan3A_286#1 : vector<16xf32>
    %broadcast_in_dim3A_294 = arith.constant 0 : i32
    %broadcast_in_dim3A_295 = vector.broadcast %broadcast_in_dim3A_294 : i32 to vector<16xi32>
    tpu.vector_store_idx %arg22[%add3A_281, %broadcast_in_dim3A_295], %sub3A_290 : memref<128x2xf32, #tpu.memory_space<vmem>>[vector<16xi32>, vector<16xi32>], vector<16xf32>,
    %broadcast_in_dim3A_296 = arith.constant 1 : i32
    %broadcast_in_dim3A_297 = vector.broadcast %broadcast_in_dim3A_296 : i32 to vector<16xi32>
    tpu.vector_store_idx %arg22[%add3A_281, %broadcast_in_dim3A_297], %sub3A_293 : memref<128x2xf32, #tpu.memory_space<vmem>>[vector<16xi32>, vector<16xi32>], vector<16xf32>,
    %add3A_298 = arith.constant 64 : i32
    %add3A_299 = vector.broadcast %add3A_298 : i32 to vector<16xi32>
    %add3A_300 = arith.addi %iota3A_219, %add3A_299 : vector<16xi32>
    %scan3A_301 = arith.constant 0 : i32
    %scan3A_302 = arith.constant 64 : i32
    %scan3A_303 = arith.addi %scan3A_301, %scan3A_302 : i32
    %scan3A_304 = arith.constant 1 : i32
    %scan3A_305:2 = scf.for %scan3A_752 = %scan3A_301 to %scan3A_303 step %scan3A_304 iter_args(%scan3A_753 = %broadcast_in_dim3A_221, %scan3A_754 = %broadcast_in_dim3A_221) -> (vector<16xf32>, vector<16xf32>)  : i32 {
      %broadcast_in_dim3A_755 = vector.broadcast %scan3A_752 : i32 to vector<16xi32>
      %gather3A = tpu.vector_load_idx %arg15[%add3A_300, %broadcast_in_dim3A_755] : memref<128x64xf32, #tpu.memory_space<vmem>>[vector<16xi32>, vector<16xi32>], vector<16xf32>,
      %gather3A_756 = tpu.vector_load_idx %arg16[%add3A_300, %broadcast_in_dim3A_755] : memref<128x64xf32, #tpu.memory_space<vmem>>[vector<16xi32>, vector<16xi32>], vector<16xf32>,
      %gather3A_757 = tpu.vector_load_idx %arg21[%broadcast_in_dim3A_755] : memref<64xf32, #tpu.memory_space<vmem>>[vector<16xi32>], vector<16xf32>,
      %add3A_758 = arith.addf %gather3A, %gather3A_756 : vector<16xf32>
      %add3A_759 = arith.addf %add3A_758, %gather3A_757 : vector<16xf32>
      %gather3A_760 = tpu.vector_load_idx %arg17[%add3A_300, %broadcast_in_dim3A_755] : memref<128x64xf32, #tpu.memory_space<vmem>>[vector<16xi32>, vector<16xi32>], vector<16xf32>,
      %gather3A_761 = tpu.vector_load_idx %arg18[%add3A_300, %broadcast_in_dim3A_755] : memref<128x64xf32, #tpu.memory_space<vmem>>[vector<16xi32>, vector<16xi32>], vector<16xf32>,
      %sub3A_762 = arith.subf %add3A_759, %gather3A_760 : vector<16xf32>
      %sub3A_763 = arith.subf %add3A_759, %gather3A_761 : vector<16xf32>
      %mul3A_764 = arith.mulf %sub3A_762, %sub3A_762 : vector<16xf32>
      %add3A_765 = arith.addf %scan3A_753, %mul3A_764 : vector<16xf32>
      %mul3A_766 = arith.mulf %sub3A_763, %sub3A_763 : vector<16xf32>
      %add3A_767 = arith.addf %scan3A_754, %mul3A_766 : vector<16xf32>
      scf.yield %add3A_765, %add3A_767 : vector<16xf32>, vector<16xf32>
    }
    %scan3A_306 = arith.constant 64 : i32
    %get3A_307 = arith.constant 64 : index
    %get3A_308 = tpu.vector_load %arg19[%get3A_307] {strides = array<i32>} : memref<128xf32, #tpu.memory_space<vmem>>, vector<16xf32>,
    %sub3A_309 = arith.subf %get3A_308, %scan3A_305#0 : vector<16xf32>
    %get3A_310 = arith.constant 64 : index
    %get3A_311 = tpu.vector_load %arg20[%get3A_310] {strides = array<i32>} : memref<128xf32, #tpu.memory_space<vmem>>, vector<16xf32>,
    %sub3A_312 = arith.subf %get3A_311, %scan3A_305#1 : vector<16xf32>
    %broadcast_in_dim3A_313 = arith.constant 0 : i32
    %broadcast_in_dim3A_314 = vector.broadcast %broadcast_in_dim3A_313 : i32 to vector<16xi32>
    tpu.vector_store_idx %arg22[%add3A_300, %broadcast_in_dim3A_314], %sub3A_309 : memref<128x2xf32, #tpu.memory_space<vmem>>[vector<16xi32>, vector<16xi32>], vector<16xf32>,
    %broadcast_in_dim3A_315 = arith.constant 1 : i32
    %broadcast_in_dim3A_316 = vector.broadcast %broadcast_in_dim3A_315 : i32 to vector<16xi32>
    tpu.vector_store_idx %arg22[%add3A_300, %broadcast_in_dim3A_316], %sub3A_312 : memref<128x2xf32, #tpu.memory_space<vmem>>[vector<16xi32>, vector<16xi32>], vector<16xf32>,
    %add3A_317 = arith.constant 80 : i32
    %add3A_318 = vector.broadcast %add3A_317 : i32 to vector<16xi32>
    %add3A_319 = arith.addi %iota3A_219, %add3A_318 : vector<16xi32>
    %scan3A_320 = arith.constant 0 : i32
    %scan3A_321 = arith.constant 64 : i32
    %scan3A_322 = arith.addi %scan3A_320, %scan3A_321 : i32
    %scan3A_323 = arith.constant 1 : i32
    %scan3A_324:2 = scf.for %scan3A_752 = %scan3A_320 to %scan3A_322 step %scan3A_323 iter_args(%scan3A_753 = %broadcast_in_dim3A_221, %scan3A_754 = %broadcast_in_dim3A_221) -> (vector<16xf32>, vector<16xf32>)  : i32 {
      %broadcast_in_dim3A_755 = vector.broadcast %scan3A_752 : i32 to vector<16xi32>
      %gather3A = tpu.vector_load_idx %arg15[%add3A_319, %broadcast_in_dim3A_755] : memref<128x64xf32, #tpu.memory_space<vmem>>[vector<16xi32>, vector<16xi32>], vector<16xf32>,
      %gather3A_756 = tpu.vector_load_idx %arg16[%add3A_319, %broadcast_in_dim3A_755] : memref<128x64xf32, #tpu.memory_space<vmem>>[vector<16xi32>, vector<16xi32>], vector<16xf32>,
      %gather3A_757 = tpu.vector_load_idx %arg21[%broadcast_in_dim3A_755] : memref<64xf32, #tpu.memory_space<vmem>>[vector<16xi32>], vector<16xf32>,
      %add3A_758 = arith.addf %gather3A, %gather3A_756 : vector<16xf32>
      %add3A_759 = arith.addf %add3A_758, %gather3A_757 : vector<16xf32>
      %gather3A_760 = tpu.vector_load_idx %arg17[%add3A_319, %broadcast_in_dim3A_755] : memref<128x64xf32, #tpu.memory_space<vmem>>[vector<16xi32>, vector<16xi32>], vector<16xf32>,
      %gather3A_761 = tpu.vector_load_idx %arg18[%add3A_319, %broadcast_in_dim3A_755] : memref<128x64xf32, #tpu.memory_space<vmem>>[vector<16xi32>, vector<16xi32>], vector<16xf32>,
      %sub3A_762 = arith.subf %add3A_759, %gather3A_760 : vector<16xf32>
      %sub3A_763 = arith.subf %add3A_759, %gather3A_761 : vector<16xf32>
      %mul3A_764 = arith.mulf %sub3A_762, %sub3A_762 : vector<16xf32>
      %add3A_765 = arith.addf %scan3A_753, %mul3A_764 : vector<16xf32>
      %mul3A_766 = arith.mulf %sub3A_763, %sub3A_763 : vector<16xf32>
      %add3A_767 = arith.addf %scan3A_754, %mul3A_766 : vector<16xf32>
      scf.yield %add3A_765, %add3A_767 : vector<16xf32>, vector<16xf32>
    }
    %scan3A_325 = arith.constant 64 : i32
    %get3A_326 = arith.constant 80 : index
    %get3A_327 = tpu.vector_load %arg19[%get3A_326] {strides = array<i32>} : memref<128xf32, #tpu.memory_space<vmem>>, vector<16xf32>,
    %sub3A_328 = arith.subf %get3A_327, %scan3A_324#0 : vector<16xf32>
    %get3A_329 = arith.constant 80 : index
    %get3A_330 = tpu.vector_load %arg20[%get3A_329] {strides = array<i32>} : memref<128xf32, #tpu.memory_space<vmem>>, vector<16xf32>,
    %sub3A_331 = arith.subf %get3A_330, %scan3A_324#1 : vector<16xf32>
    %broadcast_in_dim3A_332 = arith.constant 0 : i32
    %broadcast_in_dim3A_333 = vector.broadcast %broadcast_in_dim3A_332 : i32 to vector<16xi32>
    tpu.vector_store_idx %arg22[%add3A_319, %broadcast_in_dim3A_333], %sub3A_328 : memref<128x2xf32, #tpu.memory_space<vmem>>[vector<16xi32>, vector<16xi32>], vector<16xf32>,
    %broadcast_in_dim3A_334 = arith.constant 1 : i32
    %broadcast_in_dim3A_335 = vector.broadcast %broadcast_in_dim3A_334 : i32 to vector<16xi32>
    tpu.vector_store_idx %arg22[%add3A_319, %broadcast_in_dim3A_335], %sub3A_331 : memref<128x2xf32, #tpu.memory_space<vmem>>[vector<16xi32>, vector<16xi32>], vector<16xf32>,
    %add3A_336 = arith.constant 96 : i32
    %add3A_337 = vector.broadcast %add3A_336 : i32 to vector<16xi32>
    %add3A_338 = arith.addi %iota3A_219, %add3A_337 : vector<16xi32>
    %scan3A_339 = arith.constant 0 : i32
    %scan3A_340 = arith.constant 64 : i32
    %scan3A_341 = arith.addi %scan3A_339, %scan3A_340 : i32
    %scan3A_342 = arith.constant 1 : i32
    %scan3A_343:2 = scf.for %scan3A_752 = %scan3A_339 to %scan3A_341 step %scan3A_342 iter_args(%scan3A_753 = %broadcast_in_dim3A_221, %scan3A_754 = %broadcast_in_dim3A_221) -> (vector<16xf32>, vector<16xf32>)  : i32 {
      %broadcast_in_dim3A_755 = vector.broadcast %scan3A_752 : i32 to vector<16xi32>
      %gather3A = tpu.vector_load_idx %arg15[%add3A_338, %broadcast_in_dim3A_755] : memref<128x64xf32, #tpu.memory_space<vmem>>[vector<16xi32>, vector<16xi32>], vector<16xf32>,
      %gather3A_756 = tpu.vector_load_idx %arg16[%add3A_338, %broadcast_in_dim3A_755] : memref<128x64xf32, #tpu.memory_space<vmem>>[vector<16xi32>, vector<16xi32>], vector<16xf32>,
      %gather3A_757 = tpu.vector_load_idx %arg21[%broadcast_in_dim3A_755] : memref<64xf32, #tpu.memory_space<vmem>>[vector<16xi32>], vector<16xf32>,
      %add3A_758 = arith.addf %gather3A, %gather3A_756 : vector<16xf32>
      %add3A_759 = arith.addf %add3A_758, %gather3A_757 : vector<16xf32>
      %gather3A_760 = tpu.vector_load_idx %arg17[%add3A_338, %broadcast_in_dim3A_755] : memref<128x64xf32, #tpu.memory_space<vmem>>[vector<16xi32>, vector<16xi32>], vector<16xf32>,
      %gather3A_761 = tpu.vector_load_idx %arg18[%add3A_338, %broadcast_in_dim3A_755] : memref<128x64xf32, #tpu.memory_space<vmem>>[vector<16xi32>, vector<16xi32>], vector<16xf32>,
      %sub3A_762 = arith.subf %add3A_759, %gather3A_760 : vector<16xf32>
      %sub3A_763 = arith.subf %add3A_759, %gather3A_761 : vector<16xf32>
      %mul3A_764 = arith.mulf %sub3A_762, %sub3A_762 : vector<16xf32>
      %add3A_765 = arith.addf %scan3A_753, %mul3A_764 : vector<16xf32>
      %mul3A_766 = arith.mulf %sub3A_763, %sub3A_763 : vector<16xf32>
      %add3A_767 = arith.addf %scan3A_754, %mul3A_766 : vector<16xf32>
      scf.yield %add3A_765, %add3A_767 : vector<16xf32>, vector<16xf32>
    }
    %scan3A_344 = arith.constant 64 : i32
    %get3A_345 = arith.constant 96 : index
    %get3A_346 = tpu.vector_load %arg19[%get3A_345] {strides = array<i32>} : memref<128xf32, #tpu.memory_space<vmem>>, vector<16xf32>,
    %sub3A_347 = arith.subf %get3A_346, %scan3A_343#0 : vector<16xf32>
    %get3A_348 = arith.constant 96 : index
    %get3A_349 = tpu.vector_load %arg20[%get3A_348] {strides = array<i32>} : memref<128xf32, #tpu.memory_space<vmem>>, vector<16xf32>,
    %sub3A_350 = arith.subf %get3A_349, %scan3A_343#1 : vector<16xf32>
    %broadcast_in_dim3A_351 = arith.constant 0 : i32
    %broadcast_in_dim3A_352 = vector.broadcast %broadcast_in_dim3A_351 : i32 to vector<16xi32>
    tpu.vector_store_idx %arg22[%add3A_338, %broadcast_in_dim3A_352], %sub3A_347 : memref<128x2xf32, #tpu.memory_space<vmem>>[vector<16xi32>, vector<16xi32>], vector<16xf32>,
    %broadcast_in_dim3A_353 = arith.constant 1 : i32
    %broadcast_in_dim3A_354 = vector.broadcast %broadcast_in_dim3A_353 : i32 to vector<16xi32>
    tpu.vector_store_idx %arg22[%add3A_338, %broadcast_in_dim3A_354], %sub3A_350 : memref<128x2xf32, #tpu.memory_space<vmem>>[vector<16xi32>, vector<16xi32>], vector<16xf32>,
    %add3A_355 = arith.constant 112 : i32
    %add3A_356 = vector.broadcast %add3A_355 : i32 to vector<16xi32>
    %add3A_357 = arith.addi %iota3A_219, %add3A_356 : vector<16xi32>
    %scan3A_358 = arith.constant 0 : i32
    %scan3A_359 = arith.constant 64 : i32
    %scan3A_360 = arith.addi %scan3A_358, %scan3A_359 : i32
    %scan3A_361 = arith.constant 1 : i32
    %scan3A_362:2 = scf.for %scan3A_752 = %scan3A_358 to %scan3A_360 step %scan3A_361 iter_args(%scan3A_753 = %broadcast_in_dim3A_221, %scan3A_754 = %broadcast_in_dim3A_221) -> (vector<16xf32>, vector<16xf32>)  : i32 {
      %broadcast_in_dim3A_755 = vector.broadcast %scan3A_752 : i32 to vector<16xi32>
      %gather3A = tpu.vector_load_idx %arg15[%add3A_357, %broadcast_in_dim3A_755] : memref<128x64xf32, #tpu.memory_space<vmem>>[vector<16xi32>, vector<16xi32>], vector<16xf32>,
      %gather3A_756 = tpu.vector_load_idx %arg16[%add3A_357, %broadcast_in_dim3A_755] : memref<128x64xf32, #tpu.memory_space<vmem>>[vector<16xi32>, vector<16xi32>], vector<16xf32>,
      %gather3A_757 = tpu.vector_load_idx %arg21[%broadcast_in_dim3A_755] : memref<64xf32, #tpu.memory_space<vmem>>[vector<16xi32>], vector<16xf32>,
      %add3A_758 = arith.addf %gather3A, %gather3A_756 : vector<16xf32>
      %add3A_759 = arith.addf %add3A_758, %gather3A_757 : vector<16xf32>
      %gather3A_760 = tpu.vector_load_idx %arg17[%add3A_357, %broadcast_in_dim3A_755] : memref<128x64xf32, #tpu.memory_space<vmem>>[vector<16xi32>, vector<16xi32>], vector<16xf32>,
      %gather3A_761 = tpu.vector_load_idx %arg18[%add3A_357, %broadcast_in_dim3A_755] : memref<128x64xf32, #tpu.memory_space<vmem>>[vector<16xi32>, vector<16xi32>], vector<16xf32>,
      %sub3A_762 = arith.subf %add3A_759, %gather3A_760 : vector<16xf32>
      %sub3A_763 = arith.subf %add3A_759, %gather3A_761 : vector<16xf32>
      %mul3A_764 = arith.mulf %sub3A_762, %sub3A_762 : vector<16xf32>
      %add3A_765 = arith.addf %scan3A_753, %mul3A_764 : vector<16xf32>
      %mul3A_766 = arith.mulf %sub3A_763, %sub3A_763 : vector<16xf32>
      %add3A_767 = arith.addf %scan3A_754, %mul3A_766 : vector<16xf32>
      scf.yield %add3A_765, %add3A_767 : vector<16xf32>, vector<16xf32>
    }
    %scan3A_363 = arith.constant 64 : i32
    %get3A_364 = arith.constant 112 : index
    %get3A_365 = tpu.vector_load %arg19[%get3A_364] {strides = array<i32>} : memref<128xf32, #tpu.memory_space<vmem>>, vector<16xf32>,
    %sub3A_366 = arith.subf %get3A_365, %scan3A_362#0 : vector<16xf32>
    %get3A_367 = arith.constant 112 : index
    %get3A_368 = tpu.vector_load %arg20[%get3A_367] {strides = array<i32>} : memref<128xf32, #tpu.memory_space<vmem>>, vector<16xf32>,
    %sub3A_369 = arith.subf %get3A_368, %scan3A_362#1 : vector<16xf32>
    %broadcast_in_dim3A_370 = arith.constant 0 : i32
    %broadcast_in_dim3A_371 = vector.broadcast %broadcast_in_dim3A_370 : i32 to vector<16xi32>
    tpu.vector_store_idx %arg22[%add3A_357, %broadcast_in_dim3A_371], %sub3A_366 : memref<128x2xf32, #tpu.memory_space<vmem>>[vector<16xi32>, vector<16xi32>], vector<16xf32>,
    %broadcast_in_dim3A_372 = arith.constant 1 : i32
    %broadcast_in_dim3A_373 = vector.broadcast %broadcast_in_dim3A_372 : i32 to vector<16xi32>
    tpu.vector_store_idx %arg22[%add3A_357, %broadcast_in_dim3A_373], %sub3A_369 : memref<128x2xf32, #tpu.memory_space<vmem>>[vector<16xi32>, vector<16xi32>], vector<16xf32>,
    "tpu.region"() ({
      %run_scoped3A = tpu.sem_alloc : memref<!tpu.dma_semaphore, #tpu.memory_space<semaphore_mem>>
      %dma_start3A_752 = arith.constant 0 : i32
      %dma_start3A_753 = tpu.memref_slice %arg10[%add3A_186, %dma_start3A_752] : memref<16384x2xf32, #tpu.memory_space<hbm>> -> memref<128x2xf32, #tpu.memory_space<hbm>>
      %dma_start3A_754 = arith.constant 0 : i32
      %dma_start3A_755 = tpu.memref_slice %arg10[%add3A_186, %dma_start3A_754] : memref<16384x2xf32, #tpu.memory_space<hbm>> -> memref<128x2xf32, #tpu.memory_space<hbm>>
      tpu.enqueue_dma source(%arg22 : memref<128x2xf32, #tpu.memory_space<vmem>>) target(%dma_start3A_755 : memref<128x2xf32, #tpu.memory_space<hbm>>) target_semaphore(%run_scoped3A : memref<!tpu.dma_semaphore, #tpu.memory_space<semaphore_mem>>)
      %dma_wait3A_756 = arith.constant 0 : i32
      %dma_wait3A_757 = tpu.memref_slice %arg10[%add3A_186, %dma_wait3A_756] : memref<16384x2xf32, #tpu.memory_space<hbm>> -> memref<128x2xf32, #tpu.memory_space<hbm>>
      %dma_wait3A_758 = arith.constant 0 : i32
      %dma_wait3A_759 = tpu.memref_slice %arg10[%add3A_186, %dma_wait3A_758] : memref<16384x2xf32, #tpu.memory_space<hbm>> -> memref<128x2xf32, #tpu.memory_space<hbm>>
      tpu.wait_dma2 semaphore(%run_scoped3A : memref<!tpu.dma_semaphore, #tpu.memory_space<semaphore_mem>>) src(%arg22 : memref<128x2xf32, #tpu.memory_space<vmem>>) dst(%dma_wait3A_759 : memref<128x2xf32, #tpu.memory_space<hbm>>)
      tpu.yield
    }) : () -> ()
    %add3A_374 = arith.constant 256 : i32
    %add3A_375 = arith.addi %mul3A_2, %add3A_374 : i32
    "tpu.region"() ({
      %run_scoped3A = tpu.sem_alloc : memref<!tpu.dma_semaphore, #tpu.memory_space<semaphore_mem>>
      %dma_start3A_752 = tpu.memref_slice %arg2[%add3A_375] : memref<16384xi32, #tpu.memory_space<hbm>> -> memref<128xi32, #tpu.memory_space<hbm>>
      %dma_start3A_753 = tpu.memref_slice %arg2[%add3A_375] : memref<16384xi32, #tpu.memory_space<hbm>> -> memref<128xi32, #tpu.memory_space<hbm>>
      tpu.enqueue_dma source(%dma_start3A_753 : memref<128xi32, #tpu.memory_space<hbm>>) target(%arg11 : memref<128xi32, #tpu.memory_space<vmem>>) target_semaphore(%run_scoped3A : memref<!tpu.dma_semaphore, #tpu.memory_space<semaphore_mem>>)
      %dma_wait3A_754 = tpu.memref_slice %arg2[%add3A_375] : memref<16384xi32, #tpu.memory_space<hbm>> -> memref<128xi32, #tpu.memory_space<hbm>>
      %dma_wait3A_755 = tpu.memref_slice %arg2[%add3A_375] : memref<16384xi32, #tpu.memory_space<hbm>> -> memref<128xi32, #tpu.memory_space<hbm>>
      tpu.wait_dma2 semaphore(%run_scoped3A : memref<!tpu.dma_semaphore, #tpu.memory_space<semaphore_mem>>) src(%dma_wait3A_755 : memref<128xi32, #tpu.memory_space<hbm>>) dst(%arg11 : memref<128xi32, #tpu.memory_space<vmem>>)
      tpu.yield
    }) : () -> ()
    "tpu.region"() ({
      %run_scoped3A = tpu.sem_alloc : memref<!tpu.dma_semaphore, #tpu.memory_space<semaphore_mem>>
      %dma_start3A_752 = tpu.memref_slice %arg3[%add3A_375] : memref<16384xi32, #tpu.memory_space<hbm>> -> memref<128xi32, #tpu.memory_space<hbm>>
      %dma_start3A_753 = tpu.memref_slice %arg3[%add3A_375] : memref<16384xi32, #tpu.memory_space<hbm>> -> memref<128xi32, #tpu.memory_space<hbm>>
      tpu.enqueue_dma source(%dma_start3A_753 : memref<128xi32, #tpu.memory_space<hbm>>) target(%arg12 : memref<128xi32, #tpu.memory_space<vmem>>) target_semaphore(%run_scoped3A : memref<!tpu.dma_semaphore, #tpu.memory_space<semaphore_mem>>)
      %dma_wait3A_754 = tpu.memref_slice %arg3[%add3A_375] : memref<16384xi32, #tpu.memory_space<hbm>> -> memref<128xi32, #tpu.memory_space<hbm>>
      %dma_wait3A_755 = tpu.memref_slice %arg3[%add3A_375] : memref<16384xi32, #tpu.memory_space<hbm>> -> memref<128xi32, #tpu.memory_space<hbm>>
      tpu.wait_dma2 semaphore(%run_scoped3A : memref<!tpu.dma_semaphore, #tpu.memory_space<semaphore_mem>>) src(%dma_wait3A_755 : memref<128xi32, #tpu.memory_space<hbm>>) dst(%arg12 : memref<128xi32, #tpu.memory_space<vmem>>)
      tpu.yield
    }) : () -> ()
    "tpu.region"() ({
      %run_scoped3A = tpu.sem_alloc : memref<!tpu.dma_semaphore, #tpu.memory_space<semaphore_mem>>
      %dma_start3A_752 = tpu.memref_slice %arg4[%add3A_375] : memref<16384xi32, #tpu.memory_space<hbm>> -> memref<128xi32, #tpu.memory_space<hbm>>
      %dma_start3A_753 = tpu.memref_slice %arg4[%add3A_375] : memref<16384xi32, #tpu.memory_space<hbm>> -> memref<128xi32, #tpu.memory_space<hbm>>
      tpu.enqueue_dma source(%dma_start3A_753 : memref<128xi32, #tpu.memory_space<hbm>>) target(%arg13 : memref<128xi32, #tpu.memory_space<vmem>>) target_semaphore(%run_scoped3A : memref<!tpu.dma_semaphore, #tpu.memory_space<semaphore_mem>>)
      %dma_wait3A_754 = tpu.memref_slice %arg4[%add3A_375] : memref<16384xi32, #tpu.memory_space<hbm>> -> memref<128xi32, #tpu.memory_space<hbm>>
      %dma_wait3A_755 = tpu.memref_slice %arg4[%add3A_375] : memref<16384xi32, #tpu.memory_space<hbm>> -> memref<128xi32, #tpu.memory_space<hbm>>
      tpu.wait_dma2 semaphore(%run_scoped3A : memref<!tpu.dma_semaphore, #tpu.memory_space<semaphore_mem>>) src(%dma_wait3A_755 : memref<128xi32, #tpu.memory_space<hbm>>) dst(%arg13 : memref<128xi32, #tpu.memory_space<vmem>>)
      tpu.yield
    }) : () -> ()
    "tpu.region"() ({
      %run_scoped3A = tpu.sem_alloc : memref<!tpu.dma_semaphore, #tpu.memory_space<semaphore_mem>>
      %dma_start3A_752 = tpu.memref_slice %arg5[%add3A_375] : memref<16384xi32, #tpu.memory_space<hbm>> -> memref<128xi32, #tpu.memory_space<hbm>>
      %dma_start3A_753 = tpu.memref_slice %arg5[%add3A_375] : memref<16384xi32, #tpu.memory_space<hbm>> -> memref<128xi32, #tpu.memory_space<hbm>>
      tpu.enqueue_dma source(%dma_start3A_753 : memref<128xi32, #tpu.memory_space<hbm>>) target(%arg14 : memref<128xi32, #tpu.memory_space<vmem>>) target_semaphore(%run_scoped3A : memref<!tpu.dma_semaphore, #tpu.memory_space<semaphore_mem>>)
      %dma_wait3A_754 = tpu.memref_slice %arg5[%add3A_375] : memref<16384xi32, #tpu.memory_space<hbm>> -> memref<128xi32, #tpu.memory_space<hbm>>
      %dma_wait3A_755 = tpu.memref_slice %arg5[%add3A_375] : memref<16384xi32, #tpu.memory_space<hbm>> -> memref<128xi32, #tpu.memory_space<hbm>>
      tpu.wait_dma2 semaphore(%run_scoped3A : memref<!tpu.dma_semaphore, #tpu.memory_space<semaphore_mem>>) src(%dma_wait3A_755 : memref<128xi32, #tpu.memory_space<hbm>>) dst(%arg14 : memref<128xi32, #tpu.memory_space<vmem>>)
      tpu.yield
    }) : () -> ()
    %dma_start3A_376 = arith.constant 0 : i32
    %dma_start3A_377 = arith.constant 0 : i32
    %dma_start3A_378 = tpu.memref_slice %arg7[%dma_start3A_376, %dma_start3A_377] : memref<1000000x64xf32, #tpu.memory_space<hbm>> -> memref<1000000x64xf32, #tpu.memory_space<hbm>>
    tpu.enqueue_indirect_dma source(%dma_start3A_378 : memref<1000000x64xf32, #tpu.memory_space<hbm>>) target(%arg15 : memref<128x64xf32, #tpu.memory_space<vmem>>) offsets(%arg11 : memref<128xi32, #tpu.memory_space<vmem>>) semaphore(%arg23 : memref<!tpu.dma_semaphore, #tpu.memory_space<semaphore_mem>>)
    %dma_start3A_379 = arith.constant 0 : i32
    %dma_start3A_380 = arith.constant 0 : i32
    %dma_start3A_381 = tpu.memref_slice %arg8[%dma_start3A_379, %dma_start3A_380] : memref<1000000x64xf32, #tpu.memory_space<hbm>> -> memref<1000000x64xf32, #tpu.memory_space<hbm>>
    tpu.enqueue_indirect_dma source(%dma_start3A_381 : memref<1000000x64xf32, #tpu.memory_space<hbm>>) target(%arg16 : memref<128x64xf32, #tpu.memory_space<vmem>>) offsets(%arg12 : memref<128xi32, #tpu.memory_space<vmem>>) semaphore(%arg23 : memref<!tpu.dma_semaphore, #tpu.memory_space<semaphore_mem>>)
    %dma_start3A_382 = arith.constant 0 : i32
    %dma_start3A_383 = arith.constant 0 : i32
    %dma_start3A_384 = tpu.memref_slice %arg8[%dma_start3A_382, %dma_start3A_383] : memref<1000000x64xf32, #tpu.memory_space<hbm>> -> memref<1000000x64xf32, #tpu.memory_space<hbm>>
    tpu.enqueue_indirect_dma source(%dma_start3A_384 : memref<1000000x64xf32, #tpu.memory_space<hbm>>) target(%arg17 : memref<128x64xf32, #tpu.memory_space<vmem>>) offsets(%arg13 : memref<128xi32, #tpu.memory_space<vmem>>) semaphore(%arg23 : memref<!tpu.dma_semaphore, #tpu.memory_space<semaphore_mem>>)
    %dma_start3A_385 = arith.constant 0 : i32
    %dma_start3A_386 = arith.constant 0 : i32
    %dma_start3A_387 = tpu.memref_slice %arg8[%dma_start3A_385, %dma_start3A_386] : memref<1000000x64xf32, #tpu.memory_space<hbm>> -> memref<1000000x64xf32, #tpu.memory_space<hbm>>
    tpu.enqueue_indirect_dma source(%dma_start3A_387 : memref<1000000x64xf32, #tpu.memory_space<hbm>>) target(%arg18 : memref<128x64xf32, #tpu.memory_space<vmem>>) offsets(%arg14 : memref<128xi32, #tpu.memory_space<vmem>>) semaphore(%arg23 : memref<!tpu.dma_semaphore, #tpu.memory_space<semaphore_mem>>)
    %dma_start3A_388 = arith.constant 0 : i32
    %dma_start3A_389 = tpu.memref_slice %arg9[%dma_start3A_388] : memref<1000000xf32, #tpu.memory_space<hbm>> -> memref<1000000xf32, #tpu.memory_space<hbm>>
    tpu.enqueue_indirect_dma source(%dma_start3A_389 : memref<1000000xf32, #tpu.memory_space<hbm>>) target(%arg19 : memref<128xf32, #tpu.memory_space<vmem>>) offsets(%arg13 : memref<128xi32, #tpu.memory_space<vmem>>) semaphore(%arg23 : memref<!tpu.dma_semaphore, #tpu.memory_space<semaphore_mem>>)
    %dma_start3A_390 = arith.constant 0 : i32
    %dma_start3A_391 = tpu.memref_slice %arg9[%dma_start3A_390] : memref<1000000xf32, #tpu.memory_space<hbm>> -> memref<1000000xf32, #tpu.memory_space<hbm>>
    tpu.enqueue_indirect_dma source(%dma_start3A_391 : memref<1000000xf32, #tpu.memory_space<hbm>>) target(%arg20 : memref<128xf32, #tpu.memory_space<vmem>>) offsets(%arg14 : memref<128xi32, #tpu.memory_space<vmem>>) semaphore(%arg23 : memref<!tpu.dma_semaphore, #tpu.memory_space<semaphore_mem>>)
    %dma_wait3A_392 = arith.constant 0 : i32
    %dma_wait3A_393 = arith.constant 0 : i32
    %dma_wait3A_394 = tpu.memref_slice %arg7[%dma_wait3A_392, %dma_wait3A_393] : memref<1000000x64xf32, #tpu.memory_space<hbm>> -> memref<1000000x64xf32, #tpu.memory_space<hbm>>
    tpu.wait_indirect_dma semaphore(%arg23 : memref<!tpu.dma_semaphore, #tpu.memory_space<semaphore_mem>>) src(%dma_wait3A_394 : memref<1000000x64xf32, #tpu.memory_space<hbm>>) dst(%arg15 : memref<128x64xf32, #tpu.memory_space<vmem>>)
    %dma_wait3A_395 = arith.constant 0 : i32
    %dma_wait3A_396 = arith.constant 0 : i32
    %dma_wait3A_397 = tpu.memref_slice %arg8[%dma_wait3A_395, %dma_wait3A_396] : memref<1000000x64xf32, #tpu.memory_space<hbm>> -> memref<1000000x64xf32, #tpu.memory_space<hbm>>
    tpu.wait_indirect_dma semaphore(%arg23 : memref<!tpu.dma_semaphore, #tpu.memory_space<semaphore_mem>>) src(%dma_wait3A_397 : memref<1000000x64xf32, #tpu.memory_space<hbm>>) dst(%arg16 : memref<128x64xf32, #tpu.memory_space<vmem>>)
    %dma_wait3A_398 = arith.constant 0 : i32
    %dma_wait3A_399 = arith.constant 0 : i32
    %dma_wait3A_400 = tpu.memref_slice %arg8[%dma_wait3A_398, %dma_wait3A_399] : memref<1000000x64xf32, #tpu.memory_space<hbm>> -> memref<1000000x64xf32, #tpu.memory_space<hbm>>
    tpu.wait_indirect_dma semaphore(%arg23 : memref<!tpu.dma_semaphore, #tpu.memory_space<semaphore_mem>>) src(%dma_wait3A_400 : memref<1000000x64xf32, #tpu.memory_space<hbm>>) dst(%arg17 : memref<128x64xf32, #tpu.memory_space<vmem>>)
    %dma_wait3A_401 = arith.constant 0 : i32
    %dma_wait3A_402 = arith.constant 0 : i32
    %dma_wait3A_403 = tpu.memref_slice %arg8[%dma_wait3A_401, %dma_wait3A_402] : memref<1000000x64xf32, #tpu.memory_space<hbm>> -> memref<1000000x64xf32, #tpu.memory_space<hbm>>
    tpu.wait_indirect_dma semaphore(%arg23 : memref<!tpu.dma_semaphore, #tpu.memory_space<semaphore_mem>>) src(%dma_wait3A_403 : memref<1000000x64xf32, #tpu.memory_space<hbm>>) dst(%arg18 : memref<128x64xf32, #tpu.memory_space<vmem>>)
    %dma_wait3A_404 = arith.constant 0 : i32
    %dma_wait3A_405 = tpu.memref_slice %arg9[%dma_wait3A_404] : memref<1000000xf32, #tpu.memory_space<hbm>> -> memref<1000000xf32, #tpu.memory_space<hbm>>
    tpu.wait_indirect_dma semaphore(%arg23 : memref<!tpu.dma_semaphore, #tpu.memory_space<semaphore_mem>>) src(%dma_wait3A_405 : memref<1000000xf32, #tpu.memory_space<hbm>>) dst(%arg19 : memref<128xf32, #tpu.memory_space<vmem>>)
    %dma_wait3A_406 = arith.constant 0 : i32
    %dma_wait3A_407 = tpu.memref_slice %arg9[%dma_wait3A_406] : memref<1000000xf32, #tpu.memory_space<hbm>> -> memref<1000000xf32, #tpu.memory_space<hbm>>
    tpu.wait_indirect_dma semaphore(%arg23 : memref<!tpu.dma_semaphore, #tpu.memory_space<semaphore_mem>>) src(%dma_wait3A_407 : memref<1000000xf32, #tpu.memory_space<hbm>>) dst(%arg20 : memref<128xf32, #tpu.memory_space<vmem>>)
    %iota3A_408 = tpu.iota {dimensions = array<i32: 0>} : vector<16xi32>
    %broadcast_in_dim3A_409 = arith.constant 0.000000e+00 : f32
    %broadcast_in_dim3A_410 = vector.broadcast %broadcast_in_dim3A_409 : f32 to vector<16xf32>
    %add3A_411 = arith.constant 0 : i32
    %add3A_412 = vector.broadcast %add3A_411 : i32 to vector<16xi32>
    %add3A_413 = arith.addi %iota3A_408, %add3A_412 : vector<16xi32>
    %scan3A_414 = arith.constant 0 : i32
    %scan3A_415 = arith.constant 64 : i32
    %scan3A_416 = arith.addi %scan3A_414, %scan3A_415 : i32
    %scan3A_417 = arith.constant 1 : i32
    %scan3A_418:2 = scf.for %scan3A_752 = %scan3A_414 to %scan3A_416 step %scan3A_417 iter_args(%scan3A_753 = %broadcast_in_dim3A_410, %scan3A_754 = %broadcast_in_dim3A_410) -> (vector<16xf32>, vector<16xf32>)  : i32 {
      %broadcast_in_dim3A_755 = vector.broadcast %scan3A_752 : i32 to vector<16xi32>
      %gather3A = tpu.vector_load_idx %arg15[%add3A_413, %broadcast_in_dim3A_755] : memref<128x64xf32, #tpu.memory_space<vmem>>[vector<16xi32>, vector<16xi32>], vector<16xf32>,
      %gather3A_756 = tpu.vector_load_idx %arg16[%add3A_413, %broadcast_in_dim3A_755] : memref<128x64xf32, #tpu.memory_space<vmem>>[vector<16xi32>, vector<16xi32>], vector<16xf32>,
      %gather3A_757 = tpu.vector_load_idx %arg21[%broadcast_in_dim3A_755] : memref<64xf32, #tpu.memory_space<vmem>>[vector<16xi32>], vector<16xf32>,
      %add3A_758 = arith.addf %gather3A, %gather3A_756 : vector<16xf32>
      %add3A_759 = arith.addf %add3A_758, %gather3A_757 : vector<16xf32>
      %gather3A_760 = tpu.vector_load_idx %arg17[%add3A_413, %broadcast_in_dim3A_755] : memref<128x64xf32, #tpu.memory_space<vmem>>[vector<16xi32>, vector<16xi32>], vector<16xf32>,
      %gather3A_761 = tpu.vector_load_idx %arg18[%add3A_413, %broadcast_in_dim3A_755] : memref<128x64xf32, #tpu.memory_space<vmem>>[vector<16xi32>, vector<16xi32>], vector<16xf32>,
      %sub3A_762 = arith.subf %add3A_759, %gather3A_760 : vector<16xf32>
      %sub3A_763 = arith.subf %add3A_759, %gather3A_761 : vector<16xf32>
      %mul3A_764 = arith.mulf %sub3A_762, %sub3A_762 : vector<16xf32>
      %add3A_765 = arith.addf %scan3A_753, %mul3A_764 : vector<16xf32>
      %mul3A_766 = arith.mulf %sub3A_763, %sub3A_763 : vector<16xf32>
      %add3A_767 = arith.addf %scan3A_754, %mul3A_766 : vector<16xf32>
      scf.yield %add3A_765, %add3A_767 : vector<16xf32>, vector<16xf32>
    }
    %scan3A_419 = arith.constant 64 : i32
    %get3A_420 = arith.constant 0 : index
    %get3A_421 = tpu.vector_load %arg19[%get3A_420] {strides = array<i32>} : memref<128xf32, #tpu.memory_space<vmem>>, vector<16xf32>,
    %sub3A_422 = arith.subf %get3A_421, %scan3A_418#0 : vector<16xf32>
    %get3A_423 = arith.constant 0 : index
    %get3A_424 = tpu.vector_load %arg20[%get3A_423] {strides = array<i32>} : memref<128xf32, #tpu.memory_space<vmem>>, vector<16xf32>,
    %sub3A_425 = arith.subf %get3A_424, %scan3A_418#1 : vector<16xf32>
    %broadcast_in_dim3A_426 = arith.constant 0 : i32
    %broadcast_in_dim3A_427 = vector.broadcast %broadcast_in_dim3A_426 : i32 to vector<16xi32>
    tpu.vector_store_idx %arg22[%add3A_413, %broadcast_in_dim3A_427], %sub3A_422 : memref<128x2xf32, #tpu.memory_space<vmem>>[vector<16xi32>, vector<16xi32>], vector<16xf32>,
    %broadcast_in_dim3A_428 = arith.constant 1 : i32
    %broadcast_in_dim3A_429 = vector.broadcast %broadcast_in_dim3A_428 : i32 to vector<16xi32>
    tpu.vector_store_idx %arg22[%add3A_413, %broadcast_in_dim3A_429], %sub3A_425 : memref<128x2xf32, #tpu.memory_space<vmem>>[vector<16xi32>, vector<16xi32>], vector<16xf32>,
    %add3A_430 = arith.constant 16 : i32
    %add3A_431 = vector.broadcast %add3A_430 : i32 to vector<16xi32>
    %add3A_432 = arith.addi %iota3A_408, %add3A_431 : vector<16xi32>
    %scan3A_433 = arith.constant 0 : i32
    %scan3A_434 = arith.constant 64 : i32
    %scan3A_435 = arith.addi %scan3A_433, %scan3A_434 : i32
    %scan3A_436 = arith.constant 1 : i32
    %scan3A_437:2 = scf.for %scan3A_752 = %scan3A_433 to %scan3A_435 step %scan3A_436 iter_args(%scan3A_753 = %broadcast_in_dim3A_410, %scan3A_754 = %broadcast_in_dim3A_410) -> (vector<16xf32>, vector<16xf32>)  : i32 {
      %broadcast_in_dim3A_755 = vector.broadcast %scan3A_752 : i32 to vector<16xi32>
      %gather3A = tpu.vector_load_idx %arg15[%add3A_432, %broadcast_in_dim3A_755] : memref<128x64xf32, #tpu.memory_space<vmem>>[vector<16xi32>, vector<16xi32>], vector<16xf32>,
      %gather3A_756 = tpu.vector_load_idx %arg16[%add3A_432, %broadcast_in_dim3A_755] : memref<128x64xf32, #tpu.memory_space<vmem>>[vector<16xi32>, vector<16xi32>], vector<16xf32>,
      %gather3A_757 = tpu.vector_load_idx %arg21[%broadcast_in_dim3A_755] : memref<64xf32, #tpu.memory_space<vmem>>[vector<16xi32>], vector<16xf32>,
      %add3A_758 = arith.addf %gather3A, %gather3A_756 : vector<16xf32>
      %add3A_759 = arith.addf %add3A_758, %gather3A_757 : vector<16xf32>
      %gather3A_760 = tpu.vector_load_idx %arg17[%add3A_432, %broadcast_in_dim3A_755] : memref<128x64xf32, #tpu.memory_space<vmem>>[vector<16xi32>, vector<16xi32>], vector<16xf32>,
      %gather3A_761 = tpu.vector_load_idx %arg18[%add3A_432, %broadcast_in_dim3A_755] : memref<128x64xf32, #tpu.memory_space<vmem>>[vector<16xi32>, vector<16xi32>], vector<16xf32>,
      %sub3A_762 = arith.subf %add3A_759, %gather3A_760 : vector<16xf32>
      %sub3A_763 = arith.subf %add3A_759, %gather3A_761 : vector<16xf32>
      %mul3A_764 = arith.mulf %sub3A_762, %sub3A_762 : vector<16xf32>
      %add3A_765 = arith.addf %scan3A_753, %mul3A_764 : vector<16xf32>
      %mul3A_766 = arith.mulf %sub3A_763, %sub3A_763 : vector<16xf32>
      %add3A_767 = arith.addf %scan3A_754, %mul3A_766 : vector<16xf32>
      scf.yield %add3A_765, %add3A_767 : vector<16xf32>, vector<16xf32>
    }
    %scan3A_438 = arith.constant 64 : i32
    %get3A_439 = arith.constant 16 : index
    %get3A_440 = tpu.vector_load %arg19[%get3A_439] {strides = array<i32>} : memref<128xf32, #tpu.memory_space<vmem>>, vector<16xf32>,
    %sub3A_441 = arith.subf %get3A_440, %scan3A_437#0 : vector<16xf32>
    %get3A_442 = arith.constant 16 : index
    %get3A_443 = tpu.vector_load %arg20[%get3A_442] {strides = array<i32>} : memref<128xf32, #tpu.memory_space<vmem>>, vector<16xf32>,
    %sub3A_444 = arith.subf %get3A_443, %scan3A_437#1 : vector<16xf32>
    %broadcast_in_dim3A_445 = arith.constant 0 : i32
    %broadcast_in_dim3A_446 = vector.broadcast %broadcast_in_dim3A_445 : i32 to vector<16xi32>
    tpu.vector_store_idx %arg22[%add3A_432, %broadcast_in_dim3A_446], %sub3A_441 : memref<128x2xf32, #tpu.memory_space<vmem>>[vector<16xi32>, vector<16xi32>], vector<16xf32>,
    %broadcast_in_dim3A_447 = arith.constant 1 : i32
    %broadcast_in_dim3A_448 = vector.broadcast %broadcast_in_dim3A_447 : i32 to vector<16xi32>
    tpu.vector_store_idx %arg22[%add3A_432, %broadcast_in_dim3A_448], %sub3A_444 : memref<128x2xf32, #tpu.memory_space<vmem>>[vector<16xi32>, vector<16xi32>], vector<16xf32>,
    %add3A_449 = arith.constant 32 : i32
    %add3A_450 = vector.broadcast %add3A_449 : i32 to vector<16xi32>
    %add3A_451 = arith.addi %iota3A_408, %add3A_450 : vector<16xi32>
    %scan3A_452 = arith.constant 0 : i32
    %scan3A_453 = arith.constant 64 : i32
    %scan3A_454 = arith.addi %scan3A_452, %scan3A_453 : i32
    %scan3A_455 = arith.constant 1 : i32
    %scan3A_456:2 = scf.for %scan3A_752 = %scan3A_452 to %scan3A_454 step %scan3A_455 iter_args(%scan3A_753 = %broadcast_in_dim3A_410, %scan3A_754 = %broadcast_in_dim3A_410) -> (vector<16xf32>, vector<16xf32>)  : i32 {
      %broadcast_in_dim3A_755 = vector.broadcast %scan3A_752 : i32 to vector<16xi32>
      %gather3A = tpu.vector_load_idx %arg15[%add3A_451, %broadcast_in_dim3A_755] : memref<128x64xf32, #tpu.memory_space<vmem>>[vector<16xi32>, vector<16xi32>], vector<16xf32>,
      %gather3A_756 = tpu.vector_load_idx %arg16[%add3A_451, %broadcast_in_dim3A_755] : memref<128x64xf32, #tpu.memory_space<vmem>>[vector<16xi32>, vector<16xi32>], vector<16xf32>,
      %gather3A_757 = tpu.vector_load_idx %arg21[%broadcast_in_dim3A_755] : memref<64xf32, #tpu.memory_space<vmem>>[vector<16xi32>], vector<16xf32>,
      %add3A_758 = arith.addf %gather3A, %gather3A_756 : vector<16xf32>
      %add3A_759 = arith.addf %add3A_758, %gather3A_757 : vector<16xf32>
      %gather3A_760 = tpu.vector_load_idx %arg17[%add3A_451, %broadcast_in_dim3A_755] : memref<128x64xf32, #tpu.memory_space<vmem>>[vector<16xi32>, vector<16xi32>], vector<16xf32>,
      %gather3A_761 = tpu.vector_load_idx %arg18[%add3A_451, %broadcast_in_dim3A_755] : memref<128x64xf32, #tpu.memory_space<vmem>>[vector<16xi32>, vector<16xi32>], vector<16xf32>,
      %sub3A_762 = arith.subf %add3A_759, %gather3A_760 : vector<16xf32>
      %sub3A_763 = arith.subf %add3A_759, %gather3A_761 : vector<16xf32>
      %mul3A_764 = arith.mulf %sub3A_762, %sub3A_762 : vector<16xf32>
      %add3A_765 = arith.addf %scan3A_753, %mul3A_764 : vector<16xf32>
      %mul3A_766 = arith.mulf %sub3A_763, %sub3A_763 : vector<16xf32>
      %add3A_767 = arith.addf %scan3A_754, %mul3A_766 : vector<16xf32>
      scf.yield %add3A_765, %add3A_767 : vector<16xf32>, vector<16xf32>
    }
    %scan3A_457 = arith.constant 64 : i32
    %get3A_458 = arith.constant 32 : index
    %get3A_459 = tpu.vector_load %arg19[%get3A_458] {strides = array<i32>} : memref<128xf32, #tpu.memory_space<vmem>>, vector<16xf32>,
    %sub3A_460 = arith.subf %get3A_459, %scan3A_456#0 : vector<16xf32>
    %get3A_461 = arith.constant 32 : index
    %get3A_462 = tpu.vector_load %arg20[%get3A_461] {strides = array<i32>} : memref<128xf32, #tpu.memory_space<vmem>>, vector<16xf32>,
    %sub3A_463 = arith.subf %get3A_462, %scan3A_456#1 : vector<16xf32>
    %broadcast_in_dim3A_464 = arith.constant 0 : i32
    %broadcast_in_dim3A_465 = vector.broadcast %broadcast_in_dim3A_464 : i32 to vector<16xi32>
    tpu.vector_store_idx %arg22[%add3A_451, %broadcast_in_dim3A_465], %sub3A_460 : memref<128x2xf32, #tpu.memory_space<vmem>>[vector<16xi32>, vector<16xi32>], vector<16xf32>,
    %broadcast_in_dim3A_466 = arith.constant 1 : i32
    %broadcast_in_dim3A_467 = vector.broadcast %broadcast_in_dim3A_466 : i32 to vector<16xi32>
    tpu.vector_store_idx %arg22[%add3A_451, %broadcast_in_dim3A_467], %sub3A_463 : memref<128x2xf32, #tpu.memory_space<vmem>>[vector<16xi32>, vector<16xi32>], vector<16xf32>,
    %add3A_468 = arith.constant 48 : i32
    %add3A_469 = vector.broadcast %add3A_468 : i32 to vector<16xi32>
    %add3A_470 = arith.addi %iota3A_408, %add3A_469 : vector<16xi32>
    %scan3A_471 = arith.constant 0 : i32
    %scan3A_472 = arith.constant 64 : i32
    %scan3A_473 = arith.addi %scan3A_471, %scan3A_472 : i32
    %scan3A_474 = arith.constant 1 : i32
    %scan3A_475:2 = scf.for %scan3A_752 = %scan3A_471 to %scan3A_473 step %scan3A_474 iter_args(%scan3A_753 = %broadcast_in_dim3A_410, %scan3A_754 = %broadcast_in_dim3A_410) -> (vector<16xf32>, vector<16xf32>)  : i32 {
      %broadcast_in_dim3A_755 = vector.broadcast %scan3A_752 : i32 to vector<16xi32>
      %gather3A = tpu.vector_load_idx %arg15[%add3A_470, %broadcast_in_dim3A_755] : memref<128x64xf32, #tpu.memory_space<vmem>>[vector<16xi32>, vector<16xi32>], vector<16xf32>,
      %gather3A_756 = tpu.vector_load_idx %arg16[%add3A_470, %broadcast_in_dim3A_755] : memref<128x64xf32, #tpu.memory_space<vmem>>[vector<16xi32>, vector<16xi32>], vector<16xf32>,
      %gather3A_757 = tpu.vector_load_idx %arg21[%broadcast_in_dim3A_755] : memref<64xf32, #tpu.memory_space<vmem>>[vector<16xi32>], vector<16xf32>,
      %add3A_758 = arith.addf %gather3A, %gather3A_756 : vector<16xf32>
      %add3A_759 = arith.addf %add3A_758, %gather3A_757 : vector<16xf32>
      %gather3A_760 = tpu.vector_load_idx %arg17[%add3A_470, %broadcast_in_dim3A_755] : memref<128x64xf32, #tpu.memory_space<vmem>>[vector<16xi32>, vector<16xi32>], vector<16xf32>,
      %gather3A_761 = tpu.vector_load_idx %arg18[%add3A_470, %broadcast_in_dim3A_755] : memref<128x64xf32, #tpu.memory_space<vmem>>[vector<16xi32>, vector<16xi32>], vector<16xf32>,
      %sub3A_762 = arith.subf %add3A_759, %gather3A_760 : vector<16xf32>
      %sub3A_763 = arith.subf %add3A_759, %gather3A_761 : vector<16xf32>
      %mul3A_764 = arith.mulf %sub3A_762, %sub3A_762 : vector<16xf32>
      %add3A_765 = arith.addf %scan3A_753, %mul3A_764 : vector<16xf32>
      %mul3A_766 = arith.mulf %sub3A_763, %sub3A_763 : vector<16xf32>
      %add3A_767 = arith.addf %scan3A_754, %mul3A_766 : vector<16xf32>
      scf.yield %add3A_765, %add3A_767 : vector<16xf32>, vector<16xf32>
    }
    %scan3A_476 = arith.constant 64 : i32
    %get3A_477 = arith.constant 48 : index
    %get3A_478 = tpu.vector_load %arg19[%get3A_477] {strides = array<i32>} : memref<128xf32, #tpu.memory_space<vmem>>, vector<16xf32>,
    %sub3A_479 = arith.subf %get3A_478, %scan3A_475#0 : vector<16xf32>
    %get3A_480 = arith.constant 48 : index
    %get3A_481 = tpu.vector_load %arg20[%get3A_480] {strides = array<i32>} : memref<128xf32, #tpu.memory_space<vmem>>, vector<16xf32>,
    %sub3A_482 = arith.subf %get3A_481, %scan3A_475#1 : vector<16xf32>
    %broadcast_in_dim3A_483 = arith.constant 0 : i32
    %broadcast_in_dim3A_484 = vector.broadcast %broadcast_in_dim3A_483 : i32 to vector<16xi32>
    tpu.vector_store_idx %arg22[%add3A_470, %broadcast_in_dim3A_484], %sub3A_479 : memref<128x2xf32, #tpu.memory_space<vmem>>[vector<16xi32>, vector<16xi32>], vector<16xf32>,
    %broadcast_in_dim3A_485 = arith.constant 1 : i32
    %broadcast_in_dim3A_486 = vector.broadcast %broadcast_in_dim3A_485 : i32 to vector<16xi32>
    tpu.vector_store_idx %arg22[%add3A_470, %broadcast_in_dim3A_486], %sub3A_482 : memref<128x2xf32, #tpu.memory_space<vmem>>[vector<16xi32>, vector<16xi32>], vector<16xf32>,
    %add3A_487 = arith.constant 64 : i32
    %add3A_488 = vector.broadcast %add3A_487 : i32 to vector<16xi32>
    %add3A_489 = arith.addi %iota3A_408, %add3A_488 : vector<16xi32>
    %scan3A_490 = arith.constant 0 : i32
    %scan3A_491 = arith.constant 64 : i32
    %scan3A_492 = arith.addi %scan3A_490, %scan3A_491 : i32
    %scan3A_493 = arith.constant 1 : i32
    %scan3A_494:2 = scf.for %scan3A_752 = %scan3A_490 to %scan3A_492 step %scan3A_493 iter_args(%scan3A_753 = %broadcast_in_dim3A_410, %scan3A_754 = %broadcast_in_dim3A_410) -> (vector<16xf32>, vector<16xf32>)  : i32 {
      %broadcast_in_dim3A_755 = vector.broadcast %scan3A_752 : i32 to vector<16xi32>
      %gather3A = tpu.vector_load_idx %arg15[%add3A_489, %broadcast_in_dim3A_755] : memref<128x64xf32, #tpu.memory_space<vmem>>[vector<16xi32>, vector<16xi32>], vector<16xf32>,
      %gather3A_756 = tpu.vector_load_idx %arg16[%add3A_489, %broadcast_in_dim3A_755] : memref<128x64xf32, #tpu.memory_space<vmem>>[vector<16xi32>, vector<16xi32>], vector<16xf32>,
      %gather3A_757 = tpu.vector_load_idx %arg21[%broadcast_in_dim3A_755] : memref<64xf32, #tpu.memory_space<vmem>>[vector<16xi32>], vector<16xf32>,
      %add3A_758 = arith.addf %gather3A, %gather3A_756 : vector<16xf32>
      %add3A_759 = arith.addf %add3A_758, %gather3A_757 : vector<16xf32>
      %gather3A_760 = tpu.vector_load_idx %arg17[%add3A_489, %broadcast_in_dim3A_755] : memref<128x64xf32, #tpu.memory_space<vmem>>[vector<16xi32>, vector<16xi32>], vector<16xf32>,
      %gather3A_761 = tpu.vector_load_idx %arg18[%add3A_489, %broadcast_in_dim3A_755] : memref<128x64xf32, #tpu.memory_space<vmem>>[vector<16xi32>, vector<16xi32>], vector<16xf32>,
      %sub3A_762 = arith.subf %add3A_759, %gather3A_760 : vector<16xf32>
      %sub3A_763 = arith.subf %add3A_759, %gather3A_761 : vector<16xf32>
      %mul3A_764 = arith.mulf %sub3A_762, %sub3A_762 : vector<16xf32>
      %add3A_765 = arith.addf %scan3A_753, %mul3A_764 : vector<16xf32>
      %mul3A_766 = arith.mulf %sub3A_763, %sub3A_763 : vector<16xf32>
      %add3A_767 = arith.addf %scan3A_754, %mul3A_766 : vector<16xf32>
      scf.yield %add3A_765, %add3A_767 : vector<16xf32>, vector<16xf32>
    }
    %scan3A_495 = arith.constant 64 : i32
    %get3A_496 = arith.constant 64 : index
    %get3A_497 = tpu.vector_load %arg19[%get3A_496] {strides = array<i32>} : memref<128xf32, #tpu.memory_space<vmem>>, vector<16xf32>,
    %sub3A_498 = arith.subf %get3A_497, %scan3A_494#0 : vector<16xf32>
    %get3A_499 = arith.constant 64 : index
    %get3A_500 = tpu.vector_load %arg20[%get3A_499] {strides = array<i32>} : memref<128xf32, #tpu.memory_space<vmem>>, vector<16xf32>,
    %sub3A_501 = arith.subf %get3A_500, %scan3A_494#1 : vector<16xf32>
    %broadcast_in_dim3A_502 = arith.constant 0 : i32
    %broadcast_in_dim3A_503 = vector.broadcast %broadcast_in_dim3A_502 : i32 to vector<16xi32>
    tpu.vector_store_idx %arg22[%add3A_489, %broadcast_in_dim3A_503], %sub3A_498 : memref<128x2xf32, #tpu.memory_space<vmem>>[vector<16xi32>, vector<16xi32>], vector<16xf32>,
    %broadcast_in_dim3A_504 = arith.constant 1 : i32
    %broadcast_in_dim3A_505 = vector.broadcast %broadcast_in_dim3A_504 : i32 to vector<16xi32>
    tpu.vector_store_idx %arg22[%add3A_489, %broadcast_in_dim3A_505], %sub3A_501 : memref<128x2xf32, #tpu.memory_space<vmem>>[vector<16xi32>, vector<16xi32>], vector<16xf32>,
    %add3A_506 = arith.constant 80 : i32
    %add3A_507 = vector.broadcast %add3A_506 : i32 to vector<16xi32>
    %add3A_508 = arith.addi %iota3A_408, %add3A_507 : vector<16xi32>
    %scan3A_509 = arith.constant 0 : i32
    %scan3A_510 = arith.constant 64 : i32
    %scan3A_511 = arith.addi %scan3A_509, %scan3A_510 : i32
    %scan3A_512 = arith.constant 1 : i32
    %scan3A_513:2 = scf.for %scan3A_752 = %scan3A_509 to %scan3A_511 step %scan3A_512 iter_args(%scan3A_753 = %broadcast_in_dim3A_410, %scan3A_754 = %broadcast_in_dim3A_410) -> (vector<16xf32>, vector<16xf32>)  : i32 {
      %broadcast_in_dim3A_755 = vector.broadcast %scan3A_752 : i32 to vector<16xi32>
      %gather3A = tpu.vector_load_idx %arg15[%add3A_508, %broadcast_in_dim3A_755] : memref<128x64xf32, #tpu.memory_space<vmem>>[vector<16xi32>, vector<16xi32>], vector<16xf32>,
      %gather3A_756 = tpu.vector_load_idx %arg16[%add3A_508, %broadcast_in_dim3A_755] : memref<128x64xf32, #tpu.memory_space<vmem>>[vector<16xi32>, vector<16xi32>], vector<16xf32>,
      %gather3A_757 = tpu.vector_load_idx %arg21[%broadcast_in_dim3A_755] : memref<64xf32, #tpu.memory_space<vmem>>[vector<16xi32>], vector<16xf32>,
      %add3A_758 = arith.addf %gather3A, %gather3A_756 : vector<16xf32>
      %add3A_759 = arith.addf %add3A_758, %gather3A_757 : vector<16xf32>
      %gather3A_760 = tpu.vector_load_idx %arg17[%add3A_508, %broadcast_in_dim3A_755] : memref<128x64xf32, #tpu.memory_space<vmem>>[vector<16xi32>, vector<16xi32>], vector<16xf32>,
      %gather3A_761 = tpu.vector_load_idx %arg18[%add3A_508, %broadcast_in_dim3A_755] : memref<128x64xf32, #tpu.memory_space<vmem>>[vector<16xi32>, vector<16xi32>], vector<16xf32>,
      %sub3A_762 = arith.subf %add3A_759, %gather3A_760 : vector<16xf32>
      %sub3A_763 = arith.subf %add3A_759, %gather3A_761 : vector<16xf32>
      %mul3A_764 = arith.mulf %sub3A_762, %sub3A_762 : vector<16xf32>
      %add3A_765 = arith.addf %scan3A_753, %mul3A_764 : vector<16xf32>
      %mul3A_766 = arith.mulf %sub3A_763, %sub3A_763 : vector<16xf32>
      %add3A_767 = arith.addf %scan3A_754, %mul3A_766 : vector<16xf32>
      scf.yield %add3A_765, %add3A_767 : vector<16xf32>, vector<16xf32>
    }
    %scan3A_514 = arith.constant 64 : i32
    %get3A_515 = arith.constant 80 : index
    %get3A_516 = tpu.vector_load %arg19[%get3A_515] {strides = array<i32>} : memref<128xf32, #tpu.memory_space<vmem>>, vector<16xf32>,
    %sub3A_517 = arith.subf %get3A_516, %scan3A_513#0 : vector<16xf32>
    %get3A_518 = arith.constant 80 : index
    %get3A_519 = tpu.vector_load %arg20[%get3A_518] {strides = array<i32>} : memref<128xf32, #tpu.memory_space<vmem>>, vector<16xf32>,
    %sub3A_520 = arith.subf %get3A_519, %scan3A_513#1 : vector<16xf32>
    %broadcast_in_dim3A_521 = arith.constant 0 : i32
    %broadcast_in_dim3A_522 = vector.broadcast %broadcast_in_dim3A_521 : i32 to vector<16xi32>
    tpu.vector_store_idx %arg22[%add3A_508, %broadcast_in_dim3A_522], %sub3A_517 : memref<128x2xf32, #tpu.memory_space<vmem>>[vector<16xi32>, vector<16xi32>], vector<16xf32>,
    %broadcast_in_dim3A_523 = arith.constant 1 : i32
    %broadcast_in_dim3A_524 = vector.broadcast %broadcast_in_dim3A_523 : i32 to vector<16xi32>
    tpu.vector_store_idx %arg22[%add3A_508, %broadcast_in_dim3A_524], %sub3A_520 : memref<128x2xf32, #tpu.memory_space<vmem>>[vector<16xi32>, vector<16xi32>], vector<16xf32>,
    %add3A_525 = arith.constant 96 : i32
    %add3A_526 = vector.broadcast %add3A_525 : i32 to vector<16xi32>
    %add3A_527 = arith.addi %iota3A_408, %add3A_526 : vector<16xi32>
    %scan3A_528 = arith.constant 0 : i32
    %scan3A_529 = arith.constant 64 : i32
    %scan3A_530 = arith.addi %scan3A_528, %scan3A_529 : i32
    %scan3A_531 = arith.constant 1 : i32
    %scan3A_532:2 = scf.for %scan3A_752 = %scan3A_528 to %scan3A_530 step %scan3A_531 iter_args(%scan3A_753 = %broadcast_in_dim3A_410, %scan3A_754 = %broadcast_in_dim3A_410) -> (vector<16xf32>, vector<16xf32>)  : i32 {
      %broadcast_in_dim3A_755 = vector.broadcast %scan3A_752 : i32 to vector<16xi32>
      %gather3A = tpu.vector_load_idx %arg15[%add3A_527, %broadcast_in_dim3A_755] : memref<128x64xf32, #tpu.memory_space<vmem>>[vector<16xi32>, vector<16xi32>], vector<16xf32>,
      %gather3A_756 = tpu.vector_load_idx %arg16[%add3A_527, %broadcast_in_dim3A_755] : memref<128x64xf32, #tpu.memory_space<vmem>>[vector<16xi32>, vector<16xi32>], vector<16xf32>,
      %gather3A_757 = tpu.vector_load_idx %arg21[%broadcast_in_dim3A_755] : memref<64xf32, #tpu.memory_space<vmem>>[vector<16xi32>], vector<16xf32>,
      %add3A_758 = arith.addf %gather3A, %gather3A_756 : vector<16xf32>
      %add3A_759 = arith.addf %add3A_758, %gather3A_757 : vector<16xf32>
      %gather3A_760 = tpu.vector_load_idx %arg17[%add3A_527, %broadcast_in_dim3A_755] : memref<128x64xf32, #tpu.memory_space<vmem>>[vector<16xi32>, vector<16xi32>], vector<16xf32>,
      %gather3A_761 = tpu.vector_load_idx %arg18[%add3A_527, %broadcast_in_dim3A_755] : memref<128x64xf32, #tpu.memory_space<vmem>>[vector<16xi32>, vector<16xi32>], vector<16xf32>,
      %sub3A_762 = arith.subf %add3A_759, %gather3A_760 : vector<16xf32>
      %sub3A_763 = arith.subf %add3A_759, %gather3A_761 : vector<16xf32>
      %mul3A_764 = arith.mulf %sub3A_762, %sub3A_762 : vector<16xf32>
      %add3A_765 = arith.addf %scan3A_753, %mul3A_764 : vector<16xf32>
      %mul3A_766 = arith.mulf %sub3A_763, %sub3A_763 : vector<16xf32>
      %add3A_767 = arith.addf %scan3A_754, %mul3A_766 : vector<16xf32>
      scf.yield %add3A_765, %add3A_767 : vector<16xf32>, vector<16xf32>
    }
    %scan3A_533 = arith.constant 64 : i32
    %get3A_534 = arith.constant 96 : index
    %get3A_535 = tpu.vector_load %arg19[%get3A_534] {strides = array<i32>} : memref<128xf32, #tpu.memory_space<vmem>>, vector<16xf32>,
    %sub3A_536 = arith.subf %get3A_535, %scan3A_532#0 : vector<16xf32>
    %get3A_537 = arith.constant 96 : index
    %get3A_538 = tpu.vector_load %arg20[%get3A_537] {strides = array<i32>} : memref<128xf32, #tpu.memory_space<vmem>>, vector<16xf32>,
    %sub3A_539 = arith.subf %get3A_538, %scan3A_532#1 : vector<16xf32>
    %broadcast_in_dim3A_540 = arith.constant 0 : i32
    %broadcast_in_dim3A_541 = vector.broadcast %broadcast_in_dim3A_540 : i32 to vector<16xi32>
    tpu.vector_store_idx %arg22[%add3A_527, %broadcast_in_dim3A_541], %sub3A_536 : memref<128x2xf32, #tpu.memory_space<vmem>>[vector<16xi32>, vector<16xi32>], vector<16xf32>,
    %broadcast_in_dim3A_542 = arith.constant 1 : i32
    %broadcast_in_dim3A_543 = vector.broadcast %broadcast_in_dim3A_542 : i32 to vector<16xi32>
    tpu.vector_store_idx %arg22[%add3A_527, %broadcast_in_dim3A_543], %sub3A_539 : memref<128x2xf32, #tpu.memory_space<vmem>>[vector<16xi32>, vector<16xi32>], vector<16xf32>,
    %add3A_544 = arith.constant 112 : i32
    %add3A_545 = vector.broadcast %add3A_544 : i32 to vector<16xi32>
    %add3A_546 = arith.addi %iota3A_408, %add3A_545 : vector<16xi32>
    %scan3A_547 = arith.constant 0 : i32
    %scan3A_548 = arith.constant 64 : i32
    %scan3A_549 = arith.addi %scan3A_547, %scan3A_548 : i32
    %scan3A_550 = arith.constant 1 : i32
    %scan3A_551:2 = scf.for %scan3A_752 = %scan3A_547 to %scan3A_549 step %scan3A_550 iter_args(%scan3A_753 = %broadcast_in_dim3A_410, %scan3A_754 = %broadcast_in_dim3A_410) -> (vector<16xf32>, vector<16xf32>)  : i32 {
      %broadcast_in_dim3A_755 = vector.broadcast %scan3A_752 : i32 to vector<16xi32>
      %gather3A = tpu.vector_load_idx %arg15[%add3A_546, %broadcast_in_dim3A_755] : memref<128x64xf32, #tpu.memory_space<vmem>>[vector<16xi32>, vector<16xi32>], vector<16xf32>,
      %gather3A_756 = tpu.vector_load_idx %arg16[%add3A_546, %broadcast_in_dim3A_755] : memref<128x64xf32, #tpu.memory_space<vmem>>[vector<16xi32>, vector<16xi32>], vector<16xf32>,
      %gather3A_757 = tpu.vector_load_idx %arg21[%broadcast_in_dim3A_755] : memref<64xf32, #tpu.memory_space<vmem>>[vector<16xi32>], vector<16xf32>,
      %add3A_758 = arith.addf %gather3A, %gather3A_756 : vector<16xf32>
      %add3A_759 = arith.addf %add3A_758, %gather3A_757 : vector<16xf32>
      %gather3A_760 = tpu.vector_load_idx %arg17[%add3A_546, %broadcast_in_dim3A_755] : memref<128x64xf32, #tpu.memory_space<vmem>>[vector<16xi32>, vector<16xi32>], vector<16xf32>,
      %gather3A_761 = tpu.vector_load_idx %arg18[%add3A_546, %broadcast_in_dim3A_755] : memref<128x64xf32, #tpu.memory_space<vmem>>[vector<16xi32>, vector<16xi32>], vector<16xf32>,
      %sub3A_762 = arith.subf %add3A_759, %gather3A_760 : vector<16xf32>
      %sub3A_763 = arith.subf %add3A_759, %gather3A_761 : vector<16xf32>
      %mul3A_764 = arith.mulf %sub3A_762, %sub3A_762 : vector<16xf32>
      %add3A_765 = arith.addf %scan3A_753, %mul3A_764 : vector<16xf32>
      %mul3A_766 = arith.mulf %sub3A_763, %sub3A_763 : vector<16xf32>
      %add3A_767 = arith.addf %scan3A_754, %mul3A_766 : vector<16xf32>
      scf.yield %add3A_765, %add3A_767 : vector<16xf32>, vector<16xf32>
    }
    %scan3A_552 = arith.constant 64 : i32
    %get3A_553 = arith.constant 112 : index
    %get3A_554 = tpu.vector_load %arg19[%get3A_553] {strides = array<i32>} : memref<128xf32, #tpu.memory_space<vmem>>, vector<16xf32>,
    %sub3A_555 = arith.subf %get3A_554, %scan3A_551#0 : vector<16xf32>
    %get3A_556 = arith.constant 112 : index
    %get3A_557 = tpu.vector_load %arg20[%get3A_556] {strides = array<i32>} : memref<128xf32, #tpu.memory_space<vmem>>, vector<16xf32>,
    %sub3A_558 = arith.subf %get3A_557, %scan3A_551#1 : vector<16xf32>
    %broadcast_in_dim3A_559 = arith.constant 0 : i32
    %broadcast_in_dim3A_560 = vector.broadcast %broadcast_in_dim3A_559 : i32 to vector<16xi32>
    tpu.vector_store_idx %arg22[%add3A_546, %broadcast_in_dim3A_560], %sub3A_555 : memref<128x2xf32, #tpu.memory_space<vmem>>[vector<16xi32>, vector<16xi32>], vector<16xf32>,
    %broadcast_in_dim3A_561 = arith.constant 1 : i32
    %broadcast_in_dim3A_562 = vector.broadcast %broadcast_in_dim3A_561 : i32 to vector<16xi32>
    tpu.vector_store_idx %arg22[%add3A_546, %broadcast_in_dim3A_562], %sub3A_558 : memref<128x2xf32, #tpu.memory_space<vmem>>[vector<16xi32>, vector<16xi32>], vector<16xf32>,
    "tpu.region"() ({
      %run_scoped3A = tpu.sem_alloc : memref<!tpu.dma_semaphore, #tpu.memory_space<semaphore_mem>>
      %dma_start3A_752 = arith.constant 0 : i32
      %dma_start3A_753 = tpu.memref_slice %arg10[%add3A_375, %dma_start3A_752] : memref<16384x2xf32, #tpu.memory_space<hbm>> -> memref<128x2xf32, #tpu.memory_space<hbm>>
      %dma_start3A_754 = arith.constant 0 : i32
      %dma_start3A_755 = tpu.memref_slice %arg10[%add3A_375, %dma_start3A_754] : memref<16384x2xf32, #tpu.memory_space<hbm>> -> memref<128x2xf32, #tpu.memory_space<hbm>>
      tpu.enqueue_dma source(%arg22 : memref<128x2xf32, #tpu.memory_space<vmem>>) target(%dma_start3A_755 : memref<128x2xf32, #tpu.memory_space<hbm>>) target_semaphore(%run_scoped3A : memref<!tpu.dma_semaphore, #tpu.memory_space<semaphore_mem>>)
      %dma_wait3A_756 = arith.constant 0 : i32
      %dma_wait3A_757 = tpu.memref_slice %arg10[%add3A_375, %dma_wait3A_756] : memref<16384x2xf32, #tpu.memory_space<hbm>> -> memref<128x2xf32, #tpu.memory_space<hbm>>
      %dma_wait3A_758 = arith.constant 0 : i32
      %dma_wait3A_759 = tpu.memref_slice %arg10[%add3A_375, %dma_wait3A_758] : memref<16384x2xf32, #tpu.memory_space<hbm>> -> memref<128x2xf32, #tpu.memory_space<hbm>>
      tpu.wait_dma2 semaphore(%run_scoped3A : memref<!tpu.dma_semaphore, #tpu.memory_space<semaphore_mem>>) src(%arg22 : memref<128x2xf32, #tpu.memory_space<vmem>>) dst(%dma_wait3A_759 : memref<128x2xf32, #tpu.memory_space<hbm>>)
      tpu.yield
    }) : () -> ()
    %add3A_563 = arith.constant 384 : i32
    %add3A_564 = arith.addi %mul3A_2, %add3A_563 : i32
    "tpu.region"() ({
      %run_scoped3A = tpu.sem_alloc : memref<!tpu.dma_semaphore, #tpu.memory_space<semaphore_mem>>
      %dma_start3A_752 = tpu.memref_slice %arg2[%add3A_564] : memref<16384xi32, #tpu.memory_space<hbm>> -> memref<128xi32, #tpu.memory_space<hbm>>
      %dma_start3A_753 = tpu.memref_slice %arg2[%add3A_564] : memref<16384xi32, #tpu.memory_space<hbm>> -> memref<128xi32, #tpu.memory_space<hbm>>
      tpu.enqueue_dma source(%dma_start3A_753 : memref<128xi32, #tpu.memory_space<hbm>>) target(%arg11 : memref<128xi32, #tpu.memory_space<vmem>>) target_semaphore(%run_scoped3A : memref<!tpu.dma_semaphore, #tpu.memory_space<semaphore_mem>>)
      %dma_wait3A_754 = tpu.memref_slice %arg2[%add3A_564] : memref<16384xi32, #tpu.memory_space<hbm>> -> memref<128xi32, #tpu.memory_space<hbm>>
      %dma_wait3A_755 = tpu.memref_slice %arg2[%add3A_564] : memref<16384xi32, #tpu.memory_space<hbm>> -> memref<128xi32, #tpu.memory_space<hbm>>
      tpu.wait_dma2 semaphore(%run_scoped3A : memref<!tpu.dma_semaphore, #tpu.memory_space<semaphore_mem>>) src(%dma_wait3A_755 : memref<128xi32, #tpu.memory_space<hbm>>) dst(%arg11 : memref<128xi32, #tpu.memory_space<vmem>>)
      tpu.yield
    }) : () -> ()
    "tpu.region"() ({
      %run_scoped3A = tpu.sem_alloc : memref<!tpu.dma_semaphore, #tpu.memory_space<semaphore_mem>>
      %dma_start3A_752 = tpu.memref_slice %arg3[%add3A_564] : memref<16384xi32, #tpu.memory_space<hbm>> -> memref<128xi32, #tpu.memory_space<hbm>>
      %dma_start3A_753 = tpu.memref_slice %arg3[%add3A_564] : memref<16384xi32, #tpu.memory_space<hbm>> -> memref<128xi32, #tpu.memory_space<hbm>>
      tpu.enqueue_dma source(%dma_start3A_753 : memref<128xi32, #tpu.memory_space<hbm>>) target(%arg12 : memref<128xi32, #tpu.memory_space<vmem>>) target_semaphore(%run_scoped3A : memref<!tpu.dma_semaphore, #tpu.memory_space<semaphore_mem>>)
      %dma_wait3A_754 = tpu.memref_slice %arg3[%add3A_564] : memref<16384xi32, #tpu.memory_space<hbm>> -> memref<128xi32, #tpu.memory_space<hbm>>
      %dma_wait3A_755 = tpu.memref_slice %arg3[%add3A_564] : memref<16384xi32, #tpu.memory_space<hbm>> -> memref<128xi32, #tpu.memory_space<hbm>>
      tpu.wait_dma2 semaphore(%run_scoped3A : memref<!tpu.dma_semaphore, #tpu.memory_space<semaphore_mem>>) src(%dma_wait3A_755 : memref<128xi32, #tpu.memory_space<hbm>>) dst(%arg12 : memref<128xi32, #tpu.memory_space<vmem>>)
      tpu.yield
    }) : () -> ()
    "tpu.region"() ({
      %run_scoped3A = tpu.sem_alloc : memref<!tpu.dma_semaphore, #tpu.memory_space<semaphore_mem>>
      %dma_start3A_752 = tpu.memref_slice %arg4[%add3A_564] : memref<16384xi32, #tpu.memory_space<hbm>> -> memref<128xi32, #tpu.memory_space<hbm>>
      %dma_start3A_753 = tpu.memref_slice %arg4[%add3A_564] : memref<16384xi32, #tpu.memory_space<hbm>> -> memref<128xi32, #tpu.memory_space<hbm>>
      tpu.enqueue_dma source(%dma_start3A_753 : memref<128xi32, #tpu.memory_space<hbm>>) target(%arg13 : memref<128xi32, #tpu.memory_space<vmem>>) target_semaphore(%run_scoped3A : memref<!tpu.dma_semaphore, #tpu.memory_space<semaphore_mem>>)
      %dma_wait3A_754 = tpu.memref_slice %arg4[%add3A_564] : memref<16384xi32, #tpu.memory_space<hbm>> -> memref<128xi32, #tpu.memory_space<hbm>>
      %dma_wait3A_755 = tpu.memref_slice %arg4[%add3A_564] : memref<16384xi32, #tpu.memory_space<hbm>> -> memref<128xi32, #tpu.memory_space<hbm>>
      tpu.wait_dma2 semaphore(%run_scoped3A : memref<!tpu.dma_semaphore, #tpu.memory_space<semaphore_mem>>) src(%dma_wait3A_755 : memref<128xi32, #tpu.memory_space<hbm>>) dst(%arg13 : memref<128xi32, #tpu.memory_space<vmem>>)
      tpu.yield
    }) : () -> ()
    "tpu.region"() ({
      %run_scoped3A = tpu.sem_alloc : memref<!tpu.dma_semaphore, #tpu.memory_space<semaphore_mem>>
      %dma_start3A_752 = tpu.memref_slice %arg5[%add3A_564] : memref<16384xi32, #tpu.memory_space<hbm>> -> memref<128xi32, #tpu.memory_space<hbm>>
      %dma_start3A_753 = tpu.memref_slice %arg5[%add3A_564] : memref<16384xi32, #tpu.memory_space<hbm>> -> memref<128xi32, #tpu.memory_space<hbm>>
      tpu.enqueue_dma source(%dma_start3A_753 : memref<128xi32, #tpu.memory_space<hbm>>) target(%arg14 : memref<128xi32, #tpu.memory_space<vmem>>) target_semaphore(%run_scoped3A : memref<!tpu.dma_semaphore, #tpu.memory_space<semaphore_mem>>)
      %dma_wait3A_754 = tpu.memref_slice %arg5[%add3A_564] : memref<16384xi32, #tpu.memory_space<hbm>> -> memref<128xi32, #tpu.memory_space<hbm>>
      %dma_wait3A_755 = tpu.memref_slice %arg5[%add3A_564] : memref<16384xi32, #tpu.memory_space<hbm>> -> memref<128xi32, #tpu.memory_space<hbm>>
      tpu.wait_dma2 semaphore(%run_scoped3A : memref<!tpu.dma_semaphore, #tpu.memory_space<semaphore_mem>>) src(%dma_wait3A_755 : memref<128xi32, #tpu.memory_space<hbm>>) dst(%arg14 : memref<128xi32, #tpu.memory_space<vmem>>)
      tpu.yield
    }) : () -> ()
    %dma_start3A_565 = arith.constant 0 : i32
    %dma_start3A_566 = arith.constant 0 : i32
    %dma_start3A_567 = tpu.memref_slice %arg7[%dma_start3A_565, %dma_start3A_566] : memref<1000000x64xf32, #tpu.memory_space<hbm>> -> memref<1000000x64xf32, #tpu.memory_space<hbm>>
    tpu.enqueue_indirect_dma source(%dma_start3A_567 : memref<1000000x64xf32, #tpu.memory_space<hbm>>) target(%arg15 : memref<128x64xf32, #tpu.memory_space<vmem>>) offsets(%arg11 : memref<128xi32, #tpu.memory_space<vmem>>) semaphore(%arg23 : memref<!tpu.dma_semaphore, #tpu.memory_space<semaphore_mem>>)
    %dma_start3A_568 = arith.constant 0 : i32
    %dma_start3A_569 = arith.constant 0 : i32
    %dma_start3A_570 = tpu.memref_slice %arg8[%dma_start3A_568, %dma_start3A_569] : memref<1000000x64xf32, #tpu.memory_space<hbm>> -> memref<1000000x64xf32, #tpu.memory_space<hbm>>
    tpu.enqueue_indirect_dma source(%dma_start3A_570 : memref<1000000x64xf32, #tpu.memory_space<hbm>>) target(%arg16 : memref<128x64xf32, #tpu.memory_space<vmem>>) offsets(%arg12 : memref<128xi32, #tpu.memory_space<vmem>>) semaphore(%arg23 : memref<!tpu.dma_semaphore, #tpu.memory_space<semaphore_mem>>)
    %dma_start3A_571 = arith.constant 0 : i32
    %dma_start3A_572 = arith.constant 0 : i32
    %dma_start3A_573 = tpu.memref_slice %arg8[%dma_start3A_571, %dma_start3A_572] : memref<1000000x64xf32, #tpu.memory_space<hbm>> -> memref<1000000x64xf32, #tpu.memory_space<hbm>>
    tpu.enqueue_indirect_dma source(%dma_start3A_573 : memref<1000000x64xf32, #tpu.memory_space<hbm>>) target(%arg17 : memref<128x64xf32, #tpu.memory_space<vmem>>) offsets(%arg13 : memref<128xi32, #tpu.memory_space<vmem>>) semaphore(%arg23 : memref<!tpu.dma_semaphore, #tpu.memory_space<semaphore_mem>>)
    %dma_start3A_574 = arith.constant 0 : i32
    %dma_start3A_575 = arith.constant 0 : i32
    %dma_start3A_576 = tpu.memref_slice %arg8[%dma_start3A_574, %dma_start3A_575] : memref<1000000x64xf32, #tpu.memory_space<hbm>> -> memref<1000000x64xf32, #tpu.memory_space<hbm>>
    tpu.enqueue_indirect_dma source(%dma_start3A_576 : memref<1000000x64xf32, #tpu.memory_space<hbm>>) target(%arg18 : memref<128x64xf32, #tpu.memory_space<vmem>>) offsets(%arg14 : memref<128xi32, #tpu.memory_space<vmem>>) semaphore(%arg23 : memref<!tpu.dma_semaphore, #tpu.memory_space<semaphore_mem>>)
    %dma_start3A_577 = arith.constant 0 : i32
    %dma_start3A_578 = tpu.memref_slice %arg9[%dma_start3A_577] : memref<1000000xf32, #tpu.memory_space<hbm>> -> memref<1000000xf32, #tpu.memory_space<hbm>>
    tpu.enqueue_indirect_dma source(%dma_start3A_578 : memref<1000000xf32, #tpu.memory_space<hbm>>) target(%arg19 : memref<128xf32, #tpu.memory_space<vmem>>) offsets(%arg13 : memref<128xi32, #tpu.memory_space<vmem>>) semaphore(%arg23 : memref<!tpu.dma_semaphore, #tpu.memory_space<semaphore_mem>>)
    %dma_start3A_579 = arith.constant 0 : i32
    %dma_start3A_580 = tpu.memref_slice %arg9[%dma_start3A_579] : memref<1000000xf32, #tpu.memory_space<hbm>> -> memref<1000000xf32, #tpu.memory_space<hbm>>
    tpu.enqueue_indirect_dma source(%dma_start3A_580 : memref<1000000xf32, #tpu.memory_space<hbm>>) target(%arg20 : memref<128xf32, #tpu.memory_space<vmem>>) offsets(%arg14 : memref<128xi32, #tpu.memory_space<vmem>>) semaphore(%arg23 : memref<!tpu.dma_semaphore, #tpu.memory_space<semaphore_mem>>)
    %dma_wait3A_581 = arith.constant 0 : i32
    %dma_wait3A_582 = arith.constant 0 : i32
    %dma_wait3A_583 = tpu.memref_slice %arg7[%dma_wait3A_581, %dma_wait3A_582] : memref<1000000x64xf32, #tpu.memory_space<hbm>> -> memref<1000000x64xf32, #tpu.memory_space<hbm>>
    tpu.wait_indirect_dma semaphore(%arg23 : memref<!tpu.dma_semaphore, #tpu.memory_space<semaphore_mem>>) src(%dma_wait3A_583 : memref<1000000x64xf32, #tpu.memory_space<hbm>>) dst(%arg15 : memref<128x64xf32, #tpu.memory_space<vmem>>)
    %dma_wait3A_584 = arith.constant 0 : i32
    %dma_wait3A_585 = arith.constant 0 : i32
    %dma_wait3A_586 = tpu.memref_slice %arg8[%dma_wait3A_584, %dma_wait3A_585] : memref<1000000x64xf32, #tpu.memory_space<hbm>> -> memref<1000000x64xf32, #tpu.memory_space<hbm>>
    tpu.wait_indirect_dma semaphore(%arg23 : memref<!tpu.dma_semaphore, #tpu.memory_space<semaphore_mem>>) src(%dma_wait3A_586 : memref<1000000x64xf32, #tpu.memory_space<hbm>>) dst(%arg16 : memref<128x64xf32, #tpu.memory_space<vmem>>)
    %dma_wait3A_587 = arith.constant 0 : i32
    %dma_wait3A_588 = arith.constant 0 : i32
    %dma_wait3A_589 = tpu.memref_slice %arg8[%dma_wait3A_587, %dma_wait3A_588] : memref<1000000x64xf32, #tpu.memory_space<hbm>> -> memref<1000000x64xf32, #tpu.memory_space<hbm>>
    tpu.wait_indirect_dma semaphore(%arg23 : memref<!tpu.dma_semaphore, #tpu.memory_space<semaphore_mem>>) src(%dma_wait3A_589 : memref<1000000x64xf32, #tpu.memory_space<hbm>>) dst(%arg17 : memref<128x64xf32, #tpu.memory_space<vmem>>)
    %dma_wait3A_590 = arith.constant 0 : i32
    %dma_wait3A_591 = arith.constant 0 : i32
    %dma_wait3A_592 = tpu.memref_slice %arg8[%dma_wait3A_590, %dma_wait3A_591] : memref<1000000x64xf32, #tpu.memory_space<hbm>> -> memref<1000000x64xf32, #tpu.memory_space<hbm>>
    tpu.wait_indirect_dma semaphore(%arg23 : memref<!tpu.dma_semaphore, #tpu.memory_space<semaphore_mem>>) src(%dma_wait3A_592 : memref<1000000x64xf32, #tpu.memory_space<hbm>>) dst(%arg18 : memref<128x64xf32, #tpu.memory_space<vmem>>)
    %dma_wait3A_593 = arith.constant 0 : i32
    %dma_wait3A_594 = tpu.memref_slice %arg9[%dma_wait3A_593] : memref<1000000xf32, #tpu.memory_space<hbm>> -> memref<1000000xf32, #tpu.memory_space<hbm>>
    tpu.wait_indirect_dma semaphore(%arg23 : memref<!tpu.dma_semaphore, #tpu.memory_space<semaphore_mem>>) src(%dma_wait3A_594 : memref<1000000xf32, #tpu.memory_space<hbm>>) dst(%arg19 : memref<128xf32, #tpu.memory_space<vmem>>)
    %dma_wait3A_595 = arith.constant 0 : i32
    %dma_wait3A_596 = tpu.memref_slice %arg9[%dma_wait3A_595] : memref<1000000xf32, #tpu.memory_space<hbm>> -> memref<1000000xf32, #tpu.memory_space<hbm>>
    tpu.wait_indirect_dma semaphore(%arg23 : memref<!tpu.dma_semaphore, #tpu.memory_space<semaphore_mem>>) src(%dma_wait3A_596 : memref<1000000xf32, #tpu.memory_space<hbm>>) dst(%arg20 : memref<128xf32, #tpu.memory_space<vmem>>)
    %iota3A_597 = tpu.iota {dimensions = array<i32: 0>} : vector<16xi32>
    %broadcast_in_dim3A_598 = arith.constant 0.000000e+00 : f32
    %broadcast_in_dim3A_599 = vector.broadcast %broadcast_in_dim3A_598 : f32 to vector<16xf32>
    %add3A_600 = arith.constant 0 : i32
    %add3A_601 = vector.broadcast %add3A_600 : i32 to vector<16xi32>
    %add3A_602 = arith.addi %iota3A_597, %add3A_601 : vector<16xi32>
    %scan3A_603 = arith.constant 0 : i32
    %scan3A_604 = arith.constant 64 : i32
    %scan3A_605 = arith.addi %scan3A_603, %scan3A_604 : i32
    %scan3A_606 = arith.constant 1 : i32
    %scan3A_607:2 = scf.for %scan3A_752 = %scan3A_603 to %scan3A_605 step %scan3A_606 iter_args(%scan3A_753 = %broadcast_in_dim3A_599, %scan3A_754 = %broadcast_in_dim3A_599) -> (vector<16xf32>, vector<16xf32>)  : i32 {
      %broadcast_in_dim3A_755 = vector.broadcast %scan3A_752 : i32 to vector<16xi32>
      %gather3A = tpu.vector_load_idx %arg15[%add3A_602, %broadcast_in_dim3A_755] : memref<128x64xf32, #tpu.memory_space<vmem>>[vector<16xi32>, vector<16xi32>], vector<16xf32>,
      %gather3A_756 = tpu.vector_load_idx %arg16[%add3A_602, %broadcast_in_dim3A_755] : memref<128x64xf32, #tpu.memory_space<vmem>>[vector<16xi32>, vector<16xi32>], vector<16xf32>,
      %gather3A_757 = tpu.vector_load_idx %arg21[%broadcast_in_dim3A_755] : memref<64xf32, #tpu.memory_space<vmem>>[vector<16xi32>], vector<16xf32>,
      %add3A_758 = arith.addf %gather3A, %gather3A_756 : vector<16xf32>
      %add3A_759 = arith.addf %add3A_758, %gather3A_757 : vector<16xf32>
      %gather3A_760 = tpu.vector_load_idx %arg17[%add3A_602, %broadcast_in_dim3A_755] : memref<128x64xf32, #tpu.memory_space<vmem>>[vector<16xi32>, vector<16xi32>], vector<16xf32>,
      %gather3A_761 = tpu.vector_load_idx %arg18[%add3A_602, %broadcast_in_dim3A_755] : memref<128x64xf32, #tpu.memory_space<vmem>>[vector<16xi32>, vector<16xi32>], vector<16xf32>,
      %sub3A_762 = arith.subf %add3A_759, %gather3A_760 : vector<16xf32>
      %sub3A_763 = arith.subf %add3A_759, %gather3A_761 : vector<16xf32>
      %mul3A_764 = arith.mulf %sub3A_762, %sub3A_762 : vector<16xf32>
      %add3A_765 = arith.addf %scan3A_753, %mul3A_764 : vector<16xf32>
      %mul3A_766 = arith.mulf %sub3A_763, %sub3A_763 : vector<16xf32>
      %add3A_767 = arith.addf %scan3A_754, %mul3A_766 : vector<16xf32>
      scf.yield %add3A_765, %add3A_767 : vector<16xf32>, vector<16xf32>
    }
    %scan3A_608 = arith.constant 64 : i32
    %get3A_609 = arith.constant 0 : index
    %get3A_610 = tpu.vector_load %arg19[%get3A_609] {strides = array<i32>} : memref<128xf32, #tpu.memory_space<vmem>>, vector<16xf32>,
    %sub3A_611 = arith.subf %get3A_610, %scan3A_607#0 : vector<16xf32>
    %get3A_612 = arith.constant 0 : index
    %get3A_613 = tpu.vector_load %arg20[%get3A_612] {strides = array<i32>} : memref<128xf32, #tpu.memory_space<vmem>>, vector<16xf32>,
    %sub3A_614 = arith.subf %get3A_613, %scan3A_607#1 : vector<16xf32>
    %broadcast_in_dim3A_615 = arith.constant 0 : i32
    %broadcast_in_dim3A_616 = vector.broadcast %broadcast_in_dim3A_615 : i32 to vector<16xi32>
    tpu.vector_store_idx %arg22[%add3A_602, %broadcast_in_dim3A_616], %sub3A_611 : memref<128x2xf32, #tpu.memory_space<vmem>>[vector<16xi32>, vector<16xi32>], vector<16xf32>,
    %broadcast_in_dim3A_617 = arith.constant 1 : i32
    %broadcast_in_dim3A_618 = vector.broadcast %broadcast_in_dim3A_617 : i32 to vector<16xi32>
    tpu.vector_store_idx %arg22[%add3A_602, %broadcast_in_dim3A_618], %sub3A_614 : memref<128x2xf32, #tpu.memory_space<vmem>>[vector<16xi32>, vector<16xi32>], vector<16xf32>,
    %add3A_619 = arith.constant 16 : i32
    %add3A_620 = vector.broadcast %add3A_619 : i32 to vector<16xi32>
    %add3A_621 = arith.addi %iota3A_597, %add3A_620 : vector<16xi32>
    %scan3A_622 = arith.constant 0 : i32
    %scan3A_623 = arith.constant 64 : i32
    %scan3A_624 = arith.addi %scan3A_622, %scan3A_623 : i32
    %scan3A_625 = arith.constant 1 : i32
    %scan3A_626:2 = scf.for %scan3A_752 = %scan3A_622 to %scan3A_624 step %scan3A_625 iter_args(%scan3A_753 = %broadcast_in_dim3A_599, %scan3A_754 = %broadcast_in_dim3A_599) -> (vector<16xf32>, vector<16xf32>)  : i32 {
      %broadcast_in_dim3A_755 = vector.broadcast %scan3A_752 : i32 to vector<16xi32>
      %gather3A = tpu.vector_load_idx %arg15[%add3A_621, %broadcast_in_dim3A_755] : memref<128x64xf32, #tpu.memory_space<vmem>>[vector<16xi32>, vector<16xi32>], vector<16xf32>,
      %gather3A_756 = tpu.vector_load_idx %arg16[%add3A_621, %broadcast_in_dim3A_755] : memref<128x64xf32, #tpu.memory_space<vmem>>[vector<16xi32>, vector<16xi32>], vector<16xf32>,
      %gather3A_757 = tpu.vector_load_idx %arg21[%broadcast_in_dim3A_755] : memref<64xf32, #tpu.memory_space<vmem>>[vector<16xi32>], vector<16xf32>,
      %add3A_758 = arith.addf %gather3A, %gather3A_756 : vector<16xf32>
      %add3A_759 = arith.addf %add3A_758, %gather3A_757 : vector<16xf32>
      %gather3A_760 = tpu.vector_load_idx %arg17[%add3A_621, %broadcast_in_dim3A_755] : memref<128x64xf32, #tpu.memory_space<vmem>>[vector<16xi32>, vector<16xi32>], vector<16xf32>,
      %gather3A_761 = tpu.vector_load_idx %arg18[%add3A_621, %broadcast_in_dim3A_755] : memref<128x64xf32, #tpu.memory_space<vmem>>[vector<16xi32>, vector<16xi32>], vector<16xf32>,
      %sub3A_762 = arith.subf %add3A_759, %gather3A_760 : vector<16xf32>
      %sub3A_763 = arith.subf %add3A_759, %gather3A_761 : vector<16xf32>
      %mul3A_764 = arith.mulf %sub3A_762, %sub3A_762 : vector<16xf32>
      %add3A_765 = arith.addf %scan3A_753, %mul3A_764 : vector<16xf32>
      %mul3A_766 = arith.mulf %sub3A_763, %sub3A_763 : vector<16xf32>
      %add3A_767 = arith.addf %scan3A_754, %mul3A_766 : vector<16xf32>
      scf.yield %add3A_765, %add3A_767 : vector<16xf32>, vector<16xf32>
    }
    %scan3A_627 = arith.constant 64 : i32
    %get3A_628 = arith.constant 16 : index
    %get3A_629 = tpu.vector_load %arg19[%get3A_628] {strides = array<i32>} : memref<128xf32, #tpu.memory_space<vmem>>, vector<16xf32>,
    %sub3A_630 = arith.subf %get3A_629, %scan3A_626#0 : vector<16xf32>
    %get3A_631 = arith.constant 16 : index
    %get3A_632 = tpu.vector_load %arg20[%get3A_631] {strides = array<i32>} : memref<128xf32, #tpu.memory_space<vmem>>, vector<16xf32>,
    %sub3A_633 = arith.subf %get3A_632, %scan3A_626#1 : vector<16xf32>
    %broadcast_in_dim3A_634 = arith.constant 0 : i32
    %broadcast_in_dim3A_635 = vector.broadcast %broadcast_in_dim3A_634 : i32 to vector<16xi32>
    tpu.vector_store_idx %arg22[%add3A_621, %broadcast_in_dim3A_635], %sub3A_630 : memref<128x2xf32, #tpu.memory_space<vmem>>[vector<16xi32>, vector<16xi32>], vector<16xf32>,
    %broadcast_in_dim3A_636 = arith.constant 1 : i32
    %broadcast_in_dim3A_637 = vector.broadcast %broadcast_in_dim3A_636 : i32 to vector<16xi32>
    tpu.vector_store_idx %arg22[%add3A_621, %broadcast_in_dim3A_637], %sub3A_633 : memref<128x2xf32, #tpu.memory_space<vmem>>[vector<16xi32>, vector<16xi32>], vector<16xf32>,
    %add3A_638 = arith.constant 32 : i32
    %add3A_639 = vector.broadcast %add3A_638 : i32 to vector<16xi32>
    %add3A_640 = arith.addi %iota3A_597, %add3A_639 : vector<16xi32>
    %scan3A_641 = arith.constant 0 : i32
    %scan3A_642 = arith.constant 64 : i32
    %scan3A_643 = arith.addi %scan3A_641, %scan3A_642 : i32
    %scan3A_644 = arith.constant 1 : i32
    %scan3A_645:2 = scf.for %scan3A_752 = %scan3A_641 to %scan3A_643 step %scan3A_644 iter_args(%scan3A_753 = %broadcast_in_dim3A_599, %scan3A_754 = %broadcast_in_dim3A_599) -> (vector<16xf32>, vector<16xf32>)  : i32 {
      %broadcast_in_dim3A_755 = vector.broadcast %scan3A_752 : i32 to vector<16xi32>
      %gather3A = tpu.vector_load_idx %arg15[%add3A_640, %broadcast_in_dim3A_755] : memref<128x64xf32, #tpu.memory_space<vmem>>[vector<16xi32>, vector<16xi32>], vector<16xf32>,
      %gather3A_756 = tpu.vector_load_idx %arg16[%add3A_640, %broadcast_in_dim3A_755] : memref<128x64xf32, #tpu.memory_space<vmem>>[vector<16xi32>, vector<16xi32>], vector<16xf32>,
      %gather3A_757 = tpu.vector_load_idx %arg21[%broadcast_in_dim3A_755] : memref<64xf32, #tpu.memory_space<vmem>>[vector<16xi32>], vector<16xf32>,
      %add3A_758 = arith.addf %gather3A, %gather3A_756 : vector<16xf32>
      %add3A_759 = arith.addf %add3A_758, %gather3A_757 : vector<16xf32>
      %gather3A_760 = tpu.vector_load_idx %arg17[%add3A_640, %broadcast_in_dim3A_755] : memref<128x64xf32, #tpu.memory_space<vmem>>[vector<16xi32>, vector<16xi32>], vector<16xf32>,
      %gather3A_761 = tpu.vector_load_idx %arg18[%add3A_640, %broadcast_in_dim3A_755] : memref<128x64xf32, #tpu.memory_space<vmem>>[vector<16xi32>, vector<16xi32>], vector<16xf32>,
      %sub3A_762 = arith.subf %add3A_759, %gather3A_760 : vector<16xf32>
      %sub3A_763 = arith.subf %add3A_759, %gather3A_761 : vector<16xf32>
      %mul3A_764 = arith.mulf %sub3A_762, %sub3A_762 : vector<16xf32>
      %add3A_765 = arith.addf %scan3A_753, %mul3A_764 : vector<16xf32>
      %mul3A_766 = arith.mulf %sub3A_763, %sub3A_763 : vector<16xf32>
      %add3A_767 = arith.addf %scan3A_754, %mul3A_766 : vector<16xf32>
      scf.yield %add3A_765, %add3A_767 : vector<16xf32>, vector<16xf32>
    }
    %scan3A_646 = arith.constant 64 : i32
    %get3A_647 = arith.constant 32 : index
    %get3A_648 = tpu.vector_load %arg19[%get3A_647] {strides = array<i32>} : memref<128xf32, #tpu.memory_space<vmem>>, vector<16xf32>,
    %sub3A_649 = arith.subf %get3A_648, %scan3A_645#0 : vector<16xf32>
    %get3A_650 = arith.constant 32 : index
    %get3A_651 = tpu.vector_load %arg20[%get3A_650] {strides = array<i32>} : memref<128xf32, #tpu.memory_space<vmem>>, vector<16xf32>,
    %sub3A_652 = arith.subf %get3A_651, %scan3A_645#1 : vector<16xf32>
    %broadcast_in_dim3A_653 = arith.constant 0 : i32
    %broadcast_in_dim3A_654 = vector.broadcast %broadcast_in_dim3A_653 : i32 to vector<16xi32>
    tpu.vector_store_idx %arg22[%add3A_640, %broadcast_in_dim3A_654], %sub3A_649 : memref<128x2xf32, #tpu.memory_space<vmem>>[vector<16xi32>, vector<16xi32>], vector<16xf32>,
    %broadcast_in_dim3A_655 = arith.constant 1 : i32
    %broadcast_in_dim3A_656 = vector.broadcast %broadcast_in_dim3A_655 : i32 to vector<16xi32>
    tpu.vector_store_idx %arg22[%add3A_640, %broadcast_in_dim3A_656], %sub3A_652 : memref<128x2xf32, #tpu.memory_space<vmem>>[vector<16xi32>, vector<16xi32>], vector<16xf32>,
    %add3A_657 = arith.constant 48 : i32
    %add3A_658 = vector.broadcast %add3A_657 : i32 to vector<16xi32>
    %add3A_659 = arith.addi %iota3A_597, %add3A_658 : vector<16xi32>
    %scan3A_660 = arith.constant 0 : i32
    %scan3A_661 = arith.constant 64 : i32
    %scan3A_662 = arith.addi %scan3A_660, %scan3A_661 : i32
    %scan3A_663 = arith.constant 1 : i32
    %scan3A_664:2 = scf.for %scan3A_752 = %scan3A_660 to %scan3A_662 step %scan3A_663 iter_args(%scan3A_753 = %broadcast_in_dim3A_599, %scan3A_754 = %broadcast_in_dim3A_599) -> (vector<16xf32>, vector<16xf32>)  : i32 {
      %broadcast_in_dim3A_755 = vector.broadcast %scan3A_752 : i32 to vector<16xi32>
      %gather3A = tpu.vector_load_idx %arg15[%add3A_659, %broadcast_in_dim3A_755] : memref<128x64xf32, #tpu.memory_space<vmem>>[vector<16xi32>, vector<16xi32>], vector<16xf32>,
      %gather3A_756 = tpu.vector_load_idx %arg16[%add3A_659, %broadcast_in_dim3A_755] : memref<128x64xf32, #tpu.memory_space<vmem>>[vector<16xi32>, vector<16xi32>], vector<16xf32>,
      %gather3A_757 = tpu.vector_load_idx %arg21[%broadcast_in_dim3A_755] : memref<64xf32, #tpu.memory_space<vmem>>[vector<16xi32>], vector<16xf32>,
      %add3A_758 = arith.addf %gather3A, %gather3A_756 : vector<16xf32>
      %add3A_759 = arith.addf %add3A_758, %gather3A_757 : vector<16xf32>
      %gather3A_760 = tpu.vector_load_idx %arg17[%add3A_659, %broadcast_in_dim3A_755] : memref<128x64xf32, #tpu.memory_space<vmem>>[vector<16xi32>, vector<16xi32>], vector<16xf32>,
      %gather3A_761 = tpu.vector_load_idx %arg18[%add3A_659, %broadcast_in_dim3A_755] : memref<128x64xf32, #tpu.memory_space<vmem>>[vector<16xi32>, vector<16xi32>], vector<16xf32>,
      %sub3A_762 = arith.subf %add3A_759, %gather3A_760 : vector<16xf32>
      %sub3A_763 = arith.subf %add3A_759, %gather3A_761 : vector<16xf32>
      %mul3A_764 = arith.mulf %sub3A_762, %sub3A_762 : vector<16xf32>
      %add3A_765 = arith.addf %scan3A_753, %mul3A_764 : vector<16xf32>
      %mul3A_766 = arith.mulf %sub3A_763, %sub3A_763 : vector<16xf32>
      %add3A_767 = arith.addf %scan3A_754, %mul3A_766 : vector<16xf32>
      scf.yield %add3A_765, %add3A_767 : vector<16xf32>, vector<16xf32>
    }
    %scan3A_665 = arith.constant 64 : i32
    %get3A_666 = arith.constant 48 : index
    %get3A_667 = tpu.vector_load %arg19[%get3A_666] {strides = array<i32>} : memref<128xf32, #tpu.memory_space<vmem>>, vector<16xf32>,
    %sub3A_668 = arith.subf %get3A_667, %scan3A_664#0 : vector<16xf32>
    %get3A_669 = arith.constant 48 : index
    %get3A_670 = tpu.vector_load %arg20[%get3A_669] {strides = array<i32>} : memref<128xf32, #tpu.memory_space<vmem>>, vector<16xf32>,
    %sub3A_671 = arith.subf %get3A_670, %scan3A_664#1 : vector<16xf32>
    %broadcast_in_dim3A_672 = arith.constant 0 : i32
    %broadcast_in_dim3A_673 = vector.broadcast %broadcast_in_dim3A_672 : i32 to vector<16xi32>
    tpu.vector_store_idx %arg22[%add3A_659, %broadcast_in_dim3A_673], %sub3A_668 : memref<128x2xf32, #tpu.memory_space<vmem>>[vector<16xi32>, vector<16xi32>], vector<16xf32>,
    %broadcast_in_dim3A_674 = arith.constant 1 : i32
    %broadcast_in_dim3A_675 = vector.broadcast %broadcast_in_dim3A_674 : i32 to vector<16xi32>
    tpu.vector_store_idx %arg22[%add3A_659, %broadcast_in_dim3A_675], %sub3A_671 : memref<128x2xf32, #tpu.memory_space<vmem>>[vector<16xi32>, vector<16xi32>], vector<16xf32>,
    %add3A_676 = arith.constant 64 : i32
    %add3A_677 = vector.broadcast %add3A_676 : i32 to vector<16xi32>
    %add3A_678 = arith.addi %iota3A_597, %add3A_677 : vector<16xi32>
    %scan3A_679 = arith.constant 0 : i32
    %scan3A_680 = arith.constant 64 : i32
    %scan3A_681 = arith.addi %scan3A_679, %scan3A_680 : i32
    %scan3A_682 = arith.constant 1 : i32
    %scan3A_683:2 = scf.for %scan3A_752 = %scan3A_679 to %scan3A_681 step %scan3A_682 iter_args(%scan3A_753 = %broadcast_in_dim3A_599, %scan3A_754 = %broadcast_in_dim3A_599) -> (vector<16xf32>, vector<16xf32>)  : i32 {
      %broadcast_in_dim3A_755 = vector.broadcast %scan3A_752 : i32 to vector<16xi32>
      %gather3A = tpu.vector_load_idx %arg15[%add3A_678, %broadcast_in_dim3A_755] : memref<128x64xf32, #tpu.memory_space<vmem>>[vector<16xi32>, vector<16xi32>], vector<16xf32>,
      %gather3A_756 = tpu.vector_load_idx %arg16[%add3A_678, %broadcast_in_dim3A_755] : memref<128x64xf32, #tpu.memory_space<vmem>>[vector<16xi32>, vector<16xi32>], vector<16xf32>,
      %gather3A_757 = tpu.vector_load_idx %arg21[%broadcast_in_dim3A_755] : memref<64xf32, #tpu.memory_space<vmem>>[vector<16xi32>], vector<16xf32>,
      %add3A_758 = arith.addf %gather3A, %gather3A_756 : vector<16xf32>
      %add3A_759 = arith.addf %add3A_758, %gather3A_757 : vector<16xf32>
      %gather3A_760 = tpu.vector_load_idx %arg17[%add3A_678, %broadcast_in_dim3A_755] : memref<128x64xf32, #tpu.memory_space<vmem>>[vector<16xi32>, vector<16xi32>], vector<16xf32>,
      %gather3A_761 = tpu.vector_load_idx %arg18[%add3A_678, %broadcast_in_dim3A_755] : memref<128x64xf32, #tpu.memory_space<vmem>>[vector<16xi32>, vector<16xi32>], vector<16xf32>,
      %sub3A_762 = arith.subf %add3A_759, %gather3A_760 : vector<16xf32>
      %sub3A_763 = arith.subf %add3A_759, %gather3A_761 : vector<16xf32>
      %mul3A_764 = arith.mulf %sub3A_762, %sub3A_762 : vector<16xf32>
      %add3A_765 = arith.addf %scan3A_753, %mul3A_764 : vector<16xf32>
      %mul3A_766 = arith.mulf %sub3A_763, %sub3A_763 : vector<16xf32>
      %add3A_767 = arith.addf %scan3A_754, %mul3A_766 : vector<16xf32>
      scf.yield %add3A_765, %add3A_767 : vector<16xf32>, vector<16xf32>
    }
    %scan3A_684 = arith.constant 64 : i32
    %get3A_685 = arith.constant 64 : index
    %get3A_686 = tpu.vector_load %arg19[%get3A_685] {strides = array<i32>} : memref<128xf32, #tpu.memory_space<vmem>>, vector<16xf32>,
    %sub3A_687 = arith.subf %get3A_686, %scan3A_683#0 : vector<16xf32>
    %get3A_688 = arith.constant 64 : index
    %get3A_689 = tpu.vector_load %arg20[%get3A_688] {strides = array<i32>} : memref<128xf32, #tpu.memory_space<vmem>>, vector<16xf32>,
    %sub3A_690 = arith.subf %get3A_689, %scan3A_683#1 : vector<16xf32>
    %broadcast_in_dim3A_691 = arith.constant 0 : i32
    %broadcast_in_dim3A_692 = vector.broadcast %broadcast_in_dim3A_691 : i32 to vector<16xi32>
    tpu.vector_store_idx %arg22[%add3A_678, %broadcast_in_dim3A_692], %sub3A_687 : memref<128x2xf32, #tpu.memory_space<vmem>>[vector<16xi32>, vector<16xi32>], vector<16xf32>,
    %broadcast_in_dim3A_693 = arith.constant 1 : i32
    %broadcast_in_dim3A_694 = vector.broadcast %broadcast_in_dim3A_693 : i32 to vector<16xi32>
    tpu.vector_store_idx %arg22[%add3A_678, %broadcast_in_dim3A_694], %sub3A_690 : memref<128x2xf32, #tpu.memory_space<vmem>>[vector<16xi32>, vector<16xi32>], vector<16xf32>,
    %add3A_695 = arith.constant 80 : i32
    %add3A_696 = vector.broadcast %add3A_695 : i32 to vector<16xi32>
    %add3A_697 = arith.addi %iota3A_597, %add3A_696 : vector<16xi32>
    %scan3A_698 = arith.constant 0 : i32
    %scan3A_699 = arith.constant 64 : i32
    %scan3A_700 = arith.addi %scan3A_698, %scan3A_699 : i32
    %scan3A_701 = arith.constant 1 : i32
    %scan3A_702:2 = scf.for %scan3A_752 = %scan3A_698 to %scan3A_700 step %scan3A_701 iter_args(%scan3A_753 = %broadcast_in_dim3A_599, %scan3A_754 = %broadcast_in_dim3A_599) -> (vector<16xf32>, vector<16xf32>)  : i32 {
      %broadcast_in_dim3A_755 = vector.broadcast %scan3A_752 : i32 to vector<16xi32>
      %gather3A = tpu.vector_load_idx %arg15[%add3A_697, %broadcast_in_dim3A_755] : memref<128x64xf32, #tpu.memory_space<vmem>>[vector<16xi32>, vector<16xi32>], vector<16xf32>,
      %gather3A_756 = tpu.vector_load_idx %arg16[%add3A_697, %broadcast_in_dim3A_755] : memref<128x64xf32, #tpu.memory_space<vmem>>[vector<16xi32>, vector<16xi32>], vector<16xf32>,
      %gather3A_757 = tpu.vector_load_idx %arg21[%broadcast_in_dim3A_755] : memref<64xf32, #tpu.memory_space<vmem>>[vector<16xi32>], vector<16xf32>,
      %add3A_758 = arith.addf %gather3A, %gather3A_756 : vector<16xf32>
      %add3A_759 = arith.addf %add3A_758, %gather3A_757 : vector<16xf32>
      %gather3A_760 = tpu.vector_load_idx %arg17[%add3A_697, %broadcast_in_dim3A_755] : memref<128x64xf32, #tpu.memory_space<vmem>>[vector<16xi32>, vector<16xi32>], vector<16xf32>,
      %gather3A_761 = tpu.vector_load_idx %arg18[%add3A_697, %broadcast_in_dim3A_755] : memref<128x64xf32, #tpu.memory_space<vmem>>[vector<16xi32>, vector<16xi32>], vector<16xf32>,
      %sub3A_762 = arith.subf %add3A_759, %gather3A_760 : vector<16xf32>
      %sub3A_763 = arith.subf %add3A_759, %gather3A_761 : vector<16xf32>
      %mul3A_764 = arith.mulf %sub3A_762, %sub3A_762 : vector<16xf32>
      %add3A_765 = arith.addf %scan3A_753, %mul3A_764 : vector<16xf32>
      %mul3A_766 = arith.mulf %sub3A_763, %sub3A_763 : vector<16xf32>
      %add3A_767 = arith.addf %scan3A_754, %mul3A_766 : vector<16xf32>
      scf.yield %add3A_765, %add3A_767 : vector<16xf32>, vector<16xf32>
    }
    %scan3A_703 = arith.constant 64 : i32
    %get3A_704 = arith.constant 80 : index
    %get3A_705 = tpu.vector_load %arg19[%get3A_704] {strides = array<i32>} : memref<128xf32, #tpu.memory_space<vmem>>, vector<16xf32>,
    %sub3A_706 = arith.subf %get3A_705, %scan3A_702#0 : vector<16xf32>
    %get3A_707 = arith.constant 80 : index
    %get3A_708 = tpu.vector_load %arg20[%get3A_707] {strides = array<i32>} : memref<128xf32, #tpu.memory_space<vmem>>, vector<16xf32>,
    %sub3A_709 = arith.subf %get3A_708, %scan3A_702#1 : vector<16xf32>
    %broadcast_in_dim3A_710 = arith.constant 0 : i32
    %broadcast_in_dim3A_711 = vector.broadcast %broadcast_in_dim3A_710 : i32 to vector<16xi32>
    tpu.vector_store_idx %arg22[%add3A_697, %broadcast_in_dim3A_711], %sub3A_706 : memref<128x2xf32, #tpu.memory_space<vmem>>[vector<16xi32>, vector<16xi32>], vector<16xf32>,
    %broadcast_in_dim3A_712 = arith.constant 1 : i32
    %broadcast_in_dim3A_713 = vector.broadcast %broadcast_in_dim3A_712 : i32 to vector<16xi32>
    tpu.vector_store_idx %arg22[%add3A_697, %broadcast_in_dim3A_713], %sub3A_709 : memref<128x2xf32, #tpu.memory_space<vmem>>[vector<16xi32>, vector<16xi32>], vector<16xf32>,
    %add3A_714 = arith.constant 96 : i32
    %add3A_715 = vector.broadcast %add3A_714 : i32 to vector<16xi32>
    %add3A_716 = arith.addi %iota3A_597, %add3A_715 : vector<16xi32>
    %scan3A_717 = arith.constant 0 : i32
    %scan3A_718 = arith.constant 64 : i32
    %scan3A_719 = arith.addi %scan3A_717, %scan3A_718 : i32
    %scan3A_720 = arith.constant 1 : i32
    %scan3A_721:2 = scf.for %scan3A_752 = %scan3A_717 to %scan3A_719 step %scan3A_720 iter_args(%scan3A_753 = %broadcast_in_dim3A_599, %scan3A_754 = %broadcast_in_dim3A_599) -> (vector<16xf32>, vector<16xf32>)  : i32 {
      %broadcast_in_dim3A_755 = vector.broadcast %scan3A_752 : i32 to vector<16xi32>
      %gather3A = tpu.vector_load_idx %arg15[%add3A_716, %broadcast_in_dim3A_755] : memref<128x64xf32, #tpu.memory_space<vmem>>[vector<16xi32>, vector<16xi32>], vector<16xf32>,
      %gather3A_756 = tpu.vector_load_idx %arg16[%add3A_716, %broadcast_in_dim3A_755] : memref<128x64xf32, #tpu.memory_space<vmem>>[vector<16xi32>, vector<16xi32>], vector<16xf32>,
      %gather3A_757 = tpu.vector_load_idx %arg21[%broadcast_in_dim3A_755] : memref<64xf32, #tpu.memory_space<vmem>>[vector<16xi32>], vector<16xf32>,
      %add3A_758 = arith.addf %gather3A, %gather3A_756 : vector<16xf32>
      %add3A_759 = arith.addf %add3A_758, %gather3A_757 : vector<16xf32>
      %gather3A_760 = tpu.vector_load_idx %arg17[%add3A_716, %broadcast_in_dim3A_755] : memref<128x64xf32, #tpu.memory_space<vmem>>[vector<16xi32>, vector<16xi32>], vector<16xf32>,
      %gather3A_761 = tpu.vector_load_idx %arg18[%add3A_716, %broadcast_in_dim3A_755] : memref<128x64xf32, #tpu.memory_space<vmem>>[vector<16xi32>, vector<16xi32>], vector<16xf32>,
      %sub3A_762 = arith.subf %add3A_759, %gather3A_760 : vector<16xf32>
      %sub3A_763 = arith.subf %add3A_759, %gather3A_761 : vector<16xf32>
      %mul3A_764 = arith.mulf %sub3A_762, %sub3A_762 : vector<16xf32>
      %add3A_765 = arith.addf %scan3A_753, %mul3A_764 : vector<16xf32>
      %mul3A_766 = arith.mulf %sub3A_763, %sub3A_763 : vector<16xf32>
      %add3A_767 = arith.addf %scan3A_754, %mul3A_766 : vector<16xf32>
      scf.yield %add3A_765, %add3A_767 : vector<16xf32>, vector<16xf32>
    }
    %scan3A_722 = arith.constant 64 : i32
    %get3A_723 = arith.constant 96 : index
    %get3A_724 = tpu.vector_load %arg19[%get3A_723] {strides = array<i32>} : memref<128xf32, #tpu.memory_space<vmem>>, vector<16xf32>,
    %sub3A_725 = arith.subf %get3A_724, %scan3A_721#0 : vector<16xf32>
    %get3A_726 = arith.constant 96 : index
    %get3A_727 = tpu.vector_load %arg20[%get3A_726] {strides = array<i32>} : memref<128xf32, #tpu.memory_space<vmem>>, vector<16xf32>,
    %sub3A_728 = arith.subf %get3A_727, %scan3A_721#1 : vector<16xf32>
    %broadcast_in_dim3A_729 = arith.constant 0 : i32
    %broadcast_in_dim3A_730 = vector.broadcast %broadcast_in_dim3A_729 : i32 to vector<16xi32>
    tpu.vector_store_idx %arg22[%add3A_716, %broadcast_in_dim3A_730], %sub3A_725 : memref<128x2xf32, #tpu.memory_space<vmem>>[vector<16xi32>, vector<16xi32>], vector<16xf32>,
    %broadcast_in_dim3A_731 = arith.constant 1 : i32
    %broadcast_in_dim3A_732 = vector.broadcast %broadcast_in_dim3A_731 : i32 to vector<16xi32>
    tpu.vector_store_idx %arg22[%add3A_716, %broadcast_in_dim3A_732], %sub3A_728 : memref<128x2xf32, #tpu.memory_space<vmem>>[vector<16xi32>, vector<16xi32>], vector<16xf32>,
    %add3A_733 = arith.constant 112 : i32
    %add3A_734 = vector.broadcast %add3A_733 : i32 to vector<16xi32>
    %add3A_735 = arith.addi %iota3A_597, %add3A_734 : vector<16xi32>
    %scan3A_736 = arith.constant 0 : i32
    %scan3A_737 = arith.constant 64 : i32
    %scan3A_738 = arith.addi %scan3A_736, %scan3A_737 : i32
    %scan3A_739 = arith.constant 1 : i32
    %scan3A_740:2 = scf.for %scan3A_752 = %scan3A_736 to %scan3A_738 step %scan3A_739 iter_args(%scan3A_753 = %broadcast_in_dim3A_599, %scan3A_754 = %broadcast_in_dim3A_599) -> (vector<16xf32>, vector<16xf32>)  : i32 {
      %broadcast_in_dim3A_755 = vector.broadcast %scan3A_752 : i32 to vector<16xi32>
      %gather3A = tpu.vector_load_idx %arg15[%add3A_735, %broadcast_in_dim3A_755] : memref<128x64xf32, #tpu.memory_space<vmem>>[vector<16xi32>, vector<16xi32>], vector<16xf32>,
      %gather3A_756 = tpu.vector_load_idx %arg16[%add3A_735, %broadcast_in_dim3A_755] : memref<128x64xf32, #tpu.memory_space<vmem>>[vector<16xi32>, vector<16xi32>], vector<16xf32>,
      %gather3A_757 = tpu.vector_load_idx %arg21[%broadcast_in_dim3A_755] : memref<64xf32, #tpu.memory_space<vmem>>[vector<16xi32>], vector<16xf32>,
      %add3A_758 = arith.addf %gather3A, %gather3A_756 : vector<16xf32>
      %add3A_759 = arith.addf %add3A_758, %gather3A_757 : vector<16xf32>
      %gather3A_760 = tpu.vector_load_idx %arg17[%add3A_735, %broadcast_in_dim3A_755] : memref<128x64xf32, #tpu.memory_space<vmem>>[vector<16xi32>, vector<16xi32>], vector<16xf32>,
      %gather3A_761 = tpu.vector_load_idx %arg18[%add3A_735, %broadcast_in_dim3A_755] : memref<128x64xf32, #tpu.memory_space<vmem>>[vector<16xi32>, vector<16xi32>], vector<16xf32>,
      %sub3A_762 = arith.subf %add3A_759, %gather3A_760 : vector<16xf32>
      %sub3A_763 = arith.subf %add3A_759, %gather3A_761 : vector<16xf32>
      %mul3A_764 = arith.mulf %sub3A_762, %sub3A_762 : vector<16xf32>
      %add3A_765 = arith.addf %scan3A_753, %mul3A_764 : vector<16xf32>
      %mul3A_766 = arith.mulf %sub3A_763, %sub3A_763 : vector<16xf32>
      %add3A_767 = arith.addf %scan3A_754, %mul3A_766 : vector<16xf32>
      scf.yield %add3A_765, %add3A_767 : vector<16xf32>, vector<16xf32>
    }
    %scan3A_741 = arith.constant 64 : i32
    %get3A_742 = arith.constant 112 : index
    %get3A_743 = tpu.vector_load %arg19[%get3A_742] {strides = array<i32>} : memref<128xf32, #tpu.memory_space<vmem>>, vector<16xf32>,
    %sub3A_744 = arith.subf %get3A_743, %scan3A_740#0 : vector<16xf32>
    %get3A_745 = arith.constant 112 : index
    %get3A_746 = tpu.vector_load %arg20[%get3A_745] {strides = array<i32>} : memref<128xf32, #tpu.memory_space<vmem>>, vector<16xf32>,
    %sub3A_747 = arith.subf %get3A_746, %scan3A_740#1 : vector<16xf32>
    %broadcast_in_dim3A_748 = arith.constant 0 : i32
    %broadcast_in_dim3A_749 = vector.broadcast %broadcast_in_dim3A_748 : i32 to vector<16xi32>
    tpu.vector_store_idx %arg22[%add3A_735, %broadcast_in_dim3A_749], %sub3A_744 : memref<128x2xf32, #tpu.memory_space<vmem>>[vector<16xi32>, vector<16xi32>], vector<16xf32>,
    %broadcast_in_dim3A_750 = arith.constant 1 : i32
    %broadcast_in_dim3A_751 = vector.broadcast %broadcast_in_dim3A_750 : i32 to vector<16xi32>
    tpu.vector_store_idx %arg22[%add3A_735, %broadcast_in_dim3A_751], %sub3A_747 : memref<128x2xf32, #tpu.memory_space<vmem>>[vector<16xi32>, vector<16xi32>], vector<16xf32>,
    "tpu.region"() ({
      %run_scoped3A = tpu.sem_alloc : memref<!tpu.dma_semaphore, #tpu.memory_space<semaphore_mem>>
      %dma_start3A_752 = arith.constant 0 : i32
      %dma_start3A_753 = tpu.memref_slice %arg10[%add3A_564, %dma_start3A_752] : memref<16384x2xf32, #tpu.memory_space<hbm>> -> memref<128x2xf32, #tpu.memory_space<hbm>>
      %dma_start3A_754 = arith.constant 0 : i32
      %dma_start3A_755 = tpu.memref_slice %arg10[%add3A_564, %dma_start3A_754] : memref<16384x2xf32, #tpu.memory_space<hbm>> -> memref<128x2xf32, #tpu.memory_space<hbm>>
      tpu.enqueue_dma source(%arg22 : memref<128x2xf32, #tpu.memory_space<vmem>>) target(%dma_start3A_755 : memref<128x2xf32, #tpu.memory_space<hbm>>) target_semaphore(%run_scoped3A : memref<!tpu.dma_semaphore, #tpu.memory_space<semaphore_mem>>)
      %dma_wait3A_756 = arith.constant 0 : i32
      %dma_wait3A_757 = tpu.memref_slice %arg10[%add3A_564, %dma_wait3A_756] : memref<16384x2xf32, #tpu.memory_space<hbm>> -> memref<128x2xf32, #tpu.memory_space<hbm>>
      %dma_wait3A_758 = arith.constant 0 : i32
      %dma_wait3A_759 = tpu.memref_slice %arg10[%add3A_564, %dma_wait3A_758] : memref<16384x2xf32, #tpu.memory_space<hbm>> -> memref<128x2xf32, #tpu.memory_space<hbm>>
      tpu.wait_dma2 semaphore(%run_scoped3A : memref<!tpu.dma_semaphore, #tpu.memory_space<semaphore_mem>>) src(%arg22 : memref<128x2xf32, #tpu.memory_space<vmem>>) dst(%dma_wait3A_759 : memref<128x2xf32, #tpu.memory_space<hbm>>)
      tpu.yield
    }) : () -> ()
    return
  }
}

</mosaic_0001>

<sc_bundles>
// kernel: _run.3.cloned.1.call-start
scs
__scs_entry_jumppad:
0x0: {  	(pc) =	sbr.rel $0x88, $3  }
0x1: {  	(tag) =	ssettag $0x0;
	lr =	simm.s32 $0x1  }
0x2: {  	[smem:$0x3F99] =	sst lr;
	_ =	strace $0xD0000000  }
0x3: {  	_ = 	snop  }
0x4: {  	_ = 	snop  }
0x5: {  	_ = 	snop  }
0x6: {  	_ = 	snop  }
0x7: {  	_ = 	snop  }
__scs_overlays_trampoline_lowered:
0x8: {  	[smem:$0x3FA8] =	sst s0  }
0x9: {  	[smem:$0x3FA9] =	sst s1  }
0xa: {  	[smem:$0x3FAA] =	sst s2  }
0xb: {  	[smem:$0x3FAB] =	sst s3  }
0xc: {  	[smem:$0x3FAC] =	sst s4  }
0xd: {  	[smem:$0x3FAD] =	sst s5  }
0xe: {  	[smem:$0x3FAE] =	sst s6  }
0xf: {  	[smem:$0x3FAF] =	sst s7  }
0x10: {  	[smem:$0x3FB0] =	sst s8  }
0x11: {  	[smem:$0x3FB1] =	sst s9;
	s0 =	simm.s32 @!p0 $0x0  }
0x12: {  	s1 =	sld [smem:$0x3F97];
	s0 =	simm.s32 @p0 $0x1  }
0x13: {  	[smem:$0x3FB2] =	sst s0;
	s0 =	simm.s32 @!p1 $0x0  }
0x14: {  	s2 =	sld [smem:$0x3F96];
	s0 =	simm.s32 @p1 $0x1  }
0x15: {  	[smem:$0x3FB3] =	sst s0;
	s0 =	simm.s32 @!p2 $0x0  }
0x16: {  	s3 =	sld [smem:$0x3FDB];
	s0 =	simm.s32 @p2 $0x1  }
0x17: {  	s4 =	simm.s32 $0x1BF5;
	[smem:$0x3FB5] =	sst s0  }
0x18: {  	s0 =	sld [smem:$0x3F98];
	_ =	swait.ge [sflag:s4], $0x0  }
0x19: {  	s7 =	sld [smem:$0x3F99]  }
0x1a: {  	s8 =	sadd.s32 $0xFFFFE003, lr  }
0x1b: {  	s9 =	sadd.s32 $0xFFFFFEF7, lr;
	s5 =	simm.s32 $0xFFFFFFFF;
	p2 =	slt.u32 s8, $0xFFFFF086  }
0x1c: {  	p1 =	slt.u32 s9, $0xF7A;
	s5 =	simm.s32 @!p2 $0x0  }
0x1d: {  	s5 =	simm.s32 @p1 $0x1;
	p0 =	seq.s32 s7, s2  }
0x1e: {  	s7 =	smul.u32 @!p0 $0xF7A, s2;
	p2 =	seq.s32 @!p0 s5, $0x0  }
0x1f: {  	s9 =	smul.u32 $0xF7A, s1;
	s8 =	simm.s32 @!p0 $0x1BF5;
	p2 =	por !p2, p0  }
0x20: {  	[sflag:s8] =	ssyncset.s32 @!p0 $0xFFFFF086;
	s6 =	sadd.s32 @!p0 s3, s7;
	s7 =	simm.s32 @!p0 $0x108  }
0x21: {  	s3 =	sadd.s32 s3, s9;
	s6 =	sadd.s32 @!p0 $0x88, s6;
	s7 =	simm.s32 @p2 $0x1082  }
0x22: {  	[simem:s7], [sflag:s8] =	dma.local @!p0 [hbm:s6], $0xF7A  }
0x23: {  	s9 =	sor.u32 $0xD0000000, s2;
	s6 =	simm.s32 $0x108;
	_ =	swait.ge @!p0 [sflag:s8], $0x0  }
0x24: {  	s3 =	sadd.s32 $0x88, s3;
	s6 =	simm.s32 @!p1 $0x1082;
	[sflag:s4] =	ssyncset.s32 $0xFFFFF086  }
0x25: {  	[simem:s6], [sflag:s4] =	dma.local [hbm:s3], $0xF7A  }
0x26: {  	[smem:$0x3F99] =	sst s1;
	(tag) =	ssettag s2;
	_ =	strace s9  }
0x27: {  	s1 =	sld [smem:$0x3FA9]  }
0x28: {  	s2 =	sld [smem:$0x3FAA]  }
0x29: {  	s4 =	sld [smem:$0x3FAC]  }
0x2a: {  	p0 =	seq.s32 s5, $0x0;
	s5 =	sld [smem:$0x3FAD]  }
0x2b: {  	s6 =	sld [smem:$0x3FAE]  }
0x2c: {  	s7 =	sld [smem:$0x3FAF]  }
0x2d: {  	s3 =	simm.s32 $0x108;
	s8 =	sld [smem:$0x3FB0]  }
0x2e: {  	s3 =	simm.s32 @!p0 $0x1082;
	s9 =	sld [smem:$0x3FB1]  }
0x2f: {  	lr =	sadd.s32 s0, s3;
	s0 =	sld [smem:$0x3FA8]  }
0x30: {  	s3 =	sld [smem:$0x3FAB]  }
0x31: {  	[smem:$0x3FB4] =	sst s10  }
0x32: {  	s10 =	sld [smem:$0x3FB2];
	_ =	sdelay $0x3  }
0x33: {  	p0 =	seq.s32 s10, $0x1;
	s10 =	sld [smem:$0x3FB4];
	_ =	sdelay $0x3  }
0x34: {  	[smem:$0x3FB4] =	sst s10  }
0x35: {  	s10 =	sld [smem:$0x3FB3];
	_ =	sdelay $0x3  }
0x36: {  	p1 =	seq.s32 s10, $0x1;
	s10 =	sld [smem:$0x3FB4];
	_ =	sdelay $0x3  }
0x37: {  	[smem:$0x3FB4] =	sst s10  }
0x38: {  	s10 =	sld [smem:$0x3FB5]  }
0x39: {  	_ = 	snop;
	(pc) =	sbr.ind lr, $3  }
0x3a: {  	_ = 	snop  }
0x3b: {  	_ = 	snop  }
0x3c: {  	p2 =	seq.s32 s10, $0x1;
	s10 =	sld [smem:$0x3FB4]  }
0x3d: {  	_ =	shalt  }
0x3e: {  	_ =	shalt  }
0x3f: {  	_ =	shalt  }
0x40: {  	_ =	shalt  }
0x41: {  	_ =	shalt  }
0x42: {  	_ =	shalt  }
0x43: {  	_ =	shalt  }
0x44: {  	_ =	shalt  }
0x45: {  	_ =	shalt  }
0x46: {  	_ =	shalt  }
0x47: {  	_ =	shalt  }
0x48: {  	_ =	shalt  }
0x49: {  	_ =	shalt  }
0x4a: {  	_ =	shalt  }
0x4b: {  	_ =	shalt  }
0x4c: {  	_ =	shalt  }
0x4d: {  	_ =	shalt  }
0x4e: {  	_ =	shalt  }
0x4f: {  	_ =	shalt  }
0x50: {  	_ =	shalt  }
0x51: {  	_ =	shalt  }
0x52: {  	_ =	shalt  }
0x53: {  	_ =	shalt  }
0x54: {  	_ =	shalt  }
0x55: {  	_ =	shalt  }
0x56: {  	_ =	shalt  }
0x57: {  	_ =	shalt  }
0x58: {  	_ =	shalt  }
0x59: {  	_ =	shalt  }
0x5a: {  	_ =	shalt  }
0x5b: {  	_ =	shalt  }
0x5c: {  	_ =	shalt  }
0x5d: {  	_ =	shalt  }
0x5e: {  	_ =	shalt  }
0x5f: {  	_ =	shalt  }
0x60: {  	_ =	shalt  }
0x61: {  	_ =	shalt  }
0x62: {  	_ =	shalt  }
0x63: {  	_ =	shalt  }
0x64: {  	_ =	shalt  }
0x65: {  	_ =	shalt  }
0x66: {  	_ =	shalt  }
0x67: {  	_ =	shalt  }
0x68: {  	_ =	shalt  }
0x69: {  	_ =	shalt  }
0x6a: {  	_ =	shalt  }
0x6b: {  	_ =	shalt  }
0x6c: {  	_ =	shalt  }
0x6d: {  	_ =	shalt  }
0x6e: {  	_ =	shalt  }
0x6f: {  	_ =	shalt  }
0x70: {  	_ =	shalt  }
0x71: {  	_ =	shalt  }
0x72: {  	_ =	shalt  }
0x73: {  	_ =	shalt  }
0x74: {  	_ =	shalt  }
0x75: {  	_ =	shalt  }
0x76: {  	_ =	shalt  }
0x77: {  	_ =	shalt  }
0x78: {  	_ =	shalt  }
0x79: {  	_ =	shalt  }
0x7a: {  	_ =	shalt  }
0x7b: {  	_ =	shalt  }
0x7c: {  	_ =	shalt  }
0x7d: {  	_ =	shalt  }
0x7e: {  	_ =	shalt  }
0x7f: {  	_ =	shalt  }
0x80: {  	_ =	shalt  }
0x81: {  	_ =	shalt  }
0x82: {  	_ =	shalt  }
0x83: {  	_ =	shalt  }
0x84: {  	_ =	shalt  }
0x85: {  	_ =	shalt  }
0x86: {  	_ =	shalt  }
0x87: {  	_ =	shalt  }
.Lfunc_end0:
.L_simem_size_0:
called_computation_lowered:
.L_overlay_start_0:
0x88: {  	s2 =	sld [smem:$0x3FD9]  }
0x89: {  	s3 =	sld [smem:$0x3FFE];
	_ =	sdelay $0x1  }
0x8a: {  	s1 =	srdreg.scid  }
0x8b: {  	s0 =	sand.u32 $0x1, s1  }
0x8c: {  	s17 =	sshll.u32 s0, $0xA;
	s2 =	sadd.s32 s3, s2  }
0x8d: {  	s2 =	sadd.s32 s2, s17  }
0x8e: {  	[smem:$0x3FC0] =	sst s2  }
0x8f: {  	_ = 	snop  }
0x90: {  	s2 =	sld [smem:$0x3FC9]  }
0x91: {  	s18 =	sld [smem:$0x3FC8]  }
0x92: {  	s4 =	sld [smem:$0x3FC7]  }
0x93: {  	s5 =	sld [smem:$0x3FC6]  }
0x94: {  	s6 =	sld [smem:$0x3FC5]  }
0x95: {  	s7 =	sld [smem:$0x3FC2];
	(tm) =	ssettm $0x1  }
0x96: {  	s8 =	sld [smem:$0x3FFB];
	_ =	sdelay $0x3  }
0x97: {  	_ =	strace s8  }
0x98: {  	s8 =	sld [smem:$0x3FFC];
	_ =	sdelay $0x3  }
0x99: {  	_ =	strace s8  }
0x9a: {  	s8 =	sld [smem:$0x3FFD];
	_ =	sdelay $0x3  }
0x9b: {  	_ =	strace s8  }
0x9c: {  	_ =	strace $0x8FFFFFFF  }
0x9d: {  	s19 =	sld [smem:$0x3FDB];
	_ =	sdelay $0x1  }
0x9e: {  	s9 =	simm.s32 $_scs_section_size  }
0x9f: {  	s10 =	simm.s32 $_size__tile_overlayer_lowered;
	s11 =	simm.s32 $_tile_overlayer_lowered  }
0xa0: {  	s22 =	simm.s32 $0x1BFF;
	s21 =	sshll.u32 s11, $0x1;
	s8 =	sadd.s32 s9, s19  }
0xa1: {  	s12 =	simm.s32 $0x0;
	s20 =	sshll.u32 s10, $0x1;
	s10 =	sadd.s32 s21, s8  }
0xa2: {  	[timem:s12], [sflag:s22] =	dma.local [hbm:s10], s20  }
0xa3: {  	_ =	swait.ge [sflag:s22], s20  }
0xa4: {  	s9 =	ssub.s32 $0x0, s20;
	[sflag:s22] =	ssyncset.done $0x0  }
0xa5: {  	[sflag:s22] =	ssyncadd.s32 s9;
	_ =	sdelay $0x1  }
0xa6: {  	s23 =	simm.s32 $0x1B8B  }
0xa7: {  	_ =	swait.ge [sflag:s23], $0x1  }
0xa8: {  	[sflag:s23] =	ssyncset.done $0x0  }
0xa9: {  	s25 =	simm.s32 $0x1B8E;
	s24 =	sld [smem:$0x3FFE];
	[sflag:s23] =	ssyncadd.s32 $0xFFFFFFFF  }
0xaa: {  	s26 =	simm.s32 $execute0_lowered;
	[smem:$0x3FD2] =	sst s25  }
0xab: {  	s10 =	sshll.u32 s26, $0x1;
	_ =	strace $0x80000046;
	[dreg:$0x1] =	wrdreg $0xFFFFFFFF  }
0xac: {  	s28 =	simm.s32 $_size_execute0_lowered;
	s8 =	sadd.s32 s8, s10;
	[dreg:$0x0] =	wrdreg $0x0  }
0xad: {  	s10 =	sshll.u32 s28, $0x1;
	[dreg:$0x2] =	wrdreg s8  }
0xae: {  	[dreg:$0x3] =	wrdreg s10  }
0xaf: {  	[dreg:$0x4] =	wrdreg $0xC0  }
0xb0: {  	_ =	task [dreg:s12], $0x5FFFF  }
0xb1: {  	[dreg:$0x1] =	wrdreg $0xFFFFFFFF  }
0xb2: {  	[dreg:$0x0] =	wrdreg $0x60  }
0xb3: {  	[dreg:$0x2] =	wrdreg s2  }
0xb4: {  	[dreg:$0x3] =	wrdreg s18  }
0xb5: {  	[dreg:$0x4] =	wrdreg s4  }
0xb6: {  	[dreg:$0x5] =	wrdreg s5  }
0xb7: {  	[dreg:$0x6] =	wrdreg s6  }
0xb8: {  	[dreg:$0x7] =	wrdreg s24  }
0xb9: {  	[dreg:$0x8] =	wrdreg s7  }
0xba: {  	[dreg:$0x9] =	wrdreg $0x9  }
0xbb: {  	_ =	task.clear_ibuf [dreg:s12], $0xAFFFF;
	_ =	strace $0x90000046  }
0xbc: {  	s29 =	simm.s32 $0x9;
	_ =	strace $0x80000048  }
0xbd: {  	_ =	swait.ge [sflag:s29], $0x1  }
0xbe: {  	[sflag:s29] =	ssyncadd.s32 $0xFFFFFFFF  }
0xbf: {  	_ =	strace $0x90000048  }
0xc0: {  	_ =	sfence  }
0xc1: {  	s30 =	sld [smem:$0x0];
	_ =	sdelay $0x2  }
0xc2: {  	s31 =	sshll.u32 s1, $0xD;
	s1 =	sshrl.u32 s1, $0x2  }
0xc3: {  	s3 =	sand.u32 $0x4000, s31;
	s1 =	sadd.s32 s1, s30  }
0xc4: {  	s0 =	sor.u32 s3, s0;
	s1 =	sshll.u32 s1, $0x11  }
0xc5: {  	s0 =	sor.u32 s1, s0  }
0xc6: {  	s0 =	sadd.s32 $0x8F2B, s0  }
0xc7: {  	[sflag:s0] =	ssyncadd.remote.s32 $0x1  }
0xc8: {  	_ =	sfence.sel $0xFFFF  }
0xc9: {  	[dreg:$0x0] =	wrdreg $0xFFFFFFFF;
	(pc) =	sbr.abs _section_cstart, $3  }
0xca: {  	[dreg:$0x1] =	wrdreg $0xFFFFFFFF  }
0xcb: {  	_ =	task.clear_ibuf [dreg:s12], $0x2FFFF;
	_ =	strace $0x9FFFFFFF  }
0xcc: {  	(tm) =	ssettm $0x7FFFFFFF  }
0xcd: {  	_ =	shalt  }
tec
execute0_lowered:
.L_overlay_start_1:
0x0: {  	(tag) =	ssettag $0x1  }
0x1: {  	s0 =	rddreg [dreg:$0x0]  }
0x2: {  	s1 =	rddreg [dreg:$0x1]  }
0x3: {  	s3 =	rddreg [dreg:$0x2]  }
0x4: {  	s4 =	rddreg [dreg:$0x3];
	s2 =	srdreg.scid  }
0x5: {  	s7 =	stileid.u32;
	s6 =	rddreg [dreg:$0x5]  }
0x6: {  	s29 =	simm.s32 $0x8300;
	s30 =	simm.s32 $0x2;
	s31 =	simm.s32 $0x80  }
0x7: {  	s5 =	sand.u32 $0x1, s2;
	s7 =	sshll.u32 s7, $0xA;
	s2 =	simm.s32 $0x0  }
0x8: {  	s26 =	sadd.s32 $0x400, s6;
	s8 =	sshll.u32 s5, $0x9;
	s5 =	ssub.s32 $0x2, s5  }
0x9: {  	[smem:$0x7FF] =	sst s2;
	s7 =	sor.u32 s8, s7;
	s17 =	sshrl.u32 s5, $0x1  }
0xa: {  	s9 =	sshrl.u32 s7, $0x3;
	s5 =	ssub.s32 s5, s17;
	s8 =	sor.u32 $0x80, s7  }
0xb: {  	s25 =	sor.u32 $0x180, s7;
	s17 =	rddreg [dreg:$0x6];
	s18 =	sadd.s32 s0, s9  }
0xc: {  	s10 =	sadd.s32 s1, s9;
	s19 =	sadd.s32 s3, s9;
	[dreg:$0x8] =	wrdreg s18  }
0xd: {  	s20 =	sshrl.u32 s8, $0x3;
	s9 =	sadd.s32 s4, s9;
	[dreg:$0x9] =	wrdreg s10  }
0xe: {  	s15 =	sshrl.u32 s25, $0x3;
	s25 =	sadd.s32 s26, s25;
	[dreg:$0xa] =	wrdreg s19  }
0xf: {  	s28 =	smax.u32 s5, $0x1;
	s5 =	simm.s32 $0x6200;
	[dreg:$0xb] =	wrdreg s9  }
0x10: {  	s21 =	sadd.s32 s0, s20;
	s9 =	sor.u32 $0x100, s7;
	s11 =	sadd.s32 s1, s20  }
0x11: {  	v1 =	vlaneseq.u32;
	s22 =	sadd.s32 s3, s20;
	s10 =	sadd.s32 s4, s20;
	[dreg:$0xc] =	wrdreg s21  }
0x12: {  	v0 =	vmul.u32 $0x8, v1;
	v1 =	vmul.u32 $0x40, v1;
	s16 =	sadd.s32 s0, s15;
	s18 =	sadd.s32 s1, s15;
	[dreg:$0xd] =	wrdreg s11  }
0x13: {  	s19 =	sadd.s32 s3, s15;
	s20 =	sadd.s32 s4, s15;
	[dreg:$0xe] =	wrdreg s22  }
0x14: {  	v3 =	vor.u32 $0x400, v1;
	s15 =	simm.s32 $0x100;
	s23 =	sshrl.u32 s9, $0x3;
	[dreg:$0xf] =	wrdreg s10  }
0x15: {  	v4 =	vor.u32 $0x80, v0;
	v5 =	vor.u32 $0x81, v0;
	v6 =	vor.u32 $0x800, v1;
	s21 =	sadd.s32 s26, s7;
	s22 =	sadd.s32 s26, s8;
	s7 =	simm.s32 $0x8280  }
0x16: {  	v7 =	vor.u32 $0x100, v0;
	v8 =	vor.u32 $0x101, v0;
	v9 =	vor.u32 $0xC00, v1;
	s8 =	simm.s32 $0x1;
	s10 =	simm.s32 $0x0;
	s24 =	sadd.s32 s0, s23  }
0x17: {  	v10 =	vor.u32 $0x180, v0;
	v11 =	vor.u32 $0x181, v0;
	v12 =	vor.u32 $0x1000, v1;
	s12 =	sadd.s32 s1, s23;
	s13 =	sadd.s32 s3, s23;
	s14 =	sadd.s32 s4, s23  }
0x18: {  	v13 =	vor.u32 $0x200, v0;
	v14 =	vor.u32 $0x201, v0;
	v15 =	vor.u32 $0x1400, v1;
	s23 =	sadd.s32 $0xF42800, s6;
	s0 =	simm.s32 $0x180;
	s1 =	simm.s32 $0x200  }
0x19: {  	v16 =	vor.u32 $0x280, v0;
	v17 =	vor.u32 $0x281, v0;
	v18 =	vor.u32 $0x1800, v1;
	s3 =	simm.s32 $0x2200;
	s4 =	simm.s32 $0x4200;
	[dreg:$0x10] =	wrdreg s24  }
0x1a: {  	v19 =	vor.u32 $0x300, v0;
	v20 =	vor.u32 $0x301, v0;
	v21 =	vor.u32 $0x1C00, v1;
	[dreg:$0x11] =	wrdreg s12;
	s24 =	sadd.s32 s26, s9;
	s26 =	sadd.s32 $0x16E3A00, s6  }
0x1b: {  	v2 =	vor.u32 $0x1, v0;
	v22 =	vor.u32 $0x380, v0;
	v23 =	vor.u32 $0x381, v0;
	s6 =	simm.s32 $0x8200;
	s9 =	simm.s32 $0x8340;
	_ =	strace $0x80000047  }
.LBB2_1:
0x1c: {  	s11 =	rddreg [dreg:$0x4]  }
0x1d: {  	[tilespmem:s29], [sflag:$0x2] =	stream.linear.gather [hbm4b:s11+s2], $0x40, $0x38;
	[tilespmem:$0x8740] =	vst v63  }
0x1e: {  	_ =	swait.ge [sflag:s30], $0x40  }
0x1f: {  	[sflag:s30] =	ssyncset.done $0x0  }
0x20: {  	s12 =	rddreg [dreg:$0x8];
	[sflag:s30] =	ssyncadd.s32 $0xFFFFFFC0  }
0x21: {  	[tilespmem:s2], [sflag:$0x2] =	stream.linear.gather [hbm4b:s12+s2], $0x80, $0x38;
	[tilespmem:$0x8740] =	vst v63  }
0x22: {  	_ =	swait.ge [sflag:s30], $0x80  }
0x23: {  	[sflag:s30] =	ssyncset.done $0x0  }
0x24: {  	s12 =	rddreg [dreg:$0x9];
	[sflag:s30] =	ssyncadd.s32 $0xFFFFFF80  }
0x25: {  	[tilespmem:s31], [sflag:$0x2] =	stream.linear.gather [hbm4b:s12+s2], $0x80, $0x38;
	[tilespmem:$0x8740] =	vst v63  }
0x26: {  	_ =	swait.ge [sflag:s30], $0x80  }
0x27: {  	[sflag:s30] =	ssyncset.done $0x0  }
0x28: {  	s12 =	rddreg [dreg:$0xa];
	[sflag:s30] =	ssyncadd.s32 $0xFFFFFF80  }
0x29: {  	[tilespmem:s15], [sflag:$0x2] =	stream.linear.gather [hbm4b:s12+s2], $0x80, $0x38;
	[tilespmem:$0x8740] =	vst v63  }
0x2a: {  	_ =	swait.ge [sflag:s30], $0x80  }
0x2b: {  	[sflag:s30] =	ssyncset.done $0x0  }
0x2c: {  	s12 =	rddreg [dreg:$0xb];
	[sflag:s30] =	ssyncadd.s32 $0xFFFFFF80  }
0x2d: {  	[tilespmem:s0], [sflag:$0x2] =	stream.linear.gather [hbm4b:s12+s2], $0x80, $0x38;
	[tilespmem:$0x8740] =	vst v63  }
0x2e: {  	_ =	swait.ge [sflag:s30], $0x80  }
0x2f: {  	[sflag:s30] =	ssyncset.done $0x0  }
0x30: {  	[sflag:s30] =	ssyncadd.s32 $0xFFFFFF80  }
0x31: {  	[tilespmem:s1], [sflag:$0x1] =	stream.indirect.gather [hbm4b:s23+s31], $0x40, s2, s31, $0xb8;
	[tilespmem:$0x8740] =	vst v63  }
0x32: {  	_ = 	snop  }
0x33: {  	[tilespmem:s3], [sflag:$0x1] =	stream.indirect.gather [hbm4b:s26+s31], $0x40, s31, s31, $0xb8;
	[tilespmem:$0x8740] =	vst v63  }
0x34: {  	_ = 	snop  }
0x35: {  	[tilespmem:s4], [sflag:$0x1] =	stream.indirect.gather [hbm4b:s26+s31], $0x40, s15, s31, $0xb8;
	[tilespmem:$0x8740] =	vst v63  }
0x36: {  	_ = 	snop  }
0x37: {  	[tilespmem:s5], [sflag:$0x1] =	stream.indirect.gather [hbm4b:s26+s31], $0x40, s0, s31, $0xb8;
	[tilespmem:$0x8740] =	vst v63  }
0x38: {  	_ = 	snop  }
0x39: {  	[tilespmem:s6], [sflag:$0x1] =	stream.indirect.gather [hbm4b:s17+s31], $0x1, s15, s31, $0xb8;
	[tilespmem:$0x8740] =	vst v63  }
0x3a: {  	_ = 	snop  }
0x3b: {  	[tilespmem:s7], [sflag:$0x1] =	stream.indirect.gather [hbm4b:s17+s31], $0x1, s0, s31, $0xb8;
	[tilespmem:$0x8740] =	vst v63  }
0x3c: {  	_ =	swait.ge [sflag:s8], $0x2000  }
0x3d: {  	[sflag:s8] =	ssyncset.done $0x0  }
0x3e: {  	[sflag:s8] =	ssyncadd.s32 $0xFFFFE000  }
0x3f: {  	_ =	swait.ge [sflag:s8], $0x2000  }
0x40: {  	[sflag:s8] =	ssyncset.done $0x0  }
0x41: {  	[sflag:s8] =	ssyncadd.s32 $0xFFFFE000  }
0x42: {  	_ =	swait.ge [sflag:s8], $0x2000  }
0x43: {  	[sflag:s8] =	ssyncset.done $0x0  }
0x44: {  	[sflag:s8] =	ssyncadd.s32 $0xFFFFE000  }
0x45: {  	_ =	swait.ge [sflag:s8], $0x2000  }
0x46: {  	[sflag:s8] =	ssyncset.done $0x0  }
0x47: {  	[sflag:s8] =	ssyncadd.s32 $0xFFFFE000  }
0x48: {  	_ =	swait.ge [sflag:s8], $0x80  }
0x49: {  	v24 =	vor.u32 s2, v1;
	[sflag:s8] =	ssyncset.done $0x0  }
0x4a: {  	[sflag:s8] =	ssyncadd.s32 $0xFFFFFF80  }
0x4b: {  	_ =	swait.ge [sflag:s8], $0x80  }
0x4c: {  	v25 =	vmov s2;
	[sflag:s8] =	ssyncset.done $0x0  }
0x4d: {  	s12 =	simm.s32 $0x1;
	[sflag:s8] =	ssyncadd.s32 $0xFFFFFF80  }
0x4e: {  	v30 =	vor.u32 s12, v1;
	v26 =	vld.idx.msk [tilespmem:v24+s1+$0x0], $0xffff  }
0x4f: {  	v29 =	vld.idx.msk [tilespmem:v24+s3+$0x0], $0xffff  }
0x50: {  	v31 =	vld.idx.msk [tilespmem:v24+s4+$0x0], $0xffff  }
0x51: {  	v33 =	vmov s12;
	v32 =	vld.idx.msk [tilespmem:v25+s29+$0x0], $0xffff  }
0x52: {  	v34 =	vld.idx.msk [tilespmem:v24+s5+$0x0], $0xffff  }
0x53: {  	s12 =	simm.s32 $0x2;
	v37 =	vld.idx.msk [tilespmem:v30+s1+$0x0], $0xffff  }
0x54: {  	v28 =	vor.u32 s12, v1;
	v27 =	vld.idx.msk [tilespmem:v30+s3+$0x0], $0xffff;
	v24 =	vadd.f32 v29, v26  }
0x55: {  	v25 =	vld.idx.msk [tilespmem:v30+s4+$0x0], $0xffff  }
0x56: {  	v29 =	vld.idx.msk [tilespmem:v33+s29+$0x0], $0xffff;
	v33 =	vmov v28;
	v63 =	vadd.f32 v32, v24  }
0x57: {  	v32 =	vmov s12  }
0x58: {  	v26 =	vld.idx.msk [tilespmem:v30+s5+$0x0], $0xffff;
	v36 =	vsub.f32 v63, v34  }
0x59: {  	s11 =	simm.s32 $0x3;
	v30 =	vimm.f32 $0.0e+00;
	v24 =	vimm.f32 $0.0e+00;
	v35 =	vsub.f32 v63, v31;
	v31 =	vld.idx.msk [tilespmem:v28+s1+$0x0], $0xffff;
	v34 =	vmovc v28  }
.LBB2_2:
0x5a: {  	v37 =	vadd.f32 v27, v37;
	v27 =	vld.idx.msk [tilespmem:v28+s3+$0x0], $0xffff;
	v28 =	vor.u32 s11, v1;
	v36 =	vmul.f32 v36, v36;
	s12 =	smov.u32 s11;
	p0 =	sne.s32 s11, $0x3F  }
.Ltmp0:
0x5b: {  	s11 =	sadd.s32 $0x1, s11;
	v35 =	vmul.f32 v35, v35;
	v38 =	vmov v25;
	v25 =	vld.idx.msk [tilespmem:v33+s4+$0x0], $0xffff;
	v33 =	vmov v28;
	(pc) =	sbr.rel @p0 .LBB2_2-.Ltmp0, $4  }
0x5c: {  	v39 =	vadd.f32 v29, v37;
	v29 =	vld.idx.msk [tilespmem:v32+s29+$0x0], $0xffff;
	v24 =	vadd.f32 v36, v24  }
0x5d: {  	v32 =	vmov s12;
	v30 =	vadd.f32 v35, v30  }
0x5e: {  	v35 =	vsub.f32 v39, v38;
	v36 =	vsub.f32 v39, v26;
	v26 =	vld.idx.msk [tilespmem:v34+s5+$0x0], $0xffff;
	v34 =	vmov v28  }
0x5f: {  	v37 =	vmov v31;
	v31 =	vld.idx.msk [tilespmem:v28+s1+$0x0], $0xffff  }
0x60: {  	_ =	sdelay $0x3  }
0x61: {  	v28 =	vld.idx.msk [tilespmem:v28+s3+$0x0], $0xffff;
	_ =	sdelay $0x1  }
0x62: {  	v32 =	vld.idx.msk [tilespmem:v32+s29+$0x0], $0xffff  }
0x63: {  	v27 =	vadd.f32 v27, v37  }
0x64: {  	v33 =	vld.idx.msk [tilespmem:v33+s4+$0x0], $0xffff  }
0x65: {  	v27 =	vadd.f32 v29, v27;
	v29 =	vld.idx.msk [tilespmem:v34+s5+$0x0], $0xffff;
	v28 =	vadd.f32 v28, v31;
	_ =	sdelay $0x1  }
0x66: {  	v25 =	vsub.f32 v27, v25;
	v31 =	vmul.f32 v35, v35;
	v28 =	vadd.f32 v32, v28  }
0x67: {  	v59 =	vmul.f32 v36, v36;
	v26 =	vsub.f32 v27, v26  }
0x68: {  	v25 =	vmul.f32 v25, v25;
	v27 =	vadd.f32 v31, v30;
	v30 =	vsub.f32 v28, v33  }
0x69: {  	v24 =	vadd.f32 v59, v24;
	v26 =	vmul.f32 v26, v26;
	v28 =	vsub.f32 v28, v29;
	v29 =	vld [tilespmem:$0x8200]  }
0x6a: {  	v25 =	vadd.f32 v25, v27;
	v27 =	vmul.f32 v30, v30;
	v30 =	vld [tilespmem:$0x8280]  }
0x6b: {  	v24 =	vadd.f32 v26, v24;
	v26 =	vmul.f32 v28, v28  }
0x6c: {  	s11 =	simm.s32 $0x0;
	v25 =	vadd.f32 v27, v25  }
0x6d: {  	v24 =	vadd.f32 v26, v24;
	v26 =	vor.u32 s11, v3  }
0x6e: {  	v25 =	vsub.f32 v29, v25  }
0x6f: {  	v24 =	vsub.f32 v30, v24  }
0x70: {  	[tilespmem:v0+s9+$0x0] =	vst.idx.msk $0xffff, v25;
	v25 =	vmov s11  }
0x71: {  	[tilespmem:v2+s9+$0x0] =	vst.idx.msk $0xffff, v24  }
0x72: {  	s12 =	simm.s32 $0x1;
	v24 =	vld.idx.msk [tilespmem:v26+s1+$0x0], $0xffff  }
0x73: {  	v30 =	vor.u32 s12, v3;
	v29 =	vld.idx.msk [tilespmem:v26+s3+$0x0], $0xffff;
	_ =	sdelay $0x1  }
0x74: {  	v60 =	vld.idx.msk [tilespmem:v25+s29+$0x0], $0xffff  }
0x75: {  	v61 =	vmov s12;
	v31 =	vld.idx.msk [tilespmem:v26+s4+$0x0], $0xffff  }
0x76: {  	s12 =	simm.s32 $0x2;
	v62 =	vld.idx.msk [tilespmem:v26+s5+$0x0], $0xffff  }
0x77: {  	v28 =	vor.u32 s12, v3;
	v37 =	vld.idx.msk [tilespmem:v30+s1+$0x0], $0xffff;
	v24 =	vadd.f32 v29, v24  }
0x78: {  	v27 =	vld.idx.msk [tilespmem:v30+s3+$0x0], $0xffff  }
0x79: {  	v33 =	vmov v28;
	v25 =	vld.idx.msk [tilespmem:v30+s4+$0x0], $0xffff;
	v63 =	vadd.f32 v60, v24  }
0x7a: {  	v32 =	vmov s12;
	v29 =	vld.idx.msk [tilespmem:v61+s29+$0x0], $0xffff  }
0x7b: {  	v26 =	vld.idx.msk [tilespmem:v30+s5+$0x0], $0xffff;
	v36 =	vsub.f32 v63, v62  }
0x7c: {  	s11 =	simm.s32 $0x3;
	v34 =	vmovc v28;
	v30 =	vimm.f32 $0.0e+00;
	v24 =	vimm.f32 $0.0e+00;
	v35 =	vsub.f32 v63, v31;
	v31 =	vld.idx.msk [tilespmem:v28+s1+$0x0], $0xffff  }
.LBB2_4:
0x7d: {  	v37 =	vadd.f32 v27, v37;
	v27 =	vld.idx.msk [tilespmem:v28+s3+$0x0], $0xffff;
	v28 =	vor.u32 s11, v3;
	v36 =	vmul.f32 v36, v36;
	s12 =	smov.u32 s11;
	p0 =	sne.s32 s11, $0x3F  }
.Ltmp1:
0x7e: {  	s11 =	sadd.s32 $0x1, s11;
	v35 =	vmul.f32 v35, v35;
	v38 =	vmov v25;
	v25 =	vld.idx.msk [tilespmem:v33+s4+$0x0], $0xffff;
	v33 =	vmov v28;
	(pc) =	sbr.rel @p0 .LBB2_4-.Ltmp1, $4  }
0x7f: {  	v39 =	vadd.f32 v29, v37;
	v29 =	vld.idx.msk [tilespmem:v32+s29+$0x0], $0xffff;
	v24 =	vadd.f32 v36, v24  }
0x80: {  	v32 =	vmov s12;
	v30 =	vadd.f32 v35, v30  }
0x81: {  	v35 =	vsub.f32 v39, v38;
	v36 =	vsub.f32 v39, v26;
	v26 =	vld.idx.msk [tilespmem:v34+s5+$0x0], $0xffff;
	v34 =	vmov v28  }
0x82: {  	v37 =	vmov v31;
	v31 =	vld.idx.msk [tilespmem:v28+s1+$0x0], $0xffff  }
0x83: {  	_ =	sdelay $0x3  }
0x84: {  	v28 =	vld.idx.msk [tilespmem:v28+s3+$0x0], $0xffff;
	_ =	sdelay $0x1  }
0x85: {  	v32 =	vld.idx.msk [tilespmem:v32+s29+$0x0], $0xffff  }
0x86: {  	v27 =	vadd.f32 v27, v37  }
0x87: {  	v33 =	vld.idx.msk [tilespmem:v33+s4+$0x0], $0xffff  }
0x88: {  	v27 =	vadd.f32 v29, v27;
	v29 =	vld.idx.msk [tilespmem:v34+s5+$0x0], $0xffff;
	v28 =	vadd.f32 v28, v31;
	_ =	sdelay $0x1  }
0x89: {  	v25 =	vsub.f32 v27, v25;
	v31 =	vmul.f32 v35, v35;
	v28 =	vadd.f32 v32, v28  }
0x8a: {  	v59 =	vmul.f32 v36, v36;
	v26 =	vsub.f32 v27, v26  }
0x8b: {  	v25 =	vmul.f32 v25, v25;
	v27 =	vadd.f32 v31, v30;
	v30 =	vsub.f32 v28, v33  }
0x8c: {  	v24 =	vadd.f32 v59, v24;
	v26 =	vmul.f32 v26, v26;
	v28 =	vsub.f32 v28, v29;
	v29 =	vld [tilespmem:$0x8210]  }
0x8d: {  	v25 =	vadd.f32 v25, v27;
	v27 =	vmul.f32 v30, v30;
	v30 =	vld [tilespmem:$0x8290]  }
0x8e: {  	v24 =	vadd.f32 v26, v24;
	v26 =	vmul.f32 v28, v28  }
0x8f: {  	s11 =	simm.s32 $0x0;
	v25 =	vadd.f32 v27, v25  }
0x90: {  	v24 =	vadd.f32 v26, v24;
	v26 =	vor.u32 s11, v6  }
0x91: {  	v25 =	vsub.f32 v29, v25  }
0x92: {  	v24 =	vsub.f32 v30, v24  }
0x93: {  	[tilespmem:v4+s9+$0x0] =	vst.idx.msk $0xffff, v25;
	v25 =	vmov s11  }
0x94: {  	[tilespmem:v5+s9+$0x0] =	vst.idx.msk $0xffff, v24  }
0x95: {  	s12 =	simm.s32 $0x1;
	v24 =	vld.idx.msk [tilespmem:v26+s1+$0x0], $0xffff  }
0x96: {  	v30 =	vor.u32 s12, v6;
	v29 =	vld.idx.msk [tilespmem:v26+s3+$0x0], $0xffff;
	_ =	sdelay $0x1  }
0x97: {  	v60 =	vld.idx.msk [tilespmem:v25+s29+$0x0], $0xffff  }
0x98: {  	v61 =	vmov s12;
	v31 =	vld.idx.msk [tilespmem:v26+s4+$0x0], $0xffff  }
0x99: {  	s12 =	simm.s32 $0x2;
	v62 =	vld.idx.msk [tilespmem:v26+s5+$0x0], $0xffff  }
0x9a: {  	v28 =	vor.u32 s12, v6;
	v37 =	vld.idx.msk [tilespmem:v30+s1+$0x0], $0xffff;
	v24 =	vadd.f32 v29, v24  }
0x9b: {  	v27 =	vld.idx.msk [tilespmem:v30+s3+$0x0], $0xffff  }
0x9c: {  	v33 =	vmov v28;
	v25 =	vld.idx.msk [tilespmem:v30+s4+$0x0], $0xffff;
	v63 =	vadd.f32 v60, v24  }
0x9d: {  	v32 =	vmov s12;
	v29 =	vld.idx.msk [tilespmem:v61+s29+$0x0], $0xffff  }
0x9e: {  	v26 =	vld.idx.msk [tilespmem:v30+s5+$0x0], $0xffff;
	v36 =	vsub.f32 v63, v62  }
0x9f: {  	s11 =	simm.s32 $0x3;
	v34 =	vmovc v28;
	v30 =	vimm.f32 $0.0e+00;
	v24 =	vimm.f32 $0.0e+00;
	v35 =	vsub.f32 v63, v31;
	v31 =	vld.idx.msk [tilespmem:v28+s1+$0x0], $0xffff  }
.LBB2_6:
0xa0: {  	v37 =	vadd.f32 v27, v37;
	v27 =	vld.idx.msk [tilespmem:v28+s3+$0x0], $0xffff;
	v28 =	vor.u32 s11, v6;
	v36 =	vmul.f32 v36, v36;
	s12 =	smov.u32 s11;
	p0 =	sne.s32 s11, $0x3F  }
.Ltmp2:
0xa1: {  	s11 =	sadd.s32 $0x1, s11;
	v35 =	vmul.f32 v35, v35;
	v38 =	vmov v25;
	v25 =	vld.idx.msk [tilespmem:v33+s4+$0x0], $0xffff;
	v33 =	vmov v28;
	(pc) =	sbr.rel @p0 .LBB2_6-.Ltmp2, $4  }
0xa2: {  	v39 =	vadd.f32 v29, v37;
	v29 =	vld.idx.msk [tilespmem:v32+s29+$0x0], $0xffff;
	v24 =	vadd.f32 v36, v24  }
0xa3: {  	v32 =	vmov s12;
	v30 =	vadd.f32 v35, v30  }
0xa4: {  	v35 =	vsub.f32 v39, v38;
	v36 =	vsub.f32 v39, v26;
	v26 =	vld.idx.msk [tilespmem:v34+s5+$0x0], $0xffff;
	v34 =	vmov v28  }
0xa5: {  	v37 =	vmov v31;
	v31 =	vld.idx.msk [tilespmem:v28+s1+$0x0], $0xffff  }
0xa6: {  	_ =	sdelay $0x3  }
0xa7: {  	v28 =	vld.idx.msk [tilespmem:v28+s3+$0x0], $0xffff;
	_ =	sdelay $0x1  }
0xa8: {  	v32 =	vld.idx.msk [tilespmem:v32+s29+$0x0], $0xffff  }
0xa9: {  	v27 =	vadd.f32 v27, v37  }
0xaa: {  	v33 =	vld.idx.msk [tilespmem:v33+s4+$0x0], $0xffff  }
0xab: {  	v27 =	vadd.f32 v29, v27;
	v29 =	vld.idx.msk [tilespmem:v34+s5+$0x0], $0xffff;
	v28 =	vadd.f32 v28, v31;
	_ =	sdelay $0x1  }
0xac: {  	v25 =	vsub.f32 v27, v25;
	v31 =	vmul.f32 v35, v35;
	v28 =	vadd.f32 v32, v28  }
0xad: {  	v59 =	vmul.f32 v36, v36;
	v26 =	vsub.f32 v27, v26  }
0xae: {  	v25 =	vmul.f32 v25, v25;
	v27 =	vadd.f32 v31, v30;
	v30 =	vsub.f32 v28, v33  }
0xaf: {  	v24 =	vadd.f32 v59, v24;
	v26 =	vmul.f32 v26, v26;
	v28 =	vsub.f32 v28, v29;
	v29 =	vld [tilespmem:$0x8220]  }
0xb0: {  	v25 =	vadd.f32 v25, v27;
	v27 =	vmul.f32 v30, v30;
	v30 =	vld [tilespmem:$0x82A0]  }
0xb1: {  	v24 =	vadd.f32 v26, v24;
	v26 =	vmul.f32 v28, v28  }
0xb2: {  	s11 =	simm.s32 $0x0;
	v25 =	vadd.f32 v27, v25  }
0xb3: {  	v24 =	vadd.f32 v26, v24;
	v26 =	vor.u32 s11, v9  }
0xb4: {  	v25 =	vsub.f32 v29, v25  }
0xb5: {  	v24 =	vsub.f32 v30, v24  }
0xb6: {  	[tilespmem:v7+s9+$0x0] =	vst.idx.msk $0xffff, v25;
	v25 =	vmov s11  }
0xb7: {  	[tilespmem:v8+s9+$0x0] =	vst.idx.msk $0xffff, v24  }
0xb8: {  	s12 =	simm.s32 $0x1;
	v24 =	vld.idx.msk [tilespmem:v26+s1+$0x0], $0xffff  }
0xb9: {  	v30 =	vor.u32 s12, v9;
	v29 =	vld.idx.msk [tilespmem:v26+s3+$0x0], $0xffff;
	_ =	sdelay $0x1  }
0xba: {  	v60 =	vld.idx.msk [tilespmem:v25+s29+$0x0], $0xffff  }
0xbb: {  	v61 =	vmov s12;
	v31 =	vld.idx.msk [tilespmem:v26+s4+$0x0], $0xffff  }
0xbc: {  	s12 =	simm.s32 $0x2;
	v62 =	vld.idx.msk [tilespmem:v26+s5+$0x0], $0xffff  }
0xbd: {  	v28 =	vor.u32 s12, v9;
	v37 =	vld.idx.msk [tilespmem:v30+s1+$0x0], $0xffff;
	v24 =	vadd.f32 v29, v24  }
0xbe: {  	v27 =	vld.idx.msk [tilespmem:v30+s3+$0x0], $0xffff  }
0xbf: {  	v33 =	vmov v28;
	v25 =	vld.idx.msk [tilespmem:v30+s4+$0x0], $0xffff;
	v63 =	vadd.f32 v60, v24  }
0xc0: {  	v32 =	vmov s12;
	v29 =	vld.idx.msk [tilespmem:v61+s29+$0x0], $0xffff  }
0xc1: {  	v26 =	vld.idx.msk [tilespmem:v30+s5+$0x0], $0xffff;
	v36 =	vsub.f32 v63, v62  }
0xc2: {  	s11 =	simm.s32 $0x3;
	v34 =	vmovc v28;
	v30 =	vimm.f32 $0.0e+00;
	v24 =	vimm.f32 $0.0e+00;
	v35 =	vsub.f32 v63, v31;
	v31 =	vld.idx.msk [tilespmem:v28+s1+$0x0], $0xffff  }
.LBB2_8:
0xc3: {  	v37 =	vadd.f32 v27, v37;
	v27 =	vld.idx.msk [tilespmem:v28+s3+$0x0], $0xffff;
	v28 =	vor.u32 s11, v9;
	v36 =	vmul.f32 v36, v36;
	s12 =	smov.u32 s11;
	p0 =	sne.s32 s11, $0x3F  }
.Ltmp3:
0xc4: {  	s11 =	sadd.s32 $0x1, s11;
	v35 =	vmul.f32 v35, v35;
	v38 =	vmov v25;
	v25 =	vld.idx.msk [tilespmem:v33+s4+$0x0], $0xffff;
	v33 =	vmov v28;
	(pc) =	sbr.rel @p0 .LBB2_8-.Ltmp3, $4  }
0xc5: {  	v39 =	vadd.f32 v29, v37;
	v29 =	vld.idx.msk [tilespmem:v32+s29+$0x0], $0xffff;
	v24 =	vadd.f32 v36, v24  }
0xc6: {  	v32 =	vmov s12;
	v30 =	vadd.f32 v35, v30  }
0xc7: {  	v35 =	vsub.f32 v39, v38;
	v36 =	vsub.f32 v39, v26;
	v26 =	vld.idx.msk [tilespmem:v34+s5+$0x0], $0xffff;
	v34 =	vmov v28  }
0xc8: {  	v37 =	vmov v31;
	v31 =	vld.idx.msk [tilespmem:v28+s1+$0x0], $0xffff  }
0xc9: {  	_ =	sdelay $0x3  }
0xca: {  	v28 =	vld.idx.msk [tilespmem:v28+s3+$0x0], $0xffff;
	_ =	sdelay $0x1  }
0xcb: {  	v32 =	vld.idx.msk [tilespmem:v32+s29+$0x0], $0xffff  }
0xcc: {  	v27 =	vadd.f32 v27, v37  }
0xcd: {  	v33 =	vld.idx.msk [tilespmem:v33+s4+$0x0], $0xffff  }
0xce: {  	v27 =	vadd.f32 v29, v27;
	v29 =	vld.idx.msk [tilespmem:v34+s5+$0x0], $0xffff;
	v28 =	vadd.f32 v28, v31;
	_ =	sdelay $0x1  }
0xcf: {  	v25 =	vsub.f32 v27, v25;
	v31 =	vmul.f32 v35, v35;
	v28 =	vadd.f32 v32, v28  }
0xd0: {  	v59 =	vmul.f32 v36, v36;
	v26 =	vsub.f32 v27, v26  }
0xd1: {  	v25 =	vmul.f32 v25, v25;
	v27 =	vadd.f32 v31, v30;
	v30 =	vsub.f32 v28, v33  }
0xd2: {  	v24 =	vadd.f32 v59, v24;
	v26 =	vmul.f32 v26, v26;
	v28 =	vsub.f32 v28, v29;
	v29 =	vld [tilespmem:$0x8230]  }
0xd3: {  	v25 =	vadd.f32 v25, v27;
	v27 =	vmul.f32 v30, v30;
	v30 =	vld [tilespmem:$0x82B0]  }
0xd4: {  	v24 =	vadd.f32 v26, v24;
	v26 =	vmul.f32 v28, v28  }
0xd5: {  	s11 =	simm.s32 $0x0;
	v25 =	vadd.f32 v27, v25  }
0xd6: {  	v24 =	vadd.f32 v26, v24;
	v26 =	vor.u32 s11, v12  }
0xd7: {  	v25 =	vsub.f32 v29, v25  }
0xd8: {  	v24 =	vsub.f32 v30, v24  }
0xd9: {  	[tilespmem:v10+s9+$0x0] =	vst.idx.msk $0xffff, v25;
	v25 =	vmov s11  }
0xda: {  	[tilespmem:v11+s9+$0x0] =	vst.idx.msk $0xffff, v24  }
0xdb: {  	s12 =	simm.s32 $0x1;
	v24 =	vld.idx.msk [tilespmem:v26+s1+$0x0], $0xffff  }
0xdc: {  	v30 =	vor.u32 s12, v12;
	v29 =	vld.idx.msk [tilespmem:v26+s3+$0x0], $0xffff;
	_ =	sdelay $0x1  }
0xdd: {  	v60 =	vld.idx.msk [tilespmem:v25+s29+$0x0], $0xffff  }
0xde: {  	v61 =	vmov s12;
	v31 =	vld.idx.msk [tilespmem:v26+s4+$0x0], $0xffff  }
0xdf: {  	s12 =	simm.s32 $0x2;
	v62 =	vld.idx.msk [tilespmem:v26+s5+$0x0], $0xffff  }
0xe0: {  	v28 =	vor.u32 s12, v12;
	v37 =	vld.idx.msk [tilespmem:v30+s1+$0x0], $0xffff;
	v24 =	vadd.f32 v29, v24  }
0xe1: {  	v27 =	vld.idx.msk [tilespmem:v30+s3+$0x0], $0xffff  }
0xe2: {  	v33 =	vmov v28;
	v25 =	vld.idx.msk [tilespmem:v30+s4+$0x0], $0xffff;
	v63 =	vadd.f32 v60, v24  }
0xe3: {  	v32 =	vmov s12;
	v29 =	vld.idx.msk [tilespmem:v61+s29+$0x0], $0xffff  }
0xe4: {  	v26 =	vld.idx.msk [tilespmem:v30+s5+$0x0], $0xffff;
	v36 =	vsub.f32 v63, v62  }
0xe5: {  	s11 =	simm.s32 $0x3;
	v34 =	vmovc v28;
	v30 =	vimm.f32 $0.0e+00;
	v24 =	vimm.f32 $0.0e+00;
	v35 =	vsub.f32 v63, v31;
	v31 =	vld.idx.msk [tilespmem:v28+s1+$0x0], $0xffff  }
.LBB2_10:
0xe6: {  	v37 =	vadd.f32 v27, v37;
	v27 =	vld.idx.msk [tilespmem:v28+s3+$0x0], $0xffff;
	v28 =	vor.u32 s11, v12;
	v36 =	vmul.f32 v36, v36;
	s12 =	smov.u32 s11;
	p0 =	sne.s32 s11, $0x3F  }
.Ltmp4:
0xe7: {  	s11 =	sadd.s32 $0x1, s11;
	v35 =	vmul.f32 v35, v35;
	v38 =	vmov v25;
	v25 =	vld.idx.msk [tilespmem:v33+s4+$0x0], $0xffff;
	v33 =	vmov v28;
	(pc) =	sbr.rel @p0 .LBB2_10-.Ltmp4, $4  }
0xe8: {  	v39 =	vadd.f32 v29, v37;
	v29 =	vld.idx.msk [tilespmem:v32+s29+$0x0], $0xffff;
	v24 =	vadd.f32 v36, v24  }
0xe9: {  	v32 =	vmov s12;
	v30 =	vadd.f32 v35, v30  }
0xea: {  	v35 =	vsub.f32 v39, v38;
	v36 =	vsub.f32 v39, v26;
	v26 =	vld.idx.msk [tilespmem:v34+s5+$0x0], $0xffff;
	v34 =	vmov v28  }
0xeb: {  	v37 =	vmov v31;
	v31 =	vld.idx.msk [tilespmem:v28+s1+$0x0], $0xffff  }
0xec: {  	_ =	sdelay $0x3  }
0xed: {  	v28 =	vld.idx.msk [tilespmem:v28+s3+$0x0], $0xffff;
	_ =	sdelay $0x1  }
0xee: {  	v32 =	vld.idx.msk [tilespmem:v32+s29+$0x0], $0xffff  }
0xef: {  	v27 =	vadd.f32 v27, v37  }
0xf0: {  	v33 =	vld.idx.msk [tilespmem:v33+s4+$0x0], $0xffff  }
0xf1: {  	v27 =	vadd.f32 v29, v27;
	v29 =	vld.idx.msk [tilespmem:v34+s5+$0x0], $0xffff;
	v28 =	vadd.f32 v28, v31;
	_ =	sdelay $0x1  }
0xf2: {  	v25 =	vsub.f32 v27, v25;
	v31 =	vmul.f32 v35, v35;
	v28 =	vadd.f32 v32, v28  }
0xf3: {  	v59 =	vmul.f32 v36, v36;
	v26 =	vsub.f32 v27, v26  }
0xf4: {  	v25 =	vmul.f32 v25, v25;
	v27 =	vadd.f32 v31, v30;
	v30 =	vsub.f32 v28, v33  }
0xf5: {  	v24 =	vadd.f32 v59, v24;
	v26 =	vmul.f32 v26, v26;
	v28 =	vsub.f32 v28, v29;
	v29 =	vld [tilespmem:$0x8240]  }
0xf6: {  	v25 =	vadd.f32 v25, v27;
	v27 =	vmul.f32 v30, v30;
	v30 =	vld [tilespmem:$0x82C0]  }
0xf7: {  	v24 =	vadd.f32 v26, v24;
	v26 =	vmul.f32 v28, v28  }
0xf8: {  	s11 =	simm.s32 $0x0;
	v25 =	vadd.f32 v27, v25  }
0xf9: {  	v24 =	vadd.f32 v26, v24;
	v26 =	vor.u32 s11, v15  }
0xfa: {  	v25 =	vsub.f32 v29, v25  }
0xfb: {  	v24 =	vsub.f32 v30, v24  }
0xfc: {  	[tilespmem:v13+s9+$0x0] =	vst.idx.msk $0xffff, v25;
	v25 =	vmov s11  }
0xfd: {  	[tilespmem:v14+s9+$0x0] =	vst.idx.msk $0xffff, v24  }
0xfe: {  	s12 =	simm.s32 $0x1;
	v24 =	vld.idx.msk [tilespmem:v26+s1+$0x0], $0xffff  }
0xff: {  	v30 =	vor.u32 s12, v15;
	v29 =	vld.idx.msk [tilespmem:v26+s3+$0x0], $0xffff;
	_ =	sdelay $0x1  }
0x100: {  	v60 =	vld.idx.msk [tilespmem:v25+s29+$0x0], $0xffff  }
0x101: {  	v61 =	vmov s12;
	v31 =	vld.idx.msk [tilespmem:v26+s4+$0x0], $0xffff  }
0x102: {  	s12 =	simm.s32 $0x2;
	v62 =	vld.idx.msk [tilespmem:v26+s5+$0x0], $0xffff  }
0x103: {  	v28 =	vor.u32 s12, v15;
	v37 =	vld.idx.msk [tilespmem:v30+s1+$0x0], $0xffff;
	v24 =	vadd.f32 v29, v24  }
0x104: {  	v27 =	vld.idx.msk [tilespmem:v30+s3+$0x0], $0xffff  }
0x105: {  	v33 =	vmov v28;
	v25 =	vld.idx.msk [tilespmem:v30+s4+$0x0], $0xffff;
	v63 =	vadd.f32 v60, v24  }
0x106: {  	v32 =	vmov s12;
	v29 =	vld.idx.msk [tilespmem:v61+s29+$0x0], $0xffff  }
0x107: {  	v26 =	vld.idx.msk [tilespmem:v30+s5+$0x0], $0xffff;
	v36 =	vsub.f32 v63, v62  }
0x108: {  	s11 =	simm.s32 $0x3;
	v34 =	vmovc v28;
	v30 =	vimm.f32 $0.0e+00;
	v24 =	vimm.f32 $0.0e+00;
	v35 =	vsub.f32 v63, v31;
	v31 =	vld.idx.msk [tilespmem:v28+s1+$0x0], $0xffff  }
.LBB2_12:
0x109: {  	v37 =	vadd.f32 v27, v37;
	v27 =	vld.idx.msk [tilespmem:v28+s3+$0x0], $0xffff;
	v28 =	vor.u32 s11, v15;
	v36 =	vmul.f32 v36, v36;
	s12 =	smov.u32 s11;
	p0 =	sne.s32 s11, $0x3F  }
.Ltmp5:
0x10a: {  	s11 =	sadd.s32 $0x1, s11;
	v35 =	vmul.f32 v35, v35;
	v38 =	vmov v25;
	v25 =	vld.idx.msk [tilespmem:v33+s4+$0x0], $0xffff;
	v33 =	vmov v28;
	(pc) =	sbr.rel @p0 .LBB2_12-.Ltmp5, $4  }
0x10b: {  	v39 =	vadd.f32 v29, v37;
	v29 =	vld.idx.msk [tilespmem:v32+s29+$0x0], $0xffff;
	v24 =	vadd.f32 v36, v24  }
0x10c: {  	v32 =	vmov s12;
	v30 =	vadd.f32 v35, v30  }
0x10d: {  	v35 =	vsub.f32 v39, v38;
	v36 =	vsub.f32 v39, v26;
	v26 =	vld.idx.msk [tilespmem:v34+s5+$0x0], $0xffff;
	v34 =	vmov v28  }
0x10e: {  	v37 =	vmov v31;
	v31 =	vld.idx.msk [tilespmem:v28+s1+$0x0], $0xffff  }
0x10f: {  	_ =	sdelay $0x3  }
0x110: {  	v28 =	vld.idx.msk [tilespmem:v28+s3+$0x0], $0xffff;
	_ =	sdelay $0x1  }
0x111: {  	v32 =	vld.idx.msk [tilespmem:v32+s29+$0x0], $0xffff  }
0x112: {  	v27 =	vadd.f32 v27, v37  }
0x113: {  	v33 =	vld.idx.msk [tilespmem:v33+s4+$0x0], $0xffff  }
0x114: {  	v27 =	vadd.f32 v29, v27;
	v29 =	vld.idx.msk [tilespmem:v34+s5+$0x0], $0xffff;
	v28 =	vadd.f32 v28, v31;
	_ =	sdelay $0x1  }
0x115: {  	v25 =	vsub.f32 v27, v25;
	v31 =	vmul.f32 v35, v35;
	v28 =	vadd.f32 v32, v28  }
0x116: {  	v59 =	vmul.f32 v36, v36;
	v26 =	vsub.f32 v27, v26  }
0x117: {  	v25 =	vmul.f32 v25, v25;
	v27 =	vadd.f32 v31, v30;
	v30 =	vsub.f32 v28, v33  }
0x118: {  	v24 =	vadd.f32 v59, v24;
	v26 =	vmul.f32 v26, v26;
	v28 =	vsub.f32 v28, v29;
	v29 =	vld [tilespmem:$0x8250]  }
0x119: {  	v25 =	vadd.f32 v25, v27;
	v27 =	vmul.f32 v30, v30;
	v30 =	vld [tilespmem:$0x82D0]  }
0x11a: {  	v24 =	vadd.f32 v26, v24;
	v26 =	vmul.f32 v28, v28  }
0x11b: {  	s11 =	simm.s32 $0x0;
	v25 =	vadd.f32 v27, v25  }
0x11c: {  	v24 =	vadd.f32 v26, v24;
	v26 =	vor.u32 s11, v18  }
0x11d: {  	v25 =	vsub.f32 v29, v25  }
0x11e: {  	v24 =	vsub.f32 v30, v24  }
0x11f: {  	[tilespmem:v16+s9+$0x0] =	vst.idx.msk $0xffff, v25;
	v25 =	vmov s11  }
0x120: {  	[tilespmem:v17+s9+$0x0] =	vst.idx.msk $0xffff, v24  }
0x121: {  	s12 =	simm.s32 $0x1;
	v24 =	vld.idx.msk [tilespmem:v26+s1+$0x0], $0xffff  }
0x122: {  	v30 =	vor.u32 s12, v18;
	v29 =	vld.idx.msk [tilespmem:v26+s3+$0x0], $0xffff;
	_ =	sdelay $0x1  }
0x123: {  	v60 =	vld.idx.msk [tilespmem:v25+s29+$0x0], $0xffff  }
0x124: {  	v61 =	vmov s12;
	v31 =	vld.idx.msk [tilespmem:v26+s4+$0x0], $0xffff  }
0x125: {  	s12 =	simm.s32 $0x2;
	v62 =	vld.idx.msk [tilespmem:v26+s5+$0x0], $0xffff  }
0x126: {  	v28 =	vor.u32 s12, v18;
	v37 =	vld.idx.msk [tilespmem:v30+s1+$0x0], $0xffff;
	v24 =	vadd.f32 v29, v24  }
0x127: {  	v27 =	vld.idx.msk [tilespmem:v30+s3+$0x0], $0xffff  }
0x128: {  	v33 =	vmov v28;
	v25 =	vld.idx.msk [tilespmem:v30+s4+$0x0], $0xffff;
	v63 =	vadd.f32 v60, v24  }
0x129: {  	v32 =	vmov s12;
	v29 =	vld.idx.msk [tilespmem:v61+s29+$0x0], $0xffff  }
0x12a: {  	v26 =	vld.idx.msk [tilespmem:v30+s5+$0x0], $0xffff;
	v36 =	vsub.f32 v63, v62  }
0x12b: {  	s11 =	simm.s32 $0x3;
	v34 =	vmovc v28;
	v30 =	vimm.f32 $0.0e+00;
	v24 =	vimm.f32 $0.0e+00;
	v35 =	vsub.f32 v63, v31;
	v31 =	vld.idx.msk [tilespmem:v28+s1+$0x0], $0xffff  }
.LBB2_14:
0x12c: {  	v37 =	vadd.f32 v27, v37;
	v27 =	vld.idx.msk [tilespmem:v28+s3+$0x0], $0xffff;
	v28 =	vor.u32 s11, v18;
	v36 =	vmul.f32 v36, v36;
	s12 =	smov.u32 s11;
	p0 =	sne.s32 s11, $0x3F  }
.Ltmp6:
0x12d: {  	s11 =	sadd.s32 $0x1, s11;
	v35 =	vmul.f32 v35, v35;
	v38 =	vmov v25;
	v25 =	vld.idx.msk [tilespmem:v33+s4+$0x0], $0xffff;
	v33 =	vmov v28;
	(pc) =	sbr.rel @p0 .LBB2_14-.Ltmp6, $4  }
0x12e: {  	v39 =	vadd.f32 v29, v37;
	v29 =	vld.idx.msk [tilespmem:v32+s29+$0x0], $0xffff;
	v24 =	vadd.f32 v36, v24  }
0x12f: {  	v32 =	vmov s12;
	v30 =	vadd.f32 v35, v30  }
0x130: {  	v35 =	vsub.f32 v39, v38;
	v36 =	vsub.f32 v39, v26;
	v26 =	vld.idx.msk [tilespmem:v34+s5+$0x0], $0xffff;
	v34 =	vmov v28  }
0x131: {  	v37 =	vmov v31;
	v31 =	vld.idx.msk [tilespmem:v28+s1+$0x0], $0xffff  }
0x132: {  	_ =	sdelay $0x3  }
0x133: {  	v28 =	vld.idx.msk [tilespmem:v28+s3+$0x0], $0xffff;
	_ =	sdelay $0x1  }
0x134: {  	v32 =	vld.idx.msk [tilespmem:v32+s29+$0x0], $0xffff  }
0x135: {  	v27 =	vadd.f32 v27, v37  }
0x136: {  	v33 =	vld.idx.msk [tilespmem:v33+s4+$0x0], $0xffff  }
0x137: {  	v27 =	vadd.f32 v29, v27;
	v29 =	vld.idx.msk [tilespmem:v34+s5+$0x0], $0xffff;
	v28 =	vadd.f32 v28, v31;
	_ =	sdelay $0x1  }
0x138: {  	v25 =	vsub.f32 v27, v25;
	v31 =	vmul.f32 v35, v35;
	v28 =	vadd.f32 v32, v28  }
0x139: {  	v59 =	vmul.f32 v36, v36;
	v26 =	vsub.f32 v27, v26  }
0x13a: {  	v25 =	vmul.f32 v25, v25;
	v27 =	vadd.f32 v31, v30;
	v30 =	vsub.f32 v28, v33  }
0x13b: {  	v24 =	vadd.f32 v59, v24;
	v26 =	vmul.f32 v26, v26;
	v28 =	vsub.f32 v28, v29;
	v29 =	vld [tilespmem:$0x8260]  }
0x13c: {  	v25 =	vadd.f32 v25, v27;
	v27 =	vmul.f32 v30, v30;
	v30 =	vld [tilespmem:$0x82E0]  }
0x13d: {  	v24 =	vadd.f32 v26, v24;
	v26 =	vmul.f32 v28, v28  }
0x13e: {  	s11 =	simm.s32 $0x0;
	v25 =	vadd.f32 v27, v25  }
0x13f: {  	v24 =	vadd.f32 v26, v24;
	v26 =	vor.u32 s11, v21  }
0x140: {  	v25 =	vsub.f32 v29, v25  }
0x141: {  	v24 =	vsub.f32 v30, v24  }
0x142: {  	[tilespmem:v19+s9+$0x0] =	vst.idx.msk $0xffff, v25;
	v25 =	vmov s11  }
0x143: {  	[tilespmem:v20+s9+$0x0] =	vst.idx.msk $0xffff, v24  }
0x144: {  	s12 =	simm.s32 $0x1;
	v24 =	vld.idx.msk [tilespmem:v26+s1+$0x0], $0xffff  }
0x145: {  	v30 =	vor.u32 s12, v21;
	v29 =	vld.idx.msk [tilespmem:v26+s3+$0x0], $0xffff;
	_ =	sdelay $0x1  }
0x146: {  	v60 =	vld.idx.msk [tilespmem:v25+s29+$0x0], $0xffff  }
0x147: {  	v61 =	vmov s12;
	v31 =	vld.idx.msk [tilespmem:v26+s4+$0x0], $0xffff  }
0x148: {  	s12 =	simm.s32 $0x2;
	v62 =	vld.idx.msk [tilespmem:v26+s5+$0x0], $0xffff  }
0x149: {  	v28 =	vor.u32 s12, v21;
	v37 =	vld.idx.msk [tilespmem:v30+s1+$0x0], $0xffff;
	v24 =	vadd.f32 v29, v24  }
0x14a: {  	v27 =	vld.idx.msk [tilespmem:v30+s3+$0x0], $0xffff  }
0x14b: {  	v33 =	vmov v28;
	v25 =	vld.idx.msk [tilespmem:v30+s4+$0x0], $0xffff;
	v63 =	vadd.f32 v60, v24  }
0x14c: {  	v32 =	vmov s12;
	v29 =	vld.idx.msk [tilespmem:v61+s29+$0x0], $0xffff  }
0x14d: {  	v26 =	vld.idx.msk [tilespmem:v30+s5+$0x0], $0xffff;
	v36 =	vsub.f32 v63, v62  }
0x14e: {  	s11 =	simm.s32 $0x3;
	v34 =	vmovc v28;
	v30 =	vimm.f32 $0.0e+00;
	v24 =	vimm.f32 $0.0e+00;
	v35 =	vsub.f32 v63, v31;
	v31 =	vld.idx.msk [tilespmem:v28+s1+$0x0], $0xffff  }
.LBB2_16:
0x14f: {  	v37 =	vadd.f32 v27, v37;
	v27 =	vld.idx.msk [tilespmem:v28+s3+$0x0], $0xffff;
	v28 =	vor.u32 s11, v21;
	v36 =	vmul.f32 v36, v36;
	s12 =	smov.u32 s11;
	p0 =	sne.s32 s11, $0x3F  }
.Ltmp7:
0x150: {  	s11 =	sadd.s32 $0x1, s11;
	v35 =	vmul.f32 v35, v35;
	v38 =	vmov v25;
	v25 =	vld.idx.msk [tilespmem:v33+s4+$0x0], $0xffff;
	v33 =	vmov v28;
	(pc) =	sbr.rel @p0 .LBB2_16-.Ltmp7, $4  }
0x151: {  	v39 =	vadd.f32 v29, v37;
	v29 =	vld.idx.msk [tilespmem:v32+s29+$0x0], $0xffff;
	v24 =	vadd.f32 v36, v24  }
0x152: {  	v32 =	vmov s12;
	v30 =	vadd.f32 v35, v30  }
0x153: {  	v35 =	vsub.f32 v39, v38;
	v36 =	vsub.f32 v39, v26;
	v26 =	vld.idx.msk [tilespmem:v34+s5+$0x0], $0xffff;
	v34 =	vmov v28  }
0x154: {  	v37 =	vmov v31;
	v31 =	vld.idx.msk [tilespmem:v28+s1+$0x0], $0xffff  }
0x155: {  	_ =	sdelay $0x3  }
0x156: {  	v28 =	vld.idx.msk [tilespmem:v28+s3+$0x0], $0xffff;
	_ =	sdelay $0x1  }
0x157: {  	v32 =	vld.idx.msk [tilespmem:v32+s29+$0x0], $0xffff  }
0x158: {  	v27 =	vadd.f32 v27, v37  }
0x159: {  	v33 =	vld.idx.msk [tilespmem:v33+s4+$0x0], $0xffff  }
0x15a: {  	v27 =	vadd.f32 v29, v27;
	v29 =	vld.idx.msk [tilespmem:v34+s5+$0x0], $0xffff;
	v28 =	vadd.f32 v28, v31;
	_ =	sdelay $0x1  }
0x15b: {  	v25 =	vsub.f32 v27, v25;
	v31 =	vmul.f32 v35, v35;
	v28 =	vadd.f32 v32, v28  }
0x15c: {  	v59 =	vmul.f32 v36, v36;
	v26 =	vsub.f32 v27, v26  }
0x15d: {  	v25 =	vmul.f32 v25, v25;
	v27 =	vadd.f32 v31, v30;
	v30 =	vsub.f32 v28, v33  }
0x15e: {  	v24 =	vadd.f32 v59, v24;
	v26 =	vmul.f32 v26, v26;
	v28 =	vsub.f32 v28, v29;
	v29 =	vld [tilespmem:$0x8270]  }
0x15f: {  	v25 =	vadd.f32 v25, v27;
	v27 =	vmul.f32 v30, v30;
	v30 =	vld [tilespmem:$0x82F0]  }
0x160: {  	v24 =	vadd.f32 v26, v24;
	v26 =	vmul.f32 v28, v28  }
0x161: {  	v25 =	vadd.f32 v27, v25  }
0x162: {  	v24 =	vadd.f32 v26, v24  }
0x163: {  	v25 =	vsub.f32 v29, v25  }
0x164: {  	v24 =	vsub.f32 v30, v24  }
0x165: {  	[tilespmem:v22+s9+$0x0] =	vst.idx.msk $0xffff, v25  }
0x166: {  	s11 =	simm.s32 $0x0;
	[tilespmem:v23+s9+$0x0] =	vst.idx.msk $0xffff, v24  }
0x167: {  	[hbm4b:s21+s11] =	stream.linear.scatter [tilespmem:s9], [sflag:$0x2], $0x400, $0x38;
	[tilespmem:$0x8740] =	vst v63  }
0x168: {  	_ =	swait.ge [sflag:s30], $0x400  }
0x169: {  	[sflag:s30] =	ssyncset.done $0x0  }
0x16a: {  	s12 =	rddreg [dreg:$0xc];
	[sflag:s30] =	ssyncadd.s32 $0xFFFFFC00  }
0x16b: {  	[tilespmem:s11], [sflag:$0x2] =	stream.linear.gather [hbm4b:s12+s11], $0x80, $0x38;
	[tilespmem:$0x8740] =	vst v63  }
0x16c: {  	_ =	swait.ge [sflag:s30], $0x80  }
0x16d: {  	[sflag:s30] =	ssyncset.done $0x0  }
0x16e: {  	s12 =	rddreg [dreg:$0xd];
	[sflag:s30] =	ssyncadd.s32 $0xFFFFFF80  }
0x16f: {  	[tilespmem:s31], [sflag:$0x2] =	stream.linear.gather [hbm4b:s12+s11], $0x80, $0x38;
	[tilespmem:$0x8740] =	vst v63  }
0x170: {  	_ =	swait.ge [sflag:s30], $0x80  }
0x171: {  	[sflag:s30] =	ssyncset.done $0x0  }
0x172: {  	s12 =	rddreg [dreg:$0xe];
	[sflag:s30] =	ssyncadd.s32 $0xFFFFFF80  }
0x173: {  	[tilespmem:s15], [sflag:$0x2] =	stream.linear.gather [hbm4b:s12+s11], $0x80, $0x38;
	[tilespmem:$0x8740] =	vst v63  }
0x174: {  	_ =	swait.ge [sflag:s30], $0x80  }
0x175: {  	[sflag:s30] =	ssyncset.done $0x0  }
0x176: {  	s12 =	rddreg [dreg:$0xf];
	[sflag:s30] =	ssyncadd.s32 $0xFFFFFF80  }
0x177: {  	[tilespmem:s0], [sflag:$0x2] =	stream.linear.gather [hbm4b:s12+s11], $0x80, $0x38;
	[tilespmem:$0x8740] =	vst v63  }
0x178: {  	_ =	swait.ge [sflag:s30], $0x80  }
0x179: {  	[sflag:s30] =	ssyncset.done $0x0  }
0x17a: {  	[sflag:s30] =	ssyncadd.s32 $0xFFFFFF80  }
0x17b: {  	[tilespmem:s1], [sflag:$0x1] =	stream.indirect.gather [hbm4b:s23+s31], $0x40, s11, s31, $0xb8;
	[tilespmem:$0x8740] =	vst v63  }
0x17c: {  	_ = 	snop  }
0x17d: {  	[tilespmem:s3], [sflag:$0x1] =	stream.indirect.gather [hbm4b:s26+s31], $0x40, s31, s31, $0xb8;
	[tilespmem:$0x8740] =	vst v63  }
0x17e: {  	_ = 	snop  }
0x17f: {  	[tilespmem:s4], [sflag:$0x1] =	stream.indirect.gather [hbm4b:s26+s31], $0x40, s15, s31, $0xb8;
	[tilespmem:$0x8740] =	vst v63  }
0x180: {  	_ = 	snop  }
0x181: {  	[tilespmem:s5], [sflag:$0x1] =	stream.indirect.gather [hbm4b:s26+s31], $0x40, s0, s31, $0xb8;
	[tilespmem:$0x8740] =	vst v63  }
0x182: {  	_ = 	snop  }
0x183: {  	[tilespmem:s6], [sflag:$0x1] =	stream.indirect.gather [hbm4b:s17+s31], $0x1, s15, s31, $0xb8;
	[tilespmem:$0x8740] =	vst v63  }
0x184: {  	_ = 	snop  }
0x185: {  	[tilespmem:s7], [sflag:$0x1] =	stream.indirect.gather [hbm4b:s17+s31], $0x1, s0, s31, $0xb8;
	[tilespmem:$0x8740] =	vst v63  }
0x186: {  	_ =	swait.ge [sflag:s8], $0x2000  }
0x187: {  	[sflag:s8] =	ssyncset.done $0x0  }
0x188: {  	[sflag:s8] =	ssyncadd.s32 $0xFFFFE000  }
0x189: {  	_ =	swait.ge [sflag:s8], $0x2000  }
0x18a: {  	[sflag:s8] =	ssyncset.done $0x0  }
0x18b: {  	[sflag:s8] =	ssyncadd.s32 $0xFFFFE000  }
0x18c: {  	_ =	swait.ge [sflag:s8], $0x2000  }
0x18d: {  	[sflag:s8] =	ssyncset.done $0x0  }
0x18e: {  	[sflag:s8] =	ssyncadd.s32 $0xFFFFE000  }
0x18f: {  	_ =	swait.ge [sflag:s8], $0x2000  }
0x190: {  	[sflag:s8] =	ssyncset.done $0x0  }
0x191: {  	[sflag:s8] =	ssyncadd.s32 $0xFFFFE000  }
0x192: {  	_ =	swait.ge [sflag:s8], $0x80  }
0x193: {  	v24 =	vor.u32 s11, v1;
	[sflag:s8] =	ssyncset.done $0x0  }
0x194: {  	[sflag:s8] =	ssyncadd.s32 $0xFFFFFF80  }
0x195: {  	_ =	swait.ge [sflag:s8], $0x80  }
0x196: {  	v25 =	vmov s11;
	[sflag:s8] =	ssyncset.done $0x0  }
0x197: {  	[sflag:s8] =	ssyncadd.s32 $0xFFFFFF80  }
0x198: {  	s12 =	simm.s32 $0x1;
	v26 =	vld.idx.msk [tilespmem:v24+s1+$0x0], $0xffff  }
0x199: {  	v30 =	vor.u32 s12, v1;
	v29 =	vld.idx.msk [tilespmem:v24+s3+$0x0], $0xffff;
	_ =	sdelay $0x1  }
0x19a: {  	v60 =	vld.idx.msk [tilespmem:v25+s29+$0x0], $0xffff  }
0x19b: {  	v61 =	vmov s12;
	v31 =	vld.idx.msk [tilespmem:v24+s4+$0x0], $0xffff  }
0x19c: {  	s12 =	simm.s32 $0x2;
	v62 =	vld.idx.msk [tilespmem:v24+s5+$0x0], $0xffff  }
0x19d: {  	v28 =	vor.u32 s12, v1;
	v37 =	vld.idx.msk [tilespmem:v30+s1+$0x0], $0xffff;
	v24 =	vadd.f32 v29, v26  }
0x19e: {  	v27 =	vld.idx.msk [tilespmem:v30+s3+$0x0], $0xffff  }
0x19f: {  	v33 =	vmov v28;
	v25 =	vld.idx.msk [tilespmem:v30+s4+$0x0], $0xffff;
	v63 =	vadd.f32 v60, v24  }
0x1a0: {  	v32 =	vmov s12;
	v29 =	vld.idx.msk [tilespmem:v61+s29+$0x0], $0xffff  }
0x1a1: {  	v26 =	vld.idx.msk [tilespmem:v30+s5+$0x0], $0xffff;
	v36 =	vsub.f32 v63, v62  }
0x1a2: {  	v34 =	vmovc v28;
	s11 =	simm.s32 $0x3;
	v30 =	vimm.f32 $0.0e+00;
	v24 =	vimm.f32 $0.0e+00;
	v35 =	vsub.f32 v63, v31;
	v31 =	vld.idx.msk [tilespmem:v28+s1+$0x0], $0xffff  }
.LBB2_18:
0x1a3: {  	v37 =	vadd.f32 v27, v37;
	v27 =	vld.idx.msk [tilespmem:v28+s3+$0x0], $0xffff;
	v28 =	vor.u32 s11, v1;
	v36 =	vmul.f32 v36, v36;
	s12 =	smov.u32 s11;
	p0 =	sne.s32 s11, $0x3F  }
.Ltmp8:
0x1a4: {  	s11 =	sadd.s32 $0x1, s11;
	v35 =	vmul.f32 v35, v35;
	v38 =	vmov v25;
	v25 =	vld.idx.msk [tilespmem:v33+s4+$0x0], $0xffff;
	v33 =	vmov v28;
	(pc) =	sbr.rel @p0 .LBB2_18-.Ltmp8, $4  }
0x1a5: {  	v39 =	vadd.f32 v29, v37;
	v29 =	vld.idx.msk [tilespmem:v32+s29+$0x0], $0xffff;
	v24 =	vadd.f32 v36, v24  }
0x1a6: {  	v32 =	vmov s12;
	v30 =	vadd.f32 v35, v30  }
0x1a7: {  	v35 =	vsub.f32 v39, v38;
	v36 =	vsub.f32 v39, v26;
	v26 =	vld.idx.msk [tilespmem:v34+s5+$0x0], $0xffff;
	v34 =	vmov v28  }
0x1a8: {  	v37 =	vmov v31;
	v31 =	vld.idx.msk [tilespmem:v28+s1+$0x0], $0xffff  }
0x1a9: {  	_ =	sdelay $0x3  }
0x1aa: {  	v28 =	vld.idx.msk [tilespmem:v28+s3+$0x0], $0xffff;
	_ =	sdelay $0x1  }
0x1ab: {  	v32 =	vld.idx.msk [tilespmem:v32+s29+$0x0], $0xffff  }
0x1ac: {  	v27 =	vadd.f32 v27, v37  }
0x1ad: {  	v33 =	vld.idx.msk [tilespmem:v33+s4+$0x0], $0xffff  }
0x1ae: {  	v27 =	vadd.f32 v29, v27;
	v29 =	vld.idx.msk [tilespmem:v34+s5+$0x0], $0xffff;
	v28 =	vadd.f32 v28, v31;
	_ =	sdelay $0x1  }
0x1af: {  	v25 =	vsub.f32 v27, v25;
	v31 =	vmul.f32 v35, v35;
	v28 =	vadd.f32 v32, v28  }
0x1b0: {  	v59 =	vmul.f32 v36, v36;
	v26 =	vsub.f32 v27, v26  }
0x1b1: {  	v25 =	vmul.f32 v25, v25;
	v27 =	vadd.f32 v31, v30;
	v30 =	vsub.f32 v28, v33  }
0x1b2: {  	v24 =	vadd.f32 v59, v24;
	v26 =	vmul.f32 v26, v26;
	v28 =	vsub.f32 v28, v29;
	v29 =	vld [tilespmem:$0x8200]  }
0x1b3: {  	v25 =	vadd.f32 v25, v27;
	v27 =	vmul.f32 v30, v30;
	v30 =	vld [tilespmem:$0x8280]  }
0x1b4: {  	v24 =	vadd.f32 v26, v24;
	v26 =	vmul.f32 v28, v28  }
0x1b5: {  	s11 =	simm.s32 $0x0;
	v25 =	vadd.f32 v27, v25  }
0x1b6: {  	v24 =	vadd.f32 v26, v24;
	v26 =	vor.u32 s11, v3  }
0x1b7: {  	v25 =	vsub.f32 v29, v25  }
0x1b8: {  	v24 =	vsub.f32 v30, v24  }
0x1b9: {  	[tilespmem:v0+s9+$0x0] =	vst.idx.msk $0xffff, v25;
	v25 =	vmov s11  }
0x1ba: {  	[tilespmem:v2+s9+$0x0] =	vst.idx.msk $0xffff, v24  }
0x1bb: {  	s12 =	simm.s32 $0x1;
	v24 =	vld.idx.msk [tilespmem:v26+s1+$0x0], $0xffff  }
0x1bc: {  	v30 =	vor.u32 s12, v3;
	v29 =	vld.idx.msk [tilespmem:v26+s3+$0x0], $0xffff;
	_ =	sdelay $0x1  }
0x1bd: {  	v60 =	vld.idx.msk [tilespmem:v25+s29+$0x0], $0xffff  }
0x1be: {  	v61 =	vmov s12;
	v31 =	vld.idx.msk [tilespmem:v26+s4+$0x0], $0xffff  }
0x1bf: {  	s12 =	simm.s32 $0x2;
	v62 =	vld.idx.msk [tilespmem:v26+s5+$0x0], $0xffff  }
0x1c0: {  	v28 =	vor.u32 s12, v3;
	v37 =	vld.idx.msk [tilespmem:v30+s1+$0x0], $0xffff;
	v24 =	vadd.f32 v29, v24  }
0x1c1: {  	v27 =	vld.idx.msk [tilespmem:v30+s3+$0x0], $0xffff  }
0x1c2: {  	v33 =	vmov v28;
	v25 =	vld.idx.msk [tilespmem:v30+s4+$0x0], $0xffff;
	v63 =	vadd.f32 v60, v24  }
0x1c3: {  	v32 =	vmov s12;
	v29 =	vld.idx.msk [tilespmem:v61+s29+$0x0], $0xffff  }
0x1c4: {  	v26 =	vld.idx.msk [tilespmem:v30+s5+$0x0], $0xffff;
	v36 =	vsub.f32 v63, v62  }
0x1c5: {  	s11 =	simm.s32 $0x3;
	v34 =	vmovc v28;
	v30 =	vimm.f32 $0.0e+00;
	v24 =	vimm.f32 $0.0e+00;
	v35 =	vsub.f32 v63, v31;
	v31 =	vld.idx.msk [tilespmem:v28+s1+$0x0], $0xffff  }
.LBB2_20:
0x1c6: {  	v37 =	vadd.f32 v27, v37;
	v27 =	vld.idx.msk [tilespmem:v28+s3+$0x0], $0xffff;
	v28 =	vor.u32 s11, v3;
	v36 =	vmul.f32 v36, v36;
	s12 =	smov.u32 s11;
	p0 =	sne.s32 s11, $0x3F  }
.Ltmp9:
0x1c7: {  	s11 =	sadd.s32 $0x1, s11;
	v35 =	vmul.f32 v35, v35;
	v38 =	vmov v25;
	v25 =	vld.idx.msk [tilespmem:v33+s4+$0x0], $0xffff;
	v33 =	vmov v28;
	(pc) =	sbr.rel @p0 .LBB2_20-.Ltmp9, $4  }
0x1c8: {  	v39 =	vadd.f32 v29, v37;
	v29 =	vld.idx.msk [tilespmem:v32+s29+$0x0], $0xffff;
	v24 =	vadd.f32 v36, v24  }
0x1c9: {  	v32 =	vmov s12;
	v30 =	vadd.f32 v35, v30  }
0x1ca: {  	v35 =	vsub.f32 v39, v38;
	v36 =	vsub.f32 v39, v26;
	v26 =	vld.idx.msk [tilespmem:v34+s5+$0x0], $0xffff;
	v34 =	vmov v28  }
0x1cb: {  	v37 =	vmov v31;
	v31 =	vld.idx.msk [tilespmem:v28+s1+$0x0], $0xffff  }
0x1cc: {  	_ =	sdelay $0x3  }
0x1cd: {  	v28 =	vld.idx.msk [tilespmem:v28+s3+$0x0], $0xffff;
	_ =	sdelay $0x1  }
0x1ce: {  	v32 =	vld.idx.msk [tilespmem:v32+s29+$0x0], $0xffff  }
0x1cf: {  	v27 =	vadd.f32 v27, v37  }
0x1d0: {  	v33 =	vld.idx.msk [tilespmem:v33+s4+$0x0], $0xffff  }
0x1d1: {  	v27 =	vadd.f32 v29, v27;
	v29 =	vld.idx.msk [tilespmem:v34+s5+$0x0], $0xffff;
	v28 =	vadd.f32 v28, v31;
	_ =	sdelay $0x1  }
0x1d2: {  	v25 =	vsub.f32 v27, v25;
	v31 =	vmul.f32 v35, v35;
	v28 =	vadd.f32 v32, v28  }
0x1d3: {  	v59 =	vmul.f32 v36, v36;
	v26 =	vsub.f32 v27, v26  }
0x1d4: {  	v25 =	vmul.f32 v25, v25;
	v27 =	vadd.f32 v31, v30;
	v30 =	vsub.f32 v28, v33  }
0x1d5: {  	v24 =	vadd.f32 v59, v24;
	v26 =	vmul.f32 v26, v26;
	v28 =	vsub.f32 v28, v29;
	v29 =	vld [tilespmem:$0x8210]  }
0x1d6: {  	v25 =	vadd.f32 v25, v27;
	v27 =	vmul.f32 v30, v30;
	v30 =	vld [tilespmem:$0x8290]  }
0x1d7: {  	v24 =	vadd.f32 v26, v24;
	v26 =	vmul.f32 v28, v28  }
0x1d8: {  	s11 =	simm.s32 $0x0;
	v25 =	vadd.f32 v27, v25  }
0x1d9: {  	v24 =	vadd.f32 v26, v24;
	v26 =	vor.u32 s11, v6  }
0x1da: {  	v25 =	vsub.f32 v29, v25  }
0x1db: {  	v24 =	vsub.f32 v30, v24  }
0x1dc: {  	[tilespmem:v4+s9+$0x0] =	vst.idx.msk $0xffff, v25;
	v25 =	vmov s11  }
0x1dd: {  	[tilespmem:v5+s9+$0x0] =	vst.idx.msk $0xffff, v24  }
0x1de: {  	s12 =	simm.s32 $0x1;
	v24 =	vld.idx.msk [tilespmem:v26+s1+$0x0], $0xffff  }
0x1df: {  	v30 =	vor.u32 s12, v6;
	v29 =	vld.idx.msk [tilespmem:v26+s3+$0x0], $0xffff;
	_ =	sdelay $0x1  }
0x1e0: {  	v60 =	vld.idx.msk [tilespmem:v25+s29+$0x0], $0xffff  }
0x1e1: {  	v61 =	vmov s12;
	v31 =	vld.idx.msk [tilespmem:v26+s4+$0x0], $0xffff  }
0x1e2: {  	s12 =	simm.s32 $0x2;
	v62 =	vld.idx.msk [tilespmem:v26+s5+$0x0], $0xffff  }
0x1e3: {  	v28 =	vor.u32 s12, v6;
	v37 =	vld.idx.msk [tilespmem:v30+s1+$0x0], $0xffff;
	v24 =	vadd.f32 v29, v24  }
0x1e4: {  	v27 =	vld.idx.msk [tilespmem:v30+s3+$0x0], $0xffff  }
0x1e5: {  	v33 =	vmov v28;
	v25 =	vld.idx.msk [tilespmem:v30+s4+$0x0], $0xffff;
	v63 =	vadd.f32 v60, v24  }
0x1e6: {  	v32 =	vmov s12;
	v29 =	vld.idx.msk [tilespmem:v61+s29+$0x0], $0xffff  }
0x1e7: {  	v26 =	vld.idx.msk [tilespmem:v30+s5+$0x0], $0xffff;
	v36 =	vsub.f32 v63, v62  }
0x1e8: {  	s11 =	simm.s32 $0x3;
	v34 =	vmovc v28;
	v30 =	vimm.f32 $0.0e+00;
	v24 =	vimm.f32 $0.0e+00;
	v35 =	vsub.f32 v63, v31;
	v31 =	vld.idx.msk [tilespmem:v28+s1+$0x0], $0xffff  }
.LBB2_22:
0x1e9: {  	v37 =	vadd.f32 v27, v37;
	v27 =	vld.idx.msk [tilespmem:v28+s3+$0x0], $0xffff;
	v28 =	vor.u32 s11, v6;
	v36 =	vmul.f32 v36, v36;
	s12 =	smov.u32 s11;
	p0 =	sne.s32 s11, $0x3F  }
.Ltmp10:
0x1ea: {  	s11 =	sadd.s32 $0x1, s11;
	v35 =	vmul.f32 v35, v35;
	v38 =	vmov v25;
	v25 =	vld.idx.msk [tilespmem:v33+s4+$0x0], $0xffff;
	v33 =	vmov v28;
	(pc) =	sbr.rel @p0 .LBB2_22-.Ltmp10, $4  }
0x1eb: {  	v39 =	vadd.f32 v29, v37;
	v29 =	vld.idx.msk [tilespmem:v32+s29+$0x0], $0xffff;
	v24 =	vadd.f32 v36, v24  }
0x1ec: {  	v32 =	vmov s12;
	v30 =	vadd.f32 v35, v30  }
0x1ed: {  	v35 =	vsub.f32 v39, v38;
	v36 =	vsub.f32 v39, v26;
	v26 =	vld.idx.msk [tilespmem:v34+s5+$0x0], $0xffff;
	v34 =	vmov v28  }
0x1ee: {  	v37 =	vmov v31;
	v31 =	vld.idx.msk [tilespmem:v28+s1+$0x0], $0xffff  }
0x1ef: {  	_ =	sdelay $0x3  }
0x1f0: {  	v28 =	vld.idx.msk [tilespmem:v28+s3+$0x0], $0xffff;
	_ =	sdelay $0x1  }
0x1f1: {  	v32 =	vld.idx.msk [tilespmem:v32+s29+$0x0], $0xffff  }
0x1f2: {  	v27 =	vadd.f32 v27, v37  }
0x1f3: {  	v33 =	vld.idx.msk [tilespmem:v33+s4+$0x0], $0xffff  }
0x1f4: {  	v27 =	vadd.f32 v29, v27;
	v29 =	vld.idx.msk [tilespmem:v34+s5+$0x0], $0xffff;
	v28 =	vadd.f32 v28, v31;
	_ =	sdelay $0x1  }
0x1f5: {  	v25 =	vsub.f32 v27, v25;
	v31 =	vmul.f32 v35, v35;
	v28 =	vadd.f32 v32, v28  }
0x1f6: {  	v59 =	vmul.f32 v36, v36;
	v26 =	vsub.f32 v27, v26  }
0x1f7: {  	v25 =	vmul.f32 v25, v25;
	v27 =	vadd.f32 v31, v30;
	v30 =	vsub.f32 v28, v33  }
0x1f8: {  	v24 =	vadd.f32 v59, v24;
	v26 =	vmul.f32 v26, v26;
	v28 =	vsub.f32 v28, v29;
	v29 =	vld [tilespmem:$0x8220]  }
0x1f9: {  	v25 =	vadd.f32 v25, v27;
	v27 =	vmul.f32 v30, v30;
	v30 =	vld [tilespmem:$0x82A0]  }
0x1fa: {  	v24 =	vadd.f32 v26, v24;
	v26 =	vmul.f32 v28, v28  }
0x1fb: {  	s11 =	simm.s32 $0x0;
	v25 =	vadd.f32 v27, v25  }
0x1fc: {  	v24 =	vadd.f32 v26, v24;
	v26 =	vor.u32 s11, v9  }
0x1fd: {  	v25 =	vsub.f32 v29, v25  }
0x1fe: {  	v24 =	vsub.f32 v30, v24  }
0x1ff: {  	[tilespmem:v7+s9+$0x0] =	vst.idx.msk $0xffff, v25;
	v25 =	vmov s11  }
0x200: {  	[tilespmem:v8+s9+$0x0] =	vst.idx.msk $0xffff, v24  }
0x201: {  	s12 =	simm.s32 $0x1;
	v24 =	vld.idx.msk [tilespmem:v26+s1+$0x0], $0xffff  }
0x202: {  	v30 =	vor.u32 s12, v9;
	v29 =	vld.idx.msk [tilespmem:v26+s3+$0x0], $0xffff;
	_ =	sdelay $0x1  }
0x203: {  	v60 =	vld.idx.msk [tilespmem:v25+s29+$0x0], $0xffff  }
0x204: {  	v61 =	vmov s12;
	v31 =	vld.idx.msk [tilespmem:v26+s4+$0x0], $0xffff  }
0x205: {  	s12 =	simm.s32 $0x2;
	v62 =	vld.idx.msk [tilespmem:v26+s5+$0x0], $0xffff  }
0x206: {  	v28 =	vor.u32 s12, v9;
	v37 =	vld.idx.msk [tilespmem:v30+s1+$0x0], $0xffff;
	v24 =	vadd.f32 v29, v24  }
0x207: {  	v27 =	vld.idx.msk [tilespmem:v30+s3+$0x0], $0xffff  }
0x208: {  	v33 =	vmov v28;
	v25 =	vld.idx.msk [tilespmem:v30+s4+$0x0], $0xffff;
	v63 =	vadd.f32 v60, v24  }
0x209: {  	v32 =	vmov s12;
	v29 =	vld.idx.msk [tilespmem:v61+s29+$0x0], $0xffff  }
0x20a: {  	v26 =	vld.idx.msk [tilespmem:v30+s5+$0x0], $0xffff;
	v36 =	vsub.f32 v63, v62  }
0x20b: {  	s11 =	simm.s32 $0x3;
	v34 =	vmovc v28;
	v30 =	vimm.f32 $0.0e+00;
	v24 =	vimm.f32 $0.0e+00;
	v35 =	vsub.f32 v63, v31;
	v31 =	vld.idx.msk [tilespmem:v28+s1+$0x0], $0xffff  }
.LBB2_24:
0x20c: {  	v37 =	vadd.f32 v27, v37;
	v27 =	vld.idx.msk [tilespmem:v28+s3+$0x0], $0xffff;
	v28 =	vor.u32 s11, v9;
	v36 =	vmul.f32 v36, v36;
	s12 =	smov.u32 s11;
	p0 =	sne.s32 s11, $0x3F  }
.Ltmp11:
0x20d: {  	s11 =	sadd.s32 $0x1, s11;
	v35 =	vmul.f32 v35, v35;
	v38 =	vmov v25;
	v25 =	vld.idx.msk [tilespmem:v33+s4+$0x0], $0xffff;
	v33 =	vmov v28;
	(pc) =	sbr.rel @p0 .LBB2_24-.Ltmp11, $4  }
0x20e: {  	v39 =	vadd.f32 v29, v37;
	v29 =	vld.idx.msk [tilespmem:v32+s29+$0x0], $0xffff;
	v24 =	vadd.f32 v36, v24  }
0x20f: {  	v32 =	vmov s12;
	v30 =	vadd.f32 v35, v30  }
0x210: {  	v35 =	vsub.f32 v39, v38;
	v36 =	vsub.f32 v39, v26;
	v26 =	vld.idx.msk [tilespmem:v34+s5+$0x0], $0xffff;
	v34 =	vmov v28  }
0x211: {  	v37 =	vmov v31;
	v31 =	vld.idx.msk [tilespmem:v28+s1+$0x0], $0xffff  }
0x212: {  	_ =	sdelay $0x3  }
0x213: {  	v28 =	vld.idx.msk [tilespmem:v28+s3+$0x0], $0xffff;
	_ =	sdelay $0x1  }
0x214: {  	v32 =	vld.idx.msk [tilespmem:v32+s29+$0x0], $0xffff  }
0x215: {  	v27 =	vadd.f32 v27, v37  }
0x216: {  	v33 =	vld.idx.msk [tilespmem:v33+s4+$0x0], $0xffff  }
0x217: {  	v27 =	vadd.f32 v29, v27;
	v29 =	vld.idx.msk [tilespmem:v34+s5+$0x0], $0xffff;
	v28 =	vadd.f32 v28, v31;
	_ =	sdelay $0x1  }
0x218: {  	v25 =	vsub.f32 v27, v25;
	v31 =	vmul.f32 v35, v35;
	v28 =	vadd.f32 v32, v28  }
0x219: {  	v59 =	vmul.f32 v36, v36;
	v26 =	vsub.f32 v27, v26  }
0x21a: {  	v25 =	vmul.f32 v25, v25;
	v27 =	vadd.f32 v31, v30;
	v30 =	vsub.f32 v28, v33  }
0x21b: {  	v24 =	vadd.f32 v59, v24;
	v26 =	vmul.f32 v26, v26;
	v28 =	vsub.f32 v28, v29;
	v29 =	vld [tilespmem:$0x8230]  }
0x21c: {  	v25 =	vadd.f32 v25, v27;
	v27 =	vmul.f32 v30, v30;
	v30 =	vld [tilespmem:$0x82B0]  }
0x21d: {  	v24 =	vadd.f32 v26, v24;
	v26 =	vmul.f32 v28, v28  }
0x21e: {  	s11 =	simm.s32 $0x0;
	v25 =	vadd.f32 v27, v25  }
0x21f: {  	v24 =	vadd.f32 v26, v24;
	v26 =	vor.u32 s11, v12  }
0x220: {  	v25 =	vsub.f32 v29, v25  }
0x221: {  	v24 =	vsub.f32 v30, v24  }
0x222: {  	[tilespmem:v10+s9+$0x0] =	vst.idx.msk $0xffff, v25;
	v25 =	vmov s11  }
0x223: {  	[tilespmem:v11+s9+$0x0] =	vst.idx.msk $0xffff, v24  }
0x224: {  	s12 =	simm.s32 $0x1;
	v24 =	vld.idx.msk [tilespmem:v26+s1+$0x0], $0xffff  }
0x225: {  	v30 =	vor.u32 s12, v12;
	v29 =	vld.idx.msk [tilespmem:v26+s3+$0x0], $0xffff;
	_ =	sdelay $0x1  }
0x226: {  	v60 =	vld.idx.msk [tilespmem:v25+s29+$0x0], $0xffff  }
0x227: {  	v61 =	vmov s12;
	v31 =	vld.idx.msk [tilespmem:v26+s4+$0x0], $0xffff  }
0x228: {  	s12 =	simm.s32 $0x2;
	v62 =	vld.idx.msk [tilespmem:v26+s5+$0x0], $0xffff  }
0x229: {  	v28 =	vor.u32 s12, v12;
	v37 =	vld.idx.msk [tilespmem:v30+s1+$0x0], $0xffff;
	v24 =	vadd.f32 v29, v24  }
0x22a: {  	v27 =	vld.idx.msk [tilespmem:v30+s3+$0x0], $0xffff  }
0x22b: {  	v33 =	vmov v28;
	v25 =	vld.idx.msk [tilespmem:v30+s4+$0x0], $0xffff;
	v63 =	vadd.f32 v60, v24  }
0x22c: {  	v32 =	vmov s12;
	v29 =	vld.idx.msk [tilespmem:v61+s29+$0x0], $0xffff  }
0x22d: {  	v26 =	vld.idx.msk [tilespmem:v30+s5+$0x0], $0xffff;
	v36 =	vsub.f32 v63, v62  }
0x22e: {  	s11 =	simm.s32 $0x3;
	v34 =	vmovc v28;
	v30 =	vimm.f32 $0.0e+00;
	v24 =	vimm.f32 $0.0e+00;
	v35 =	vsub.f32 v63, v31;
	v31 =	vld.idx.msk [tilespmem:v28+s1+$0x0], $0xffff  }
.LBB2_26:
0x22f: {  	v37 =	vadd.f32 v27, v37;
	v27 =	vld.idx.msk [tilespmem:v28+s3+$0x0], $0xffff;
	v28 =	vor.u32 s11, v12;
	v36 =	vmul.f32 v36, v36;
	s12 =	smov.u32 s11;
	p0 =	sne.s32 s11, $0x3F  }
.Ltmp12:
0x230: {  	s11 =	sadd.s32 $0x1, s11;
	v35 =	vmul.f32 v35, v35;
	v38 =	vmov v25;
	v25 =	vld.idx.msk [tilespmem:v33+s4+$0x0], $0xffff;
	v33 =	vmov v28;
	(pc) =	sbr.rel @p0 .LBB2_26-.Ltmp12, $4  }
0x231: {  	v39 =	vadd.f32 v29, v37;
	v29 =	vld.idx.msk [tilespmem:v32+s29+$0x0], $0xffff;
	v24 =	vadd.f32 v36, v24  }
0x232: {  	v32 =	vmov s12;
	v30 =	vadd.f32 v35, v30  }
0x233: {  	v35 =	vsub.f32 v39, v38;
	v36 =	vsub.f32 v39, v26;
	v26 =	vld.idx.msk [tilespmem:v34+s5+$0x0], $0xffff;
	v34 =	vmov v28  }
0x234: {  	v37 =	vmov v31;
	v31 =	vld.idx.msk [tilespmem:v28+s1+$0x0], $0xffff  }
0x235: {  	_ =	sdelay $0x3  }
0x236: {  	v28 =	vld.idx.msk [tilespmem:v28+s3+$0x0], $0xffff;
	_ =	sdelay $0x1  }
0x237: {  	v32 =	vld.idx.msk [tilespmem:v32+s29+$0x0], $0xffff  }
0x238: {  	v27 =	vadd.f32 v27, v37  }
0x239: {  	v33 =	vld.idx.msk [tilespmem:v33+s4+$0x0], $0xffff  }
0x23a: {  	v27 =	vadd.f32 v29, v27;
	v29 =	vld.idx.msk [tilespmem:v34+s5+$0x0], $0xffff;
	v28 =	vadd.f32 v28, v31;
	_ =	sdelay $0x1  }
0x23b: {  	v25 =	vsub.f32 v27, v25;
	v31 =	vmul.f32 v35, v35;
	v28 =	vadd.f32 v32, v28  }
0x23c: {  	v59 =	vmul.f32 v36, v36;
	v26 =	vsub.f32 v27, v26  }
0x23d: {  	v25 =	vmul.f32 v25, v25;
	v27 =	vadd.f32 v31, v30;
	v30 =	vsub.f32 v28, v33  }
0x23e: {  	v24 =	vadd.f32 v59, v24;
	v26 =	vmul.f32 v26, v26;
	v28 =	vsub.f32 v28, v29;
	v29 =	vld [tilespmem:$0x8240]  }
0x23f: {  	v25 =	vadd.f32 v25, v27;
	v27 =	vmul.f32 v30, v30;
	v30 =	vld [tilespmem:$0x82C0]  }
0x240: {  	v24 =	vadd.f32 v26, v24;
	v26 =	vmul.f32 v28, v28  }
0x241: {  	s11 =	simm.s32 $0x0;
	v25 =	vadd.f32 v27, v25  }
0x242: {  	v24 =	vadd.f32 v26, v24;
	v26 =	vor.u32 s11, v15  }
0x243: {  	v25 =	vsub.f32 v29, v25  }
0x244: {  	v24 =	vsub.f32 v30, v24  }
0x245: {  	[tilespmem:v13+s9+$0x0] =	vst.idx.msk $0xffff, v25;
	v25 =	vmov s11  }
0x246: {  	[tilespmem:v14+s9+$0x0] =	vst.idx.msk $0xffff, v24  }
0x247: {  	s12 =	simm.s32 $0x1;
	v24 =	vld.idx.msk [tilespmem:v26+s1+$0x0], $0xffff  }
0x248: {  	v30 =	vor.u32 s12, v15;
	v29 =	vld.idx.msk [tilespmem:v26+s3+$0x0], $0xffff;
	_ =	sdelay $0x1  }
0x249: {  	v60 =	vld.idx.msk [tilespmem:v25+s29+$0x0], $0xffff  }
0x24a: {  	v61 =	vmov s12;
	v31 =	vld.idx.msk [tilespmem:v26+s4+$0x0], $0xffff  }
0x24b: {  	s12 =	simm.s32 $0x2;
	v62 =	vld.idx.msk [tilespmem:v26+s5+$0x0], $0xffff  }
0x24c: {  	v28 =	vor.u32 s12, v15;
	v37 =	vld.idx.msk [tilespmem:v30+s1+$0x0], $0xffff;
	v24 =	vadd.f32 v29, v24  }
0x24d: {  	v27 =	vld.idx.msk [tilespmem:v30+s3+$0x0], $0xffff  }
0x24e: {  	v33 =	vmov v28;
	v25 =	vld.idx.msk [tilespmem:v30+s4+$0x0], $0xffff;
	v63 =	vadd.f32 v60, v24  }
0x24f: {  	v32 =	vmov s12;
	v29 =	vld.idx.msk [tilespmem:v61+s29+$0x0], $0xffff  }
0x250: {  	v26 =	vld.idx.msk [tilespmem:v30+s5+$0x0], $0xffff;
	v36 =	vsub.f32 v63, v62  }
0x251: {  	s11 =	simm.s32 $0x3;
	v34 =	vmovc v28;
	v30 =	vimm.f32 $0.0e+00;
	v24 =	vimm.f32 $0.0e+00;
	v35 =	vsub.f32 v63, v31;
	v31 =	vld.idx.msk [tilespmem:v28+s1+$0x0], $0xffff  }
.LBB2_28:
0x252: {  	v37 =	vadd.f32 v27, v37;
	v27 =	vld.idx.msk [tilespmem:v28+s3+$0x0], $0xffff;
	v28 =	vor.u32 s11, v15;
	v36 =	vmul.f32 v36, v36;
	s12 =	smov.u32 s11;
	p0 =	sne.s32 s11, $0x3F  }
.Ltmp13:
0x253: {  	s11 =	sadd.s32 $0x1, s11;
	v35 =	vmul.f32 v35, v35;
	v38 =	vmov v25;
	v25 =	vld.idx.msk [tilespmem:v33+s4+$0x0], $0xffff;
	v33 =	vmov v28;
	(pc) =	sbr.rel @p0 .LBB2_28-.Ltmp13, $4  }
0x254: {  	v39 =	vadd.f32 v29, v37;
	v29 =	vld.idx.msk [tilespmem:v32+s29+$0x0], $0xffff;
	v24 =	vadd.f32 v36, v24  }
0x255: {  	v32 =	vmov s12;
	v30 =	vadd.f32 v35, v30  }
0x256: {  	v35 =	vsub.f32 v39, v38;
	v36 =	vsub.f32 v39, v26;
	v26 =	vld.idx.msk [tilespmem:v34+s5+$0x0], $0xffff;
	v34 =	vmov v28  }
0x257: {  	v37 =	vmov v31;
	v31 =	vld.idx.msk [tilespmem:v28+s1+$0x0], $0xffff  }
0x258: {  	_ =	sdelay $0x3  }
0x259: {  	v28 =	vld.idx.msk [tilespmem:v28+s3+$0x0], $0xffff;
	_ =	sdelay $0x1  }
0x25a: {  	v32 =	vld.idx.msk [tilespmem:v32+s29+$0x0], $0xffff  }
0x25b: {  	v27 =	vadd.f32 v27, v37  }
0x25c: {  	v33 =	vld.idx.msk [tilespmem:v33+s4+$0x0], $0xffff  }
0x25d: {  	v27 =	vadd.f32 v29, v27;
	v29 =	vld.idx.msk [tilespmem:v34+s5+$0x0], $0xffff;
	v28 =	vadd.f32 v28, v31;
	_ =	sdelay $0x1  }
0x25e: {  	v25 =	vsub.f32 v27, v25;
	v31 =	vmul.f32 v35, v35;
	v28 =	vadd.f32 v32, v28  }
0x25f: {  	v59 =	vmul.f32 v36, v36;
	v26 =	vsub.f32 v27, v26  }
0x260: {  	v25 =	vmul.f32 v25, v25;
	v27 =	vadd.f32 v31, v30;
	v30 =	vsub.f32 v28, v33  }
0x261: {  	v24 =	vadd.f32 v59, v24;
	v26 =	vmul.f32 v26, v26;
	v28 =	vsub.f32 v28, v29;
	v29 =	vld [tilespmem:$0x8250]  }
0x262: {  	v25 =	vadd.f32 v25, v27;
	v27 =	vmul.f32 v30, v30;
	v30 =	vld [tilespmem:$0x82D0]  }
0x263: {  	v24 =	vadd.f32 v26, v24;
	v26 =	vmul.f32 v28, v28  }
0x264: {  	s11 =	simm.s32 $0x0;
	v25 =	vadd.f32 v27, v25  }
0x265: {  	v24 =	vadd.f32 v26, v24;
	v26 =	vor.u32 s11, v18  }
0x266: {  	v25 =	vsub.f32 v29, v25  }
0x267: {  	v24 =	vsub.f32 v30, v24  }
0x268: {  	[tilespmem:v16+s9+$0x0] =	vst.idx.msk $0xffff, v25;
	v25 =	vmov s11  }
0x269: {  	[tilespmem:v17+s9+$0x0] =	vst.idx.msk $0xffff, v24  }
0x26a: {  	s12 =	simm.s32 $0x1;
	v24 =	vld.idx.msk [tilespmem:v26+s1+$0x0], $0xffff  }
0x26b: {  	v30 =	vor.u32 s12, v18;
	v29 =	vld.idx.msk [tilespmem:v26+s3+$0x0], $0xffff;
	_ =	sdelay $0x1  }
0x26c: {  	v60 =	vld.idx.msk [tilespmem:v25+s29+$0x0], $0xffff  }
0x26d: {  	v61 =	vmov s12;
	v31 =	vld.idx.msk [tilespmem:v26+s4+$0x0], $0xffff  }
0x26e: {  	s12 =	simm.s32 $0x2;
	v62 =	vld.idx.msk [tilespmem:v26+s5+$0x0], $0xffff  }
0x26f: {  	v28 =	vor.u32 s12, v18;
	v37 =	vld.idx.msk [tilespmem:v30+s1+$0x0], $0xffff;
	v24 =	vadd.f32 v29, v24  }
0x270: {  	v27 =	vld.idx.msk [tilespmem:v30+s3+$0x0], $0xffff  }
0x271: {  	v33 =	vmov v28;
	v25 =	vld.idx.msk [tilespmem:v30+s4+$0x0], $0xffff;
	v63 =	vadd.f32 v60, v24  }
0x272: {  	v32 =	vmov s12;
	v29 =	vld.idx.msk [tilespmem:v61+s29+$0x0], $0xffff  }
0x273: {  	v26 =	vld.idx.msk [tilespmem:v30+s5+$0x0], $0xffff;
	v36 =	vsub.f32 v63, v62  }
0x274: {  	s11 =	simm.s32 $0x3;
	v34 =	vmovc v28;
	v30 =	vimm.f32 $0.0e+00;
	v24 =	vimm.f32 $0.0e+00;
	v35 =	vsub.f32 v63, v31;
	v31 =	vld.idx.msk [tilespmem:v28+s1+$0x0], $0xffff  }
.LBB2_30:
0x275: {  	v37 =	vadd.f32 v27, v37;
	v27 =	vld.idx.msk [tilespmem:v28+s3+$0x0], $0xffff;
	v28 =	vor.u32 s11, v18;
	v36 =	vmul.f32 v36, v36;
	s12 =	smov.u32 s11;
	p0 =	sne.s32 s11, $0x3F  }
.Ltmp14:
0x276: {  	s11 =	sadd.s32 $0x1, s11;
	v35 =	vmul.f32 v35, v35;
	v38 =	vmov v25;
	v25 =	vld.idx.msk [tilespmem:v33+s4+$0x0], $0xffff;
	v33 =	vmov v28;
	(pc) =	sbr.rel @p0 .LBB2_30-.Ltmp14, $4  }
0x277: {  	v39 =	vadd.f32 v29, v37;
	v29 =	vld.idx.msk [tilespmem:v32+s29+$0x0], $0xffff;
	v24 =	vadd.f32 v36, v24  }
0x278: {  	v32 =	vmov s12;
	v30 =	vadd.f32 v35, v30  }
0x279: {  	v35 =	vsub.f32 v39, v38;
	v36 =	vsub.f32 v39, v26;
	v26 =	vld.idx.msk [tilespmem:v34+s5+$0x0], $0xffff;
	v34 =	vmov v28  }
0x27a: {  	v37 =	vmov v31;
	v31 =	vld.idx.msk [tilespmem:v28+s1+$0x0], $0xffff  }
0x27b: {  	_ =	sdelay $0x3  }
0x27c: {  	v28 =	vld.idx.msk [tilespmem:v28+s3+$0x0], $0xffff;
	_ =	sdelay $0x1  }
0x27d: {  	v32 =	vld.idx.msk [tilespmem:v32+s29+$0x0], $0xffff  }
0x27e: {  	v27 =	vadd.f32 v27, v37  }
0x27f: {  	v33 =	vld.idx.msk [tilespmem:v33+s4+$0x0], $0xffff  }
0x280: {  	v27 =	vadd.f32 v29, v27;
	v29 =	vld.idx.msk [tilespmem:v34+s5+$0x0], $0xffff;
	v28 =	vadd.f32 v28, v31;
	_ =	sdelay $0x1  }
0x281: {  	v25 =	vsub.f32 v27, v25;
	v31 =	vmul.f32 v35, v35;
	v28 =	vadd.f32 v32, v28  }
0x282: {  	v59 =	vmul.f32 v36, v36;
	v26 =	vsub.f32 v27, v26  }
0x283: {  	v25 =	vmul.f32 v25, v25;
	v27 =	vadd.f32 v31, v30;
	v30 =	vsub.f32 v28, v33  }
0x284: {  	v24 =	vadd.f32 v59, v24;
	v26 =	vmul.f32 v26, v26;
	v28 =	vsub.f32 v28, v29;
	v29 =	vld [tilespmem:$0x8260]  }
0x285: {  	v25 =	vadd.f32 v25, v27;
	v27 =	vmul.f32 v30, v30;
	v30 =	vld [tilespmem:$0x82E0]  }
0x286: {  	v24 =	vadd.f32 v26, v24;
	v26 =	vmul.f32 v28, v28  }
0x287: {  	s11 =	simm.s32 $0x0;
	v25 =	vadd.f32 v27, v25  }
0x288: {  	v24 =	vadd.f32 v26, v24;
	v26 =	vor.u32 s11, v21  }
0x289: {  	v25 =	vsub.f32 v29, v25  }
0x28a: {  	v24 =	vsub.f32 v30, v24  }
0x28b: {  	[tilespmem:v19+s9+$0x0] =	vst.idx.msk $0xffff, v25;
	v25 =	vmov s11  }
0x28c: {  	[tilespmem:v20+s9+$0x0] =	vst.idx.msk $0xffff, v24  }
0x28d: {  	s12 =	simm.s32 $0x1;
	v24 =	vld.idx.msk [tilespmem:v26+s1+$0x0], $0xffff  }
0x28e: {  	v30 =	vor.u32 s12, v21;
	v29 =	vld.idx.msk [tilespmem:v26+s3+$0x0], $0xffff;
	_ =	sdelay $0x1  }
0x28f: {  	v60 =	vld.idx.msk [tilespmem:v25+s29+$0x0], $0xffff  }
0x290: {  	v61 =	vmov s12;
	v31 =	vld.idx.msk [tilespmem:v26+s4+$0x0], $0xffff  }
0x291: {  	s12 =	simm.s32 $0x2;
	v62 =	vld.idx.msk [tilespmem:v26+s5+$0x0], $0xffff  }
0x292: {  	v28 =	vor.u32 s12, v21;
	v37 =	vld.idx.msk [tilespmem:v30+s1+$0x0], $0xffff;
	v24 =	vadd.f32 v29, v24  }
0x293: {  	v27 =	vld.idx.msk [tilespmem:v30+s3+$0x0], $0xffff  }
0x294: {  	v33 =	vmov v28;
	v25 =	vld.idx.msk [tilespmem:v30+s4+$0x0], $0xffff;
	v63 =	vadd.f32 v60, v24  }
0x295: {  	v32 =	vmov s12;
	v29 =	vld.idx.msk [tilespmem:v61+s29+$0x0], $0xffff  }
0x296: {  	v26 =	vld.idx.msk [tilespmem:v30+s5+$0x0], $0xffff;
	v36 =	vsub.f32 v63, v62  }
0x297: {  	s11 =	simm.s32 $0x3;
	v34 =	vmovc v28;
	v30 =	vimm.f32 $0.0e+00;
	v24 =	vimm.f32 $0.0e+00;
	v35 =	vsub.f32 v63, v31;
	v31 =	vld.idx.msk [tilespmem:v28+s1+$0x0], $0xffff  }
.LBB2_32:
0x298: {  	v37 =	vadd.f32 v27, v37;
	v27 =	vld.idx.msk [tilespmem:v28+s3+$0x0], $0xffff;
	v28 =	vor.u32 s11, v21;
	v36 =	vmul.f32 v36, v36;
	s12 =	smov.u32 s11;
	p0 =	sne.s32 s11, $0x3F  }
.Ltmp15:
0x299: {  	s11 =	sadd.s32 $0x1, s11;
	v35 =	vmul.f32 v35, v35;
	v38 =	vmov v25;
	v25 =	vld.idx.msk [tilespmem:v33+s4+$0x0], $0xffff;
	v33 =	vmov v28;
	(pc) =	sbr.rel @p0 .LBB2_32-.Ltmp15, $4  }
0x29a: {  	v39 =	vadd.f32 v29, v37;
	v29 =	vld.idx.msk [tilespmem:v32+s29+$0x0], $0xffff;
	v24 =	vadd.f32 v36, v24  }
0x29b: {  	v32 =	vmov s12;
	v30 =	vadd.f32 v35, v30  }
0x29c: {  	v35 =	vsub.f32 v39, v38;
	v36 =	vsub.f32 v39, v26;
	v26 =	vld.idx.msk [tilespmem:v34+s5+$0x0], $0xffff;
	v34 =	vmov v28  }
0x29d: {  	v37 =	vmov v31;
	v31 =	vld.idx.msk [tilespmem:v28+s1+$0x0], $0xffff  }
0x29e: {  	_ =	sdelay $0x3  }
0x29f: {  	v28 =	vld.idx.msk [tilespmem:v28+s3+$0x0], $0xffff;
	_ =	sdelay $0x1  }
0x2a0: {  	v32 =	vld.idx.msk [tilespmem:v32+s29+$0x0], $0xffff  }
0x2a1: {  	v27 =	vadd.f32 v27, v37  }
0x2a2: {  	v33 =	vld.idx.msk [tilespmem:v33+s4+$0x0], $0xffff  }
0x2a3: {  	v27 =	vadd.f32 v29, v27;
	v29 =	vld.idx.msk [tilespmem:v34+s5+$0x0], $0xffff;
	v28 =	vadd.f32 v28, v31;
	_ =	sdelay $0x1  }
0x2a4: {  	v25 =	vsub.f32 v27, v25;
	v31 =	vmul.f32 v35, v35;
	v28 =	vadd.f32 v32, v28  }
0x2a5: {  	v59 =	vmul.f32 v36, v36;
	v26 =	vsub.f32 v27, v26  }
0x2a6: {  	v25 =	vmul.f32 v25, v25;
	v27 =	vadd.f32 v31, v30;
	v30 =	vsub.f32 v28, v33  }
0x2a7: {  	v24 =	vadd.f32 v59, v24;
	v26 =	vmul.f32 v26, v26;
	v28 =	vsub.f32 v28, v29;
	v29 =	vld [tilespmem:$0x8270]  }
0x2a8: {  	v25 =	vadd.f32 v25, v27;
	v27 =	vmul.f32 v30, v30;
	v30 =	vld [tilespmem:$0x82F0]  }
0x2a9: {  	v24 =	vadd.f32 v26, v24;
	v26 =	vmul.f32 v28, v28  }
0x2aa: {  	v25 =	vadd.f32 v27, v25  }
0x2ab: {  	v24 =	vadd.f32 v26, v24  }
0x2ac: {  	v25 =	vsub.f32 v29, v25  }
0x2ad: {  	v24 =	vsub.f32 v30, v24  }
0x2ae: {  	[tilespmem:v22+s9+$0x0] =	vst.idx.msk $0xffff, v25  }
0x2af: {  	s11 =	simm.s32 $0x0;
	[tilespmem:v23+s9+$0x0] =	vst.idx.msk $0xffff, v24  }
0x2b0: {  	[hbm4b:s22+s11] =	stream.linear.scatter [tilespmem:s9], [sflag:$0x2], $0x400, $0x38;
	[tilespmem:$0x8740] =	vst v63  }
0x2b1: {  	_ =	swait.ge [sflag:s30], $0x400  }
0x2b2: {  	[sflag:s30] =	ssyncset.done $0x0  }
0x2b3: {  	s12 =	rddreg [dreg:$0x10];
	[sflag:s30] =	ssyncadd.s32 $0xFFFFFC00  }
0x2b4: {  	[tilespmem:s11], [sflag:$0x2] =	stream.linear.gather [hbm4b:s12+s11], $0x80, $0x38;
	[tilespmem:$0x8740] =	vst v63  }
0x2b5: {  	_ =	swait.ge [sflag:s30], $0x80  }
0x2b6: {  	[sflag:s30] =	ssyncset.done $0x0  }
0x2b7: {  	s12 =	rddreg [dreg:$0x11];
	[sflag:s30] =	ssyncadd.s32 $0xFFFFFF80  }
0x2b8: {  	[tilespmem:s31], [sflag:$0x2] =	stream.linear.gather [hbm4b:s12+s11], $0x80, $0x38;
	[tilespmem:$0x8740] =	vst v63  }
0x2b9: {  	_ =	swait.ge [sflag:s30], $0x80  }
0x2ba: {  	[sflag:s30] =	ssyncset.done $0x0  }
0x2bb: {  	[sflag:s30] =	ssyncadd.s32 $0xFFFFFF80  }
0x2bc: {  	[tilespmem:s15], [sflag:$0x2] =	stream.linear.gather [hbm4b:s13+s11], $0x80, $0x38;
	[tilespmem:$0x8740] =	vst v63  }
0x2bd: {  	_ =	swait.ge [sflag:s30], $0x80  }
0x2be: {  	[sflag:s30] =	ssyncset.done $0x0  }
0x2bf: {  	[sflag:s30] =	ssyncadd.s32 $0xFFFFFF80  }
0x2c0: {  	[tilespmem:s0], [sflag:$0x2] =	stream.linear.gather [hbm4b:s14+s11], $0x80, $0x38;
	[tilespmem:$0x8740] =	vst v63  }
0x2c1: {  	_ =	swait.ge [sflag:s30], $0x80  }
0x2c2: {  	[sflag:s30] =	ssyncset.done $0x0  }
0x2c3: {  	[sflag:s30] =	ssyncadd.s32 $0xFFFFFF80  }
0x2c4: {  	[tilespmem:s1], [sflag:$0x1] =	stream.indirect.gather [hbm4b:s23+s31], $0x40, s11, s31, $0xb8;
	[tilespmem:$0x8740] =	vst v63  }
0x2c5: {  	_ = 	snop  }
0x2c6: {  	[tilespmem:s3], [sflag:$0x1] =	stream.indirect.gather [hbm4b:s26+s31], $0x40, s31, s31, $0xb8;
	[tilespmem:$0x8740] =	vst v63  }
0x2c7: {  	_ = 	snop  }
0x2c8: {  	[tilespmem:s4], [sflag:$0x1] =	stream.indirect.gather [hbm4b:s26+s31], $0x40, s15, s31, $0xb8;
	[tilespmem:$0x8740] =	vst v63  }
0x2c9: {  	_ = 	snop  }
0x2ca: {  	[tilespmem:s5], [sflag:$0x1] =	stream.indirect.gather [hbm4b:s26+s31], $0x40, s0, s31, $0xb8;
	[tilespmem:$0x8740] =	vst v63  }
0x2cb: {  	_ = 	snop  }
0x2cc: {  	[tilespmem:s6], [sflag:$0x1] =	stream.indirect.gather [hbm4b:s17+s31], $0x1, s15, s31, $0xb8;
	[tilespmem:$0x8740] =	vst v63  }
0x2cd: {  	_ = 	snop  }
0x2ce: {  	[tilespmem:s7], [sflag:$0x1] =	stream.indirect.gather [hbm4b:s17+s31], $0x1, s0, s31, $0xb8;
	[tilespmem:$0x8740] =	vst v63  }
0x2cf: {  	_ =	swait.ge [sflag:s8], $0x2000  }
0x2d0: {  	[sflag:s8] =	ssyncset.done $0x0  }
0x2d1: {  	[sflag:s8] =	ssyncadd.s32 $0xFFFFE000  }
0x2d2: {  	_ =	swait.ge [sflag:s8], $0x2000  }
0x2d3: {  	[sflag:s8] =	ssyncset.done $0x0  }
0x2d4: {  	[sflag:s8] =	ssyncadd.s32 $0xFFFFE000  }
0x2d5: {  	_ =	swait.ge [sflag:s8], $0x2000  }
0x2d6: {  	[sflag:s8] =	ssyncset.done $0x0  }
0x2d7: {  	[sflag:s8] =	ssyncadd.s32 $0xFFFFE000  }
0x2d8: {  	_ =	swait.ge [sflag:s8], $0x2000  }
0x2d9: {  	[sflag:s8] =	ssyncset.done $0x0  }
0x2da: {  	[sflag:s8] =	ssyncadd.s32 $0xFFFFE000  }
0x2db: {  	_ =	swait.ge [sflag:s8], $0x80  }
0x2dc: {  	v24 =	vor.u32 s11, v1;
	[sflag:s8] =	ssyncset.done $0x0  }
0x2dd: {  	[sflag:s8] =	ssyncadd.s32 $0xFFFFFF80  }
0x2de: {  	_ =	swait.ge [sflag:s8], $0x80  }
0x2df: {  	v25 =	vmov s11;
	[sflag:s8] =	ssyncset.done $0x0  }
0x2e0: {  	[sflag:s8] =	ssyncadd.s32 $0xFFFFFF80  }
0x2e1: {  	s12 =	simm.s32 $0x1;
	v26 =	vld.idx.msk [tilespmem:v24+s1+$0x0], $0xffff  }
0x2e2: {  	v30 =	vor.u32 s12, v1;
	v29 =	vld.idx.msk [tilespmem:v24+s3+$0x0], $0xffff;
	_ =	sdelay $0x1  }
0x2e3: {  	v60 =	vld.idx.msk [tilespmem:v25+s29+$0x0], $0xffff  }
0x2e4: {  	v61 =	vmov s12;
	v31 =	vld.idx.msk [tilespmem:v24+s4+$0x0], $0xffff  }
0x2e5: {  	s12 =	simm.s32 $0x2;
	v62 =	vld.idx.msk [tilespmem:v24+s5+$0x0], $0xffff  }
0x2e6: {  	v28 =	vor.u32 s12, v1;
	v37 =	vld.idx.msk [tilespmem:v30+s1+$0x0], $0xffff;
	v24 =	vadd.f32 v29, v26  }
0x2e7: {  	v27 =	vld.idx.msk [tilespmem:v30+s3+$0x0], $0xffff  }
0x2e8: {  	v33 =	vmov v28;
	v25 =	vld.idx.msk [tilespmem:v30+s4+$0x0], $0xffff;
	v63 =	vadd.f32 v60, v24  }
0x2e9: {  	v32 =	vmov s12;
	v29 =	vld.idx.msk [tilespmem:v61+s29+$0x0], $0xffff  }
0x2ea: {  	v26 =	vld.idx.msk [tilespmem:v30+s5+$0x0], $0xffff;
	v36 =	vsub.f32 v63, v62  }
0x2eb: {  	v34 =	vmovc v28;
	s11 =	simm.s32 $0x3;
	v30 =	vimm.f32 $0.0e+00;
	v24 =	vimm.f32 $0.0e+00;
	v35 =	vsub.f32 v63, v31;
	v31 =	vld.idx.msk [tilespmem:v28+s1+$0x0], $0xffff  }
.LBB2_34:
0x2ec: {  	v37 =	vadd.f32 v27, v37;
	v27 =	vld.idx.msk [tilespmem:v28+s3+$0x0], $0xffff;
	v28 =	vor.u32 s11, v1;
	v36 =	vmul.f32 v36, v36;
	s12 =	smov.u32 s11;
	p0 =	sne.s32 s11, $0x3F  }
.Ltmp16:
0x2ed: {  	s11 =	sadd.s32 $0x1, s11;
	v35 =	vmul.f32 v35, v35;
	v38 =	vmov v25;
	v25 =	vld.idx.msk [tilespmem:v33+s4+$0x0], $0xffff;
	v33 =	vmov v28;
	(pc) =	sbr.rel @p0 .LBB2_34-.Ltmp16, $4  }
0x2ee: {  	v39 =	vadd.f32 v29, v37;
	v29 =	vld.idx.msk [tilespmem:v32+s29+$0x0], $0xffff;
	v24 =	vadd.f32 v36, v24  }
0x2ef: {  	v32 =	vmov s12;
	v30 =	vadd.f32 v35, v30  }
0x2f0: {  	v35 =	vsub.f32 v39, v38;
	v36 =	vsub.f32 v39, v26;
	v26 =	vld.idx.msk [tilespmem:v34+s5+$0x0], $0xffff;
	v34 =	vmov v28  }
0x2f1: {  	v37 =	vmov v31;
	v31 =	vld.idx.msk [tilespmem:v28+s1+$0x0], $0xffff  }
0x2f2: {  	_ =	sdelay $0x3  }
0x2f3: {  	v28 =	vld.idx.msk [tilespmem:v28+s3+$0x0], $0xffff;
	_ =	sdelay $0x1  }
0x2f4: {  	v32 =	vld.idx.msk [tilespmem:v32+s29+$0x0], $0xffff  }
0x2f5: {  	v27 =	vadd.f32 v27, v37  }
0x2f6: {  	v33 =	vld.idx.msk [tilespmem:v33+s4+$0x0], $0xffff  }
0x2f7: {  	v27 =	vadd.f32 v29, v27;
	v29 =	vld.idx.msk [tilespmem:v34+s5+$0x0], $0xffff;
	v28 =	vadd.f32 v28, v31;
	_ =	sdelay $0x1  }
0x2f8: {  	v25 =	vsub.f32 v27, v25;
	v31 =	vmul.f32 v35, v35;
	v28 =	vadd.f32 v32, v28  }
0x2f9: {  	v59 =	vmul.f32 v36, v36;
	v26 =	vsub.f32 v27, v26  }
0x2fa: {  	v25 =	vmul.f32 v25, v25;
	v27 =	vadd.f32 v31, v30;
	v30 =	vsub.f32 v28, v33  }
0x2fb: {  	v24 =	vadd.f32 v59, v24;
	v26 =	vmul.f32 v26, v26;
	v28 =	vsub.f32 v28, v29;
	v29 =	vld [tilespmem:$0x8200]  }
0x2fc: {  	v25 =	vadd.f32 v25, v27;
	v27 =	vmul.f32 v30, v30;
	v30 =	vld [tilespmem:$0x8280]  }
0x2fd: {  	v24 =	vadd.f32 v26, v24;
	v26 =	vmul.f32 v28, v28  }
0x2fe: {  	s11 =	simm.s32 $0x0;
	v25 =	vadd.f32 v27, v25  }
0x2ff: {  	v24 =	vadd.f32 v26, v24;
	v26 =	vor.u32 s11, v3  }
0x300: {  	v25 =	vsub.f32 v29, v25  }
0x301: {  	v24 =	vsub.f32 v30, v24  }
0x302: {  	[tilespmem:v0+s9+$0x0] =	vst.idx.msk $0xffff, v25;
	v25 =	vmov s11  }
0x303: {  	[tilespmem:v2+s9+$0x0] =	vst.idx.msk $0xffff, v24  }
0x304: {  	s12 =	simm.s32 $0x1;
	v24 =	vld.idx.msk [tilespmem:v26+s1+$0x0], $0xffff  }
0x305: {  	v30 =	vor.u32 s12, v3;
	v29 =	vld.idx.msk [tilespmem:v26+s3+$0x0], $0xffff;
	_ =	sdelay $0x1  }
0x306: {  	v60 =	vld.idx.msk [tilespmem:v25+s29+$0x0], $0xffff  }
0x307: {  	v61 =	vmov s12;
	v31 =	vld.idx.msk [tilespmem:v26+s4+$0x0], $0xffff  }
0x308: {  	s12 =	simm.s32 $0x2;
	v62 =	vld.idx.msk [tilespmem:v26+s5+$0x0], $0xffff  }
0x309: {  	v28 =	vor.u32 s12, v3;
	v37 =	vld.idx.msk [tilespmem:v30+s1+$0x0], $0xffff;
	v24 =	vadd.f32 v29, v24  }
0x30a: {  	v27 =	vld.idx.msk [tilespmem:v30+s3+$0x0], $0xffff  }
0x30b: {  	v33 =	vmov v28;
	v25 =	vld.idx.msk [tilespmem:v30+s4+$0x0], $0xffff;
	v63 =	vadd.f32 v60, v24  }
0x30c: {  	v32 =	vmov s12;
	v29 =	vld.idx.msk [tilespmem:v61+s29+$0x0], $0xffff  }
0x30d: {  	v26 =	vld.idx.msk [tilespmem:v30+s5+$0x0], $0xffff;
	v36 =	vsub.f32 v63, v62  }
0x30e: {  	s11 =	simm.s32 $0x3;
	v34 =	vmovc v28;
	v30 =	vimm.f32 $0.0e+00;
	v24 =	vimm.f32 $0.0e+00;
	v35 =	vsub.f32 v63, v31;
	v31 =	vld.idx.msk [tilespmem:v28+s1+$0x0], $0xffff  }
.LBB2_36:
0x30f: {  	v37 =	vadd.f32 v27, v37;
	v27 =	vld.idx.msk [tilespmem:v28+s3+$0x0], $0xffff;
	v28 =	vor.u32 s11, v3;
	v36 =	vmul.f32 v36, v36;
	s12 =	smov.u32 s11;
	p0 =	sne.s32 s11, $0x3F  }
.Ltmp17:
0x310: {  	s11 =	sadd.s32 $0x1, s11;
	v35 =	vmul.f32 v35, v35;
	v38 =	vmov v25;
	v25 =	vld.idx.msk [tilespmem:v33+s4+$0x0], $0xffff;
	v33 =	vmov v28;
	(pc) =	sbr.rel @p0 .LBB2_36-.Ltmp17, $4  }
0x311: {  	v39 =	vadd.f32 v29, v37;
	v29 =	vld.idx.msk [tilespmem:v32+s29+$0x0], $0xffff;
	v24 =	vadd.f32 v36, v24  }
0x312: {  	v32 =	vmov s12;
	v30 =	vadd.f32 v35, v30  }
0x313: {  	v35 =	vsub.f32 v39, v38;
	v36 =	vsub.f32 v39, v26;
	v26 =	vld.idx.msk [tilespmem:v34+s5+$0x0], $0xffff;
	v34 =	vmov v28  }
0x314: {  	v37 =	vmov v31;
	v31 =	vld.idx.msk [tilespmem:v28+s1+$0x0], $0xffff  }
0x315: {  	_ =	sdelay $0x3  }
0x316: {  	v28 =	vld.idx.msk [tilespmem:v28+s3+$0x0], $0xffff;
	_ =	sdelay $0x1  }
0x317: {  	v32 =	vld.idx.msk [tilespmem:v32+s29+$0x0], $0xffff  }
0x318: {  	v27 =	vadd.f32 v27, v37  }
0x319: {  	v33 =	vld.idx.msk [tilespmem:v33+s4+$0x0], $0xffff  }
0x31a: {  	v27 =	vadd.f32 v29, v27;
	v29 =	vld.idx.msk [tilespmem:v34+s5+$0x0], $0xffff;
	v28 =	vadd.f32 v28, v31;
	_ =	sdelay $0x1  }
0x31b: {  	v25 =	vsub.f32 v27, v25;
	v31 =	vmul.f32 v35, v35;
	v28 =	vadd.f32 v32, v28  }
0x31c: {  	v59 =	vmul.f32 v36, v36;
	v26 =	vsub.f32 v27, v26  }
0x31d: {  	v25 =	vmul.f32 v25, v25;
	v27 =	vadd.f32 v31, v30;
	v30 =	vsub.f32 v28, v33  }
0x31e: {  	v24 =	vadd.f32 v59, v24;
	v26 =	vmul.f32 v26, v26;
	v28 =	vsub.f32 v28, v29;
	v29 =	vld [tilespmem:$0x8210]  }
0x31f: {  	v25 =	vadd.f32 v25, v27;
	v27 =	vmul.f32 v30, v30;
	v30 =	vld [tilespmem:$0x8290]  }
0x320: {  	v24 =	vadd.f32 v26, v24;
	v26 =	vmul.f32 v28, v28  }
0x321: {  	s11 =	simm.s32 $0x0;
	v25 =	vadd.f32 v27, v25  }
0x322: {  	v24 =	vadd.f32 v26, v24;
	v26 =	vor.u32 s11, v6  }
0x323: {  	v25 =	vsub.f32 v29, v25  }
0x324: {  	v24 =	vsub.f32 v30, v24  }
0x325: {  	[tilespmem:v4+s9+$0x0] =	vst.idx.msk $0xffff, v25;
	v25 =	vmov s11  }
0x326: {  	[tilespmem:v5+s9+$0x0] =	vst.idx.msk $0xffff, v24  }
0x327: {  	s12 =	simm.s32 $0x1;
	v24 =	vld.idx.msk [tilespmem:v26+s1+$0x0], $0xffff  }
0x328: {  	v30 =	vor.u32 s12, v6;
	v29 =	vld.idx.msk [tilespmem:v26+s3+$0x0], $0xffff;
	_ =	sdelay $0x1  }
0x329: {  	v60 =	vld.idx.msk [tilespmem:v25+s29+$0x0], $0xffff  }
0x32a: {  	v61 =	vmov s12;
	v31 =	vld.idx.msk [tilespmem:v26+s4+$0x0], $0xffff  }
0x32b: {  	s12 =	simm.s32 $0x2;
	v62 =	vld.idx.msk [tilespmem:v26+s5+$0x0], $0xffff  }
0x32c: {  	v28 =	vor.u32 s12, v6;
	v37 =	vld.idx.msk [tilespmem:v30+s1+$0x0], $0xffff;
	v24 =	vadd.f32 v29, v24  }
0x32d: {  	v27 =	vld.idx.msk [tilespmem:v30+s3+$0x0], $0xffff  }
0x32e: {  	v33 =	vmov v28;
	v25 =	vld.idx.msk [tilespmem:v30+s4+$0x0], $0xffff;
	v63 =	vadd.f32 v60, v24  }
0x32f: {  	v32 =	vmov s12;
	v29 =	vld.idx.msk [tilespmem:v61+s29+$0x0], $0xffff  }
0x330: {  	v26 =	vld.idx.msk [tilespmem:v30+s5+$0x0], $0xffff;
	v36 =	vsub.f32 v63, v62  }
0x331: {  	s11 =	simm.s32 $0x3;
	v34 =	vmovc v28;
	v30 =	vimm.f32 $0.0e+00;
	v24 =	vimm.f32 $0.0e+00;
	v35 =	vsub.f32 v63, v31;
	v31 =	vld.idx.msk [tilespmem:v28+s1+$0x0], $0xffff  }
.LBB2_38:
0x332: {  	v37 =	vadd.f32 v27, v37;
	v27 =	vld.idx.msk [tilespmem:v28+s3+$0x0], $0xffff;
	v28 =	vor.u32 s11, v6;
	v36 =	vmul.f32 v36, v36;
	s12 =	smov.u32 s11;
	p0 =	sne.s32 s11, $0x3F  }
.Ltmp18:
0x333: {  	s11 =	sadd.s32 $0x1, s11;
	v35 =	vmul.f32 v35, v35;
	v38 =	vmov v25;
	v25 =	vld.idx.msk [tilespmem:v33+s4+$0x0], $0xffff;
	v33 =	vmov v28;
	(pc) =	sbr.rel @p0 .LBB2_38-.Ltmp18, $4  }
0x334: {  	v39 =	vadd.f32 v29, v37;
	v29 =	vld.idx.msk [tilespmem:v32+s29+$0x0], $0xffff;
	v24 =	vadd.f32 v36, v24  }
0x335: {  	v32 =	vmov s12;
	v30 =	vadd.f32 v35, v30  }
0x336: {  	v35 =	vsub.f32 v39, v38;
	v36 =	vsub.f32 v39, v26;
	v26 =	vld.idx.msk [tilespmem:v34+s5+$0x0], $0xffff;
	v34 =	vmov v28  }
0x337: {  	v37 =	vmov v31;
	v31 =	vld.idx.msk [tilespmem:v28+s1+$0x0], $0xffff  }
0x338: {  	_ =	sdelay $0x3  }
0x339: {  	v28 =	vld.idx.msk [tilespmem:v28+s3+$0x0], $0xffff;
	_ =	sdelay $0x1  }
0x33a: {  	v32 =	vld.idx.msk [tilespmem:v32+s29+$0x0], $0xffff  }
0x33b: {  	v27 =	vadd.f32 v27, v37  }
0x33c: {  	v33 =	vld.idx.msk [tilespmem:v33+s4+$0x0], $0xffff  }
0x33d: {  	v27 =	vadd.f32 v29, v27;
	v29 =	vld.idx.msk [tilespmem:v34+s5+$0x0], $0xffff;
	v28 =	vadd.f32 v28, v31;
	_ =	sdelay $0x1  }
0x33e: {  	v25 =	vsub.f32 v27, v25;
	v31 =	vmul.f32 v35, v35;
	v28 =	vadd.f32 v32, v28  }
0x33f: {  	v59 =	vmul.f32 v36, v36;
	v26 =	vsub.f32 v27, v26  }
0x340: {  	v25 =	vmul.f32 v25, v25;
	v27 =	vadd.f32 v31, v30;
	v30 =	vsub.f32 v28, v33  }
0x341: {  	v24 =	vadd.f32 v59, v24;
	v26 =	vmul.f32 v26, v26;
	v28 =	vsub.f32 v28, v29;
	v29 =	vld [tilespmem:$0x8220]  }
0x342: {  	v25 =	vadd.f32 v25, v27;
	v27 =	vmul.f32 v30, v30;
	v30 =	vld [tilespmem:$0x82A0]  }
0x343: {  	v24 =	vadd.f32 v26, v24;
	v26 =	vmul.f32 v28, v28  }
0x344: {  	s11 =	simm.s32 $0x0;
	v25 =	vadd.f32 v27, v25  }
0x345: {  	v24 =	vadd.f32 v26, v24;
	v26 =	vor.u32 s11, v9  }
0x346: {  	v25 =	vsub.f32 v29, v25  }
0x347: {  	v24 =	vsub.f32 v30, v24  }
0x348: {  	[tilespmem:v7+s9+$0x0] =	vst.idx.msk $0xffff, v25;
	v25 =	vmov s11  }
0x349: {  	[tilespmem:v8+s9+$0x0] =	vst.idx.msk $0xffff, v24  }
0x34a: {  	s12 =	simm.s32 $0x1;
	v24 =	vld.idx.msk [tilespmem:v26+s1+$0x0], $0xffff  }
0x34b: {  	v30 =	vor.u32 s12, v9;
	v29 =	vld.idx.msk [tilespmem:v26+s3+$0x0], $0xffff;
	_ =	sdelay $0x1  }
0x34c: {  	v60 =	vld.idx.msk [tilespmem:v25+s29+$0x0], $0xffff  }
0x34d: {  	v61 =	vmov s12;
	v31 =	vld.idx.msk [tilespmem:v26+s4+$0x0], $0xffff  }
0x34e: {  	s12 =	simm.s32 $0x2;
	v62 =	vld.idx.msk [tilespmem:v26+s5+$0x0], $0xffff  }
0x34f: {  	v28 =	vor.u32 s12, v9;
	v37 =	vld.idx.msk [tilespmem:v30+s1+$0x0], $0xffff;
	v24 =	vadd.f32 v29, v24  }
0x350: {  	v27 =	vld.idx.msk [tilespmem:v30+s3+$0x0], $0xffff  }
0x351: {  	v33 =	vmov v28;
	v25 =	vld.idx.msk [tilespmem:v30+s4+$0x0], $0xffff;
	v63 =	vadd.f32 v60, v24  }
0x352: {  	v32 =	vmov s12;
	v29 =	vld.idx.msk [tilespmem:v61+s29+$0x0], $0xffff  }
0x353: {  	v26 =	vld.idx.msk [tilespmem:v30+s5+$0x0], $0xffff;
	v36 =	vsub.f32 v63, v62  }
0x354: {  	s11 =	simm.s32 $0x3;
	v34 =	vmovc v28;
	v30 =	vimm.f32 $0.0e+00;
	v24 =	vimm.f32 $0.0e+00;
	v35 =	vsub.f32 v63, v31;
	v31 =	vld.idx.msk [tilespmem:v28+s1+$0x0], $0xffff  }
.LBB2_40:
0x355: {  	v37 =	vadd.f32 v27, v37;
	v27 =	vld.idx.msk [tilespmem:v28+s3+$0x0], $0xffff;
	v28 =	vor.u32 s11, v9;
	v36 =	vmul.f32 v36, v36;
	s12 =	smov.u32 s11;
	p0 =	sne.s32 s11, $0x3F  }
.Ltmp19:
0x356: {  	s11 =	sadd.s32 $0x1, s11;
	v35 =	vmul.f32 v35, v35;
	v38 =	vmov v25;
	v25 =	vld.idx.msk [tilespmem:v33+s4+$0x0], $0xffff;
	v33 =	vmov v28;
	(pc) =	sbr.rel @p0 .LBB2_40-.Ltmp19, $4  }
0x357: {  	v39 =	vadd.f32 v29, v37;
	v29 =	vld.idx.msk [tilespmem:v32+s29+$0x0], $0xffff;
	v24 =	vadd.f32 v36, v24  }
0x358: {  	v32 =	vmov s12;
	v30 =	vadd.f32 v35, v30  }
0x359: {  	v35 =	vsub.f32 v39, v38;
	v36 =	vsub.f32 v39, v26;
	v26 =	vld.idx.msk [tilespmem:v34+s5+$0x0], $0xffff;
	v34 =	vmov v28  }
0x35a: {  	v37 =	vmov v31;
	v31 =	vld.idx.msk [tilespmem:v28+s1+$0x0], $0xffff  }
0x35b: {  	_ =	sdelay $0x3  }
0x35c: {  	v28 =	vld.idx.msk [tilespmem:v28+s3+$0x0], $0xffff;
	_ =	sdelay $0x1  }
0x35d: {  	v32 =	vld.idx.msk [tilespmem:v32+s29+$0x0], $0xffff  }
0x35e: {  	v27 =	vadd.f32 v27, v37  }
0x35f: {  	v33 =	vld.idx.msk [tilespmem:v33+s4+$0x0], $0xffff  }
0x360: {  	v27 =	vadd.f32 v29, v27;
	v29 =	vld.idx.msk [tilespmem:v34+s5+$0x0], $0xffff;
	v28 =	vadd.f32 v28, v31;
	_ =	sdelay $0x1  }
0x361: {  	v25 =	vsub.f32 v27, v25;
	v31 =	vmul.f32 v35, v35;
	v28 =	vadd.f32 v32, v28  }
0x362: {  	v59 =	vmul.f32 v36, v36;
	v26 =	vsub.f32 v27, v26  }
0x363: {  	v25 =	vmul.f32 v25, v25;
	v27 =	vadd.f32 v31, v30;
	v30 =	vsub.f32 v28, v33  }
0x364: {  	v24 =	vadd.f32 v59, v24;
	v26 =	vmul.f32 v26, v26;
	v28 =	vsub.f32 v28, v29;
	v29 =	vld [tilespmem:$0x8230]  }
0x365: {  	v25 =	vadd.f32 v25, v27;
	v27 =	vmul.f32 v30, v30;
	v30 =	vld [tilespmem:$0x82B0]  }
0x366: {  	v24 =	vadd.f32 v26, v24;
	v26 =	vmul.f32 v28, v28  }
0x367: {  	s11 =	simm.s32 $0x0;
	v25 =	vadd.f32 v27, v25  }
0x368: {  	v24 =	vadd.f32 v26, v24;
	v26 =	vor.u32 s11, v12  }
0x369: {  	v25 =	vsub.f32 v29, v25  }
0x36a: {  	v24 =	vsub.f32 v30, v24  }
0x36b: {  	[tilespmem:v10+s9+$0x0] =	vst.idx.msk $0xffff, v25;
	v25 =	vmov s11  }
0x36c: {  	[tilespmem:v11+s9+$0x0] =	vst.idx.msk $0xffff, v24  }
0x36d: {  	s12 =	simm.s32 $0x1;
	v24 =	vld.idx.msk [tilespmem:v26+s1+$0x0], $0xffff  }
0x36e: {  	v30 =	vor.u32 s12, v12;
	v29 =	vld.idx.msk [tilespmem:v26+s3+$0x0], $0xffff;
	_ =	sdelay $0x1  }
0x36f: {  	v60 =	vld.idx.msk [tilespmem:v25+s29+$0x0], $0xffff  }
0x370: {  	v61 =	vmov s12;
	v31 =	vld.idx.msk [tilespmem:v26+s4+$0x0], $0xffff  }
0x371: {  	s12 =	simm.s32 $0x2;
	v62 =	vld.idx.msk [tilespmem:v26+s5+$0x0], $0xffff  }
0x372: {  	v28 =	vor.u32 s12, v12;
	v37 =	vld.idx.msk [tilespmem:v30+s1+$0x0], $0xffff;
	v24 =	vadd.f32 v29, v24  }
0x373: {  	v27 =	vld.idx.msk [tilespmem:v30+s3+$0x0], $0xffff  }
0x374: {  	v33 =	vmov v28;
	v25 =	vld.idx.msk [tilespmem:v30+s4+$0x0], $0xffff;
	v63 =	vadd.f32 v60, v24  }
0x375: {  	v32 =	vmov s12;
	v29 =	vld.idx.msk [tilespmem:v61+s29+$0x0], $0xffff  }
0x376: {  	v26 =	vld.idx.msk [tilespmem:v30+s5+$0x0], $0xffff;
	v36 =	vsub.f32 v63, v62  }
0x377: {  	s11 =	simm.s32 $0x3;
	v34 =	vmovc v28;
	v30 =	vimm.f32 $0.0e+00;
	v24 =	vimm.f32 $0.0e+00;
	v35 =	vsub.f32 v63, v31;
	v31 =	vld.idx.msk [tilespmem:v28+s1+$0x0], $0xffff  }
.LBB2_42:
0x378: {  	v37 =	vadd.f32 v27, v37;
	v27 =	vld.idx.msk [tilespmem:v28+s3+$0x0], $0xffff;
	v28 =	vor.u32 s11, v12;
	v36 =	vmul.f32 v36, v36;
	s12 =	smov.u32 s11;
	p0 =	sne.s32 s11, $0x3F  }
.Ltmp20:
0x379: {  	s11 =	sadd.s32 $0x1, s11;
	v35 =	vmul.f32 v35, v35;
	v38 =	vmov v25;
	v25 =	vld.idx.msk [tilespmem:v33+s4+$0x0], $0xffff;
	v33 =	vmov v28;
	(pc) =	sbr.rel @p0 .LBB2_42-.Ltmp20, $4  }
0x37a: {  	v39 =	vadd.f32 v29, v37;
	v29 =	vld.idx.msk [tilespmem:v32+s29+$0x0], $0xffff;
	v24 =	vadd.f32 v36, v24  }
0x37b: {  	v32 =	vmov s12;
	v30 =	vadd.f32 v35, v30  }
0x37c: {  	v35 =	vsub.f32 v39, v38;
	v36 =	vsub.f32 v39, v26;
	v26 =	vld.idx.msk [tilespmem:v34+s5+$0x0], $0xffff;
	v34 =	vmov v28  }
0x37d: {  	v37 =	vmov v31;
	v31 =	vld.idx.msk [tilespmem:v28+s1+$0x0], $0xffff  }
0x37e: {  	_ =	sdelay $0x3  }
0x37f: {  	v28 =	vld.idx.msk [tilespmem:v28+s3+$0x0], $0xffff;
	_ =	sdelay $0x1  }
0x380: {  	v32 =	vld.idx.msk [tilespmem:v32+s29+$0x0], $0xffff  }
0x381: {  	v27 =	vadd.f32 v27, v37  }
0x382: {  	v33 =	vld.idx.msk [tilespmem:v33+s4+$0x0], $0xffff  }
0x383: {  	v27 =	vadd.f32 v29, v27;
	v29 =	vld.idx.msk [tilespmem:v34+s5+$0x0], $0xffff;
	v28 =	vadd.f32 v28, v31;
	_ =	sdelay $0x1  }
0x384: {  	v25 =	vsub.f32 v27, v25;
	v31 =	vmul.f32 v35, v35;
	v28 =	vadd.f32 v32, v28  }
0x385: {  	v59 =	vmul.f32 v36, v36;
	v26 =	vsub.f32 v27, v26  }
0x386: {  	v25 =	vmul.f32 v25, v25;
	v27 =	vadd.f32 v31, v30;
	v30 =	vsub.f32 v28, v33  }
0x387: {  	v24 =	vadd.f32 v59, v24;
	v26 =	vmul.f32 v26, v26;
	v28 =	vsub.f32 v28, v29;
	v29 =	vld [tilespmem:$0x8240]  }
0x388: {  	v25 =	vadd.f32 v25, v27;
	v27 =	vmul.f32 v30, v30;
	v30 =	vld [tilespmem:$0x82C0]  }
0x389: {  	v24 =	vadd.f32 v26, v24;
	v26 =	vmul.f32 v28, v28  }
0x38a: {  	s11 =	simm.s32 $0x0;
	v25 =	vadd.f32 v27, v25  }
0x38b: {  	v24 =	vadd.f32 v26, v24;
	v26 =	vor.u32 s11, v15  }
0x38c: {  	v25 =	vsub.f32 v29, v25  }
0x38d: {  	v24 =	vsub.f32 v30, v24  }
0x38e: {  	[tilespmem:v13+s9+$0x0] =	vst.idx.msk $0xffff, v25;
	v25 =	vmov s11  }
0x38f: {  	[tilespmem:v14+s9+$0x0] =	vst.idx.msk $0xffff, v24  }
0x390: {  	s12 =	simm.s32 $0x1;
	v24 =	vld.idx.msk [tilespmem:v26+s1+$0x0], $0xffff  }
0x391: {  	v30 =	vor.u32 s12, v15;
	v29 =	vld.idx.msk [tilespmem:v26+s3+$0x0], $0xffff;
	_ =	sdelay $0x1  }
0x392: {  	v60 =	vld.idx.msk [tilespmem:v25+s29+$0x0], $0xffff  }
0x393: {  	v61 =	vmov s12;
	v31 =	vld.idx.msk [tilespmem:v26+s4+$0x0], $0xffff  }
0x394: {  	s12 =	simm.s32 $0x2;
	v62 =	vld.idx.msk [tilespmem:v26+s5+$0x0], $0xffff  }
0x395: {  	v28 =	vor.u32 s12, v15;
	v37 =	vld.idx.msk [tilespmem:v30+s1+$0x0], $0xffff;
	v24 =	vadd.f32 v29, v24  }
0x396: {  	v27 =	vld.idx.msk [tilespmem:v30+s3+$0x0], $0xffff  }
0x397: {  	v33 =	vmov v28;
	v25 =	vld.idx.msk [tilespmem:v30+s4+$0x0], $0xffff;
	v63 =	vadd.f32 v60, v24  }
0x398: {  	v32 =	vmov s12;
	v29 =	vld.idx.msk [tilespmem:v61+s29+$0x0], $0xffff  }
0x399: {  	v26 =	vld.idx.msk [tilespmem:v30+s5+$0x0], $0xffff;
	v36 =	vsub.f32 v63, v62  }
0x39a: {  	s11 =	simm.s32 $0x3;
	v34 =	vmovc v28;
	v30 =	vimm.f32 $0.0e+00;
	v24 =	vimm.f32 $0.0e+00;
	v35 =	vsub.f32 v63, v31;
	v31 =	vld.idx.msk [tilespmem:v28+s1+$0x0], $0xffff  }
.LBB2_44:
0x39b: {  	v37 =	vadd.f32 v27, v37;
	v27 =	vld.idx.msk [tilespmem:v28+s3+$0x0], $0xffff;
	v28 =	vor.u32 s11, v15;
	v36 =	vmul.f32 v36, v36;
	s12 =	smov.u32 s11;
	p0 =	sne.s32 s11, $0x3F  }
.Ltmp21:
0x39c: {  	s11 =	sadd.s32 $0x1, s11;
	v35 =	vmul.f32 v35, v35;
	v38 =	vmov v25;
	v25 =	vld.idx.msk [tilespmem:v33+s4+$0x0], $0xffff;
	v33 =	vmov v28;
	(pc) =	sbr.rel @p0 .LBB2_44-.Ltmp21, $4  }
0x39d: {  	v39 =	vadd.f32 v29, v37;
	v29 =	vld.idx.msk [tilespmem:v32+s29+$0x0], $0xffff;
	v24 =	vadd.f32 v36, v24  }
0x39e: {  	v32 =	vmov s12;
	v30 =	vadd.f32 v35, v30  }
0x39f: {  	v35 =	vsub.f32 v39, v38;
	v36 =	vsub.f32 v39, v26;
	v26 =	vld.idx.msk [tilespmem:v34+s5+$0x0], $0xffff;
	v34 =	vmov v28  }
0x3a0: {  	v37 =	vmov v31;
	v31 =	vld.idx.msk [tilespmem:v28+s1+$0x0], $0xffff  }
0x3a1: {  	_ =	sdelay $0x3  }
0x3a2: {  	v28 =	vld.idx.msk [tilespmem:v28+s3+$0x0], $0xffff;
	_ =	sdelay $0x1  }
0x3a3: {  	v32 =	vld.idx.msk [tilespmem:v32+s29+$0x0], $0xffff  }
0x3a4: {  	v27 =	vadd.f32 v27, v37  }
0x3a5: {  	v33 =	vld.idx.msk [tilespmem:v33+s4+$0x0], $0xffff  }
0x3a6: {  	v27 =	vadd.f32 v29, v27;
	v29 =	vld.idx.msk [tilespmem:v34+s5+$0x0], $0xffff;
	v28 =	vadd.f32 v28, v31;
	_ =	sdelay $0x1  }
0x3a7: {  	v25 =	vsub.f32 v27, v25;
	v31 =	vmul.f32 v35, v35;
	v28 =	vadd.f32 v32, v28  }
0x3a8: {  	v59 =	vmul.f32 v36, v36;
	v26 =	vsub.f32 v27, v26  }
0x3a9: {  	v25 =	vmul.f32 v25, v25;
	v27 =	vadd.f32 v31, v30;
	v30 =	vsub.f32 v28, v33  }
0x3aa: {  	v24 =	vadd.f32 v59, v24;
	v26 =	vmul.f32 v26, v26;
	v28 =	vsub.f32 v28, v29;
	v29 =	vld [tilespmem:$0x8250]  }
0x3ab: {  	v25 =	vadd.f32 v25, v27;
	v27 =	vmul.f32 v30, v30;
	v30 =	vld [tilespmem:$0x82D0]  }
0x3ac: {  	v24 =	vadd.f32 v26, v24;
	v26 =	vmul.f32 v28, v28  }
0x3ad: {  	s11 =	simm.s32 $0x0;
	v25 =	vadd.f32 v27, v25  }
0x3ae: {  	v24 =	vadd.f32 v26, v24;
	v26 =	vor.u32 s11, v18  }
0x3af: {  	v25 =	vsub.f32 v29, v25  }
0x3b0: {  	v24 =	vsub.f32 v30, v24  }
0x3b1: {  	[tilespmem:v16+s9+$0x0] =	vst.idx.msk $0xffff, v25;
	v25 =	vmov s11  }
0x3b2: {  	[tilespmem:v17+s9+$0x0] =	vst.idx.msk $0xffff, v24  }
0x3b3: {  	s12 =	simm.s32 $0x1;
	v24 =	vld.idx.msk [tilespmem:v26+s1+$0x0], $0xffff  }
0x3b4: {  	v30 =	vor.u32 s12, v18;
	v29 =	vld.idx.msk [tilespmem:v26+s3+$0x0], $0xffff;
	_ =	sdelay $0x1  }
0x3b5: {  	v60 =	vld.idx.msk [tilespmem:v25+s29+$0x0], $0xffff  }
0x3b6: {  	v61 =	vmov s12;
	v31 =	vld.idx.msk [tilespmem:v26+s4+$0x0], $0xffff  }
0x3b7: {  	s12 =	simm.s32 $0x2;
	v62 =	vld.idx.msk [tilespmem:v26+s5+$0x0], $0xffff  }
0x3b8: {  	v28 =	vor.u32 s12, v18;
	v37 =	vld.idx.msk [tilespmem:v30+s1+$0x0], $0xffff;
	v24 =	vadd.f32 v29, v24  }
0x3b9: {  	v27 =	vld.idx.msk [tilespmem:v30+s3+$0x0], $0xffff  }
0x3ba: {  	v33 =	vmov v28;
	v25 =	vld.idx.msk [tilespmem:v30+s4+$0x0], $0xffff;
	v63 =	vadd.f32 v60, v24  }
0x3bb: {  	v32 =	vmov s12;
	v29 =	vld.idx.msk [tilespmem:v61+s29+$0x0], $0xffff  }
0x3bc: {  	v26 =	vld.idx.msk [tilespmem:v30+s5+$0x0], $0xffff;
	v36 =	vsub.f32 v63, v62  }
0x3bd: {  	s11 =	simm.s32 $0x3;
	v34 =	vmovc v28;
	v30 =	vimm.f32 $0.0e+00;
	v24 =	vimm.f32 $0.0e+00;
	v35 =	vsub.f32 v63, v31;
	v31 =	vld.idx.msk [tilespmem:v28+s1+$0x0], $0xffff  }
.LBB2_46:
0x3be: {  	v37 =	vadd.f32 v27, v37;
	v27 =	vld.idx.msk [tilespmem:v28+s3+$0x0], $0xffff;
	v28 =	vor.u32 s11, v18;
	v36 =	vmul.f32 v36, v36;
	s12 =	smov.u32 s11;
	p0 =	sne.s32 s11, $0x3F  }
.Ltmp22:
0x3bf: {  	s11 =	sadd.s32 $0x1, s11;
	v35 =	vmul.f32 v35, v35;
	v38 =	vmov v25;
	v25 =	vld.idx.msk [tilespmem:v33+s4+$0x0], $0xffff;
	v33 =	vmov v28;
	(pc) =	sbr.rel @p0 .LBB2_46-.Ltmp22, $4  }
0x3c0: {  	v39 =	vadd.f32 v29, v37;
	v29 =	vld.idx.msk [tilespmem:v32+s29+$0x0], $0xffff;
	v24 =	vadd.f32 v36, v24  }
0x3c1: {  	v32 =	vmov s12;
	v30 =	vadd.f32 v35, v30  }
0x3c2: {  	v35 =	vsub.f32 v39, v38;
	v36 =	vsub.f32 v39, v26;
	v26 =	vld.idx.msk [tilespmem:v34+s5+$0x0], $0xffff;
	v34 =	vmov v28  }
0x3c3: {  	v37 =	vmov v31;
	v31 =	vld.idx.msk [tilespmem:v28+s1+$0x0], $0xffff  }
0x3c4: {  	_ =	sdelay $0x3  }
0x3c5: {  	v28 =	vld.idx.msk [tilespmem:v28+s3+$0x0], $0xffff;
	_ =	sdelay $0x1  }
0x3c6: {  	v32 =	vld.idx.msk [tilespmem:v32+s29+$0x0], $0xffff  }
0x3c7: {  	v27 =	vadd.f32 v27, v37  }
0x3c8: {  	v33 =	vld.idx.msk [tilespmem:v33+s4+$0x0], $0xffff  }
0x3c9: {  	v27 =	vadd.f32 v29, v27;
	v29 =	vld.idx.msk [tilespmem:v34+s5+$0x0], $0xffff;
	v28 =	vadd.f32 v28, v31;
	_ =	sdelay $0x1  }
0x3ca: {  	v25 =	vsub.f32 v27, v25;
	v31 =	vmul.f32 v35, v35;
	v28 =	vadd.f32 v32, v28  }
0x3cb: {  	v59 =	vmul.f32 v36, v36;
	v26 =	vsub.f32 v27, v26  }
0x3cc: {  	v25 =	vmul.f32 v25, v25;
	v27 =	vadd.f32 v31, v30;
	v30 =	vsub.f32 v28, v33  }
0x3cd: {  	v24 =	vadd.f32 v59, v24;
	v26 =	vmul.f32 v26, v26;
	v28 =	vsub.f32 v28, v29;
	v29 =	vld [tilespmem:$0x8260]  }
0x3ce: {  	v25 =	vadd.f32 v25, v27;
	v27 =	vmul.f32 v30, v30;
	v30 =	vld [tilespmem:$0x82E0]  }
0x3cf: {  	v24 =	vadd.f32 v26, v24;
	v26 =	vmul.f32 v28, v28  }
0x3d0: {  	s11 =	simm.s32 $0x0;
	v25 =	vadd.f32 v27, v25  }
0x3d1: {  	v24 =	vadd.f32 v26, v24;
	v26 =	vor.u32 s11, v21  }
0x3d2: {  	v25 =	vsub.f32 v29, v25  }
0x3d3: {  	v24 =	vsub.f32 v30, v24  }
0x3d4: {  	[tilespmem:v19+s9+$0x0] =	vst.idx.msk $0xffff, v25;
	v25 =	vmov s11  }
0x3d5: {  	[tilespmem:v20+s9+$0x0] =	vst.idx.msk $0xffff, v24  }
0x3d6: {  	s12 =	simm.s32 $0x1;
	v24 =	vld.idx.msk [tilespmem:v26+s1+$0x0], $0xffff  }
0x3d7: {  	v30 =	vor.u32 s12, v21;
	v29 =	vld.idx.msk [tilespmem:v26+s3+$0x0], $0xffff;
	_ =	sdelay $0x1  }
0x3d8: {  	v60 =	vld.idx.msk [tilespmem:v25+s29+$0x0], $0xffff  }
0x3d9: {  	v61 =	vmov s12;
	v31 =	vld.idx.msk [tilespmem:v26+s4+$0x0], $0xffff  }
0x3da: {  	s12 =	simm.s32 $0x2;
	v62 =	vld.idx.msk [tilespmem:v26+s5+$0x0], $0xffff  }
0x3db: {  	v28 =	vor.u32 s12, v21;
	v37 =	vld.idx.msk [tilespmem:v30+s1+$0x0], $0xffff;
	v24 =	vadd.f32 v29, v24  }
0x3dc: {  	v27 =	vld.idx.msk [tilespmem:v30+s3+$0x0], $0xffff  }
0x3dd: {  	v33 =	vmov v28;
	v25 =	vld.idx.msk [tilespmem:v30+s4+$0x0], $0xffff;
	v63 =	vadd.f32 v60, v24  }
0x3de: {  	v32 =	vmov s12;
	v29 =	vld.idx.msk [tilespmem:v61+s29+$0x0], $0xffff  }
0x3df: {  	v26 =	vld.idx.msk [tilespmem:v30+s5+$0x0], $0xffff;
	v36 =	vsub.f32 v63, v62  }
0x3e0: {  	s11 =	simm.s32 $0x3;
	v34 =	vmovc v28;
	v30 =	vimm.f32 $0.0e+00;
	v24 =	vimm.f32 $0.0e+00;
	v35 =	vsub.f32 v63, v31;
	v31 =	vld.idx.msk [tilespmem:v28+s1+$0x0], $0xffff  }
.LBB2_48:
0x3e1: {  	v37 =	vadd.f32 v27, v37;
	v27 =	vld.idx.msk [tilespmem:v28+s3+$0x0], $0xffff;
	v28 =	vor.u32 s11, v21;
	v36 =	vmul.f32 v36, v36;
	s12 =	smov.u32 s11;
	p0 =	sne.s32 s11, $0x3F  }
.Ltmp23:
0x3e2: {  	s11 =	sadd.s32 $0x1, s11;
	v35 =	vmul.f32 v35, v35;
	v38 =	vmov v25;
	v25 =	vld.idx.msk [tilespmem:v33+s4+$0x0], $0xffff;
	v33 =	vmov v28;
	(pc) =	sbr.rel @p0 .LBB2_48-.Ltmp23, $4  }
0x3e3: {  	v39 =	vadd.f32 v29, v37;
	v29 =	vld.idx.msk [tilespmem:v32+s29+$0x0], $0xffff;
	v24 =	vadd.f32 v36, v24  }
0x3e4: {  	v32 =	vmov s12;
	v30 =	vadd.f32 v35, v30  }
0x3e5: {  	v35 =	vsub.f32 v39, v38;
	v36 =	vsub.f32 v39, v26;
	v26 =	vld.idx.msk [tilespmem:v34+s5+$0x0], $0xffff;
	v34 =	vmov v28  }
0x3e6: {  	v37 =	vmov v31;
	v31 =	vld.idx.msk [tilespmem:v28+s1+$0x0], $0xffff  }
0x3e7: {  	_ =	sdelay $0x3  }
0x3e8: {  	v28 =	vld.idx.msk [tilespmem:v28+s3+$0x0], $0xffff;
	_ =	sdelay $0x1  }
0x3e9: {  	v32 =	vld.idx.msk [tilespmem:v32+s29+$0x0], $0xffff  }
0x3ea: {  	v27 =	vadd.f32 v27, v37  }
0x3eb: {  	v33 =	vld.idx.msk [tilespmem:v33+s4+$0x0], $0xffff  }
0x3ec: {  	v27 =	vadd.f32 v29, v27;
	v29 =	vld.idx.msk [tilespmem:v34+s5+$0x0], $0xffff;
	v28 =	vadd.f32 v28, v31;
	_ =	sdelay $0x1  }
0x3ed: {  	v25 =	vsub.f32 v27, v25;
	v31 =	vmul.f32 v35, v35;
	v28 =	vadd.f32 v32, v28  }
0x3ee: {  	v59 =	vmul.f32 v36, v36;
	v26 =	vsub.f32 v27, v26  }
0x3ef: {  	v25 =	vmul.f32 v25, v25;
	v27 =	vadd.f32 v31, v30;
	v30 =	vsub.f32 v28, v33  }
0x3f0: {  	v24 =	vadd.f32 v59, v24;
	v26 =	vmul.f32 v26, v26;
	v28 =	vsub.f32 v28, v29;
	v29 =	vld [tilespmem:$0x8270]  }
0x3f1: {  	v25 =	vadd.f32 v25, v27;
	v27 =	vmul.f32 v30, v30;
	v30 =	vld [tilespmem:$0x82F0]  }
0x3f2: {  	v24 =	vadd.f32 v26, v24;
	v26 =	vmul.f32 v28, v28  }
0x3f3: {  	v25 =	vadd.f32 v27, v25  }
0x3f4: {  	v24 =	vadd.f32 v26, v24  }
0x3f5: {  	v25 =	vsub.f32 v29, v25  }
0x3f6: {  	v24 =	vsub.f32 v30, v24  }
0x3f7: {  	[tilespmem:v22+s9+$0x0] =	vst.idx.msk $0xffff, v25  }
0x3f8: {  	s11 =	simm.s32 $0x0;
	[tilespmem:v23+s9+$0x0] =	vst.idx.msk $0xffff, v24  }
0x3f9: {  	[hbm4b:s24+s11] =	stream.linear.scatter [tilespmem:s9], [sflag:$0x2], $0x400, $0x38;
	[tilespmem:$0x8740] =	vst v63  }
0x3fa: {  	_ =	swait.ge [sflag:s30], $0x400  }
0x3fb: {  	[sflag:s30] =	ssyncset.done $0x0  }
0x3fc: {  	[sflag:s30] =	ssyncadd.s32 $0xFFFFFC00  }
0x3fd: {  	[tilespmem:s11], [sflag:$0x2] =	stream.linear.gather [hbm4b:s16+s11], $0x80, $0x38;
	[tilespmem:$0x8740] =	vst v63  }
0x3fe: {  	_ =	swait.ge [sflag:s30], $0x80  }
0x3ff: {  	[sflag:s30] =	ssyncset.done $0x0  }
0x400: {  	[sflag:s30] =	ssyncadd.s32 $0xFFFFFF80  }
0x401: {  	[tilespmem:s31], [sflag:$0x2] =	stream.linear.gather [hbm4b:s18+s11], $0x80, $0x38;
	[tilespmem:$0x8740] =	vst v63  }
0x402: {  	_ =	swait.ge [sflag:s30], $0x80  }
0x403: {  	[sflag:s30] =	ssyncset.done $0x0  }
0x404: {  	[sflag:s30] =	ssyncadd.s32 $0xFFFFFF80  }
0x405: {  	[tilespmem:s15], [sflag:$0x2] =	stream.linear.gather [hbm4b:s19+s11], $0x80, $0x38;
	[tilespmem:$0x8740] =	vst v63  }
0x406: {  	_ =	swait.ge [sflag:s30], $0x80  }
0x407: {  	[sflag:s30] =	ssyncset.done $0x0  }
0x408: {  	[sflag:s30] =	ssyncadd.s32 $0xFFFFFF80  }
0x409: {  	[tilespmem:s0], [sflag:$0x2] =	stream.linear.gather [hbm4b:s20+s11], $0x80, $0x38;
	[tilespmem:$0x8740] =	vst v63  }
0x40a: {  	_ =	swait.ge [sflag:s30], $0x80  }
0x40b: {  	[sflag:s30] =	ssyncset.done $0x0  }
0x40c: {  	[sflag:s30] =	ssyncadd.s32 $0xFFFFFF80  }
0x40d: {  	[tilespmem:s1], [sflag:$0x1] =	stream.indirect.gather [hbm4b:s23+s31], $0x40, s11, s31, $0xb8;
	[tilespmem:$0x8740] =	vst v63  }
0x40e: {  	_ = 	snop  }
0x40f: {  	[tilespmem:s3], [sflag:$0x1] =	stream.indirect.gather [hbm4b:s26+s31], $0x40, s31, s31, $0xb8;
	[tilespmem:$0x8740] =	vst v63  }
0x410: {  	_ = 	snop  }
0x411: {  	[tilespmem:s4], [sflag:$0x1] =	stream.indirect.gather [hbm4b:s26+s31], $0x40, s15, s31, $0xb8;
	[tilespmem:$0x8740] =	vst v63  }
0x412: {  	_ = 	snop  }
0x413: {  	[tilespmem:s5], [sflag:$0x1] =	stream.indirect.gather [hbm4b:s26+s31], $0x40, s0, s31, $0xb8;
	[tilespmem:$0x8740] =	vst v63  }
0x414: {  	_ = 	snop  }
0x415: {  	[tilespmem:s6], [sflag:$0x1] =	stream.indirect.gather [hbm4b:s17+s31], $0x1, s15, s31, $0xb8;
	[tilespmem:$0x8740] =	vst v63  }
0x416: {  	_ = 	snop  }
0x417: {  	[tilespmem:s7], [sflag:$0x1] =	stream.indirect.gather [hbm4b:s17+s31], $0x1, s0, s31, $0xb8;
	[tilespmem:$0x8740] =	vst v63  }
0x418: {  	_ =	swait.ge [sflag:s8], $0x2000  }
0x419: {  	[sflag:s8] =	ssyncset.done $0x0  }
0x41a: {  	[sflag:s8] =	ssyncadd.s32 $0xFFFFE000  }
0x41b: {  	_ =	swait.ge [sflag:s8], $0x2000  }
0x41c: {  	[sflag:s8] =	ssyncset.done $0x0  }
0x41d: {  	[sflag:s8] =	ssyncadd.s32 $0xFFFFE000  }
0x41e: {  	_ =	swait.ge [sflag:s8], $0x2000  }
0x41f: {  	[sflag:s8] =	ssyncset.done $0x0  }
0x420: {  	[sflag:s8] =	ssyncadd.s32 $0xFFFFE000  }
0x421: {  	_ =	swait.ge [sflag:s8], $0x2000  }
0x422: {  	[sflag:s8] =	ssyncset.done $0x0  }
0x423: {  	[sflag:s8] =	ssyncadd.s32 $0xFFFFE000  }
0x424: {  	_ =	swait.ge [sflag:s8], $0x80  }
0x425: {  	v24 =	vor.u32 s11, v1;
	[sflag:s8] =	ssyncset.done $0x0  }
0x426: {  	[sflag:s8] =	ssyncadd.s32 $0xFFFFFF80  }
0x427: {  	_ =	swait.ge [sflag:s8], $0x80  }
0x428: {  	v25 =	vmov s11;
	[sflag:s8] =	ssyncset.done $0x0  }
0x429: {  	[sflag:s8] =	ssyncadd.s32 $0xFFFFFF80  }
0x42a: {  	s12 =	simm.s32 $0x1;
	v26 =	vld.idx.msk [tilespmem:v24+s1+$0x0], $0xffff  }
0x42b: {  	v30 =	vor.u32 s12, v1;
	v29 =	vld.idx.msk [tilespmem:v24+s3+$0x0], $0xffff;
	_ =	sdelay $0x1  }
0x42c: {  	v60 =	vld.idx.msk [tilespmem:v25+s29+$0x0], $0xffff  }
0x42d: {  	v61 =	vmov s12;
	v31 =	vld.idx.msk [tilespmem:v24+s4+$0x0], $0xffff  }
0x42e: {  	s12 =	simm.s32 $0x2;
	v62 =	vld.idx.msk [tilespmem:v24+s5+$0x0], $0xffff  }
0x42f: {  	v28 =	vor.u32 s12, v1;
	v37 =	vld.idx.msk [tilespmem:v30+s1+$0x0], $0xffff;
	v24 =	vadd.f32 v29, v26  }
0x430: {  	v27 =	vld.idx.msk [tilespmem:v30+s3+$0x0], $0xffff  }
0x431: {  	v33 =	vmov v28;
	v25 =	vld.idx.msk [tilespmem:v30+s4+$0x0], $0xffff;
	v63 =	vadd.f32 v60, v24  }
0x432: {  	v32 =	vmov s12;
	v29 =	vld.idx.msk [tilespmem:v61+s29+$0x0], $0xffff  }
0x433: {  	v26 =	vld.idx.msk [tilespmem:v30+s5+$0x0], $0xffff;
	v36 =	vsub.f32 v63, v62  }
0x434: {  	v34 =	vmovc v28;
	s11 =	simm.s32 $0x3;
	v30 =	vimm.f32 $0.0e+00;
	v24 =	vimm.f32 $0.0e+00;
	v35 =	vsub.f32 v63, v31;
	v31 =	vld.idx.msk [tilespmem:v28+s1+$0x0], $0xffff  }
.LBB2_50:
0x435: {  	v37 =	vadd.f32 v27, v37;
	v27 =	vld.idx.msk [tilespmem:v28+s3+$0x0], $0xffff;
	v28 =	vor.u32 s11, v1;
	v36 =	vmul.f32 v36, v36;
	s12 =	smov.u32 s11;
	p0 =	sne.s32 s11, $0x3F  }
.Ltmp24:
0x436: {  	s11 =	sadd.s32 $0x1, s11;
	v35 =	vmul.f32 v35, v35;
	v38 =	vmov v25;
	v25 =	vld.idx.msk [tilespmem:v33+s4+$0x0], $0xffff;
	v33 =	vmov v28;
	(pc) =	sbr.rel @p0 .LBB2_50-.Ltmp24, $4  }
0x437: {  	v39 =	vadd.f32 v29, v37;
	v29 =	vld.idx.msk [tilespmem:v32+s29+$0x0], $0xffff;
	v24 =	vadd.f32 v36, v24  }
0x438: {  	v32 =	vmov s12;
	v30 =	vadd.f32 v35, v30  }
0x439: {  	v35 =	vsub.f32 v39, v38;
	v36 =	vsub.f32 v39, v26;
	v26 =	vld.idx.msk [tilespmem:v34+s5+$0x0], $0xffff;
	v34 =	vmov v28  }
0x43a: {  	v37 =	vmov v31;
	v31 =	vld.idx.msk [tilespmem:v28+s1+$0x0], $0xffff  }
0x43b: {  	_ =	sdelay $0x3  }
0x43c: {  	v28 =	vld.idx.msk [tilespmem:v28+s3+$0x0], $0xffff;
	_ =	sdelay $0x1  }
0x43d: {  	v32 =	vld.idx.msk [tilespmem:v32+s29+$0x0], $0xffff  }
0x43e: {  	v27 =	vadd.f32 v27, v37  }
0x43f: {  	v33 =	vld.idx.msk [tilespmem:v33+s4+$0x0], $0xffff  }
0x440: {  	v27 =	vadd.f32 v29, v27;
	v29 =	vld.idx.msk [tilespmem:v34+s5+$0x0], $0xffff;
	v28 =	vadd.f32 v28, v31;
	_ =	sdelay $0x1  }
0x441: {  	v25 =	vsub.f32 v27, v25;
	v31 =	vmul.f32 v35, v35;
	v28 =	vadd.f32 v32, v28  }
0x442: {  	v59 =	vmul.f32 v36, v36;
	v26 =	vsub.f32 v27, v26  }
0x443: {  	v25 =	vmul.f32 v25, v25;
	v27 =	vadd.f32 v31, v30;
	v30 =	vsub.f32 v28, v33  }
0x444: {  	v24 =	vadd.f32 v59, v24;
	v26 =	vmul.f32 v26, v26;
	v28 =	vsub.f32 v28, v29;
	v29 =	vld [tilespmem:$0x8200]  }
0x445: {  	v25 =	vadd.f32 v25, v27;
	v27 =	vmul.f32 v30, v30;
	v30 =	vld [tilespmem:$0x8280]  }
0x446: {  	v24 =	vadd.f32 v26, v24;
	v26 =	vmul.f32 v28, v28  }
0x447: {  	s11 =	simm.s32 $0x0;
	v25 =	vadd.f32 v27, v25  }
0x448: {  	v24 =	vadd.f32 v26, v24;
	v26 =	vor.u32 s11, v3  }
0x449: {  	v25 =	vsub.f32 v29, v25  }
0x44a: {  	v24 =	vsub.f32 v30, v24  }
0x44b: {  	[tilespmem:v0+s9+$0x0] =	vst.idx.msk $0xffff, v25;
	v25 =	vmov s11  }
0x44c: {  	[tilespmem:v2+s9+$0x0] =	vst.idx.msk $0xffff, v24  }
0x44d: {  	s12 =	simm.s32 $0x1;
	v24 =	vld.idx.msk [tilespmem:v26+s1+$0x0], $0xffff  }
0x44e: {  	v30 =	vor.u32 s12, v3;
	v29 =	vld.idx.msk [tilespmem:v26+s3+$0x0], $0xffff;
	_ =	sdelay $0x1  }
0x44f: {  	v60 =	vld.idx.msk [tilespmem:v25+s29+$0x0], $0xffff  }
0x450: {  	v61 =	vmov s12;
	v31 =	vld.idx.msk [tilespmem:v26+s4+$0x0], $0xffff  }
0x451: {  	s12 =	simm.s32 $0x2;
	v62 =	vld.idx.msk [tilespmem:v26+s5+$0x0], $0xffff  }
0x452: {  	v28 =	vor.u32 s12, v3;
	v37 =	vld.idx.msk [tilespmem:v30+s1+$0x0], $0xffff;
	v24 =	vadd.f32 v29, v24  }
0x453: {  	v27 =	vld.idx.msk [tilespmem:v30+s3+$0x0], $0xffff  }
0x454: {  	v33 =	vmov v28;
	v25 =	vld.idx.msk [tilespmem:v30+s4+$0x0], $0xffff;
	v63 =	vadd.f32 v60, v24  }
0x455: {  	v32 =	vmov s12;
	v29 =	vld.idx.msk [tilespmem:v61+s29+$0x0], $0xffff  }
0x456: {  	v26 =	vld.idx.msk [tilespmem:v30+s5+$0x0], $0xffff;
	v36 =	vsub.f32 v63, v62  }
0x457: {  	s11 =	simm.s32 $0x3;
	v34 =	vmovc v28;
	v30 =	vimm.f32 $0.0e+00;
	v24 =	vimm.f32 $0.0e+00;
	v35 =	vsub.f32 v63, v31;
	v31 =	vld.idx.msk [tilespmem:v28+s1+$0x0], $0xffff  }
.LBB2_52:
0x458: {  	v37 =	vadd.f32 v27, v37;
	v27 =	vld.idx.msk [tilespmem:v28+s3+$0x0], $0xffff;
	v28 =	vor.u32 s11, v3;
	v36 =	vmul.f32 v36, v36;
	s12 =	smov.u32 s11;
	p0 =	sne.s32 s11, $0x3F  }
.Ltmp25:
0x459: {  	s11 =	sadd.s32 $0x1, s11;
	v35 =	vmul.f32 v35, v35;
	v38 =	vmov v25;
	v25 =	vld.idx.msk [tilespmem:v33+s4+$0x0], $0xffff;
	v33 =	vmov v28;
	(pc) =	sbr.rel @p0 .LBB2_52-.Ltmp25, $4  }
0x45a: {  	v39 =	vadd.f32 v29, v37;
	v29 =	vld.idx.msk [tilespmem:v32+s29+$0x0], $0xffff;
	v24 =	vadd.f32 v36, v24  }
0x45b: {  	v32 =	vmov s12;
	v30 =	vadd.f32 v35, v30  }
0x45c: {  	v35 =	vsub.f32 v39, v38;
	v36 =	vsub.f32 v39, v26;
	v26 =	vld.idx.msk [tilespmem:v34+s5+$0x0], $0xffff;
	v34 =	vmov v28  }
0x45d: {  	v37 =	vmov v31;
	v31 =	vld.idx.msk [tilespmem:v28+s1+$0x0], $0xffff  }
0x45e: {  	_ =	sdelay $0x3  }
0x45f: {  	v28 =	vld.idx.msk [tilespmem:v28+s3+$0x0], $0xffff;
	_ =	sdelay $0x1  }
0x460: {  	v32 =	vld.idx.msk [tilespmem:v32+s29+$0x0], $0xffff  }
0x461: {  	v27 =	vadd.f32 v27, v37  }
0x462: {  	v33 =	vld.idx.msk [tilespmem:v33+s4+$0x0], $0xffff  }
0x463: {  	v27 =	vadd.f32 v29, v27;
	v29 =	vld.idx.msk [tilespmem:v34+s5+$0x0], $0xffff;
	v28 =	vadd.f32 v28, v31;
	_ =	sdelay $0x1  }
0x464: {  	v25 =	vsub.f32 v27, v25;
	v31 =	vmul.f32 v35, v35;
	v28 =	vadd.f32 v32, v28  }
0x465: {  	v59 =	vmul.f32 v36, v36;
	v26 =	vsub.f32 v27, v26  }
0x466: {  	v25 =	vmul.f32 v25, v25;
	v27 =	vadd.f32 v31, v30;
	v30 =	vsub.f32 v28, v33  }
0x467: {  	v24 =	vadd.f32 v59, v24;
	v26 =	vmul.f32 v26, v26;
	v28 =	vsub.f32 v28, v29;
	v29 =	vld [tilespmem:$0x8210]  }
0x468: {  	v25 =	vadd.f32 v25, v27;
	v27 =	vmul.f32 v30, v30;
	v30 =	vld [tilespmem:$0x8290]  }
0x469: {  	v24 =	vadd.f32 v26, v24;
	v26 =	vmul.f32 v28, v28  }
0x46a: {  	s11 =	simm.s32 $0x0;
	v25 =	vadd.f32 v27, v25  }
0x46b: {  	v24 =	vadd.f32 v26, v24;
	v26 =	vor.u32 s11, v6  }
0x46c: {  	v25 =	vsub.f32 v29, v25  }
0x46d: {  	v24 =	vsub.f32 v30, v24  }
0x46e: {  	[tilespmem:v4+s9+$0x0] =	vst.idx.msk $0xffff, v25;
	v25 =	vmov s11  }
0x46f: {  	[tilespmem:v5+s9+$0x0] =	vst.idx.msk $0xffff, v24  }
0x470: {  	s12 =	simm.s32 $0x1;
	v24 =	vld.idx.msk [tilespmem:v26+s1+$0x0], $0xffff  }
0x471: {  	v30 =	vor.u32 s12, v6;
	v29 =	vld.idx.msk [tilespmem:v26+s3+$0x0], $0xffff;
	_ =	sdelay $0x1  }
0x472: {  	v60 =	vld.idx.msk [tilespmem:v25+s29+$0x0], $0xffff  }
0x473: {  	v61 =	vmov s12;
	v31 =	vld.idx.msk [tilespmem:v26+s4+$0x0], $0xffff  }
0x474: {  	s12 =	simm.s32 $0x2;
	v62 =	vld.idx.msk [tilespmem:v26+s5+$0x0], $0xffff  }
0x475: {  	v28 =	vor.u32 s12, v6;
	v37 =	vld.idx.msk [tilespmem:v30+s1+$0x0], $0xffff;
	v24 =	vadd.f32 v29, v24  }
0x476: {  	v27 =	vld.idx.msk [tilespmem:v30+s3+$0x0], $0xffff  }
0x477: {  	v33 =	vmov v28;
	v25 =	vld.idx.msk [tilespmem:v30+s4+$0x0], $0xffff;
	v63 =	vadd.f32 v60, v24  }
0x478: {  	v32 =	vmov s12;
	v29 =	vld.idx.msk [tilespmem:v61+s29+$0x0], $0xffff  }
0x479: {  	v26 =	vld.idx.msk [tilespmem:v30+s5+$0x0], $0xffff;
	v36 =	vsub.f32 v63, v62  }
0x47a: {  	s11 =	simm.s32 $0x3;
	v34 =	vmovc v28;
	v30 =	vimm.f32 $0.0e+00;
	v24 =	vimm.f32 $0.0e+00;
	v35 =	vsub.f32 v63, v31;
	v31 =	vld.idx.msk [tilespmem:v28+s1+$0x0], $0xffff  }
.LBB2_54:
0x47b: {  	v37 =	vadd.f32 v27, v37;
	v27 =	vld.idx.msk [tilespmem:v28+s3+$0x0], $0xffff;
	v28 =	vor.u32 s11, v6;
	v36 =	vmul.f32 v36, v36;
	s12 =	smov.u32 s11;
	p0 =	sne.s32 s11, $0x3F  }
.Ltmp26:
0x47c: {  	s11 =	sadd.s32 $0x1, s11;
	v35 =	vmul.f32 v35, v35;
	v38 =	vmov v25;
	v25 =	vld.idx.msk [tilespmem:v33+s4+$0x0], $0xffff;
	v33 =	vmov v28;
	(pc) =	sbr.rel @p0 .LBB2_54-.Ltmp26, $4  }
0x47d: {  	v39 =	vadd.f32 v29, v37;
	v29 =	vld.idx.msk [tilespmem:v32+s29+$0x0], $0xffff;
	v24 =	vadd.f32 v36, v24  }
0x47e: {  	v32 =	vmov s12;
	v30 =	vadd.f32 v35, v30  }
0x47f: {  	v35 =	vsub.f32 v39, v38;
	v36 =	vsub.f32 v39, v26;
	v26 =	vld.idx.msk [tilespmem:v34+s5+$0x0], $0xffff;
	v34 =	vmov v28  }
0x480: {  	v37 =	vmov v31;
	v31 =	vld.idx.msk [tilespmem:v28+s1+$0x0], $0xffff  }
0x481: {  	_ =	sdelay $0x3  }
0x482: {  	v28 =	vld.idx.msk [tilespmem:v28+s3+$0x0], $0xffff;
	_ =	sdelay $0x1  }
0x483: {  	v32 =	vld.idx.msk [tilespmem:v32+s29+$0x0], $0xffff  }
0x484: {  	v27 =	vadd.f32 v27, v37  }
0x485: {  	v33 =	vld.idx.msk [tilespmem:v33+s4+$0x0], $0xffff  }
0x486: {  	v27 =	vadd.f32 v29, v27;
	v29 =	vld.idx.msk [tilespmem:v34+s5+$0x0], $0xffff;
	v28 =	vadd.f32 v28, v31;
	_ =	sdelay $0x1  }
0x487: {  	v25 =	vsub.f32 v27, v25;
	v31 =	vmul.f32 v35, v35;
	v28 =	vadd.f32 v32, v28  }
0x488: {  	v59 =	vmul.f32 v36, v36;
	v26 =	vsub.f32 v27, v26  }
0x489: {  	v25 =	vmul.f32 v25, v25;
	v27 =	vadd.f32 v31, v30;
	v30 =	vsub.f32 v28, v33  }
0x48a: {  	v24 =	vadd.f32 v59, v24;
	v26 =	vmul.f32 v26, v26;
	v28 =	vsub.f32 v28, v29;
	v29 =	vld [tilespmem:$0x8220]  }
0x48b: {  	v25 =	vadd.f32 v25, v27;
	v27 =	vmul.f32 v30, v30;
	v30 =	vld [tilespmem:$0x82A0]  }
0x48c: {  	v24 =	vadd.f32 v26, v24;
	v26 =	vmul.f32 v28, v28  }
0x48d: {  	s11 =	simm.s32 $0x0;
	v25 =	vadd.f32 v27, v25  }
0x48e: {  	v24 =	vadd.f32 v26, v24;
	v26 =	vor.u32 s11, v9  }
0x48f: {  	v25 =	vsub.f32 v29, v25  }
0x490: {  	v24 =	vsub.f32 v30, v24  }
0x491: {  	[tilespmem:v7+s9+$0x0] =	vst.idx.msk $0xffff, v25;
	v25 =	vmov s11  }
0x492: {  	[tilespmem:v8+s9+$0x0] =	vst.idx.msk $0xffff, v24  }
0x493: {  	s12 =	simm.s32 $0x1;
	v24 =	vld.idx.msk [tilespmem:v26+s1+$0x0], $0xffff  }
0x494: {  	v30 =	vor.u32 s12, v9;
	v29 =	vld.idx.msk [tilespmem:v26+s3+$0x0], $0xffff;
	_ =	sdelay $0x1  }
0x495: {  	v60 =	vld.idx.msk [tilespmem:v25+s29+$0x0], $0xffff  }
0x496: {  	v61 =	vmov s12;
	v31 =	vld.idx.msk [tilespmem:v26+s4+$0x0], $0xffff  }
0x497: {  	s12 =	simm.s32 $0x2;
	v62 =	vld.idx.msk [tilespmem:v26+s5+$0x0], $0xffff  }
0x498: {  	v28 =	vor.u32 s12, v9;
	v37 =	vld.idx.msk [tilespmem:v30+s1+$0x0], $0xffff;
	v24 =	vadd.f32 v29, v24  }
0x499: {  	v27 =	vld.idx.msk [tilespmem:v30+s3+$0x0], $0xffff  }
0x49a: {  	v33 =	vmov v28;
	v25 =	vld.idx.msk [tilespmem:v30+s4+$0x0], $0xffff;
	v63 =	vadd.f32 v60, v24  }
0x49b: {  	v32 =	vmov s12;
	v29 =	vld.idx.msk [tilespmem:v61+s29+$0x0], $0xffff  }
0x49c: {  	v26 =	vld.idx.msk [tilespmem:v30+s5+$0x0], $0xffff;
	v36 =	vsub.f32 v63, v62  }
0x49d: {  	s11 =	simm.s32 $0x3;
	v34 =	vmovc v28;
	v30 =	vimm.f32 $0.0e+00;
	v24 =	vimm.f32 $0.0e+00;
	v35 =	vsub.f32 v63, v31;
	v31 =	vld.idx.msk [tilespmem:v28+s1+$0x0], $0xffff  }
.LBB2_56:
0x49e: {  	v37 =	vadd.f32 v27, v37;
	v27 =	vld.idx.msk [tilespmem:v28+s3+$0x0], $0xffff;
	v28 =	vor.u32 s11, v9;
	v36 =	vmul.f32 v36, v36;
	s12 =	smov.u32 s11;
	p0 =	sne.s32 s11, $0x3F  }
.Ltmp27:
0x49f: {  	s11 =	sadd.s32 $0x1, s11;
	v35 =	vmul.f32 v35, v35;
	v38 =	vmov v25;
	v25 =	vld.idx.msk [tilespmem:v33+s4+$0x0], $0xffff;
	v33 =	vmov v28;
	(pc) =	sbr.rel @p0 .LBB2_56-.Ltmp27, $4  }
0x4a0: {  	v39 =	vadd.f32 v29, v37;
	v29 =	vld.idx.msk [tilespmem:v32+s29+$0x0], $0xffff;
	v24 =	vadd.f32 v36, v24  }
0x4a1: {  	v32 =	vmov s12;
	v30 =	vadd.f32 v35, v30  }
0x4a2: {  	v35 =	vsub.f32 v39, v38;
	v36 =	vsub.f32 v39, v26;
	v26 =	vld.idx.msk [tilespmem:v34+s5+$0x0], $0xffff;
	v34 =	vmov v28  }
0x4a3: {  	v37 =	vmov v31;
	v31 =	vld.idx.msk [tilespmem:v28+s1+$0x0], $0xffff  }
0x4a4: {  	_ =	sdelay $0x3  }
0x4a5: {  	v28 =	vld.idx.msk [tilespmem:v28+s3+$0x0], $0xffff;
	_ =	sdelay $0x1  }
0x4a6: {  	v32 =	vld.idx.msk [tilespmem:v32+s29+$0x0], $0xffff  }
0x4a7: {  	v27 =	vadd.f32 v27, v37  }
0x4a8: {  	v33 =	vld.idx.msk [tilespmem:v33+s4+$0x0], $0xffff  }
0x4a9: {  	v27 =	vadd.f32 v29, v27;
	v29 =	vld.idx.msk [tilespmem:v34+s5+$0x0], $0xffff;
	v28 =	vadd.f32 v28, v31;
	_ =	sdelay $0x1  }
0x4aa: {  	v25 =	vsub.f32 v27, v25;
	v31 =	vmul.f32 v35, v35;
	v28 =	vadd.f32 v32, v28  }
0x4ab: {  	v59 =	vmul.f32 v36, v36;
	v26 =	vsub.f32 v27, v26  }
0x4ac: {  	v25 =	vmul.f32 v25, v25;
	v27 =	vadd.f32 v31, v30;
	v30 =	vsub.f32 v28, v33  }
0x4ad: {  	v24 =	vadd.f32 v59, v24;
	v26 =	vmul.f32 v26, v26;
	v28 =	vsub.f32 v28, v29;
	v29 =	vld [tilespmem:$0x8230]  }
0x4ae: {  	v25 =	vadd.f32 v25, v27;
	v27 =	vmul.f32 v30, v30;
	v30 =	vld [tilespmem:$0x82B0]  }
0x4af: {  	v24 =	vadd.f32 v26, v24;
	v26 =	vmul.f32 v28, v28  }
0x4b0: {  	s11 =	simm.s32 $0x0;
	v25 =	vadd.f32 v27, v25  }
0x4b1: {  	v24 =	vadd.f32 v26, v24;
	v26 =	vor.u32 s11, v12  }
0x4b2: {  	v25 =	vsub.f32 v29, v25  }
0x4b3: {  	v24 =	vsub.f32 v30, v24  }
0x4b4: {  	[tilespmem:v10+s9+$0x0] =	vst.idx.msk $0xffff, v25;
	v25 =	vmov s11  }
0x4b5: {  	[tilespmem:v11+s9+$0x0] =	vst.idx.msk $0xffff, v24  }
0x4b6: {  	s12 =	simm.s32 $0x1;
	v24 =	vld.idx.msk [tilespmem:v26+s1+$0x0], $0xffff  }
0x4b7: {  	v30 =	vor.u32 s12, v12;
	v29 =	vld.idx.msk [tilespmem:v26+s3+$0x0], $0xffff;
	_ =	sdelay $0x1  }
0x4b8: {  	v60 =	vld.idx.msk [tilespmem:v25+s29+$0x0], $0xffff  }
0x4b9: {  	v61 =	vmov s12;
	v31 =	vld.idx.msk [tilespmem:v26+s4+$0x0], $0xffff  }
0x4ba: {  	s12 =	simm.s32 $0x2;
	v62 =	vld.idx.msk [tilespmem:v26+s5+$0x0], $0xffff  }
0x4bb: {  	v28 =	vor.u32 s12, v12;
	v37 =	vld.idx.msk [tilespmem:v30+s1+$0x0], $0xffff;
	v24 =	vadd.f32 v29, v24  }
0x4bc: {  	v27 =	vld.idx.msk [tilespmem:v30+s3+$0x0], $0xffff  }
0x4bd: {  	v33 =	vmov v28;
	v25 =	vld.idx.msk [tilespmem:v30+s4+$0x0], $0xffff;
	v63 =	vadd.f32 v60, v24  }
0x4be: {  	v32 =	vmov s12;
	v29 =	vld.idx.msk [tilespmem:v61+s29+$0x0], $0xffff  }
0x4bf: {  	v26 =	vld.idx.msk [tilespmem:v30+s5+$0x0], $0xffff;
	v36 =	vsub.f32 v63, v62  }
0x4c0: {  	s11 =	simm.s32 $0x3;
	v34 =	vmovc v28;
	v30 =	vimm.f32 $0.0e+00;
	v24 =	vimm.f32 $0.0e+00;
	v35 =	vsub.f32 v63, v31;
	v31 =	vld.idx.msk [tilespmem:v28+s1+$0x0], $0xffff  }
.LBB2_58:
0x4c1: {  	v37 =	vadd.f32 v27, v37;
	v27 =	vld.idx.msk [tilespmem:v28+s3+$0x0], $0xffff;
	v28 =	vor.u32 s11, v12;
	v36 =	vmul.f32 v36, v36;
	s12 =	smov.u32 s11;
	p0 =	sne.s32 s11, $0x3F  }
.Ltmp28:
0x4c2: {  	s11 =	sadd.s32 $0x1, s11;
	v35 =	vmul.f32 v35, v35;
	v38 =	vmov v25;
	v25 =	vld.idx.msk [tilespmem:v33+s4+$0x0], $0xffff;
	v33 =	vmov v28;
	(pc) =	sbr.rel @p0 .LBB2_58-.Ltmp28, $4  }
0x4c3: {  	v39 =	vadd.f32 v29, v37;
	v29 =	vld.idx.msk [tilespmem:v32+s29+$0x0], $0xffff;
	v24 =	vadd.f32 v36, v24  }
0x4c4: {  	v32 =	vmov s12;
	v30 =	vadd.f32 v35, v30  }
0x4c5: {  	v35 =	vsub.f32 v39, v38;
	v36 =	vsub.f32 v39, v26;
	v26 =	vld.idx.msk [tilespmem:v34+s5+$0x0], $0xffff;
	v34 =	vmov v28  }
0x4c6: {  	v37 =	vmov v31;
	v31 =	vld.idx.msk [tilespmem:v28+s1+$0x0], $0xffff  }
0x4c7: {  	_ =	sdelay $0x3  }
0x4c8: {  	v28 =	vld.idx.msk [tilespmem:v28+s3+$0x0], $0xffff;
	_ =	sdelay $0x1  }
0x4c9: {  	v32 =	vld.idx.msk [tilespmem:v32+s29+$0x0], $0xffff  }
0x4ca: {  	v27 =	vadd.f32 v27, v37  }
0x4cb: {  	v33 =	vld.idx.msk [tilespmem:v33+s4+$0x0], $0xffff  }
0x4cc: {  	v27 =	vadd.f32 v29, v27;
	v29 =	vld.idx.msk [tilespmem:v34+s5+$0x0], $0xffff;
	v28 =	vadd.f32 v28, v31;
	_ =	sdelay $0x1  }
0x4cd: {  	v25 =	vsub.f32 v27, v25;
	v31 =	vmul.f32 v35, v35;
	v28 =	vadd.f32 v32, v28  }
0x4ce: {  	v59 =	vmul.f32 v36, v36;
	v26 =	vsub.f32 v27, v26  }
0x4cf: {  	v25 =	vmul.f32 v25, v25;
	v27 =	vadd.f32 v31, v30;
	v30 =	vsub.f32 v28, v33  }
0x4d0: {  	v24 =	vadd.f32 v59, v24;
	v26 =	vmul.f32 v26, v26;
	v28 =	vsub.f32 v28, v29;
	v29 =	vld [tilespmem:$0x8240]  }
0x4d1: {  	v25 =	vadd.f32 v25, v27;
	v27 =	vmul.f32 v30, v30;
	v30 =	vld [tilespmem:$0x82C0]  }
0x4d2: {  	v24 =	vadd.f32 v26, v24;
	v26 =	vmul.f32 v28, v28  }
0x4d3: {  	s11 =	simm.s32 $0x0;
	v25 =	vadd.f32 v27, v25  }
0x4d4: {  	v24 =	vadd.f32 v26, v24;
	v26 =	vor.u32 s11, v15  }
0x4d5: {  	v25 =	vsub.f32 v29, v25  }
0x4d6: {  	v24 =	vsub.f32 v30, v24  }
0x4d7: {  	[tilespmem:v13+s9+$0x0] =	vst.idx.msk $0xffff, v25;
	v25 =	vmov s11  }
0x4d8: {  	[tilespmem:v14+s9+$0x0] =	vst.idx.msk $0xffff, v24  }
0x4d9: {  	s12 =	simm.s32 $0x1;
	v24 =	vld.idx.msk [tilespmem:v26+s1+$0x0], $0xffff  }
0x4da: {  	v30 =	vor.u32 s12, v15;
	v29 =	vld.idx.msk [tilespmem:v26+s3+$0x0], $0xffff;
	_ =	sdelay $0x1  }
0x4db: {  	v60 =	vld.idx.msk [tilespmem:v25+s29+$0x0], $0xffff  }
0x4dc: {  	v61 =	vmov s12;
	v31 =	vld.idx.msk [tilespmem:v26+s4+$0x0], $0xffff  }
0x4dd: {  	s12 =	simm.s32 $0x2;
	v62 =	vld.idx.msk [tilespmem:v26+s5+$0x0], $0xffff  }
0x4de: {  	v28 =	vor.u32 s12, v15;
	v37 =	vld.idx.msk [tilespmem:v30+s1+$0x0], $0xffff;
	v24 =	vadd.f32 v29, v24  }
0x4df: {  	v27 =	vld.idx.msk [tilespmem:v30+s3+$0x0], $0xffff  }
0x4e0: {  	v33 =	vmov v28;
	v25 =	vld.idx.msk [tilespmem:v30+s4+$0x0], $0xffff;
	v63 =	vadd.f32 v60, v24  }
0x4e1: {  	v32 =	vmov s12;
	v29 =	vld.idx.msk [tilespmem:v61+s29+$0x0], $0xffff  }
0x4e2: {  	v26 =	vld.idx.msk [tilespmem:v30+s5+$0x0], $0xffff;
	v36 =	vsub.f32 v63, v62  }
0x4e3: {  	s11 =	simm.s32 $0x3;
	v34 =	vmovc v28;
	v30 =	vimm.f32 $0.0e+00;
	v24 =	vimm.f32 $0.0e+00;
	v35 =	vsub.f32 v63, v31;
	v31 =	vld.idx.msk [tilespmem:v28+s1+$0x0], $0xffff  }
.LBB2_60:
0x4e4: {  	v37 =	vadd.f32 v27, v37;
	v27 =	vld.idx.msk [tilespmem:v28+s3+$0x0], $0xffff;
	v28 =	vor.u32 s11, v15;
	v36 =	vmul.f32 v36, v36;
	s12 =	smov.u32 s11;
	p0 =	sne.s32 s11, $0x3F  }
.Ltmp29:
0x4e5: {  	s11 =	sadd.s32 $0x1, s11;
	v35 =	vmul.f32 v35, v35;
	v38 =	vmov v25;
	v25 =	vld.idx.msk [tilespmem:v33+s4+$0x0], $0xffff;
	v33 =	vmov v28;
	(pc) =	sbr.rel @p0 .LBB2_60-.Ltmp29, $4  }
0x4e6: {  	v39 =	vadd.f32 v29, v37;
	v29 =	vld.idx.msk [tilespmem:v32+s29+$0x0], $0xffff;
	v24 =	vadd.f32 v36, v24  }
0x4e7: {  	v32 =	vmov s12;
	v30 =	vadd.f32 v35, v30  }
0x4e8: {  	v35 =	vsub.f32 v39, v38;
	v36 =	vsub.f32 v39, v26;
	v26 =	vld.idx.msk [tilespmem:v34+s5+$0x0], $0xffff;
	v34 =	vmov v28  }
0x4e9: {  	v37 =	vmov v31;
	v31 =	vld.idx.msk [tilespmem:v28+s1+$0x0], $0xffff  }
0x4ea: {  	_ =	sdelay $0x3  }
0x4eb: {  	v28 =	vld.idx.msk [tilespmem:v28+s3+$0x0], $0xffff;
	_ =	sdelay $0x1  }
0x4ec: {  	v32 =	vld.idx.msk [tilespmem:v32+s29+$0x0], $0xffff  }
0x4ed: {  	v27 =	vadd.f32 v27, v37  }
0x4ee: {  	v33 =	vld.idx.msk [tilespmem:v33+s4+$0x0], $0xffff  }
0x4ef: {  	v27 =	vadd.f32 v29, v27;
	v29 =	vld.idx.msk [tilespmem:v34+s5+$0x0], $0xffff;
	v28 =	vadd.f32 v28, v31;
	_ =	sdelay $0x1  }
0x4f0: {  	v25 =	vsub.f32 v27, v25;
	v31 =	vmul.f32 v35, v35;
	v28 =	vadd.f32 v32, v28  }
0x4f1: {  	v59 =	vmul.f32 v36, v36;
	v26 =	vsub.f32 v27, v26  }
0x4f2: {  	v25 =	vmul.f32 v25, v25;
	v27 =	vadd.f32 v31, v30;
	v30 =	vsub.f32 v28, v33  }
0x4f3: {  	v24 =	vadd.f32 v59, v24;
	v26 =	vmul.f32 v26, v26;
	v28 =	vsub.f32 v28, v29;
	v29 =	vld [tilespmem:$0x8250]  }
0x4f4: {  	v25 =	vadd.f32 v25, v27;
	v27 =	vmul.f32 v30, v30;
	v30 =	vld [tilespmem:$0x82D0]  }
0x4f5: {  	v24 =	vadd.f32 v26, v24;
	v26 =	vmul.f32 v28, v28  }
0x4f6: {  	s11 =	simm.s32 $0x0;
	v25 =	vadd.f32 v27, v25  }
0x4f7: {  	v24 =	vadd.f32 v26, v24;
	v26 =	vor.u32 s11, v18  }
0x4f8: {  	v25 =	vsub.f32 v29, v25  }
0x4f9: {  	v24 =	vsub.f32 v30, v24  }
0x4fa: {  	[tilespmem:v16+s9+$0x0] =	vst.idx.msk $0xffff, v25;
	v25 =	vmov s11  }
0x4fb: {  	[tilespmem:v17+s9+$0x0] =	vst.idx.msk $0xffff, v24  }
0x4fc: {  	s12 =	simm.s32 $0x1;
	v24 =	vld.idx.msk [tilespmem:v26+s1+$0x0], $0xffff  }
0x4fd: {  	v30 =	vor.u32 s12, v18;
	v29 =	vld.idx.msk [tilespmem:v26+s3+$0x0], $0xffff;
	_ =	sdelay $0x1  }
0x4fe: {  	v60 =	vld.idx.msk [tilespmem:v25+s29+$0x0], $0xffff  }
0x4ff: {  	v61 =	vmov s12;
	v31 =	vld.idx.msk [tilespmem:v26+s4+$0x0], $0xffff  }
0x500: {  	s12 =	simm.s32 $0x2;
	v62 =	vld.idx.msk [tilespmem:v26+s5+$0x0], $0xffff  }
0x501: {  	v28 =	vor.u32 s12, v18;
	v37 =	vld.idx.msk [tilespmem:v30+s1+$0x0], $0xffff;
	v24 =	vadd.f32 v29, v24  }
0x502: {  	v27 =	vld.idx.msk [tilespmem:v30+s3+$0x0], $0xffff  }
0x503: {  	v33 =	vmov v28;
	v25 =	vld.idx.msk [tilespmem:v30+s4+$0x0], $0xffff;
	v63 =	vadd.f32 v60, v24  }
0x504: {  	v32 =	vmov s12;
	v29 =	vld.idx.msk [tilespmem:v61+s29+$0x0], $0xffff  }
0x505: {  	v26 =	vld.idx.msk [tilespmem:v30+s5+$0x0], $0xffff;
	v36 =	vsub.f32 v63, v62  }
0x506: {  	s11 =	simm.s32 $0x3;
	v34 =	vmovc v28;
	v30 =	vimm.f32 $0.0e+00;
	v24 =	vimm.f32 $0.0e+00;
	v35 =	vsub.f32 v63, v31;
	v31 =	vld.idx.msk [tilespmem:v28+s1+$0x0], $0xffff  }
.LBB2_62:
0x507: {  	v37 =	vadd.f32 v27, v37;
	v27 =	vld.idx.msk [tilespmem:v28+s3+$0x0], $0xffff;
	v28 =	vor.u32 s11, v18;
	v36 =	vmul.f32 v36, v36;
	s12 =	smov.u32 s11;
	p0 =	sne.s32 s11, $0x3F  }
.Ltmp30:
0x508: {  	s11 =	sadd.s32 $0x1, s11;
	v35 =	vmul.f32 v35, v35;
	v38 =	vmov v25;
	v25 =	vld.idx.msk [tilespmem:v33+s4+$0x0], $0xffff;
	v33 =	vmov v28;
	(pc) =	sbr.rel @p0 .LBB2_62-.Ltmp30, $4  }
0x509: {  	v39 =	vadd.f32 v29, v37;
	v29 =	vld.idx.msk [tilespmem:v32+s29+$0x0], $0xffff;
	v24 =	vadd.f32 v36, v24  }
0x50a: {  	v32 =	vmov s12;
	v30 =	vadd.f32 v35, v30  }
0x50b: {  	v35 =	vsub.f32 v39, v38;
	v36 =	vsub.f32 v39, v26;
	v26 =	vld.idx.msk [tilespmem:v34+s5+$0x0], $0xffff;
	v34 =	vmov v28  }
0x50c: {  	v37 =	vmov v31;
	v31 =	vld.idx.msk [tilespmem:v28+s1+$0x0], $0xffff  }
0x50d: {  	_ =	sdelay $0x3  }
0x50e: {  	v28 =	vld.idx.msk [tilespmem:v28+s3+$0x0], $0xffff;
	_ =	sdelay $0x1  }
0x50f: {  	v32 =	vld.idx.msk [tilespmem:v32+s29+$0x0], $0xffff  }
0x510: {  	v27 =	vadd.f32 v27, v37  }
0x511: {  	v33 =	vld.idx.msk [tilespmem:v33+s4+$0x0], $0xffff  }
0x512: {  	v27 =	vadd.f32 v29, v27;
	v29 =	vld.idx.msk [tilespmem:v34+s5+$0x0], $0xffff;
	v28 =	vadd.f32 v28, v31;
	_ =	sdelay $0x1  }
0x513: {  	v25 =	vsub.f32 v27, v25;
	v31 =	vmul.f32 v35, v35;
	v28 =	vadd.f32 v32, v28  }
0x514: {  	v59 =	vmul.f32 v36, v36;
	v26 =	vsub.f32 v27, v26  }
0x515: {  	v25 =	vmul.f32 v25, v25;
	v27 =	vadd.f32 v31, v30;
	v30 =	vsub.f32 v28, v33  }
0x516: {  	v24 =	vadd.f32 v59, v24;
	v26 =	vmul.f32 v26, v26;
	v28 =	vsub.f32 v28, v29;
	v29 =	vld [tilespmem:$0x8260]  }
0x517: {  	v25 =	vadd.f32 v25, v27;
	v27 =	vmul.f32 v30, v30;
	v30 =	vld [tilespmem:$0x82E0]  }
0x518: {  	v24 =	vadd.f32 v26, v24;
	v26 =	vmul.f32 v28, v28  }
0x519: {  	s11 =	simm.s32 $0x0;
	v25 =	vadd.f32 v27, v25  }
0x51a: {  	v24 =	vadd.f32 v26, v24;
	v26 =	vor.u32 s11, v21  }
0x51b: {  	v25 =	vsub.f32 v29, v25  }
0x51c: {  	v24 =	vsub.f32 v30, v24  }
0x51d: {  	[tilespmem:v19+s9+$0x0] =	vst.idx.msk $0xffff, v25;
	v25 =	vmov s11  }
0x51e: {  	[tilespmem:v20+s9+$0x0] =	vst.idx.msk $0xffff, v24  }
0x51f: {  	s12 =	simm.s32 $0x1;
	v24 =	vld.idx.msk [tilespmem:v26+s1+$0x0], $0xffff  }
0x520: {  	v30 =	vor.u32 s12, v21;
	v29 =	vld.idx.msk [tilespmem:v26+s3+$0x0], $0xffff;
	_ =	sdelay $0x1  }
0x521: {  	v60 =	vld.idx.msk [tilespmem:v25+s29+$0x0], $0xffff  }
0x522: {  	v61 =	vmov s12;
	v31 =	vld.idx.msk [tilespmem:v26+s4+$0x0], $0xffff  }
0x523: {  	s12 =	simm.s32 $0x2;
	v62 =	vld.idx.msk [tilespmem:v26+s5+$0x0], $0xffff  }
0x524: {  	v28 =	vor.u32 s12, v21;
	v37 =	vld.idx.msk [tilespmem:v30+s1+$0x0], $0xffff;
	v24 =	vadd.f32 v29, v24  }
0x525: {  	v27 =	vld.idx.msk [tilespmem:v30+s3+$0x0], $0xffff  }
0x526: {  	v33 =	vmov v28;
	v25 =	vld.idx.msk [tilespmem:v30+s4+$0x0], $0xffff;
	v63 =	vadd.f32 v60, v24  }
0x527: {  	v32 =	vmov s12;
	v29 =	vld.idx.msk [tilespmem:v61+s29+$0x0], $0xffff  }
0x528: {  	v26 =	vld.idx.msk [tilespmem:v30+s5+$0x0], $0xffff;
	v36 =	vsub.f32 v63, v62  }
0x529: {  	s11 =	simm.s32 $0x3;
	v34 =	vmovc v28;
	v30 =	vimm.f32 $0.0e+00;
	v24 =	vimm.f32 $0.0e+00;
	v35 =	vsub.f32 v63, v31;
	v31 =	vld.idx.msk [tilespmem:v28+s1+$0x0], $0xffff  }
.LBB2_64:
0x52a: {  	v37 =	vadd.f32 v27, v37;
	v27 =	vld.idx.msk [tilespmem:v28+s3+$0x0], $0xffff;
	v28 =	vor.u32 s11, v21;
	v36 =	vmul.f32 v36, v36;
	s12 =	smov.u32 s11;
	p0 =	sne.s32 s11, $0x3F  }
.Ltmp31:
0x52b: {  	s11 =	sadd.s32 $0x1, s11;
	v35 =	vmul.f32 v35, v35;
	v38 =	vmov v25;
	v25 =	vld.idx.msk [tilespmem:v33+s4+$0x0], $0xffff;
	v33 =	vmov v28;
	(pc) =	sbr.rel @p0 .LBB2_64-.Ltmp31, $4  }
0x52c: {  	v39 =	vadd.f32 v29, v37;
	v29 =	vld.idx.msk [tilespmem:v32+s29+$0x0], $0xffff;
	v24 =	vadd.f32 v36, v24  }
0x52d: {  	v32 =	vmov s12;
	v30 =	vadd.f32 v35, v30  }
0x52e: {  	v35 =	vsub.f32 v39, v38;
	v36 =	vsub.f32 v39, v26;
	v26 =	vld.idx.msk [tilespmem:v34+s5+$0x0], $0xffff;
	v34 =	vmov v28  }
0x52f: {  	v37 =	vmov v31;
	v31 =	vld.idx.msk [tilespmem:v28+s1+$0x0], $0xffff  }
0x530: {  	_ =	sdelay $0x3  }
0x531: {  	v28 =	vld.idx.msk [tilespmem:v28+s3+$0x0], $0xffff;
	_ =	sdelay $0x1  }
0x532: {  	v32 =	vld.idx.msk [tilespmem:v32+s29+$0x0], $0xffff  }
0x533: {  	v27 =	vadd.f32 v27, v37  }
0x534: {  	v33 =	vld.idx.msk [tilespmem:v33+s4+$0x0], $0xffff  }
0x535: {  	v55 =	vld.idx.msk [tilespmem:v34+s5+$0x0], $0xffff;
	v27 =	vadd.f32 v29, v27;
	v28 =	vadd.f32 v28, v31;
	_ =	sdelay $0x1  }
0x536: {  	v56 =	vmul.f32 v35, v35;
	v25 =	vsub.f32 v27, v25;
	v28 =	vadd.f32 v32, v28  }
0x537: {  	v57 =	vmul.f32 v36, v36;
	v26 =	vsub.f32 v27, v26  }
0x538: {  	v58 =	vadd.f32 v56, v30;
	v25 =	vmul.f32 v25, v25;
	v59 =	vsub.f32 v28, v33  }
0x539: {  	v60 =	vld [tilespmem:$0x8270];
	v24 =	vadd.f32 v57, v24;
	v26 =	vmul.f32 v26, v26;
	v28 =	vsub.f32 v28, v55  }
0x53a: {  	v62 =	vld [tilespmem:$0x82F0];
	v25 =	vadd.f32 v25, v58;
	v61 =	vmul.f32 v59, v59  }
0x53b: {  	v24 =	vadd.f32 v26, v24;
	v63 =	vmul.f32 v28, v28  }
0x53c: {  	v25 =	vadd.f32 v61, v25  }
0x53d: {  	v24 =	vadd.f32 v63, v24  }
0x53e: {  	v25 =	vsub.f32 v60, v25  }
0x53f: {  	s10 =	sadd.s32 $0x1, s10;
	v24 =	vsub.f32 v62, v24  }
0x540: {  	p0 =	sne.s32 s10, s28;
	[tilespmem:v22+s9+$0x0] =	vst.idx.msk $0xffff, v25  }
.Ltmp32:
0x541: {  	[tilespmem:v23+s9+$0x0] =	vst.idx.msk $0xffff, v24;
	(pc) =	sbr.rel @p0 .LBB2_1-.Ltmp32, $4  }
0x542: {  	[hbm4b:s25+s2] =	stream.linear.scatter [tilespmem:s9], [sflag:$0x2], $0x400, $0x38;
	[tilespmem:$0x8740] =	vst v63  }
0x543: {  	_ =	swait.ge [sflag:s30], $0x400  }
0x544: {  	[sflag:s30] =	ssyncset.done $0x0  }
0x545: {  	[sflag:s30] =	ssyncadd.s32 $0xFFFFFC00  }
0x546: {  	_ =	sfence.sel $0x180000  }
0x547: {  	[bflag:$0x0] =	sbarrier.arrive $0xFFFF  }
0x548: {  	_ =	strace $0x90000047  }
0x549: {  	s0 =	stileid.u32;
	[bflag:$0x2] =	sbarrier.arrive $0xFFFF  }
0x54a: {  	p0 =	sne.s32 s0, $0x0;
	s0 =	rddreg [dreg:$0x7]  }
0x54b: {  	s0 =	sadd.s32 @!p0 $0x100000, s0  }
0x54c: {  	[sflag:s0] =	ssyncadd.tile.s32 @!p0 $0x1;
	_ =	shalt  }
.Lfunc_end2:
_tile_overlayer_lowered:
.L_overlay_start_2:
0x54d: {  	(tag) =	ssettag $0x2  }
0x54e: {  	s0 =	rddreg [dreg:$0x0];
	s2 =	stileid.u32  }
0x54f: {  	s1 =	rddreg [dreg:$0x1];
	p0 =	sne.s32 s2, $0x0  }
0x550: {  	s3 =	rddreg [dreg:$0x2];
	[bflag:$0x3] =	sbarrier.arrive $0xFFFF;
	s2 =	simm.s32 @!p0 $0x1C02  }
0x551: {  	[timem:s3], [sflag:s2] =	dma.local @!p0 [hbm:s0], s1  }
0x552: {  	s0 =	simm.s32 @!p0 $0x2  }
0x553: {  	_ =	swait.ge @!p0 [sflag:s0], s1  }
0x554: {  	s1 =	ssub.s32 @!p0 $0x0, s1;
	[sflag:s0] =	ssyncset.done @!p0 $0x0  }
0x555: {  	[sflag:s0] =	ssyncadd.s32 @!p0 s1  }
0x556: {  	[bflag:$0x3] =	sbarrier.arrive $0xFFFF  }
0x557: {  	_ =	shalt  }

</sc_bundles>
